<compile_context>
chip_gen: v7x
topology: tpu7x:2x2x1
jax: 0.10.2.dev20260603
libtpu: 0.0.44.dev20260713+nightly
codegen_flags: <defaults>
</compile_context>

<pallas_src>
import functools

import jax
import jax.numpy as jnp
from jax import lax
from jax.experimental import pallas as pl
from jax.experimental.pallas import tpu as pltpu
from jax.experimental.pallas import tpu_sc as plsc

NC = 2
NS = 16
NW = NC * NS
CH = 128

PW = 128


def _leaky(x):
  return jnp.maximum(x, 0.2 * x)


def _bdot(a, b):
  return jnp.dot(a.astype(jnp.bfloat16), b.astype(jnp.bfloat16),
                 preferred_element_type=jnp.float32)


def _lorentz_scale(pre, es, col, neg_time=False):
  t0 = pre[:, 0:1]
  time = jax.nn.sigmoid(t0) * es + 1.1
  s2 = jnp.sum(pre * pre, axis=1, keepdims=True) - t0 * t0
  scale = (time * time - 1.0) / jnp.maximum(s2, 1e-8)
  root = jnp.sqrt(scale)
  tcol = -time if neg_time else time
  return jnp.where(col == 0, tcol, pre * root)


def _node_kernel(h_ref, tb_ref, wqt_h_ref, wqt_tf_ref, bq_ref,
                 wwqt_ref, bwq_ref, wwkt_ref, bwk_ref, wwvt_ref, bwv_ref,
                 sc_ref, qt_ref, pself_ref):
  es_q = sc_ref[0, 0]
  es_wq = sc_ref[0, 1]
  es_wk = sc_ref[0, 2]
  es_wv = sc_ref[0, 3]
  inv_s = sc_ref[0, 4]

  hb = h_ref[...]
  n = hb.shape[0]
  col = lax.broadcasted_iota(jnp.int32, (n, 128), 1)

  ztf = jnp.cos(tb_ref[...])
  z2 = jnp.sum(ztf * ztf, axis=1, keepdims=True)

  sq = jnp.sum(hb * hb, axis=1, keepdims=True) + z2
  xn = jnp.maximum(jnp.sqrt(sq), 1e-8)
  en = jnp.exp(xn)
  eni = 1.0 / en
  coef = (0.5 * (en - eni)) / xn
  pre = (_bdot(_leaky(coef * hb), wqt_h_ref[...])
         + _bdot(_leaky(coef * ztf), wqt_tf_ref[...])
         + bq_ref[...])
  q_ori = _lorentz_scale(pre, es_q, col)

  qw_pre = _bdot(q_ori, wwqt_ref[...]) + bwq_ref[...]
  qt = _lorentz_scale(qw_pre, es_wq, col, neg_time=True)

  kc_pre = _bdot(q_ori, wwkt_ref[...]) + bwk_ref[...]
  kcs = _lorentz_scale(kc_pre, es_wk, col)

  v_pre = _bdot(kcs, wwvt_ref[...]) + bwv_ref[...]
  vs = _lorentz_scale(v_pre, es_wv, col)

  ip = jnp.sum(qt * kcs, axis=1, keepdims=True)
  e = jnp.exp((2.0 + 2.0 * ip) * inv_s)

  qt_ref[...] = qt
  pself_ref[...] = e * vs


def _edge_kernel(h_ref, ef_ref, dt_ref, qg_ref, tw_ref, tb_ref,
                 wkvt_h_ref, wkvt_ef_ref, wkvt_tf_ref, bkv_ref,
                 wwkt_ref, bwk_ref, wwvt_ref, bwv_ref, sc_ref, p_ref):
  es_kv = sc_ref[0, 0]
  es_wk = sc_ref[0, 1]
  es_wv = sc_ref[0, 2]
  inv_s = sc_ref[0, 3]

  hb = h_ref[...]
  efb = ef_ref[...]
  n = hb.shape[0]
  col = lax.broadcasted_iota(jnp.int32, (n, 128), 1)

  x = dt_ref[...] * tw_ref[...] + tb_ref[...]
  x2 = x * x
  tf = 1.0 + x2 * (-0.5 + x2 * (1.0 / 24.0 + x2 * (-1.0 / 720.0
       + x2 * (1.0 / 40320.0 + x2 * (-1.0 / 3628800.0)))))

  sq = (jnp.sum(hb * hb, axis=1, keepdims=True)
        + jnp.sum(efb * efb, axis=1, keepdims=True)
        + jnp.sum(tf * tf, axis=1, keepdims=True))
  xn = jnp.maximum(jnp.sqrt(sq), 1e-8)
  en = jnp.exp(xn)
  eni = 1.0 / en
  coef = (0.5 * (en - eni)) / xn
  pre = (_bdot(_leaky(coef * hb), wkvt_h_ref[...])
         + _bdot(_leaky(coef * efb), wkvt_ef_ref[...])
         + _bdot(_leaky(coef * tf), wkvt_tf_ref[...])
         + bkv_ref[...])
  k_ori = _lorentz_scale(pre, es_kv, col)

  kc_pre = _bdot(k_ori, wwkt_ref[...]) + bwk_ref[...]
  kc = _lorentz_scale(kc_pre, es_wk, col)

  v_pre = _bdot(kc, wwvt_ref[...]) + bwv_ref[...]
  v = _lorentz_scale(v_pre, es_wv, col)

  ip = jnp.sum(qg_ref[...] * kc, axis=1, keepdims=True)
  e = jnp.exp((2.0 + 2.0 * ip) * inv_s)

  p_ref[...] = e * v


def _finish_kernel(acc_a_ref, acc_b_ref, acc_c_ref, acc_d_ref, pself_ref,
                   out_ref):
  r = (acc_a_ref[...] + acc_b_ref[...] + acc_c_ref[...] + acc_d_ref[...]
       + pself_ref[...])
  n = r.shape[0]
  col = lax.broadcasted_iota(jnp.int32, (n, 128), 1)

  t0 = r[:, 0:1]
  ip = jnp.sum(r * r, axis=1, keepdims=True) - 2.0 * t0 * t0
  denom = jnp.sqrt(jnp.maximum(jnp.abs(ip), 1e-30))
  rst = r / denom

  r0 = rst[:, 0:1]
  tcl = jnp.maximum(r0, 1.0 + 1e-7)
  d = jnp.log(tcl + jnp.sqrt(tcl * tcl - 1.0))
  s2 = jnp.maximum(jnp.sum(rst * rst, axis=1, keepdims=True) - r0 * r0, 0.0)
  yn = jnp.maximum(jnp.sqrt(s2), 1e-8)
  out_ref[...] = jnp.where(col == 0, 0.0, rst * (d / yn))


def _sc_gather_body(qtab, idx2d, qg, idx0, idx1, rows0, rows1,
                    si0, si1, sg, sw0, sw1):
  cid = lax.axis_index("c")
  sid = lax.axis_index("s")
  g = sid * NC + cid
  nch = idx2d.shape[0]
  base = nch // NW
  rem = nch - base * NW
  halves = base // 2
  bufs = ((idx0, si0, rows0, sw0), (idx1, si1, rows1, sw1))

  pltpu.async_copy(idx2d.at[g], idx0, si0)
  pltpu.async_copy(idx2d.at[NW + g], idx1, si1)

  def body(j, carry):
    for b in (0, 1):
      idx_v, si, rows_v, sw = bufs[b]
      k = 2 * j + b
      c = k * NW + g
      pltpu.make_async_copy(idx2d.at[c], idx_v, si).wait()

      @pl.when(j >= 1)
      def _():
        pltpu.make_async_copy(rows_v, qg.at[pl.ds(0, CH)], sw).wait()

      pltpu.async_copy(qtab.at[idx_v], rows_v, sg).wait()
      pltpu.async_copy(rows_v, qg.at[pl.ds(pl.multiple_of(c * CH, CH), CH)],
                       sw)

      @pl.when(j < halves - 1)
      def _():
        pltpu.async_copy(idx2d.at[c + 2 * NW], idx_v, si)
    return carry

  lax.fori_loop(0, halves, body, 0, unroll=False)

  pltpu.make_async_copy(rows0, qg.at[pl.ds(0, CH)], sw0).wait()
  pltpu.make_async_copy(rows1, qg.at[pl.ds(0, CH)], sw1).wait()

  def tail_chunk(c):
    pltpu.sync_copy(idx2d.at[c], idx0)
    pltpu.async_copy(qtab.at[idx0], rows0, sg).wait()
    pltpu.sync_copy(rows0, qg.at[pl.ds(pl.multiple_of(c * CH, CH), CH)])

  for k in range(2 * halves, base):
    tail_chunk(k * NW + g)

  @pl.when(g < rem)
  def _():
    tail_chunk(base * NW + g)


def _sc_scatter_body(p, idx2d, zrows, acc_a, acc_b,
                     idx0, idx1, rows0, rows1, shared, si0, si1, sp0, sp1):
  cid = lax.axis_index("c")
  sid = lax.axis_index("s")
  g = sid * NC + cid
  nch = idx2d.shape[0]
  base = nch // NW
  rem = nch - base * NW
  halves = base // 2
  rows_per_tile = shared.shape[0] // NS
  bufs = ((idx0, si0, rows0, sp0), (idx1, si1, rows1, sp1))

  r0 = pl.multiple_of(sid * rows_per_tile, CH)
  pltpu.sync_copy(zrows, rows0)
  for off in range(0, rows_per_tile, CH):
    pltpu.sync_copy(rows0, shared.at[pl.ds(r0 + off, CH)])
  plsc.subcore_barrier()

  def prefetch(b, c):
    idx_v, si, rows_v, sp = bufs[b]
    pltpu.async_copy(idx2d.at[c], idx_v, si)
    pltpu.async_copy(p.at[pl.ds(pl.multiple_of(c * CH, CH), CH)], rows_v, sp)

  prefetch(0, g)
  prefetch(1, NW + g)

  def body(j, carry):
    for b in (0, 1):
      idx_v, si, rows_v, sp = bufs[b]
      c = (2 * j + b) * NW + g
      pltpu.make_async_copy(idx2d.at[c], idx_v, si).wait()
      pltpu.make_async_copy(p.at[pl.ds(0, CH)], rows_v, sp).wait()
      pltpu.sync_copy(rows_v, shared.at[idx_v], add=True)

      @pl.when(j < halves - 1)
      def _():
        prefetch(b, c + 2 * NW)
    return carry

  lax.fori_loop(0, halves, body, 0, unroll=False)

  def tail_chunk(c):
    pltpu.sync_copy(idx2d.at[c], idx0)
    pltpu.sync_copy(p.at[pl.ds(pl.multiple_of(c * CH, CH), CH)], rows0)
    pltpu.sync_copy(rows0, shared.at[idx0], add=True)

  for k in range(2 * halves, base):
    tail_chunk(k * NW + g)

  @pl.when(g < rem)
  def _():
    tail_chunk(base * NW + g)

  plsc.subcore_barrier()

  for off in range(0, rows_per_tile, CH):
    pltpu.sync_copy(shared.at[pl.ds(r0 + off, CH)], rows0)

    @pl.when(cid == 0)
    def _():
      pltpu.sync_copy(rows0, acc_a.at[pl.ds(r0 + off, CH)])

    @pl.when(cid == 1)
    def _():
      pltpu.sync_copy(rows0, acc_b.at[pl.ds(r0 + off, CH)])


def kernel(h, ef, dt, time_w, time_b, Wq, bq, sq, Wkv, bkv, skv,
           Wwq, bwq, swq, Wwk, bwk, swk, Wwv, bwv, swv, att_scale, edge_dst):
  E = edge_dst.shape[0]
  D = h.shape[0] - E
  f32 = jnp.float32

  BN = 2000
  BE = 1000
  n_node_blocks = D // BN
  n_edge_blocks = E // BE

  tw = time_w.reshape(1, -1)
  tb = time_b.reshape(1, -1)
  dt2 = dt.reshape(E, 1)
  idx2d = edge_dst.astype(jnp.int32).reshape(E // CH, CH)

  WqT = Wq.T
  wqt_h = WqT[1:129]
  wqt_tf = WqT[129:229]
  WkvT = Wkv.T
  wkvt_h = WkvT[1:129]
  wkvt_ef = WkvT[129:145]
  wkvt_tf = WkvT[145:245]
  wwqt = Wwq.T
  wwkt = Wwk.T
  wwvt = Wwv.T
  bq2 = bq.reshape(1, -1)
  bkv2 = bkv.reshape(1, -1)
  bwq2 = bwq.reshape(1, -1)
  bwk2 = bwk.reshape(1, -1)
  bwv2 = bwv.reshape(1, -1)
  inv_s = 1.0 / att_scale
  sc_node = jnp.stack([jnp.exp(sq), jnp.exp(swq), jnp.exp(swk),
                       jnp.exp(swv), inv_s]).reshape(1, 5).astype(f32)
  sc_edge = jnp.stack([jnp.exp(skv), jnp.exp(swk), jnp.exp(swv),
                       inv_s]).reshape(1, 4).astype(f32)
  zrows = jnp.zeros((CH, PW), f32)

  full = lambda *shape: pl.BlockSpec(shape, lambda i: tuple(0 for _ in shape))

  qt, pself = pl.pallas_call(
      _node_kernel,
      grid=(n_node_blocks,),
      in_specs=[
          pl.BlockSpec((BN, 128), lambda i: (i, 0)),
          full(1, 100),
          full(128, 128), full(100, 128),
          full(1, 128),
          full(128, 128), full(1, 128),
          full(128, 128), full(1, 128),
          full(128, 128), full(1, 128),
          full(1, 5),
      ],
      out_specs=[
          pl.BlockSpec((BN, 128), lambda i: (i, 0)),
          pl.BlockSpec((BN, 128), lambda i: (i, 0)),
      ],
      out_shape=[
          jax.ShapeDtypeStruct((D, 128), f32),
          jax.ShapeDtypeStruct((D, 128), f32),
      ],
  )(h, tb, wqt_h, wqt_tf, bq2, wwqt, bwq2, wwkt, bwk2, wwvt, bwv2,
    sc_node)

  mesh = plsc.VectorSubcoreMesh(core_axis_name="c", subcore_axis_name="s",
                                num_cores=NC, num_subcores=NS)
  d_pad = ((D + NS * CH - 1) // (NS * CH)) * (NS * CH)
  NSL = 2
  Es = E // NSL
  accs = []
  for s in range(NSL):
    idx_s = lax.slice_in_dim(idx2d, s * (Es // CH), (s + 1) * (Es // CH))
    qg = pl.kernel(
        _sc_gather_body,
        out_type=jax.ShapeDtypeStruct((Es, 128), f32),
        mesh=mesh,
        scratch_types=[
            pltpu.VMEM((CH,), jnp.int32),
            pltpu.VMEM((CH,), jnp.int32),
            pltpu.VMEM((CH, 128), f32),
            pltpu.VMEM((CH, 128), f32),
            pltpu.SemaphoreType.DMA,
            pltpu.SemaphoreType.DMA,
            pltpu.SemaphoreType.DMA,
            pltpu.SemaphoreType.DMA,
            pltpu.SemaphoreType.DMA,
        ],
    )(qt, idx_s)

    h_off = n_node_blocks + s * (Es // BE)
    e_off = s * (Es // BE)
    p_rows = pl.pallas_call(
        _edge_kernel,
        grid=(Es // BE,),
        in_specs=[
            pl.BlockSpec((BE, 128), lambda i, o=h_off: (i + o, 0)),
            pl.BlockSpec((BE, 16), lambda i, o=e_off: (i + o, 0)),
            pl.BlockSpec((BE, 1), lambda i, o=e_off: (i + o, 0)),
            pl.BlockSpec((BE, 128), lambda i: (i, 0)),
            full(1, 100), full(1, 100),
            full(128, 128), full(16, 128), full(100, 128),
            full(1, 128),
            full(128, 128), full(1, 128),
            full(128, 128), full(1, 128),
            full(1, 4),
        ],
        out_specs=pl.BlockSpec((BE, PW), lambda i: (i, 0)),
        out_shape=jax.ShapeDtypeStruct((Es, PW), f32),
    )(h, ef, dt2, qg, tw, tb, wkvt_h, wkvt_ef, wkvt_tf, bkv2,
      wwkt, bwk2, wwvt, bwv2, sc_edge)

    acc_pair = pl.kernel(
        _sc_scatter_body,
        out_type=[jax.ShapeDtypeStruct((d_pad, PW), f32),
                  jax.ShapeDtypeStruct((d_pad, PW), f32)],
        mesh=mesh,
        scratch_types=[
            pltpu.VMEM((CH,), jnp.int32),
            pltpu.VMEM((CH,), jnp.int32),
            pltpu.VMEM((CH, PW), f32),
            pltpu.VMEM((CH, PW), f32),
            pltpu.VMEM_SHARED((d_pad, PW), f32),
            pltpu.SemaphoreType.DMA,
            pltpu.SemaphoreType.DMA,
            pltpu.SemaphoreType.DMA,
            pltpu.SemaphoreType.DMA,
        ],
    )(p_rows, idx_s, zrows)
    accs.extend(acc_pair)

  out = pl.pallas_call(
      _finish_kernel,
      grid=(n_node_blocks,),
      in_specs=[
          pl.BlockSpec((BN, PW), lambda i: (i, 0)),
          pl.BlockSpec((BN, PW), lambda i: (i, 0)),
          pl.BlockSpec((BN, PW), lambda i: (i, 0)),
          pl.BlockSpec((BN, PW), lambda i: (i, 0)),
          pl.BlockSpec((BN, 128), lambda i: (i, 0)),
      ],
      out_specs=pl.BlockSpec((BN, 128), lambda i: (i, 0)),
      out_shape=jax.ShapeDtypeStruct((D, 128), f32),
  )(accs[0], accs[1], accs[2], accs[3], pself)

  return out

# --- scband reference (transcript-rebuilt; emitter-appended) ---
"""Pipeline reference for scband-lorentz-layer-38276748542434 (READ-ONLY COPY).

The authoritative reference and input builder live on the scoring server;
editing this copy changes nothing except your own understanding.
"""

import jax, jax.numpy as jnp
import numpy as np

D_NODES = 10000
N_EDGES = 320000
DIM_NODE = 128
DIM_EDGE = 16
DIM_TIME = 100
DIM_OUT = 128
Q_FEATS = DIM_TIME + DIM_NODE + 1
KV_FEATS = DIM_TIME + DIM_NODE + DIM_EDGE + 1


def _init_ll(key, in_f, out_f):
    stdv = 1.0 / np.sqrt(out_f)
    W = jax.random.uniform(key, (out_f, in_f), minval=-stdv, maxval=stdv, dtype=jnp.float32)
    W = W.at[:, 0].set(0.0)
    return W, jnp.zeros((out_f,), jnp.float32), jnp.asarray(np.log(10.0), jnp.float32)


def setup_inputs(seed: int = 0):
    key = jax.random.key(seed)
    ks = jax.random.split(key, 12)
    h = jax.random.normal(ks[0], (D_NODES + N_EDGES, DIM_NODE), dtype=jnp.float32)
    ef = jax.random.normal(ks[1], (N_EDGES, DIM_EDGE), dtype=jnp.float32)
    dt = jax.random.uniform(ks[2], (N_EDGES,), dtype=jnp.float32)
    edge_dst = jax.random.randint(ks[3], (N_EDGES,), 0, D_NODES)
    time_w = jnp.asarray(1.0 / 10 ** np.linspace(0, 9, DIM_TIME), dtype=jnp.float32)
    time_b = jnp.zeros((DIM_TIME,), jnp.float32)
    Wq, bq, sq = _init_ll(ks[4], Q_FEATS, DIM_OUT)
    Wkv, bkv, skv = _init_ll(ks[5], KV_FEATS, DIM_OUT)
    Wwq, bwq, swq = _init_ll(ks[6], DIM_OUT, DIM_OUT)
    Wwk, bwk, swk = _init_ll(ks[7], DIM_OUT, DIM_OUT)
    Wwv, bwv, swv = _init_ll(ks[8], DIM_OUT, DIM_OUT)
    att_scale = jnp.asarray(np.sqrt(DIM_OUT), jnp.float32)
    return {"h": h, "ef": ef, "dt": dt, "time_w": time_w, "time_b": time_b,
            "Wq": Wq, "bq": bq, "sq": sq, "Wkv": Wkv, "bkv": bkv, "skv": skv,
            "Wwq": Wwq, "bwq": bwq, "swq": swq, "Wwk": Wwk, "bwk": bwk, "swk": swk,
            "Wwv": Wwv, "bwv": bwv, "swv": swv, "att_scale": att_scale,
            "edge_dst": edge_dst}


def _time_encode(t, w, b):
    return jnp.cos(t[:, None] * w[None, :] + b[None, :])


def _expmap0(u):
    x = u[:, 1:]
    xn = jnp.clip(jnp.linalg.norm(x, axis=-1, keepdims=True), 1e-8, None)
    return jnp.concatenate([jnp.cosh(xn), jnp.sinh(xn) * x / xn], axis=-1)


def _linner(u, v):
    return -u[:, 0:1] * v[:, 0:1] + jnp.sum(u[:, 1:] * v[:, 1:], axis=-1, keepdims=True)


def _logmap0(x):
    y = x[:, 1:]
    yn = jnp.clip(jnp.linalg.norm(y, axis=-1, keepdims=True), 1e-8, None)
    t = jnp.clip(x[:, 0:1], 1.0 + 1e-7, None)
    d = jnp.arccosh(t)
    return jnp.concatenate([jnp.zeros_like(t), d * y / yn], axis=-1)


def _lorentz_linear(x, W, b, s, nonlin=False):
    if nonlin:
        x = jnp.where(x >= 0, x, 0.2 * x)
    x = x @ W.T + b
    xn = x[:, 1:]
    time = jax.nn.sigmoid(x[:, 0:1]) * jnp.exp(s) + 1.1
    scale = (time * time - 1.0) / jnp.clip(jnp.sum(xn * xn, axis=-1, keepdims=True), 1e-8, None)
    return jnp.concatenate([time, xn * jnp.sqrt(scale)], axis=-1)


def _forward(h, ef, dt, time_w, time_b, Wq, bq, sq, Wkv, bkv, skv, Wwq, bwq, swq, Wwk, bwk, swk, Wwv, bwv, swv, att_scale, edge_dst):
    E = edge_dst.shape[0]
    D = h.shape[0] - E
    time_feat = _time_encode(dt, time_w, time_b)
    zero_time_feat = _time_encode(jnp.zeros((D,), jnp.float32), time_w, time_b)
    Q = jnp.concatenate([h[:D], zero_time_feat], axis=1)
    K = jnp.concatenate([h[D:], ef, time_feat], axis=1)
    Q = _expmap0(jnp.concatenate([jnp.zeros((D, 1), jnp.float32), Q], axis=1))
    K = _expmap0(jnp.concatenate([jnp.zeros((E, 1), jnp.float32), K], axis=1))
    Q_ori = _lorentz_linear(Q, Wq, bq, sq, nonlin=True)
    K_ori = _lorentz_linear(K, Wkv, bkv, skv, nonlin=True)
    Qc = jnp.concatenate([Q_ori[edge_dst], Q_ori], axis=0)
    Kc = jnp.concatenate([K_ori, Q_ori], axis=0)
    Qc = _lorentz_linear(Qc, Wwq, bwq, swq)
    Kc = _lorentz_linear(Kc, Wwk, bwk, swk)
    V = _lorentz_linear(Kc, Wwv, bwv, swv)
    dst_full = jnp.concatenate([edge_dst, jnp.arange(D, dtype=edge_dst.dtype)], axis=0)
    dist = 2.0 + 2.0 * _linner(Qc, Kc)
    attn = (dist / att_scale)[:, 0]
    m = jax.ops.segment_max(attn, dst_full, num_segments=D)
    ex = jnp.exp(attn - m[dst_full])
    den = jax.ops.segment_sum(ex, dst_full, num_segments=D)
    a = (ex / den[dst_full])[:, None]
    V = V * a
    rst = jax.ops.segment_sum(V, dst_full, num_segments=D)
    denom = jnp.sqrt(jnp.clip(jnp.abs(-_linner(rst, rst)), 1e-8, None))
    rst = rst / denom
    return _logmap0(rst)


def reference(h, ef, dt, time_w, time_b, Wq, bq, sq, Wkv, bkv, skv, Wwq, bwq, swq, Wwk, bwk, swk, Wwv, bwv, swv, att_scale, edge_dst):
    return _forward(h, ef, dt, time_w, time_b, Wq, bq, sq, Wkv, bkv, skv, Wwq, bwq, swq, Wwk, bwk, swk, Wwv, bwv, swv, att_scale, edge_dst)

if __name__ == "__main__":
    import jax
    _d = setup_inputs()
    print(jax.jit(kernel)(*tuple(_d.values())))

</pallas_src>

<mosaic_0001>
#map = affine_map<(d0, d1) -> (0, 0)>
module attributes {stable_mosaic.version = 14 : i64} {
  func.func @_sc_scatter_body(%arg0: i32, %arg1: i32, %arg2: memref<160000x128xf32, #tpu.memory_space<hbm>>, %arg3: memref<1250x128xi32, #tpu.memory_space<hbm>>, %arg4: memref<128x128xf32, #tpu.memory_space<hbm>>, %arg5: memref<10240x128xf32, #tpu.memory_space<hbm>>, %arg6: memref<10240x128xf32, #tpu.memory_space<hbm>>, %arg7: memref<128xi32, #tpu.memory_space<vmem>>, %arg8: memref<128xi32, #tpu.memory_space<vmem>>, %arg9: memref<128x128xf32, #tpu.memory_space<vmem>>, %arg10: memref<128x128xf32, #tpu.memory_space<vmem>>, %arg11: memref<10240x128xf32, #tpu.memory_space<vmem_shared>>, %arg12: memref<!tpu.dma_semaphore, #tpu.memory_space<semaphore_mem>>, %arg13: memref<!tpu.dma_semaphore, #tpu.memory_space<semaphore_mem>>, %arg14: memref<!tpu.dma_semaphore, #tpu.memory_space<semaphore_mem>>, %arg15: memref<!tpu.dma_semaphore, #tpu.memory_space<semaphore_mem>>) attributes {dimension_semantics = [#tpu.dimension_semantics<core_parallel>, #tpu.dimension_semantics<subcore_parallel>], iteration_bounds = array<i64: 2, 16>, scalar_prefetch = 0 : i64, scratch_operands = 9 : i64, tpu.core_type = #tpu.core_type<sc_vector_subcore>, window_params = [{transform_indices = #map}, {transform_indices = #map}, {transform_indices = #map}, {transform_indices = #map}, {transform_indices = #map}]} {
    %mul3A = arith.constant 2 : i32
    %mul3A_0 = arith.muli %arg1, %mul3A : i32
    %add3A = arith.addi %mul3A_0, %arg0 : i32
    %mul3A_1 = arith.constant 640 : i32
    %mul3A_2 = arith.muli %arg1, %mul3A_1 : i32
    %multiple_of3A = tpu.assume_multiple %mul3A_2, 128 : i32
    "tpu.region"() ({
      %run_scoped3A = tpu.sem_alloc : memref<!tpu.dma_semaphore, #tpu.memory_space<semaphore_mem>>
      tpu.enqueue_dma source(%arg4 : memref<128x128xf32, #tpu.memory_space<hbm>>) target(%arg9 : memref<128x128xf32, #tpu.memory_space<vmem>>) target_semaphore(%run_scoped3A : memref<!tpu.dma_semaphore, #tpu.memory_space<semaphore_mem>>)
      tpu.wait_dma2 semaphore(%run_scoped3A : memref<!tpu.dma_semaphore, #tpu.memory_space<semaphore_mem>>) src(%arg4 : memref<128x128xf32, #tpu.memory_space<hbm>>) dst(%arg9 : memref<128x128xf32, #tpu.memory_space<vmem>>)
      tpu.yield
    }) : () -> ()
    %add3A_3 = arith.constant 0 : i32
    %add3A_4 = arith.addi %multiple_of3A, %add3A_3 : i32
    "tpu.region"() ({
      %run_scoped3A = tpu.sem_alloc : memref<!tpu.dma_semaphore, #tpu.memory_space<semaphore_mem>>
      %dma_start3A_112 = arith.constant 0 : i32
      %dma_start3A_113 = tpu.memref_slice %arg11[%add3A_4, %dma_start3A_112] : memref<10240x128xf32, #tpu.memory_space<vmem_shared>> -> memref<128x128xf32, #tpu.memory_space<vmem_shared>>
      %dma_start3A_114 = arith.constant 0 : i32
      %dma_start3A_115 = tpu.memref_slice %arg11[%add3A_4, %dma_start3A_114] : memref<10240x128xf32, #tpu.memory_space<vmem_shared>> -> memref<128x128xf32, #tpu.memory_space<vmem_shared>>
      tpu.enqueue_dma source(%arg9 : memref<128x128xf32, #tpu.memory_space<vmem>>) target(%dma_start3A_115 : memref<128x128xf32, #tpu.memory_space<vmem_shared>>) target_semaphore(%run_scoped3A : memref<!tpu.dma_semaphore, #tpu.memory_space<semaphore_mem>>)
      %dma_wait3A = arith.constant 0 : i32
      %dma_wait3A_116 = tpu.memref_slice %arg11[%add3A_4, %dma_wait3A] : memref<10240x128xf32, #tpu.memory_space<vmem_shared>> -> memref<128x128xf32, #tpu.memory_space<vmem_shared>>
      %dma_wait3A_117 = arith.constant 0 : i32
      %dma_wait3A_118 = tpu.memref_slice %arg11[%add3A_4, %dma_wait3A_117] : memref<10240x128xf32, #tpu.memory_space<vmem_shared>> -> memref<128x128xf32, #tpu.memory_space<vmem_shared>>
      tpu.wait_dma2 semaphore(%run_scoped3A : memref<!tpu.dma_semaphore, #tpu.memory_space<semaphore_mem>>) src(%arg9 : memref<128x128xf32, #tpu.memory_space<vmem>>) dst(%dma_wait3A_118 : memref<128x128xf32, #tpu.memory_space<vmem_shared>>)
      tpu.yield
    }) : () -> ()
    %add3A_5 = arith.constant 128 : i32
    %add3A_6 = arith.addi %multiple_of3A, %add3A_5 : i32
    "tpu.region"() ({
      %run_scoped3A = tpu.sem_alloc : memref<!tpu.dma_semaphore, #tpu.memory_space<semaphore_mem>>
      %dma_start3A_112 = arith.constant 0 : i32
      %dma_start3A_113 = tpu.memref_slice %arg11[%add3A_6, %dma_start3A_112] : memref<10240x128xf32, #tpu.memory_space<vmem_shared>> -> memref<128x128xf32, #tpu.memory_space<vmem_shared>>
      %dma_start3A_114 = arith.constant 0 : i32
      %dma_start3A_115 = tpu.memref_slice %arg11[%add3A_6, %dma_start3A_114] : memref<10240x128xf32, #tpu.memory_space<vmem_shared>> -> memref<128x128xf32, #tpu.memory_space<vmem_shared>>
      tpu.enqueue_dma source(%arg9 : memref<128x128xf32, #tpu.memory_space<vmem>>) target(%dma_start3A_115 : memref<128x128xf32, #tpu.memory_space<vmem_shared>>) target_semaphore(%run_scoped3A : memref<!tpu.dma_semaphore, #tpu.memory_space<semaphore_mem>>)
      %dma_wait3A = arith.constant 0 : i32
      %dma_wait3A_116 = tpu.memref_slice %arg11[%add3A_6, %dma_wait3A] : memref<10240x128xf32, #tpu.memory_space<vmem_shared>> -> memref<128x128xf32, #tpu.memory_space<vmem_shared>>
      %dma_wait3A_117 = arith.constant 0 : i32
      %dma_wait3A_118 = tpu.memref_slice %arg11[%add3A_6, %dma_wait3A_117] : memref<10240x128xf32, #tpu.memory_space<vmem_shared>> -> memref<128x128xf32, #tpu.memory_space<vmem_shared>>
      tpu.wait_dma2 semaphore(%run_scoped3A : memref<!tpu.dma_semaphore, #tpu.memory_space<semaphore_mem>>) src(%arg9 : memref<128x128xf32, #tpu.memory_space<vmem>>) dst(%dma_wait3A_118 : memref<128x128xf32, #tpu.memory_space<vmem_shared>>)
      tpu.yield
    }) : () -> ()
    %add3A_7 = arith.constant 256 : i32
    %add3A_8 = arith.addi %multiple_of3A, %add3A_7 : i32
    "tpu.region"() ({
      %run_scoped3A = tpu.sem_alloc : memref<!tpu.dma_semaphore, #tpu.memory_space<semaphore_mem>>
      %dma_start3A_112 = arith.constant 0 : i32
      %dma_start3A_113 = tpu.memref_slice %arg11[%add3A_8, %dma_start3A_112] : memref<10240x128xf32, #tpu.memory_space<vmem_shared>> -> memref<128x128xf32, #tpu.memory_space<vmem_shared>>
      %dma_start3A_114 = arith.constant 0 : i32
      %dma_start3A_115 = tpu.memref_slice %arg11[%add3A_8, %dma_start3A_114] : memref<10240x128xf32, #tpu.memory_space<vmem_shared>> -> memref<128x128xf32, #tpu.memory_space<vmem_shared>>
      tpu.enqueue_dma source(%arg9 : memref<128x128xf32, #tpu.memory_space<vmem>>) target(%dma_start3A_115 : memref<128x128xf32, #tpu.memory_space<vmem_shared>>) target_semaphore(%run_scoped3A : memref<!tpu.dma_semaphore, #tpu.memory_space<semaphore_mem>>)
      %dma_wait3A = arith.constant 0 : i32
      %dma_wait3A_116 = tpu.memref_slice %arg11[%add3A_8, %dma_wait3A] : memref<10240x128xf32, #tpu.memory_space<vmem_shared>> -> memref<128x128xf32, #tpu.memory_space<vmem_shared>>
      %dma_wait3A_117 = arith.constant 0 : i32
      %dma_wait3A_118 = tpu.memref_slice %arg11[%add3A_8, %dma_wait3A_117] : memref<10240x128xf32, #tpu.memory_space<vmem_shared>> -> memref<128x128xf32, #tpu.memory_space<vmem_shared>>
      tpu.wait_dma2 semaphore(%run_scoped3A : memref<!tpu.dma_semaphore, #tpu.memory_space<semaphore_mem>>) src(%arg9 : memref<128x128xf32, #tpu.memory_space<vmem>>) dst(%dma_wait3A_118 : memref<128x128xf32, #tpu.memory_space<vmem_shared>>)
      tpu.yield
    }) : () -> ()
    %add3A_9 = arith.constant 384 : i32
    %add3A_10 = arith.addi %multiple_of3A, %add3A_9 : i32
    "tpu.region"() ({
      %run_scoped3A = tpu.sem_alloc : memref<!tpu.dma_semaphore, #tpu.memory_space<semaphore_mem>>
      %dma_start3A_112 = arith.constant 0 : i32
      %dma_start3A_113 = tpu.memref_slice %arg11[%add3A_10, %dma_start3A_112] : memref<10240x128xf32, #tpu.memory_space<vmem_shared>> -> memref<128x128xf32, #tpu.memory_space<vmem_shared>>
      %dma_start3A_114 = arith.constant 0 : i32
      %dma_start3A_115 = tpu.memref_slice %arg11[%add3A_10, %dma_start3A_114] : memref<10240x128xf32, #tpu.memory_space<vmem_shared>> -> memref<128x128xf32, #tpu.memory_space<vmem_shared>>
      tpu.enqueue_dma source(%arg9 : memref<128x128xf32, #tpu.memory_space<vmem>>) target(%dma_start3A_115 : memref<128x128xf32, #tpu.memory_space<vmem_shared>>) target_semaphore(%run_scoped3A : memref<!tpu.dma_semaphore, #tpu.memory_space<semaphore_mem>>)
      %dma_wait3A = arith.constant 0 : i32
      %dma_wait3A_116 = tpu.memref_slice %arg11[%add3A_10, %dma_wait3A] : memref<10240x128xf32, #tpu.memory_space<vmem_shared>> -> memref<128x128xf32, #tpu.memory_space<vmem_shared>>
      %dma_wait3A_117 = arith.constant 0 : i32
      %dma_wait3A_118 = tpu.memref_slice %arg11[%add3A_10, %dma_wait3A_117] : memref<10240x128xf32, #tpu.memory_space<vmem_shared>> -> memref<128x128xf32, #tpu.memory_space<vmem_shared>>
      tpu.wait_dma2 semaphore(%run_scoped3A : memref<!tpu.dma_semaphore, #tpu.memory_space<semaphore_mem>>) src(%arg9 : memref<128x128xf32, #tpu.memory_space<vmem>>) dst(%dma_wait3A_118 : memref<128x128xf32, #tpu.memory_space<vmem_shared>>)
      tpu.yield
    }) : () -> ()
    %add3A_11 = arith.constant 512 : i32
    %add3A_12 = arith.addi %multiple_of3A, %add3A_11 : i32
    "tpu.region"() ({
      %run_scoped3A = tpu.sem_alloc : memref<!tpu.dma_semaphore, #tpu.memory_space<semaphore_mem>>
      %dma_start3A_112 = arith.constant 0 : i32
      %dma_start3A_113 = tpu.memref_slice %arg11[%add3A_12, %dma_start3A_112] : memref<10240x128xf32, #tpu.memory_space<vmem_shared>> -> memref<128x128xf32, #tpu.memory_space<vmem_shared>>
      %dma_start3A_114 = arith.constant 0 : i32
      %dma_start3A_115 = tpu.memref_slice %arg11[%add3A_12, %dma_start3A_114] : memref<10240x128xf32, #tpu.memory_space<vmem_shared>> -> memref<128x128xf32, #tpu.memory_space<vmem_shared>>
      tpu.enqueue_dma source(%arg9 : memref<128x128xf32, #tpu.memory_space<vmem>>) target(%dma_start3A_115 : memref<128x128xf32, #tpu.memory_space<vmem_shared>>) target_semaphore(%run_scoped3A : memref<!tpu.dma_semaphore, #tpu.memory_space<semaphore_mem>>)
      %dma_wait3A = arith.constant 0 : i32
      %dma_wait3A_116 = tpu.memref_slice %arg11[%add3A_12, %dma_wait3A] : memref<10240x128xf32, #tpu.memory_space<vmem_shared>> -> memref<128x128xf32, #tpu.memory_space<vmem_shared>>
      %dma_wait3A_117 = arith.constant 0 : i32
      %dma_wait3A_118 = tpu.memref_slice %arg11[%add3A_12, %dma_wait3A_117] : memref<10240x128xf32, #tpu.memory_space<vmem_shared>> -> memref<128x128xf32, #tpu.memory_space<vmem_shared>>
      tpu.wait_dma2 semaphore(%run_scoped3A : memref<!tpu.dma_semaphore, #tpu.memory_space<semaphore_mem>>) src(%arg9 : memref<128x128xf32, #tpu.memory_space<vmem>>) dst(%dma_wait3A_118 : memref<128x128xf32, #tpu.memory_space<vmem_shared>>)
      tpu.yield
    }) : () -> ()
    %barrier3A = arith.constant 0 : index
    tpu.barrier barrier_id(%barrier3A)
    %dma_start3A = arith.constant 0 : i32
    %dma_start3A_13 = tpu.memref_slice %arg3[%add3A, %dma_start3A] : memref<1250x128xi32, #tpu.memory_space<hbm>> -> memref<1x128xi32, #tpu.memory_space<hbm>>
    %dma_start3A_14 = tpu.memref_squeeze %dma_start3A_13 : memref<1x128xi32, #tpu.memory_space<hbm>> -> memref<128xi32, #tpu.memory_space<hbm>>
    %dma_start3A_15 = arith.constant 0 : i32
    %dma_start3A_16 = tpu.memref_slice %arg3[%add3A, %dma_start3A_15] : memref<1250x128xi32, #tpu.memory_space<hbm>> -> memref<1x128xi32, #tpu.memory_space<hbm>>
    %dma_start3A_17 = tpu.memref_squeeze %dma_start3A_16 : memref<1x128xi32, #tpu.memory_space<hbm>> -> memref<128xi32, #tpu.memory_space<hbm>>
    tpu.enqueue_dma source(%dma_start3A_17 : memref<128xi32, #tpu.memory_space<hbm>>) target(%arg7 : memref<128xi32, #tpu.memory_space<vmem>>) target_semaphore(%arg12 : memref<!tpu.dma_semaphore, #tpu.memory_space<semaphore_mem>>)
    %mul3A_18 = arith.constant 128 : i32
    %mul3A_19 = arith.muli %add3A, %mul3A_18 : i32
    %multiple_of3A_20 = tpu.assume_multiple %mul3A_19, 128 : i32
    %dma_start3A_21 = arith.constant 0 : i32
    %dma_start3A_22 = tpu.memref_slice %arg2[%multiple_of3A_20, %dma_start3A_21] : memref<160000x128xf32, #tpu.memory_space<hbm>> -> memref<128x128xf32, #tpu.memory_space<hbm>>
    %dma_start3A_23 = arith.constant 0 : i32
    %dma_start3A_24 = tpu.memref_slice %arg2[%multiple_of3A_20, %dma_start3A_23] : memref<160000x128xf32, #tpu.memory_space<hbm>> -> memref<128x128xf32, #tpu.memory_space<hbm>>
    tpu.enqueue_dma source(%dma_start3A_24 : memref<128x128xf32, #tpu.memory_space<hbm>>) target(%arg9 : memref<128x128xf32, #tpu.memory_space<vmem>>) target_semaphore(%arg14 : memref<!tpu.dma_semaphore, #tpu.memory_space<semaphore_mem>>)
    %add3A_25 = arith.constant 32 : i32
    %add3A_26 = arith.addi %add3A_25, %add3A : i32
    %dma_start3A_27 = arith.constant 0 : i32
    %dma_start3A_28 = tpu.memref_slice %arg3[%add3A_26, %dma_start3A_27] : memref<1250x128xi32, #tpu.memory_space<hbm>> -> memref<1x128xi32, #tpu.memory_space<hbm>>
    %dma_start3A_29 = tpu.memref_squeeze %dma_start3A_28 : memref<1x128xi32, #tpu.memory_space<hbm>> -> memref<128xi32, #tpu.memory_space<hbm>>
    %dma_start3A_30 = arith.constant 0 : i32
    %dma_start3A_31 = tpu.memref_slice %arg3[%add3A_26, %dma_start3A_30] : memref<1250x128xi32, #tpu.memory_space<hbm>> -> memref<1x128xi32, #tpu.memory_space<hbm>>
    %dma_start3A_32 = tpu.memref_squeeze %dma_start3A_31 : memref<1x128xi32, #tpu.memory_space<hbm>> -> memref<128xi32, #tpu.memory_space<hbm>>
    tpu.enqueue_dma source(%dma_start3A_32 : memref<128xi32, #tpu.memory_space<hbm>>) target(%arg8 : memref<128xi32, #tpu.memory_space<vmem>>) target_semaphore(%arg13 : memref<!tpu.dma_semaphore, #tpu.memory_space<semaphore_mem>>)
    %mul3A_33 = arith.constant 128 : i32
    %mul3A_34 = arith.muli %add3A_26, %mul3A_33 : i32
    %multiple_of3A_35 = tpu.assume_multiple %mul3A_34, 128 : i32
    %dma_start3A_36 = arith.constant 0 : i32
    %dma_start3A_37 = tpu.memref_slice %arg2[%multiple_of3A_35, %dma_start3A_36] : memref<160000x128xf32, #tpu.memory_space<hbm>> -> memref<128x128xf32, #tpu.memory_space<hbm>>
    %dma_start3A_38 = arith.constant 0 : i32
    %dma_start3A_39 = tpu.memref_slice %arg2[%multiple_of3A_35, %dma_start3A_38] : memref<160000x128xf32, #tpu.memory_space<hbm>> -> memref<128x128xf32, #tpu.memory_space<hbm>>
    tpu.enqueue_dma source(%dma_start3A_39 : memref<128x128xf32, #tpu.memory_space<hbm>>) target(%arg10 : memref<128x128xf32, #tpu.memory_space<vmem>>) target_semaphore(%arg15 : memref<!tpu.dma_semaphore, #tpu.memory_space<semaphore_mem>>)
    %scan3A = arith.constant 0 : i32
    %scan3A_40 = arith.constant 0 : i32
    %scan3A_41 = arith.constant 19 : i32
    %scan3A_42 = arith.addi %scan3A_40, %scan3A_41 : i32
    %scan3A_43 = arith.constant 1 : i32
    scf.for %scan3A_112 = %scan3A_40 to %scan3A_42 step %scan3A_43  : i32 {
      %mul3A_113 = arith.constant 2 : i32
      %mul3A_114 = arith.muli %mul3A_113, %scan3A_112 : i32
      %add3A_115 = arith.constant 0 : i32
      %add3A_116 = arith.addi %mul3A_114, %add3A_115 : i32
      %mul3A_117 = arith.constant 32 : i32
      %mul3A_118 = arith.muli %add3A_116, %mul3A_117 : i32
      %add3A_119 = arith.addi %mul3A_118, %add3A : i32
      %dma_wait3A = arith.constant 0 : i32
      %dma_wait3A_120 = tpu.memref_slice %arg3[%add3A_119, %dma_wait3A] : memref<1250x128xi32, #tpu.memory_space<hbm>> -> memref<1x128xi32, #tpu.memory_space<hbm>>
      %dma_wait3A_121 = tpu.memref_squeeze %dma_wait3A_120 : memref<1x128xi32, #tpu.memory_space<hbm>> -> memref<128xi32, #tpu.memory_space<hbm>>
      %dma_wait3A_122 = arith.constant 0 : i32
      %dma_wait3A_123 = tpu.memref_slice %arg3[%add3A_119, %dma_wait3A_122] : memref<1250x128xi32, #tpu.memory_space<hbm>> -> memref<1x128xi32, #tpu.memory_space<hbm>>
      %dma_wait3A_124 = tpu.memref_squeeze %dma_wait3A_123 : memref<1x128xi32, #tpu.memory_space<hbm>> -> memref<128xi32, #tpu.memory_space<hbm>>
      tpu.wait_dma2 semaphore(%arg12 : memref<!tpu.dma_semaphore, #tpu.memory_space<semaphore_mem>>) src(%dma_wait3A_124 : memref<128xi32, #tpu.memory_space<hbm>>) dst(%arg7 : memref<128xi32, #tpu.memory_space<vmem>>)
      %dma_wait3A_125 = arith.constant 0 : i32
      %dma_wait3A_126 = arith.constant 0 : i32
      %dma_wait3A_127 = tpu.memref_slice %arg2[%dma_wait3A_125, %dma_wait3A_126] : memref<160000x128xf32, #tpu.memory_space<hbm>> -> memref<128x128xf32, #tpu.memory_space<hbm>>
      %dma_wait3A_128 = arith.constant 0 : i32
      %dma_wait3A_129 = arith.constant 0 : i32
      %dma_wait3A_130 = tpu.memref_slice %arg2[%dma_wait3A_128, %dma_wait3A_129] : memref<160000x128xf32, #tpu.memory_space<hbm>> -> memref<128x128xf32, #tpu.memory_space<hbm>>
      tpu.wait_dma2 semaphore(%arg14 : memref<!tpu.dma_semaphore, #tpu.memory_space<semaphore_mem>>) src(%dma_wait3A_130 : memref<128x128xf32, #tpu.memory_space<hbm>>) dst(%arg9 : memref<128x128xf32, #tpu.memory_space<vmem>>)
      "tpu.region"() ({
        %run_scoped3A = tpu.sem_alloc : memref<!tpu.dma_semaphore, #tpu.memory_space<semaphore_mem>>
        %dma_start3A_160 = arith.constant 0 : i32
        %dma_start3A_161 = arith.constant 0 : i32
        %dma_start3A_162 = tpu.memref_slice %arg11[%dma_start3A_160, %dma_start3A_161] : memref<10240x128xf32, #tpu.memory_space<vmem_shared>> -> memref<10240x128xf32, #tpu.memory_space<vmem_shared>>
        tpu.enqueue_indirect_dma source(%arg9 : memref<128x128xf32, #tpu.memory_space<vmem>>) target(%dma_start3A_162 : memref<10240x128xf32, #tpu.memory_space<vmem_shared>>) offsets(%arg7 : memref<128xi32, #tpu.memory_space<vmem>>) semaphore(%run_scoped3A : memref<!tpu.dma_semaphore, #tpu.memory_space<semaphore_mem>>) {add = true}
        %dma_wait3A_163 = arith.constant 0 : i32
        %dma_wait3A_164 = arith.constant 0 : i32
        %dma_wait3A_165 = tpu.memref_slice %arg11[%dma_wait3A_163, %dma_wait3A_164] : memref<10240x128xf32, #tpu.memory_space<vmem_shared>> -> memref<10240x128xf32, #tpu.memory_space<vmem_shared>>
        tpu.wait_indirect_dma semaphore(%run_scoped3A : memref<!tpu.dma_semaphore, #tpu.memory_space<semaphore_mem>>) src(%arg9 : memref<128x128xf32, #tpu.memory_space<vmem>>) dst(%dma_wait3A_165 : memref<10240x128xf32, #tpu.memory_space<vmem_shared>>)
        tpu.yield
      }) : () -> ()
      %lt3A_131 = arith.constant 18 : i32
      %lt3A_132 = arith.cmpi slt, %scan3A_112, %lt3A_131 : i32
      %convert_element_type3A_133 = arith.extui %lt3A_132 : i1 to i32
      %cond3A_134 = arith.constant 0 : i32
      %cond3A_135 = arith.cmpi ne, %convert_element_type3A_133, %cond3A_134 : i32
      scf.if %cond3A_135 {
        %add3A_160 = arith.constant 64 : i32
        %add3A_161 = arith.addi %add3A_119, %add3A_160 : i32
        %dma_start3A_162 = arith.constant 0 : i32
        %dma_start3A_163 = tpu.memref_slice %arg3[%add3A_161, %dma_start3A_162] : memref<1250x128xi32, #tpu.memory_space<hbm>> -> memref<1x128xi32, #tpu.memory_space<hbm>>
        %dma_start3A_164 = tpu.memref_squeeze %dma_start3A_163 : memref<1x128xi32, #tpu.memory_space<hbm>> -> memref<128xi32, #tpu.memory_space<hbm>>
        %dma_start3A_165 = arith.constant 0 : i32
        %dma_start3A_166 = tpu.memref_slice %arg3[%add3A_161, %dma_start3A_165] : memref<1250x128xi32, #tpu.memory_space<hbm>> -> memref<1x128xi32, #tpu.memory_space<hbm>>
        %dma_start3A_167 = tpu.memref_squeeze %dma_start3A_166 : memref<1x128xi32, #tpu.memory_space<hbm>> -> memref<128xi32, #tpu.memory_space<hbm>>
        tpu.enqueue_dma source(%dma_start3A_167 : memref<128xi32, #tpu.memory_space<hbm>>) target(%arg7 : memref<128xi32, #tpu.memory_space<vmem>>) target_semaphore(%arg12 : memref<!tpu.dma_semaphore, #tpu.memory_space<semaphore_mem>>)
        %mul3A_168 = arith.constant 128 : i32
        %mul3A_169 = arith.muli %add3A_161, %mul3A_168 : i32
        %multiple_of3A_170 = tpu.assume_multiple %mul3A_169, 128 : i32
        %dma_start3A_171 = arith.constant 0 : i32
        %dma_start3A_172 = tpu.memref_slice %arg2[%multiple_of3A_170, %dma_start3A_171] : memref<160000x128xf32, #tpu.memory_space<hbm>> -> memref<128x128xf32, #tpu.memory_space<hbm>>
        %dma_start3A_173 = arith.constant 0 : i32
        %dma_start3A_174 = tpu.memref_slice %arg2[%multiple_of3A_170, %dma_start3A_173] : memref<160000x128xf32, #tpu.memory_space<hbm>> -> memref<128x128xf32, #tpu.memory_space<hbm>>
        tpu.enqueue_dma source(%dma_start3A_174 : memref<128x128xf32, #tpu.memory_space<hbm>>) target(%arg9 : memref<128x128xf32, #tpu.memory_space<vmem>>) target_semaphore(%arg14 : memref<!tpu.dma_semaphore, #tpu.memory_space<semaphore_mem>>)
      } else {
      }
      %mul3A_136 = arith.constant 2 : i32
      %mul3A_137 = arith.muli %mul3A_136, %scan3A_112 : i32
      %add3A_138 = arith.constant 1 : i32
      %add3A_139 = arith.addi %mul3A_137, %add3A_138 : i32
      %mul3A_140 = arith.constant 32 : i32
      %mul3A_141 = arith.muli %add3A_139, %mul3A_140 : i32
      %add3A_142 = arith.addi %mul3A_141, %add3A : i32
      %dma_wait3A_143 = arith.constant 0 : i32
      %dma_wait3A_144 = tpu.memref_slice %arg3[%add3A_142, %dma_wait3A_143] : memref<1250x128xi32, #tpu.memory_space<hbm>> -> memref<1x128xi32, #tpu.memory_space<hbm>>
      %dma_wait3A_145 = tpu.memref_squeeze %dma_wait3A_144 : memref<1x128xi32, #tpu.memory_space<hbm>> -> memref<128xi32, #tpu.memory_space<hbm>>
      %dma_wait3A_146 = arith.constant 0 : i32
      %dma_wait3A_147 = tpu.memref_slice %arg3[%add3A_142, %dma_wait3A_146] : memref<1250x128xi32, #tpu.memory_space<hbm>> -> memref<1x128xi32, #tpu.memory_space<hbm>>
      %dma_wait3A_148 = tpu.memref_squeeze %dma_wait3A_147 : memref<1x128xi32, #tpu.memory_space<hbm>> -> memref<128xi32, #tpu.memory_space<hbm>>
      tpu.wait_dma2 semaphore(%arg13 : memref<!tpu.dma_semaphore, #tpu.memory_space<semaphore_mem>>) src(%dma_wait3A_148 : memref<128xi32, #tpu.memory_space<hbm>>) dst(%arg8 : memref<128xi32, #tpu.memory_space<vmem>>)
      %dma_wait3A_149 = arith.constant 0 : i32
      %dma_wait3A_150 = arith.constant 0 : i32
      %dma_wait3A_151 = tpu.memref_slice %arg2[%dma_wait3A_149, %dma_wait3A_150] : memref<160000x128xf32, #tpu.memory_space<hbm>> -> memref<128x128xf32, #tpu.memory_space<hbm>>
      %dma_wait3A_152 = arith.constant 0 : i32
      %dma_wait3A_153 = arith.constant 0 : i32
      %dma_wait3A_154 = tpu.memref_slice %arg2[%dma_wait3A_152, %dma_wait3A_153] : memref<160000x128xf32, #tpu.memory_space<hbm>> -> memref<128x128xf32, #tpu.memory_space<hbm>>
      tpu.wait_dma2 semaphore(%arg15 : memref<!tpu.dma_semaphore, #tpu.memory_space<semaphore_mem>>) src(%dma_wait3A_154 : memref<128x128xf32, #tpu.memory_space<hbm>>) dst(%arg10 : memref<128x128xf32, #tpu.memory_space<vmem>>)
      "tpu.region"() ({
        %run_scoped3A = tpu.sem_alloc : memref<!tpu.dma_semaphore, #tpu.memory_space<semaphore_mem>>
        %dma_start3A_160 = arith.constant 0 : i32
        %dma_start3A_161 = arith.constant 0 : i32
        %dma_start3A_162 = tpu.memref_slice %arg11[%dma_start3A_160, %dma_start3A_161] : memref<10240x128xf32, #tpu.memory_space<vmem_shared>> -> memref<10240x128xf32, #tpu.memory_space<vmem_shared>>
        tpu.enqueue_indirect_dma source(%arg10 : memref<128x128xf32, #tpu.memory_space<vmem>>) target(%dma_start3A_162 : memref<10240x128xf32, #tpu.memory_space<vmem_shared>>) offsets(%arg8 : memref<128xi32, #tpu.memory_space<vmem>>) semaphore(%run_scoped3A : memref<!tpu.dma_semaphore, #tpu.memory_space<semaphore_mem>>) {add = true}
        %dma_wait3A_163 = arith.constant 0 : i32
        %dma_wait3A_164 = arith.constant 0 : i32
        %dma_wait3A_165 = tpu.memref_slice %arg11[%dma_wait3A_163, %dma_wait3A_164] : memref<10240x128xf32, #tpu.memory_space<vmem_shared>> -> memref<10240x128xf32, #tpu.memory_space<vmem_shared>>
        tpu.wait_indirect_dma semaphore(%run_scoped3A : memref<!tpu.dma_semaphore, #tpu.memory_space<semaphore_mem>>) src(%arg10 : memref<128x128xf32, #tpu.memory_space<vmem>>) dst(%dma_wait3A_165 : memref<10240x128xf32, #tpu.memory_space<vmem_shared>>)
        tpu.yield
      }) : () -> ()
      %lt3A_155 = arith.constant 18 : i32
      %lt3A_156 = arith.cmpi slt, %scan3A_112, %lt3A_155 : i32
      %convert_element_type3A_157 = arith.extui %lt3A_156 : i1 to i32
      %cond3A_158 = arith.constant 0 : i32
      %cond3A_159 = arith.cmpi ne, %convert_element_type3A_157, %cond3A_158 : i32
      scf.if %cond3A_159 {
        %add3A_160 = arith.constant 64 : i32
        %add3A_161 = arith.addi %add3A_142, %add3A_160 : i32
        %dma_start3A_162 = arith.constant 0 : i32
        %dma_start3A_163 = tpu.memref_slice %arg3[%add3A_161, %dma_start3A_162] : memref<1250x128xi32, #tpu.memory_space<hbm>> -> memref<1x128xi32, #tpu.memory_space<hbm>>
        %dma_start3A_164 = tpu.memref_squeeze %dma_start3A_163 : memref<1x128xi32, #tpu.memory_space<hbm>> -> memref<128xi32, #tpu.memory_space<hbm>>
        %dma_start3A_165 = arith.constant 0 : i32
        %dma_start3A_166 = tpu.memref_slice %arg3[%add3A_161, %dma_start3A_165] : memref<1250x128xi32, #tpu.memory_space<hbm>> -> memref<1x128xi32, #tpu.memory_space<hbm>>
        %dma_start3A_167 = tpu.memref_squeeze %dma_start3A_166 : memref<1x128xi32, #tpu.memory_space<hbm>> -> memref<128xi32, #tpu.memory_space<hbm>>
        tpu.enqueue_dma source(%dma_start3A_167 : memref<128xi32, #tpu.memory_space<hbm>>) target(%arg8 : memref<128xi32, #tpu.memory_space<vmem>>) target_semaphore(%arg13 : memref<!tpu.dma_semaphore, #tpu.memory_space<semaphore_mem>>)
        %mul3A_168 = arith.constant 128 : i32
        %mul3A_169 = arith.muli %add3A_161, %mul3A_168 : i32
        %multiple_of3A_170 = tpu.assume_multiple %mul3A_169, 128 : i32
        %dma_start3A_171 = arith.constant 0 : i32
        %dma_start3A_172 = tpu.memref_slice %arg2[%multiple_of3A_170, %dma_start3A_171] : memref<160000x128xf32, #tpu.memory_space<hbm>> -> memref<128x128xf32, #tpu.memory_space<hbm>>
        %dma_start3A_173 = arith.constant 0 : i32
        %dma_start3A_174 = tpu.memref_slice %arg2[%multiple_of3A_170, %dma_start3A_173] : memref<160000x128xf32, #tpu.memory_space<hbm>> -> memref<128x128xf32, #tpu.memory_space<hbm>>
        tpu.enqueue_dma source(%dma_start3A_174 : memref<128x128xf32, #tpu.memory_space<hbm>>) target(%arg10 : memref<128x128xf32, #tpu.memory_space<vmem>>) target_semaphore(%arg15 : memref<!tpu.dma_semaphore, #tpu.memory_space<semaphore_mem>>)
      } else {
      }
    }
    %scan3A_44 = arith.constant 19 : i32
    %add3A_45 = arith.constant 1216 : i32
    %add3A_46 = arith.addi %add3A_45, %add3A : i32
    "tpu.region"() ({
      %run_scoped3A = tpu.sem_alloc : memref<!tpu.dma_semaphore, #tpu.memory_space<semaphore_mem>>
      %dma_start3A_112 = arith.constant 0 : i32
      %dma_start3A_113 = tpu.memref_slice %arg3[%add3A_46, %dma_start3A_112] : memref<1250x128xi32, #tpu.memory_space<hbm>> -> memref<1x128xi32, #tpu.memory_space<hbm>>
      %dma_start3A_114 = tpu.memref_squeeze %dma_start3A_113 : memref<1x128xi32, #tpu.memory_space<hbm>> -> memref<128xi32, #tpu.memory_space<hbm>>
      %dma_start3A_115 = arith.constant 0 : i32
      %dma_start3A_116 = tpu.memref_slice %arg3[%add3A_46, %dma_start3A_115] : memref<1250x128xi32, #tpu.memory_space<hbm>> -> memref<1x128xi32, #tpu.memory_space<hbm>>
      %dma_start3A_117 = tpu.memref_squeeze %dma_start3A_116 : memref<1x128xi32, #tpu.memory_space<hbm>> -> memref<128xi32, #tpu.memory_space<hbm>>
      tpu.enqueue_dma source(%dma_start3A_117 : memref<128xi32, #tpu.memory_space<hbm>>) target(%arg7 : memref<128xi32, #tpu.memory_space<vmem>>) target_semaphore(%run_scoped3A : memref<!tpu.dma_semaphore, #tpu.memory_space<semaphore_mem>>)
      %dma_wait3A = arith.constant 0 : i32
      %dma_wait3A_118 = tpu.memref_slice %arg3[%add3A_46, %dma_wait3A] : memref<1250x128xi32, #tpu.memory_space<hbm>> -> memref<1x128xi32, #tpu.memory_space<hbm>>
      %dma_wait3A_119 = tpu.memref_squeeze %dma_wait3A_118 : memref<1x128xi32, #tpu.memory_space<hbm>> -> memref<128xi32, #tpu.memory_space<hbm>>
      %dma_wait3A_120 = arith.constant 0 : i32
      %dma_wait3A_121 = tpu.memref_slice %arg3[%add3A_46, %dma_wait3A_120] : memref<1250x128xi32, #tpu.memory_space<hbm>> -> memref<1x128xi32, #tpu.memory_space<hbm>>
      %dma_wait3A_122 = tpu.memref_squeeze %dma_wait3A_121 : memref<1x128xi32, #tpu.memory_space<hbm>> -> memref<128xi32, #tpu.memory_space<hbm>>
      tpu.wait_dma2 semaphore(%run_scoped3A : memref<!tpu.dma_semaphore, #tpu.memory_space<semaphore_mem>>) src(%dma_wait3A_122 : memref<128xi32, #tpu.memory_space<hbm>>) dst(%arg7 : memref<128xi32, #tpu.memory_space<vmem>>)
      tpu.yield
    }) : () -> ()
    %mul3A_47 = arith.constant 128 : i32
    %mul3A_48 = arith.muli %add3A_46, %mul3A_47 : i32
    %multiple_of3A_49 = tpu.assume_multiple %mul3A_48, 128 : i32
    "tpu.region"() ({
      %run_scoped3A = tpu.sem_alloc : memref<!tpu.dma_semaphore, #tpu.memory_space<semaphore_mem>>
      %dma_start3A_112 = arith.constant 0 : i32
      %dma_start3A_113 = tpu.memref_slice %arg2[%multiple_of3A_49, %dma_start3A_112] : memref<160000x128xf32, #tpu.memory_space<hbm>> -> memref<128x128xf32, #tpu.memory_space<hbm>>
      %dma_start3A_114 = arith.constant 0 : i32
      %dma_start3A_115 = tpu.memref_slice %arg2[%multiple_of3A_49, %dma_start3A_114] : memref<160000x128xf32, #tpu.memory_space<hbm>> -> memref<128x128xf32, #tpu.memory_space<hbm>>
      tpu.enqueue_dma source(%dma_start3A_115 : memref<128x128xf32, #tpu.memory_space<hbm>>) target(%arg9 : memref<128x128xf32, #tpu.memory_space<vmem>>) target_semaphore(%run_scoped3A : memref<!tpu.dma_semaphore, #tpu.memory_space<semaphore_mem>>)
      %dma_wait3A = arith.constant 0 : i32
      %dma_wait3A_116 = tpu.memref_slice %arg2[%multiple_of3A_49, %dma_wait3A] : memref<160000x128xf32, #tpu.memory_space<hbm>> -> memref<128x128xf32, #tpu.memory_space<hbm>>
      %dma_wait3A_117 = arith.constant 0 : i32
      %dma_wait3A_118 = tpu.memref_slice %arg2[%multiple_of3A_49, %dma_wait3A_117] : memref<160000x128xf32, #tpu.memory_space<hbm>> -> memref<128x128xf32, #tpu.memory_space<hbm>>
      tpu.wait_dma2 semaphore(%run_scoped3A : memref<!tpu.dma_semaphore, #tpu.memory_space<semaphore_mem>>) src(%dma_wait3A_118 : memref<128x128xf32, #tpu.memory_space<hbm>>) dst(%arg9 : memref<128x128xf32, #tpu.memory_space<vmem>>)
      tpu.yield
    }) : () -> ()
    "tpu.region"() ({
      %run_scoped3A = tpu.sem_alloc : memref<!tpu.dma_semaphore, #tpu.memory_space<semaphore_mem>>
      %dma_start3A_112 = arith.constant 0 : i32
      %dma_start3A_113 = arith.constant 0 : i32
      %dma_start3A_114 = tpu.memref_slice %arg11[%dma_start3A_112, %dma_start3A_113] : memref<10240x128xf32, #tpu.memory_space<vmem_shared>> -> memref<10240x128xf32, #tpu.memory_space<vmem_shared>>
      tpu.enqueue_indirect_dma source(%arg9 : memref<128x128xf32, #tpu.memory_space<vmem>>) target(%dma_start3A_114 : memref<10240x128xf32, #tpu.memory_space<vmem_shared>>) offsets(%arg7 : memref<128xi32, #tpu.memory_space<vmem>>) semaphore(%run_scoped3A : memref<!tpu.dma_semaphore, #tpu.memory_space<semaphore_mem>>) {add = true}
      %dma_wait3A = arith.constant 0 : i32
      %dma_wait3A_115 = arith.constant 0 : i32
      %dma_wait3A_116 = tpu.memref_slice %arg11[%dma_wait3A, %dma_wait3A_115] : memref<10240x128xf32, #tpu.memory_space<vmem_shared>> -> memref<10240x128xf32, #tpu.memory_space<vmem_shared>>
      tpu.wait_indirect_dma semaphore(%run_scoped3A : memref<!tpu.dma_semaphore, #tpu.memory_space<semaphore_mem>>) src(%arg9 : memref<128x128xf32, #tpu.memory_space<vmem>>) dst(%dma_wait3A_116 : memref<10240x128xf32, #tpu.memory_space<vmem_shared>>)
      tpu.yield
    }) : () -> ()
    %lt3A = arith.constant 2 : i32
    %lt3A_50 = arith.cmpi slt, %add3A, %lt3A : i32
    %convert_element_type3A = arith.extui %lt3A_50 : i1 to i32
    %cond3A = arith.constant 0 : i32
    %cond3A_51 = arith.cmpi ne, %convert_element_type3A, %cond3A : i32
    scf.if %cond3A_51 {
      %add3A_112 = arith.constant 1248 : i32
      %add3A_113 = arith.addi %add3A_112, %add3A : i32
      "tpu.region"() ({
        %run_scoped3A = tpu.sem_alloc : memref<!tpu.dma_semaphore, #tpu.memory_space<semaphore_mem>>
        %dma_start3A_117 = arith.constant 0 : i32
        %dma_start3A_118 = tpu.memref_slice %arg3[%add3A_113, %dma_start3A_117] : memref<1250x128xi32, #tpu.memory_space<hbm>> -> memref<1x128xi32, #tpu.memory_space<hbm>>
        %dma_start3A_119 = tpu.memref_squeeze %dma_start3A_118 : memref<1x128xi32, #tpu.memory_space<hbm>> -> memref<128xi32, #tpu.memory_space<hbm>>
        %dma_start3A_120 = arith.constant 0 : i32
        %dma_start3A_121 = tpu.memref_slice %arg3[%add3A_113, %dma_start3A_120] : memref<1250x128xi32, #tpu.memory_space<hbm>> -> memref<1x128xi32, #tpu.memory_space<hbm>>
        %dma_start3A_122 = tpu.memref_squeeze %dma_start3A_121 : memref<1x128xi32, #tpu.memory_space<hbm>> -> memref<128xi32, #tpu.memory_space<hbm>>
        tpu.enqueue_dma source(%dma_start3A_122 : memref<128xi32, #tpu.memory_space<hbm>>) target(%arg7 : memref<128xi32, #tpu.memory_space<vmem>>) target_semaphore(%run_scoped3A : memref<!tpu.dma_semaphore, #tpu.memory_space<semaphore_mem>>)
        %dma_wait3A = arith.constant 0 : i32
        %dma_wait3A_123 = tpu.memref_slice %arg3[%add3A_113, %dma_wait3A] : memref<1250x128xi32, #tpu.memory_space<hbm>> -> memref<1x128xi32, #tpu.memory_space<hbm>>
        %dma_wait3A_124 = tpu.memref_squeeze %dma_wait3A_123 : memref<1x128xi32, #tpu.memory_space<hbm>> -> memref<128xi32, #tpu.memory_space<hbm>>
        %dma_wait3A_125 = arith.constant 0 : i32
        %dma_wait3A_126 = tpu.memref_slice %arg3[%add3A_113, %dma_wait3A_125] : memref<1250x128xi32, #tpu.memory_space<hbm>> -> memref<1x128xi32, #tpu.memory_space<hbm>>
        %dma_wait3A_127 = tpu.memref_squeeze %dma_wait3A_126 : memref<1x128xi32, #tpu.memory_space<hbm>> -> memref<128xi32, #tpu.memory_space<hbm>>
        tpu.wait_dma2 semaphore(%run_scoped3A : memref<!tpu.dma_semaphore, #tpu.memory_space<semaphore_mem>>) src(%dma_wait3A_127 : memref<128xi32, #tpu.memory_space<hbm>>) dst(%arg7 : memref<128xi32, #tpu.memory_space<vmem>>)
        tpu.yield
      }) : () -> ()
      %mul3A_114 = arith.constant 128 : i32
      %mul3A_115 = arith.muli %add3A_113, %mul3A_114 : i32
      %multiple_of3A_116 = tpu.assume_multiple %mul3A_115, 128 : i32
      "tpu.region"() ({
        %run_scoped3A = tpu.sem_alloc : memref<!tpu.dma_semaphore, #tpu.memory_space<semaphore_mem>>
        %dma_start3A_117 = arith.constant 0 : i32
        %dma_start3A_118 = tpu.memref_slice %arg2[%multiple_of3A_116, %dma_start3A_117] : memref<160000x128xf32, #tpu.memory_space<hbm>> -> memref<128x128xf32, #tpu.memory_space<hbm>>
        %dma_start3A_119 = arith.constant 0 : i32
        %dma_start3A_120 = tpu.memref_slice %arg2[%multiple_of3A_116, %dma_start3A_119] : memref<160000x128xf32, #tpu.memory_space<hbm>> -> memref<128x128xf32, #tpu.memory_space<hbm>>
        tpu.enqueue_dma source(%dma_start3A_120 : memref<128x128xf32, #tpu.memory_space<hbm>>) target(%arg9 : memref<128x128xf32, #tpu.memory_space<vmem>>) target_semaphore(%run_scoped3A : memref<!tpu.dma_semaphore, #tpu.memory_space<semaphore_mem>>)
        %dma_wait3A = arith.constant 0 : i32
        %dma_wait3A_121 = tpu.memref_slice %arg2[%multiple_of3A_116, %dma_wait3A] : memref<160000x128xf32, #tpu.memory_space<hbm>> -> memref<128x128xf32, #tpu.memory_space<hbm>>
        %dma_wait3A_122 = arith.constant 0 : i32
        %dma_wait3A_123 = tpu.memref_slice %arg2[%multiple_of3A_116, %dma_wait3A_122] : memref<160000x128xf32, #tpu.memory_space<hbm>> -> memref<128x128xf32, #tpu.memory_space<hbm>>
        tpu.wait_dma2 semaphore(%run_scoped3A : memref<!tpu.dma_semaphore, #tpu.memory_space<semaphore_mem>>) src(%dma_wait3A_123 : memref<128x128xf32, #tpu.memory_space<hbm>>) dst(%arg9 : memref<128x128xf32, #tpu.memory_space<vmem>>)
        tpu.yield
      }) : () -> ()
      "tpu.region"() ({
        %run_scoped3A = tpu.sem_alloc : memref<!tpu.dma_semaphore, #tpu.memory_space<semaphore_mem>>
        %dma_start3A_117 = arith.constant 0 : i32
        %dma_start3A_118 = arith.constant 0 : i32
        %dma_start3A_119 = tpu.memref_slice %arg11[%dma_start3A_117, %dma_start3A_118] : memref<10240x128xf32, #tpu.memory_space<vmem_shared>> -> memref<10240x128xf32, #tpu.memory_space<vmem_shared>>
        tpu.enqueue_indirect_dma source(%arg9 : memref<128x128xf32, #tpu.memory_space<vmem>>) target(%dma_start3A_119 : memref<10240x128xf32, #tpu.memory_space<vmem_shared>>) offsets(%arg7 : memref<128xi32, #tpu.memory_space<vmem>>) semaphore(%run_scoped3A : memref<!tpu.dma_semaphore, #tpu.memory_space<semaphore_mem>>) {add = true}
        %dma_wait3A = arith.constant 0 : i32
        %dma_wait3A_120 = arith.constant 0 : i32
        %dma_wait3A_121 = tpu.memref_slice %arg11[%dma_wait3A, %dma_wait3A_120] : memref<10240x128xf32, #tpu.memory_space<vmem_shared>> -> memref<10240x128xf32, #tpu.memory_space<vmem_shared>>
        tpu.wait_indirect_dma semaphore(%run_scoped3A : memref<!tpu.dma_semaphore, #tpu.memory_space<semaphore_mem>>) src(%arg9 : memref<128x128xf32, #tpu.memory_space<vmem>>) dst(%dma_wait3A_121 : memref<10240x128xf32, #tpu.memory_space<vmem_shared>>)
        tpu.yield
      }) : () -> ()
    } else {
    }
    %barrier3A_52 = arith.constant 0 : index
    tpu.barrier barrier_id(%barrier3A_52)
    %add3A_53 = arith.constant 0 : i32
    %add3A_54 = arith.addi %multiple_of3A, %add3A_53 : i32
    "tpu.region"() ({
      %run_scoped3A = tpu.sem_alloc : memref<!tpu.dma_semaphore, #tpu.memory_space<semaphore_mem>>
      %dma_start3A_112 = arith.constant 0 : i32
      %dma_start3A_113 = tpu.memref_slice %arg11[%add3A_54, %dma_start3A_112] : memref<10240x128xf32, #tpu.memory_space<vmem_shared>> -> memref<128x128xf32, #tpu.memory_space<vmem_shared>>
      %dma_start3A_114 = arith.constant 0 : i32
      %dma_start3A_115 = tpu.memref_slice %arg11[%add3A_54, %dma_start3A_114] : memref<10240x128xf32, #tpu.memory_space<vmem_shared>> -> memref<128x128xf32, #tpu.memory_space<vmem_shared>>
      tpu.enqueue_dma source(%dma_start3A_115 : memref<128x128xf32, #tpu.memory_space<vmem_shared>>) target(%arg9 : memref<128x128xf32, #tpu.memory_space<vmem>>) target_semaphore(%run_scoped3A : memref<!tpu.dma_semaphore, #tpu.memory_space<semaphore_mem>>)
      %dma_wait3A = arith.constant 0 : i32
      %dma_wait3A_116 = tpu.memref_slice %arg11[%add3A_54, %dma_wait3A] : memref<10240x128xf32, #tpu.memory_space<vmem_shared>> -> memref<128x128xf32, #tpu.memory_space<vmem_shared>>
      %dma_wait3A_117 = arith.constant 0 : i32
      %dma_wait3A_118 = tpu.memref_slice %arg11[%add3A_54, %dma_wait3A_117] : memref<10240x128xf32, #tpu.memory_space<vmem_shared>> -> memref<128x128xf32, #tpu.memory_space<vmem_shared>>
      tpu.wait_dma2 semaphore(%run_scoped3A : memref<!tpu.dma_semaphore, #tpu.memory_space<semaphore_mem>>) src(%dma_wait3A_118 : memref<128x128xf32, #tpu.memory_space<vmem_shared>>) dst(%arg9 : memref<128x128xf32, #tpu.memory_space<vmem>>)
      tpu.yield
    }) : () -> ()
    %eq3A = arith.constant 0 : i32
    %eq3A_55 = arith.cmpi eq, %arg0, %eq3A : i32
    %convert_element_type3A_56 = arith.extui %eq3A_55 : i1 to i32
    %cond3A_57 = arith.constant 0 : i32
    %cond3A_58 = arith.cmpi ne, %convert_element_type3A_56, %cond3A_57 : i32
    scf.if %cond3A_58 {
      %add3A_112 = arith.constant 0 : i32
      %add3A_113 = arith.addi %multiple_of3A, %add3A_112 : i32
      "tpu.region"() ({
        %run_scoped3A = tpu.sem_alloc : memref<!tpu.dma_semaphore, #tpu.memory_space<semaphore_mem>>
        %dma_start3A_114 = arith.constant 0 : i32
        %dma_start3A_115 = tpu.memref_slice %arg5[%add3A_113, %dma_start3A_114] : memref<10240x128xf32, #tpu.memory_space<hbm>> -> memref<128x128xf32, #tpu.memory_space<hbm>>
        %dma_start3A_116 = arith.constant 0 : i32
        %dma_start3A_117 = tpu.memref_slice %arg5[%add3A_113, %dma_start3A_116] : memref<10240x128xf32, #tpu.memory_space<hbm>> -> memref<128x128xf32, #tpu.memory_space<hbm>>
        tpu.enqueue_dma source(%arg9 : memref<128x128xf32, #tpu.memory_space<vmem>>) target(%dma_start3A_117 : memref<128x128xf32, #tpu.memory_space<hbm>>) target_semaphore(%run_scoped3A : memref<!tpu.dma_semaphore, #tpu.memory_space<semaphore_mem>>)
        %dma_wait3A = arith.constant 0 : i32
        %dma_wait3A_118 = tpu.memref_slice %arg5[%add3A_113, %dma_wait3A] : memref<10240x128xf32, #tpu.memory_space<hbm>> -> memref<128x128xf32, #tpu.memory_space<hbm>>
        %dma_wait3A_119 = arith.constant 0 : i32
        %dma_wait3A_120 = tpu.memref_slice %arg5[%add3A_113, %dma_wait3A_119] : memref<10240x128xf32, #tpu.memory_space<hbm>> -> memref<128x128xf32, #tpu.memory_space<hbm>>
        tpu.wait_dma2 semaphore(%run_scoped3A : memref<!tpu.dma_semaphore, #tpu.memory_space<semaphore_mem>>) src(%arg9 : memref<128x128xf32, #tpu.memory_space<vmem>>) dst(%dma_wait3A_120 : memref<128x128xf32, #tpu.memory_space<hbm>>)
        tpu.yield
      }) : () -> ()
    } else {
    }
    %eq3A_59 = arith.constant 1 : i32
    %eq3A_60 = arith.cmpi eq, %arg0, %eq3A_59 : i32
    %convert_element_type3A_61 = arith.extui %eq3A_60 : i1 to i32
    %cond3A_62 = arith.constant 0 : i32
    %cond3A_63 = arith.cmpi ne, %convert_element_type3A_61, %cond3A_62 : i32
    scf.if %cond3A_63 {
      %add3A_112 = arith.constant 0 : i32
      %add3A_113 = arith.addi %multiple_of3A, %add3A_112 : i32
      "tpu.region"() ({
        %run_scoped3A = tpu.sem_alloc : memref<!tpu.dma_semaphore, #tpu.memory_space<semaphore_mem>>
        %dma_start3A_114 = arith.constant 0 : i32
        %dma_start3A_115 = tpu.memref_slice %arg6[%add3A_113, %dma_start3A_114] : memref<10240x128xf32, #tpu.memory_space<hbm>> -> memref<128x128xf32, #tpu.memory_space<hbm>>
        %dma_start3A_116 = arith.constant 0 : i32
        %dma_start3A_117 = tpu.memref_slice %arg6[%add3A_113, %dma_start3A_116] : memref<10240x128xf32, #tpu.memory_space<hbm>> -> memref<128x128xf32, #tpu.memory_space<hbm>>
        tpu.enqueue_dma source(%arg9 : memref<128x128xf32, #tpu.memory_space<vmem>>) target(%dma_start3A_117 : memref<128x128xf32, #tpu.memory_space<hbm>>) target_semaphore(%run_scoped3A : memref<!tpu.dma_semaphore, #tpu.memory_space<semaphore_mem>>)
        %dma_wait3A = arith.constant 0 : i32
        %dma_wait3A_118 = tpu.memref_slice %arg6[%add3A_113, %dma_wait3A] : memref<10240x128xf32, #tpu.memory_space<hbm>> -> memref<128x128xf32, #tpu.memory_space<hbm>>
        %dma_wait3A_119 = arith.constant 0 : i32
        %dma_wait3A_120 = tpu.memref_slice %arg6[%add3A_113, %dma_wait3A_119] : memref<10240x128xf32, #tpu.memory_space<hbm>> -> memref<128x128xf32, #tpu.memory_space<hbm>>
        tpu.wait_dma2 semaphore(%run_scoped3A : memref<!tpu.dma_semaphore, #tpu.memory_space<semaphore_mem>>) src(%arg9 : memref<128x128xf32, #tpu.memory_space<vmem>>) dst(%dma_wait3A_120 : memref<128x128xf32, #tpu.memory_space<hbm>>)
        tpu.yield
      }) : () -> ()
    } else {
    }
    %add3A_64 = arith.constant 128 : i32
    %add3A_65 = arith.addi %multiple_of3A, %add3A_64 : i32
    "tpu.region"() ({
      %run_scoped3A = tpu.sem_alloc : memref<!tpu.dma_semaphore, #tpu.memory_space<semaphore_mem>>
      %dma_start3A_112 = arith.constant 0 : i32
      %dma_start3A_113 = tpu.memref_slice %arg11[%add3A_65, %dma_start3A_112] : memref<10240x128xf32, #tpu.memory_space<vmem_shared>> -> memref<128x128xf32, #tpu.memory_space<vmem_shared>>
      %dma_start3A_114 = arith.constant 0 : i32
      %dma_start3A_115 = tpu.memref_slice %arg11[%add3A_65, %dma_start3A_114] : memref<10240x128xf32, #tpu.memory_space<vmem_shared>> -> memref<128x128xf32, #tpu.memory_space<vmem_shared>>
      tpu.enqueue_dma source(%dma_start3A_115 : memref<128x128xf32, #tpu.memory_space<vmem_shared>>) target(%arg9 : memref<128x128xf32, #tpu.memory_space<vmem>>) target_semaphore(%run_scoped3A : memref<!tpu.dma_semaphore, #tpu.memory_space<semaphore_mem>>)
      %dma_wait3A = arith.constant 0 : i32
      %dma_wait3A_116 = tpu.memref_slice %arg11[%add3A_65, %dma_wait3A] : memref<10240x128xf32, #tpu.memory_space<vmem_shared>> -> memref<128x128xf32, #tpu.memory_space<vmem_shared>>
      %dma_wait3A_117 = arith.constant 0 : i32
      %dma_wait3A_118 = tpu.memref_slice %arg11[%add3A_65, %dma_wait3A_117] : memref<10240x128xf32, #tpu.memory_space<vmem_shared>> -> memref<128x128xf32, #tpu.memory_space<vmem_shared>>
      tpu.wait_dma2 semaphore(%run_scoped3A : memref<!tpu.dma_semaphore, #tpu.memory_space<semaphore_mem>>) src(%dma_wait3A_118 : memref<128x128xf32, #tpu.memory_space<vmem_shared>>) dst(%arg9 : memref<128x128xf32, #tpu.memory_space<vmem>>)
      tpu.yield
    }) : () -> ()
    %eq3A_66 = arith.constant 0 : i32
    %eq3A_67 = arith.cmpi eq, %arg0, %eq3A_66 : i32
    %convert_element_type3A_68 = arith.extui %eq3A_67 : i1 to i32
    %cond3A_69 = arith.constant 0 : i32
    %cond3A_70 = arith.cmpi ne, %convert_element_type3A_68, %cond3A_69 : i32
    scf.if %cond3A_70 {
      %add3A_112 = arith.constant 128 : i32
      %add3A_113 = arith.addi %multiple_of3A, %add3A_112 : i32
      "tpu.region"() ({
        %run_scoped3A = tpu.sem_alloc : memref<!tpu.dma_semaphore, #tpu.memory_space<semaphore_mem>>
        %dma_start3A_114 = arith.constant 0 : i32
        %dma_start3A_115 = tpu.memref_slice %arg5[%add3A_113, %dma_start3A_114] : memref<10240x128xf32, #tpu.memory_space<hbm>> -> memref<128x128xf32, #tpu.memory_space<hbm>>
        %dma_start3A_116 = arith.constant 0 : i32
        %dma_start3A_117 = tpu.memref_slice %arg5[%add3A_113, %dma_start3A_116] : memref<10240x128xf32, #tpu.memory_space<hbm>> -> memref<128x128xf32, #tpu.memory_space<hbm>>
        tpu.enqueue_dma source(%arg9 : memref<128x128xf32, #tpu.memory_space<vmem>>) target(%dma_start3A_117 : memref<128x128xf32, #tpu.memory_space<hbm>>) target_semaphore(%run_scoped3A : memref<!tpu.dma_semaphore, #tpu.memory_space<semaphore_mem>>)
        %dma_wait3A = arith.constant 0 : i32
        %dma_wait3A_118 = tpu.memref_slice %arg5[%add3A_113, %dma_wait3A] : memref<10240x128xf32, #tpu.memory_space<hbm>> -> memref<128x128xf32, #tpu.memory_space<hbm>>
        %dma_wait3A_119 = arith.constant 0 : i32
        %dma_wait3A_120 = tpu.memref_slice %arg5[%add3A_113, %dma_wait3A_119] : memref<10240x128xf32, #tpu.memory_space<hbm>> -> memref<128x128xf32, #tpu.memory_space<hbm>>
        tpu.wait_dma2 semaphore(%run_scoped3A : memref<!tpu.dma_semaphore, #tpu.memory_space<semaphore_mem>>) src(%arg9 : memref<128x128xf32, #tpu.memory_space<vmem>>) dst(%dma_wait3A_120 : memref<128x128xf32, #tpu.memory_space<hbm>>)
        tpu.yield
      }) : () -> ()
    } else {
    }
    %eq3A_71 = arith.constant 1 : i32
    %eq3A_72 = arith.cmpi eq, %arg0, %eq3A_71 : i32
    %convert_element_type3A_73 = arith.extui %eq3A_72 : i1 to i32
    %cond3A_74 = arith.constant 0 : i32
    %cond3A_75 = arith.cmpi ne, %convert_element_type3A_73, %cond3A_74 : i32
    scf.if %cond3A_75 {
      %add3A_112 = arith.constant 128 : i32
      %add3A_113 = arith.addi %multiple_of3A, %add3A_112 : i32
      "tpu.region"() ({
        %run_scoped3A = tpu.sem_alloc : memref<!tpu.dma_semaphore, #tpu.memory_space<semaphore_mem>>
        %dma_start3A_114 = arith.constant 0 : i32
        %dma_start3A_115 = tpu.memref_slice %arg6[%add3A_113, %dma_start3A_114] : memref<10240x128xf32, #tpu.memory_space<hbm>> -> memref<128x128xf32, #tpu.memory_space<hbm>>
        %dma_start3A_116 = arith.constant 0 : i32
        %dma_start3A_117 = tpu.memref_slice %arg6[%add3A_113, %dma_start3A_116] : memref<10240x128xf32, #tpu.memory_space<hbm>> -> memref<128x128xf32, #tpu.memory_space<hbm>>
        tpu.enqueue_dma source(%arg9 : memref<128x128xf32, #tpu.memory_space<vmem>>) target(%dma_start3A_117 : memref<128x128xf32, #tpu.memory_space<hbm>>) target_semaphore(%run_scoped3A : memref<!tpu.dma_semaphore, #tpu.memory_space<semaphore_mem>>)
        %dma_wait3A = arith.constant 0 : i32
        %dma_wait3A_118 = tpu.memref_slice %arg6[%add3A_113, %dma_wait3A] : memref<10240x128xf32, #tpu.memory_space<hbm>> -> memref<128x128xf32, #tpu.memory_space<hbm>>
        %dma_wait3A_119 = arith.constant 0 : i32
        %dma_wait3A_120 = tpu.memref_slice %arg6[%add3A_113, %dma_wait3A_119] : memref<10240x128xf32, #tpu.memory_space<hbm>> -> memref<128x128xf32, #tpu.memory_space<hbm>>
        tpu.wait_dma2 semaphore(%run_scoped3A : memref<!tpu.dma_semaphore, #tpu.memory_space<semaphore_mem>>) src(%arg9 : memref<128x128xf32, #tpu.memory_space<vmem>>) dst(%dma_wait3A_120 : memref<128x128xf32, #tpu.memory_space<hbm>>)
        tpu.yield
      }) : () -> ()
    } else {
    }
    %add3A_76 = arith.constant 256 : i32
    %add3A_77 = arith.addi %multiple_of3A, %add3A_76 : i32
    "tpu.region"() ({
      %run_scoped3A = tpu.sem_alloc : memref<!tpu.dma_semaphore, #tpu.memory_space<semaphore_mem>>
      %dma_start3A_112 = arith.constant 0 : i32
      %dma_start3A_113 = tpu.memref_slice %arg11[%add3A_77, %dma_start3A_112] : memref<10240x128xf32, #tpu.memory_space<vmem_shared>> -> memref<128x128xf32, #tpu.memory_space<vmem_shared>>
      %dma_start3A_114 = arith.constant 0 : i32
      %dma_start3A_115 = tpu.memref_slice %arg11[%add3A_77, %dma_start3A_114] : memref<10240x128xf32, #tpu.memory_space<vmem_shared>> -> memref<128x128xf32, #tpu.memory_space<vmem_shared>>
      tpu.enqueue_dma source(%dma_start3A_115 : memref<128x128xf32, #tpu.memory_space<vmem_shared>>) target(%arg9 : memref<128x128xf32, #tpu.memory_space<vmem>>) target_semaphore(%run_scoped3A : memref<!tpu.dma_semaphore, #tpu.memory_space<semaphore_mem>>)
      %dma_wait3A = arith.constant 0 : i32
      %dma_wait3A_116 = tpu.memref_slice %arg11[%add3A_77, %dma_wait3A] : memref<10240x128xf32, #tpu.memory_space<vmem_shared>> -> memref<128x128xf32, #tpu.memory_space<vmem_shared>>
      %dma_wait3A_117 = arith.constant 0 : i32
      %dma_wait3A_118 = tpu.memref_slice %arg11[%add3A_77, %dma_wait3A_117] : memref<10240x128xf32, #tpu.memory_space<vmem_shared>> -> memref<128x128xf32, #tpu.memory_space<vmem_shared>>
      tpu.wait_dma2 semaphore(%run_scoped3A : memref<!tpu.dma_semaphore, #tpu.memory_space<semaphore_mem>>) src(%dma_wait3A_118 : memref<128x128xf32, #tpu.memory_space<vmem_shared>>) dst(%arg9 : memref<128x128xf32, #tpu.memory_space<vmem>>)
      tpu.yield
    }) : () -> ()
    %eq3A_78 = arith.constant 0 : i32
    %eq3A_79 = arith.cmpi eq, %arg0, %eq3A_78 : i32
    %convert_element_type3A_80 = arith.extui %eq3A_79 : i1 to i32
    %cond3A_81 = arith.constant 0 : i32
    %cond3A_82 = arith.cmpi ne, %convert_element_type3A_80, %cond3A_81 : i32
    scf.if %cond3A_82 {
      %add3A_112 = arith.constant 256 : i32
      %add3A_113 = arith.addi %multiple_of3A, %add3A_112 : i32
      "tpu.region"() ({
        %run_scoped3A = tpu.sem_alloc : memref<!tpu.dma_semaphore, #tpu.memory_space<semaphore_mem>>
        %dma_start3A_114 = arith.constant 0 : i32
        %dma_start3A_115 = tpu.memref_slice %arg5[%add3A_113, %dma_start3A_114] : memref<10240x128xf32, #tpu.memory_space<hbm>> -> memref<128x128xf32, #tpu.memory_space<hbm>>
        %dma_start3A_116 = arith.constant 0 : i32
        %dma_start3A_117 = tpu.memref_slice %arg5[%add3A_113, %dma_start3A_116] : memref<10240x128xf32, #tpu.memory_space<hbm>> -> memref<128x128xf32, #tpu.memory_space<hbm>>
        tpu.enqueue_dma source(%arg9 : memref<128x128xf32, #tpu.memory_space<vmem>>) target(%dma_start3A_117 : memref<128x128xf32, #tpu.memory_space<hbm>>) target_semaphore(%run_scoped3A : memref<!tpu.dma_semaphore, #tpu.memory_space<semaphore_mem>>)
        %dma_wait3A = arith.constant 0 : i32
        %dma_wait3A_118 = tpu.memref_slice %arg5[%add3A_113, %dma_wait3A] : memref<10240x128xf32, #tpu.memory_space<hbm>> -> memref<128x128xf32, #tpu.memory_space<hbm>>
        %dma_wait3A_119 = arith.constant 0 : i32
        %dma_wait3A_120 = tpu.memref_slice %arg5[%add3A_113, %dma_wait3A_119] : memref<10240x128xf32, #tpu.memory_space<hbm>> -> memref<128x128xf32, #tpu.memory_space<hbm>>
        tpu.wait_dma2 semaphore(%run_scoped3A : memref<!tpu.dma_semaphore, #tpu.memory_space<semaphore_mem>>) src(%arg9 : memref<128x128xf32, #tpu.memory_space<vmem>>) dst(%dma_wait3A_120 : memref<128x128xf32, #tpu.memory_space<hbm>>)
        tpu.yield
      }) : () -> ()
    } else {
    }
    %eq3A_83 = arith.constant 1 : i32
    %eq3A_84 = arith.cmpi eq, %arg0, %eq3A_83 : i32
    %convert_element_type3A_85 = arith.extui %eq3A_84 : i1 to i32
    %cond3A_86 = arith.constant 0 : i32
    %cond3A_87 = arith.cmpi ne, %convert_element_type3A_85, %cond3A_86 : i32
    scf.if %cond3A_87 {
      %add3A_112 = arith.constant 256 : i32
      %add3A_113 = arith.addi %multiple_of3A, %add3A_112 : i32
      "tpu.region"() ({
        %run_scoped3A = tpu.sem_alloc : memref<!tpu.dma_semaphore, #tpu.memory_space<semaphore_mem>>
        %dma_start3A_114 = arith.constant 0 : i32
        %dma_start3A_115 = tpu.memref_slice %arg6[%add3A_113, %dma_start3A_114] : memref<10240x128xf32, #tpu.memory_space<hbm>> -> memref<128x128xf32, #tpu.memory_space<hbm>>
        %dma_start3A_116 = arith.constant 0 : i32
        %dma_start3A_117 = tpu.memref_slice %arg6[%add3A_113, %dma_start3A_116] : memref<10240x128xf32, #tpu.memory_space<hbm>> -> memref<128x128xf32, #tpu.memory_space<hbm>>
        tpu.enqueue_dma source(%arg9 : memref<128x128xf32, #tpu.memory_space<vmem>>) target(%dma_start3A_117 : memref<128x128xf32, #tpu.memory_space<hbm>>) target_semaphore(%run_scoped3A : memref<!tpu.dma_semaphore, #tpu.memory_space<semaphore_mem>>)
        %dma_wait3A = arith.constant 0 : i32
        %dma_wait3A_118 = tpu.memref_slice %arg6[%add3A_113, %dma_wait3A] : memref<10240x128xf32, #tpu.memory_space<hbm>> -> memref<128x128xf32, #tpu.memory_space<hbm>>
        %dma_wait3A_119 = arith.constant 0 : i32
        %dma_wait3A_120 = tpu.memref_slice %arg6[%add3A_113, %dma_wait3A_119] : memref<10240x128xf32, #tpu.memory_space<hbm>> -> memref<128x128xf32, #tpu.memory_space<hbm>>
        tpu.wait_dma2 semaphore(%run_scoped3A : memref<!tpu.dma_semaphore, #tpu.memory_space<semaphore_mem>>) src(%arg9 : memref<128x128xf32, #tpu.memory_space<vmem>>) dst(%dma_wait3A_120 : memref<128x128xf32, #tpu.memory_space<hbm>>)
        tpu.yield
      }) : () -> ()
    } else {
    }
    %add3A_88 = arith.constant 384 : i32
    %add3A_89 = arith.addi %multiple_of3A, %add3A_88 : i32
    "tpu.region"() ({
      %run_scoped3A = tpu.sem_alloc : memref<!tpu.dma_semaphore, #tpu.memory_space<semaphore_mem>>
      %dma_start3A_112 = arith.constant 0 : i32
      %dma_start3A_113 = tpu.memref_slice %arg11[%add3A_89, %dma_start3A_112] : memref<10240x128xf32, #tpu.memory_space<vmem_shared>> -> memref<128x128xf32, #tpu.memory_space<vmem_shared>>
      %dma_start3A_114 = arith.constant 0 : i32
      %dma_start3A_115 = tpu.memref_slice %arg11[%add3A_89, %dma_start3A_114] : memref<10240x128xf32, #tpu.memory_space<vmem_shared>> -> memref<128x128xf32, #tpu.memory_space<vmem_shared>>
      tpu.enqueue_dma source(%dma_start3A_115 : memref<128x128xf32, #tpu.memory_space<vmem_shared>>) target(%arg9 : memref<128x128xf32, #tpu.memory_space<vmem>>) target_semaphore(%run_scoped3A : memref<!tpu.dma_semaphore, #tpu.memory_space<semaphore_mem>>)
      %dma_wait3A = arith.constant 0 : i32
      %dma_wait3A_116 = tpu.memref_slice %arg11[%add3A_89, %dma_wait3A] : memref<10240x128xf32, #tpu.memory_space<vmem_shared>> -> memref<128x128xf32, #tpu.memory_space<vmem_shared>>
      %dma_wait3A_117 = arith.constant 0 : i32
      %dma_wait3A_118 = tpu.memref_slice %arg11[%add3A_89, %dma_wait3A_117] : memref<10240x128xf32, #tpu.memory_space<vmem_shared>> -> memref<128x128xf32, #tpu.memory_space<vmem_shared>>
      tpu.wait_dma2 semaphore(%run_scoped3A : memref<!tpu.dma_semaphore, #tpu.memory_space<semaphore_mem>>) src(%dma_wait3A_118 : memref<128x128xf32, #tpu.memory_space<vmem_shared>>) dst(%arg9 : memref<128x128xf32, #tpu.memory_space<vmem>>)
      tpu.yield
    }) : () -> ()
    %eq3A_90 = arith.constant 0 : i32
    %eq3A_91 = arith.cmpi eq, %arg0, %eq3A_90 : i32
    %convert_element_type3A_92 = arith.extui %eq3A_91 : i1 to i32
    %cond3A_93 = arith.constant 0 : i32
    %cond3A_94 = arith.cmpi ne, %convert_element_type3A_92, %cond3A_93 : i32
    scf.if %cond3A_94 {
      %add3A_112 = arith.constant 384 : i32
      %add3A_113 = arith.addi %multiple_of3A, %add3A_112 : i32
      "tpu.region"() ({
        %run_scoped3A = tpu.sem_alloc : memref<!tpu.dma_semaphore, #tpu.memory_space<semaphore_mem>>
        %dma_start3A_114 = arith.constant 0 : i32
        %dma_start3A_115 = tpu.memref_slice %arg5[%add3A_113, %dma_start3A_114] : memref<10240x128xf32, #tpu.memory_space<hbm>> -> memref<128x128xf32, #tpu.memory_space<hbm>>
        %dma_start3A_116 = arith.constant 0 : i32
        %dma_start3A_117 = tpu.memref_slice %arg5[%add3A_113, %dma_start3A_116] : memref<10240x128xf32, #tpu.memory_space<hbm>> -> memref<128x128xf32, #tpu.memory_space<hbm>>
        tpu.enqueue_dma source(%arg9 : memref<128x128xf32, #tpu.memory_space<vmem>>) target(%dma_start3A_117 : memref<128x128xf32, #tpu.memory_space<hbm>>) target_semaphore(%run_scoped3A : memref<!tpu.dma_semaphore, #tpu.memory_space<semaphore_mem>>)
        %dma_wait3A = arith.constant 0 : i32
        %dma_wait3A_118 = tpu.memref_slice %arg5[%add3A_113, %dma_wait3A] : memref<10240x128xf32, #tpu.memory_space<hbm>> -> memref<128x128xf32, #tpu.memory_space<hbm>>
        %dma_wait3A_119 = arith.constant 0 : i32
        %dma_wait3A_120 = tpu.memref_slice %arg5[%add3A_113, %dma_wait3A_119] : memref<10240x128xf32, #tpu.memory_space<hbm>> -> memref<128x128xf32, #tpu.memory_space<hbm>>
        tpu.wait_dma2 semaphore(%run_scoped3A : memref<!tpu.dma_semaphore, #tpu.memory_space<semaphore_mem>>) src(%arg9 : memref<128x128xf32, #tpu.memory_space<vmem>>) dst(%dma_wait3A_120 : memref<128x128xf32, #tpu.memory_space<hbm>>)
        tpu.yield
      }) : () -> ()
    } else {
    }
    %eq3A_95 = arith.constant 1 : i32
    %eq3A_96 = arith.cmpi eq, %arg0, %eq3A_95 : i32
    %convert_element_type3A_97 = arith.extui %eq3A_96 : i1 to i32
    %cond3A_98 = arith.constant 0 : i32
    %cond3A_99 = arith.cmpi ne, %convert_element_type3A_97, %cond3A_98 : i32
    scf.if %cond3A_99 {
      %add3A_112 = arith.constant 384 : i32
      %add3A_113 = arith.addi %multiple_of3A, %add3A_112 : i32
      "tpu.region"() ({
        %run_scoped3A = tpu.sem_alloc : memref<!tpu.dma_semaphore, #tpu.memory_space<semaphore_mem>>
        %dma_start3A_114 = arith.constant 0 : i32
        %dma_start3A_115 = tpu.memref_slice %arg6[%add3A_113, %dma_start3A_114] : memref<10240x128xf32, #tpu.memory_space<hbm>> -> memref<128x128xf32, #tpu.memory_space<hbm>>
        %dma_start3A_116 = arith.constant 0 : i32
        %dma_start3A_117 = tpu.memref_slice %arg6[%add3A_113, %dma_start3A_116] : memref<10240x128xf32, #tpu.memory_space<hbm>> -> memref<128x128xf32, #tpu.memory_space<hbm>>
        tpu.enqueue_dma source(%arg9 : memref<128x128xf32, #tpu.memory_space<vmem>>) target(%dma_start3A_117 : memref<128x128xf32, #tpu.memory_space<hbm>>) target_semaphore(%run_scoped3A : memref<!tpu.dma_semaphore, #tpu.memory_space<semaphore_mem>>)
        %dma_wait3A = arith.constant 0 : i32
        %dma_wait3A_118 = tpu.memref_slice %arg6[%add3A_113, %dma_wait3A] : memref<10240x128xf32, #tpu.memory_space<hbm>> -> memref<128x128xf32, #tpu.memory_space<hbm>>
        %dma_wait3A_119 = arith.constant 0 : i32
        %dma_wait3A_120 = tpu.memref_slice %arg6[%add3A_113, %dma_wait3A_119] : memref<10240x128xf32, #tpu.memory_space<hbm>> -> memref<128x128xf32, #tpu.memory_space<hbm>>
        tpu.wait_dma2 semaphore(%run_scoped3A : memref<!tpu.dma_semaphore, #tpu.memory_space<semaphore_mem>>) src(%arg9 : memref<128x128xf32, #tpu.memory_space<vmem>>) dst(%dma_wait3A_120 : memref<128x128xf32, #tpu.memory_space<hbm>>)
        tpu.yield
      }) : () -> ()
    } else {
    }
    %add3A_100 = arith.constant 512 : i32
    %add3A_101 = arith.addi %multiple_of3A, %add3A_100 : i32
    "tpu.region"() ({
      %run_scoped3A = tpu.sem_alloc : memref<!tpu.dma_semaphore, #tpu.memory_space<semaphore_mem>>
      %dma_start3A_112 = arith.constant 0 : i32
      %dma_start3A_113 = tpu.memref_slice %arg11[%add3A_101, %dma_start3A_112] : memref<10240x128xf32, #tpu.memory_space<vmem_shared>> -> memref<128x128xf32, #tpu.memory_space<vmem_shared>>
      %dma_start3A_114 = arith.constant 0 : i32
      %dma_start3A_115 = tpu.memref_slice %arg11[%add3A_101, %dma_start3A_114] : memref<10240x128xf32, #tpu.memory_space<vmem_shared>> -> memref<128x128xf32, #tpu.memory_space<vmem_shared>>
      tpu.enqueue_dma source(%dma_start3A_115 : memref<128x128xf32, #tpu.memory_space<vmem_shared>>) target(%arg9 : memref<128x128xf32, #tpu.memory_space<vmem>>) target_semaphore(%run_scoped3A : memref<!tpu.dma_semaphore, #tpu.memory_space<semaphore_mem>>)
      %dma_wait3A = arith.constant 0 : i32
      %dma_wait3A_116 = tpu.memref_slice %arg11[%add3A_101, %dma_wait3A] : memref<10240x128xf32, #tpu.memory_space<vmem_shared>> -> memref<128x128xf32, #tpu.memory_space<vmem_shared>>
      %dma_wait3A_117 = arith.constant 0 : i32
      %dma_wait3A_118 = tpu.memref_slice %arg11[%add3A_101, %dma_wait3A_117] : memref<10240x128xf32, #tpu.memory_space<vmem_shared>> -> memref<128x128xf32, #tpu.memory_space<vmem_shared>>
      tpu.wait_dma2 semaphore(%run_scoped3A : memref<!tpu.dma_semaphore, #tpu.memory_space<semaphore_mem>>) src(%dma_wait3A_118 : memref<128x128xf32, #tpu.memory_space<vmem_shared>>) dst(%arg9 : memref<128x128xf32, #tpu.memory_space<vmem>>)
      tpu.yield
    }) : () -> ()
    %eq3A_102 = arith.constant 0 : i32
    %eq3A_103 = arith.cmpi eq, %arg0, %eq3A_102 : i32
    %convert_element_type3A_104 = arith.extui %eq3A_103 : i1 to i32
    %cond3A_105 = arith.constant 0 : i32
    %cond3A_106 = arith.cmpi ne, %convert_element_type3A_104, %cond3A_105 : i32
    scf.if %cond3A_106 {
      %add3A_112 = arith.constant 512 : i32
      %add3A_113 = arith.addi %multiple_of3A, %add3A_112 : i32
      "tpu.region"() ({
        %run_scoped3A = tpu.sem_alloc : memref<!tpu.dma_semaphore, #tpu.memory_space<semaphore_mem>>
        %dma_start3A_114 = arith.constant 0 : i32
        %dma_start3A_115 = tpu.memref_slice %arg5[%add3A_113, %dma_start3A_114] : memref<10240x128xf32, #tpu.memory_space<hbm>> -> memref<128x128xf32, #tpu.memory_space<hbm>>
        %dma_start3A_116 = arith.constant 0 : i32
        %dma_start3A_117 = tpu.memref_slice %arg5[%add3A_113, %dma_start3A_116] : memref<10240x128xf32, #tpu.memory_space<hbm>> -> memref<128x128xf32, #tpu.memory_space<hbm>>
        tpu.enqueue_dma source(%arg9 : memref<128x128xf32, #tpu.memory_space<vmem>>) target(%dma_start3A_117 : memref<128x128xf32, #tpu.memory_space<hbm>>) target_semaphore(%run_scoped3A : memref<!tpu.dma_semaphore, #tpu.memory_space<semaphore_mem>>)
        %dma_wait3A = arith.constant 0 : i32
        %dma_wait3A_118 = tpu.memref_slice %arg5[%add3A_113, %dma_wait3A] : memref<10240x128xf32, #tpu.memory_space<hbm>> -> memref<128x128xf32, #tpu.memory_space<hbm>>
        %dma_wait3A_119 = arith.constant 0 : i32
        %dma_wait3A_120 = tpu.memref_slice %arg5[%add3A_113, %dma_wait3A_119] : memref<10240x128xf32, #tpu.memory_space<hbm>> -> memref<128x128xf32, #tpu.memory_space<hbm>>
        tpu.wait_dma2 semaphore(%run_scoped3A : memref<!tpu.dma_semaphore, #tpu.memory_space<semaphore_mem>>) src(%arg9 : memref<128x128xf32, #tpu.memory_space<vmem>>) dst(%dma_wait3A_120 : memref<128x128xf32, #tpu.memory_space<hbm>>)
        tpu.yield
      }) : () -> ()
    } else {
    }
    %eq3A_107 = arith.constant 1 : i32
    %eq3A_108 = arith.cmpi eq, %arg0, %eq3A_107 : i32
    %convert_element_type3A_109 = arith.extui %eq3A_108 : i1 to i32
    %cond3A_110 = arith.constant 0 : i32
    %cond3A_111 = arith.cmpi ne, %convert_element_type3A_109, %cond3A_110 : i32
    scf.if %cond3A_111 {
      %add3A_112 = arith.constant 512 : i32
      %add3A_113 = arith.addi %multiple_of3A, %add3A_112 : i32
      "tpu.region"() ({
        %run_scoped3A = tpu.sem_alloc : memref<!tpu.dma_semaphore, #tpu.memory_space<semaphore_mem>>
        %dma_start3A_114 = arith.constant 0 : i32
        %dma_start3A_115 = tpu.memref_slice %arg6[%add3A_113, %dma_start3A_114] : memref<10240x128xf32, #tpu.memory_space<hbm>> -> memref<128x128xf32, #tpu.memory_space<hbm>>
        %dma_start3A_116 = arith.constant 0 : i32
        %dma_start3A_117 = tpu.memref_slice %arg6[%add3A_113, %dma_start3A_116] : memref<10240x128xf32, #tpu.memory_space<hbm>> -> memref<128x128xf32, #tpu.memory_space<hbm>>
        tpu.enqueue_dma source(%arg9 : memref<128x128xf32, #tpu.memory_space<vmem>>) target(%dma_start3A_117 : memref<128x128xf32, #tpu.memory_space<hbm>>) target_semaphore(%run_scoped3A : memref<!tpu.dma_semaphore, #tpu.memory_space<semaphore_mem>>)
        %dma_wait3A = arith.constant 0 : i32
        %dma_wait3A_118 = tpu.memref_slice %arg6[%add3A_113, %dma_wait3A] : memref<10240x128xf32, #tpu.memory_space<hbm>> -> memref<128x128xf32, #tpu.memory_space<hbm>>
        %dma_wait3A_119 = arith.constant 0 : i32
        %dma_wait3A_120 = tpu.memref_slice %arg6[%add3A_113, %dma_wait3A_119] : memref<10240x128xf32, #tpu.memory_space<hbm>> -> memref<128x128xf32, #tpu.memory_space<hbm>>
        tpu.wait_dma2 semaphore(%run_scoped3A : memref<!tpu.dma_semaphore, #tpu.memory_space<semaphore_mem>>) src(%arg9 : memref<128x128xf32, #tpu.memory_space<vmem>>) dst(%dma_wait3A_120 : memref<128x128xf32, #tpu.memory_space<hbm>>)
        tpu.yield
      }) : () -> ()
    } else {
    }
    return
  }
}

#map = affine_map<(d0, d1) -> (0, 0)>
module attributes {stable_mosaic.version = 14 : i64} {
  func.func @_sc_scatter_body(%arg0: i32, %arg1: i32, %arg2: memref<160000x128xf32, #tpu.memory_space<hbm>>, %arg3: memref<1250x128xi32, #tpu.memory_space<hbm>>, %arg4: memref<128x128xf32, #tpu.memory_space<hbm>>, %arg5: memref<10240x128xf32, #tpu.memory_space<hbm>>, %arg6: memref<10240x128xf32, #tpu.memory_space<hbm>>, %arg7: memref<128xi32, #tpu.memory_space<vmem>>, %arg8: memref<128xi32, #tpu.memory_space<vmem>>, %arg9: memref<128x128xf32, #tpu.memory_space<vmem>>, %arg10: memref<128x128xf32, #tpu.memory_space<vmem>>, %arg11: memref<10240x128xf32, #tpu.memory_space<vmem_shared>>, %arg12: memref<!tpu.dma_semaphore, #tpu.memory_space<semaphore_mem>>, %arg13: memref<!tpu.dma_semaphore, #tpu.memory_space<semaphore_mem>>, %arg14: memref<!tpu.dma_semaphore, #tpu.memory_space<semaphore_mem>>, %arg15: memref<!tpu.dma_semaphore, #tpu.memory_space<semaphore_mem>>) attributes {dimension_semantics = [#tpu.dimension_semantics<core_parallel>, #tpu.dimension_semantics<subcore_parallel>], iteration_bounds = array<i64: 2, 16>, scalar_prefetch = 0 : i64, scratch_operands = 9 : i64, tpu.core_type = #tpu.core_type<sc_vector_subcore>, window_params = [{transform_indices = #map}, {transform_indices = #map}, {transform_indices = #map}, {transform_indices = #map}, {transform_indices = #map}]} {
    %mul3A = arith.constant 2 : i32
    %mul3A_0 = arith.muli %arg1, %mul3A : i32
    %add3A = arith.addi %mul3A_0, %arg0 : i32
    %mul3A_1 = arith.constant 640 : i32
    %mul3A_2 = arith.muli %arg1, %mul3A_1 : i32
    %multiple_of3A = tpu.assume_multiple %mul3A_2, 128 : i32
    "tpu.region"() ({
      %run_scoped3A = tpu.sem_alloc : memref<!tpu.dma_semaphore, #tpu.memory_space<semaphore_mem>>
      tpu.enqueue_dma source(%arg4 : memref<128x128xf32, #tpu.memory_space<hbm>>) target(%arg9 : memref<128x128xf32, #tpu.memory_space<vmem>>) target_semaphore(%run_scoped3A : memref<!tpu.dma_semaphore, #tpu.memory_space<semaphore_mem>>)
      tpu.wait_dma2 semaphore(%run_scoped3A : memref<!tpu.dma_semaphore, #tpu.memory_space<semaphore_mem>>) src(%arg4 : memref<128x128xf32, #tpu.memory_space<hbm>>) dst(%arg9 : memref<128x128xf32, #tpu.memory_space<vmem>>)
      tpu.yield
    }) : () -> ()
    %add3A_3 = arith.constant 0 : i32
    %add3A_4 = arith.addi %multiple_of3A, %add3A_3 : i32
    "tpu.region"() ({
      %run_scoped3A = tpu.sem_alloc : memref<!tpu.dma_semaphore, #tpu.memory_space<semaphore_mem>>
      %dma_start3A_112 = arith.constant 0 : i32
      %dma_start3A_113 = tpu.memref_slice %arg11[%add3A_4, %dma_start3A_112] : memref<10240x128xf32, #tpu.memory_space<vmem_shared>> -> memref<128x128xf32, #tpu.memory_space<vmem_shared>>
      %dma_start3A_114 = arith.constant 0 : i32
      %dma_start3A_115 = tpu.memref_slice %arg11[%add3A_4, %dma_start3A_114] : memref<10240x128xf32, #tpu.memory_space<vmem_shared>> -> memref<128x128xf32, #tpu.memory_space<vmem_shared>>
      tpu.enqueue_dma source(%arg9 : memref<128x128xf32, #tpu.memory_space<vmem>>) target(%dma_start3A_115 : memref<128x128xf32, #tpu.memory_space<vmem_shared>>) target_semaphore(%run_scoped3A : memref<!tpu.dma_semaphore, #tpu.memory_space<semaphore_mem>>)
      %dma_wait3A = arith.constant 0 : i32
      %dma_wait3A_116 = tpu.memref_slice %arg11[%add3A_4, %dma_wait3A] : memref<10240x128xf32, #tpu.memory_space<vmem_shared>> -> memref<128x128xf32, #tpu.memory_space<vmem_shared>>
      %dma_wait3A_117 = arith.constant 0 : i32
      %dma_wait3A_118 = tpu.memref_slice %arg11[%add3A_4, %dma_wait3A_117] : memref<10240x128xf32, #tpu.memory_space<vmem_shared>> -> memref<128x128xf32, #tpu.memory_space<vmem_shared>>
      tpu.wait_dma2 semaphore(%run_scoped3A : memref<!tpu.dma_semaphore, #tpu.memory_space<semaphore_mem>>) src(%arg9 : memref<128x128xf32, #tpu.memory_space<vmem>>) dst(%dma_wait3A_118 : memref<128x128xf32, #tpu.memory_space<vmem_shared>>)
      tpu.yield
    }) : () -> ()
    %add3A_5 = arith.constant 128 : i32
    %add3A_6 = arith.addi %multiple_of3A, %add3A_5 : i32
    "tpu.region"() ({
      %run_scoped3A = tpu.sem_alloc : memref<!tpu.dma_semaphore, #tpu.memory_space<semaphore_mem>>
      %dma_start3A_112 = arith.constant 0 : i32
      %dma_start3A_113 = tpu.memref_slice %arg11[%add3A_6, %dma_start3A_112] : memref<10240x128xf32, #tpu.memory_space<vmem_shared>> -> memref<128x128xf32, #tpu.memory_space<vmem_shared>>
      %dma_start3A_114 = arith.constant 0 : i32
      %dma_start3A_115 = tpu.memref_slice %arg11[%add3A_6, %dma_start3A_114] : memref<10240x128xf32, #tpu.memory_space<vmem_shared>> -> memref<128x128xf32, #tpu.memory_space<vmem_shared>>
      tpu.enqueue_dma source(%arg9 : memref<128x128xf32, #tpu.memory_space<vmem>>) target(%dma_start3A_115 : memref<128x128xf32, #tpu.memory_space<vmem_shared>>) target_semaphore(%run_scoped3A : memref<!tpu.dma_semaphore, #tpu.memory_space<semaphore_mem>>)
      %dma_wait3A = arith.constant 0 : i32
      %dma_wait3A_116 = tpu.memref_slice %arg11[%add3A_6, %dma_wait3A] : memref<10240x128xf32, #tpu.memory_space<vmem_shared>> -> memref<128x128xf32, #tpu.memory_space<vmem_shared>>
      %dma_wait3A_117 = arith.constant 0 : i32
      %dma_wait3A_118 = tpu.memref_slice %arg11[%add3A_6, %dma_wait3A_117] : memref<10240x128xf32, #tpu.memory_space<vmem_shared>> -> memref<128x128xf32, #tpu.memory_space<vmem_shared>>
      tpu.wait_dma2 semaphore(%run_scoped3A : memref<!tpu.dma_semaphore, #tpu.memory_space<semaphore_mem>>) src(%arg9 : memref<128x128xf32, #tpu.memory_space<vmem>>) dst(%dma_wait3A_118 : memref<128x128xf32, #tpu.memory_space<vmem_shared>>)
      tpu.yield
    }) : () -> ()
    %add3A_7 = arith.constant 256 : i32
    %add3A_8 = arith.addi %multiple_of3A, %add3A_7 : i32
    "tpu.region"() ({
      %run_scoped3A = tpu.sem_alloc : memref<!tpu.dma_semaphore, #tpu.memory_space<semaphore_mem>>
      %dma_start3A_112 = arith.constant 0 : i32
      %dma_start3A_113 = tpu.memref_slice %arg11[%add3A_8, %dma_start3A_112] : memref<10240x128xf32, #tpu.memory_space<vmem_shared>> -> memref<128x128xf32, #tpu.memory_space<vmem_shared>>
      %dma_start3A_114 = arith.constant 0 : i32
      %dma_start3A_115 = tpu.memref_slice %arg11[%add3A_8, %dma_start3A_114] : memref<10240x128xf32, #tpu.memory_space<vmem_shared>> -> memref<128x128xf32, #tpu.memory_space<vmem_shared>>
      tpu.enqueue_dma source(%arg9 : memref<128x128xf32, #tpu.memory_space<vmem>>) target(%dma_start3A_115 : memref<128x128xf32, #tpu.memory_space<vmem_shared>>) target_semaphore(%run_scoped3A : memref<!tpu.dma_semaphore, #tpu.memory_space<semaphore_mem>>)
      %dma_wait3A = arith.constant 0 : i32
      %dma_wait3A_116 = tpu.memref_slice %arg11[%add3A_8, %dma_wait3A] : memref<10240x128xf32, #tpu.memory_space<vmem_shared>> -> memref<128x128xf32, #tpu.memory_space<vmem_shared>>
      %dma_wait3A_117 = arith.constant 0 : i32
      %dma_wait3A_118 = tpu.memref_slice %arg11[%add3A_8, %dma_wait3A_117] : memref<10240x128xf32, #tpu.memory_space<vmem_shared>> -> memref<128x128xf32, #tpu.memory_space<vmem_shared>>
      tpu.wait_dma2 semaphore(%run_scoped3A : memref<!tpu.dma_semaphore, #tpu.memory_space<semaphore_mem>>) src(%arg9 : memref<128x128xf32, #tpu.memory_space<vmem>>) dst(%dma_wait3A_118 : memref<128x128xf32, #tpu.memory_space<vmem_shared>>)
      tpu.yield
    }) : () -> ()
    %add3A_9 = arith.constant 384 : i32
    %add3A_10 = arith.addi %multiple_of3A, %add3A_9 : i32
    "tpu.region"() ({
      %run_scoped3A = tpu.sem_alloc : memref<!tpu.dma_semaphore, #tpu.memory_space<semaphore_mem>>
      %dma_start3A_112 = arith.constant 0 : i32
      %dma_start3A_113 = tpu.memref_slice %arg11[%add3A_10, %dma_start3A_112] : memref<10240x128xf32, #tpu.memory_space<vmem_shared>> -> memref<128x128xf32, #tpu.memory_space<vmem_shared>>
      %dma_start3A_114 = arith.constant 0 : i32
      %dma_start3A_115 = tpu.memref_slice %arg11[%add3A_10, %dma_start3A_114] : memref<10240x128xf32, #tpu.memory_space<vmem_shared>> -> memref<128x128xf32, #tpu.memory_space<vmem_shared>>
      tpu.enqueue_dma source(%arg9 : memref<128x128xf32, #tpu.memory_space<vmem>>) target(%dma_start3A_115 : memref<128x128xf32, #tpu.memory_space<vmem_shared>>) target_semaphore(%run_scoped3A : memref<!tpu.dma_semaphore, #tpu.memory_space<semaphore_mem>>)
      %dma_wait3A = arith.constant 0 : i32
      %dma_wait3A_116 = tpu.memref_slice %arg11[%add3A_10, %dma_wait3A] : memref<10240x128xf32, #tpu.memory_space<vmem_shared>> -> memref<128x128xf32, #tpu.memory_space<vmem_shared>>
      %dma_wait3A_117 = arith.constant 0 : i32
      %dma_wait3A_118 = tpu.memref_slice %arg11[%add3A_10, %dma_wait3A_117] : memref<10240x128xf32, #tpu.memory_space<vmem_shared>> -> memref<128x128xf32, #tpu.memory_space<vmem_shared>>
      tpu.wait_dma2 semaphore(%run_scoped3A : memref<!tpu.dma_semaphore, #tpu.memory_space<semaphore_mem>>) src(%arg9 : memref<128x128xf32, #tpu.memory_space<vmem>>) dst(%dma_wait3A_118 : memref<128x128xf32, #tpu.memory_space<vmem_shared>>)
      tpu.yield
    }) : () -> ()
    %add3A_11 = arith.constant 512 : i32
    %add3A_12 = arith.addi %multiple_of3A, %add3A_11 : i32
    "tpu.region"() ({
      %run_scoped3A = tpu.sem_alloc : memref<!tpu.dma_semaphore, #tpu.memory_space<semaphore_mem>>
      %dma_start3A_112 = arith.constant 0 : i32
      %dma_start3A_113 = tpu.memref_slice %arg11[%add3A_12, %dma_start3A_112] : memref<10240x128xf32, #tpu.memory_space<vmem_shared>> -> memref<128x128xf32, #tpu.memory_space<vmem_shared>>
      %dma_start3A_114 = arith.constant 0 : i32
      %dma_start3A_115 = tpu.memref_slice %arg11[%add3A_12, %dma_start3A_114] : memref<10240x128xf32, #tpu.memory_space<vmem_shared>> -> memref<128x128xf32, #tpu.memory_space<vmem_shared>>
      tpu.enqueue_dma source(%arg9 : memref<128x128xf32, #tpu.memory_space<vmem>>) target(%dma_start3A_115 : memref<128x128xf32, #tpu.memory_space<vmem_shared>>) target_semaphore(%run_scoped3A : memref<!tpu.dma_semaphore, #tpu.memory_space<semaphore_mem>>)
      %dma_wait3A = arith.constant 0 : i32
      %dma_wait3A_116 = tpu.memref_slice %arg11[%add3A_12, %dma_wait3A] : memref<10240x128xf32, #tpu.memory_space<vmem_shared>> -> memref<128x128xf32, #tpu.memory_space<vmem_shared>>
      %dma_wait3A_117 = arith.constant 0 : i32
      %dma_wait3A_118 = tpu.memref_slice %arg11[%add3A_12, %dma_wait3A_117] : memref<10240x128xf32, #tpu.memory_space<vmem_shared>> -> memref<128x128xf32, #tpu.memory_space<vmem_shared>>
      tpu.wait_dma2 semaphore(%run_scoped3A : memref<!tpu.dma_semaphore, #tpu.memory_space<semaphore_mem>>) src(%arg9 : memref<128x128xf32, #tpu.memory_space<vmem>>) dst(%dma_wait3A_118 : memref<128x128xf32, #tpu.memory_space<vmem_shared>>)
      tpu.yield
    }) : () -> ()
    %barrier3A = arith.constant 0 : index
    tpu.barrier barrier_id(%barrier3A)
    %dma_start3A = arith.constant 0 : i32
    %dma_start3A_13 = tpu.memref_slice %arg3[%add3A, %dma_start3A] : memref<1250x128xi32, #tpu.memory_space<hbm>> -> memref<1x128xi32, #tpu.memory_space<hbm>>
    %dma_start3A_14 = tpu.memref_squeeze %dma_start3A_13 : memref<1x128xi32, #tpu.memory_space<hbm>> -> memref<128xi32, #tpu.memory_space<hbm>>
    %dma_start3A_15 = arith.constant 0 : i32
    %dma_start3A_16 = tpu.memref_slice %arg3[%add3A, %dma_start3A_15] : memref<1250x128xi32, #tpu.memory_space<hbm>> -> memref<1x128xi32, #tpu.memory_space<hbm>>
    %dma_start3A_17 = tpu.memref_squeeze %dma_start3A_16 : memref<1x128xi32, #tpu.memory_space<hbm>> -> memref<128xi32, #tpu.memory_space<hbm>>
    tpu.enqueue_dma source(%dma_start3A_17 : memref<128xi32, #tpu.memory_space<hbm>>) target(%arg7 : memref<128xi32, #tpu.memory_space<vmem>>) target_semaphore(%arg12 : memref<!tpu.dma_semaphore, #tpu.memory_space<semaphore_mem>>)
    %mul3A_18 = arith.constant 128 : i32
    %mul3A_19 = arith.muli %add3A, %mul3A_18 : i32
    %multiple_of3A_20 = tpu.assume_multiple %mul3A_19, 128 : i32
    %dma_start3A_21 = arith.constant 0 : i32
    %dma_start3A_22 = tpu.memref_slice %arg2[%multiple_of3A_20, %dma_start3A_21] : memref<160000x128xf32, #tpu.memory_space<hbm>> -> memref<128x128xf32, #tpu.memory_space<hbm>>
    %dma_start3A_23 = arith.constant 0 : i32
    %dma_start3A_24 = tpu.memref_slice %arg2[%multiple_of3A_20, %dma_start3A_23] : memref<160000x128xf32, #tpu.memory_space<hbm>> -> memref<128x128xf32, #tpu.memory_space<hbm>>
    tpu.enqueue_dma source(%dma_start3A_24 : memref<128x128xf32, #tpu.memory_space<hbm>>) target(%arg9 : memref<128x128xf32, #tpu.memory_space<vmem>>) target_semaphore(%arg14 : memref<!tpu.dma_semaphore, #tpu.memory_space<semaphore_mem>>)
    %add3A_25 = arith.constant 32 : i32
    %add3A_26 = arith.addi %add3A_25, %add3A : i32
    %dma_start3A_27 = arith.constant 0 : i32
    %dma_start3A_28 = tpu.memref_slice %arg3[%add3A_26, %dma_start3A_27] : memref<1250x128xi32, #tpu.memory_space<hbm>> -> memref<1x128xi32, #tpu.memory_space<hbm>>
    %dma_start3A_29 = tpu.memref_squeeze %dma_start3A_28 : memref<1x128xi32, #tpu.memory_space<hbm>> -> memref<128xi32, #tpu.memory_space<hbm>>
    %dma_start3A_30 = arith.constant 0 : i32
    %dma_start3A_31 = tpu.memref_slice %arg3[%add3A_26, %dma_start3A_30] : memref<1250x128xi32, #tpu.memory_space<hbm>> -> memref<1x128xi32, #tpu.memory_space<hbm>>
    %dma_start3A_32 = tpu.memref_squeeze %dma_start3A_31 : memref<1x128xi32, #tpu.memory_space<hbm>> -> memref<128xi32, #tpu.memory_space<hbm>>
    tpu.enqueue_dma source(%dma_start3A_32 : memref<128xi32, #tpu.memory_space<hbm>>) target(%arg8 : memref<128xi32, #tpu.memory_space<vmem>>) target_semaphore(%arg13 : memref<!tpu.dma_semaphore, #tpu.memory_space<semaphore_mem>>)
    %mul3A_33 = arith.constant 128 : i32
    %mul3A_34 = arith.muli %add3A_26, %mul3A_33 : i32
    %multiple_of3A_35 = tpu.assume_multiple %mul3A_34, 128 : i32
    %dma_start3A_36 = arith.constant 0 : i32
    %dma_start3A_37 = tpu.memref_slice %arg2[%multiple_of3A_35, %dma_start3A_36] : memref<160000x128xf32, #tpu.memory_space<hbm>> -> memref<128x128xf32, #tpu.memory_space<hbm>>
    %dma_start3A_38 = arith.constant 0 : i32
    %dma_start3A_39 = tpu.memref_slice %arg2[%multiple_of3A_35, %dma_start3A_38] : memref<160000x128xf32, #tpu.memory_space<hbm>> -> memref<128x128xf32, #tpu.memory_space<hbm>>
    tpu.enqueue_dma source(%dma_start3A_39 : memref<128x128xf32, #tpu.memory_space<hbm>>) target(%arg10 : memref<128x128xf32, #tpu.memory_space<vmem>>) target_semaphore(%arg15 : memref<!tpu.dma_semaphore, #tpu.memory_space<semaphore_mem>>)
    %scan3A = arith.constant 0 : i32
    %scan3A_40 = arith.constant 0 : i32
    %scan3A_41 = arith.constant 19 : i32
    %scan3A_42 = arith.addi %scan3A_40, %scan3A_41 : i32
    %scan3A_43 = arith.constant 1 : i32
    scf.for %scan3A_112 = %scan3A_40 to %scan3A_42 step %scan3A_43  : i32 {
      %mul3A_113 = arith.constant 2 : i32
      %mul3A_114 = arith.muli %mul3A_113, %scan3A_112 : i32
      %add3A_115 = arith.constant 0 : i32
      %add3A_116 = arith.addi %mul3A_114, %add3A_115 : i32
      %mul3A_117 = arith.constant 32 : i32
      %mul3A_118 = arith.muli %add3A_116, %mul3A_117 : i32
      %add3A_119 = arith.addi %mul3A_118, %add3A : i32
      %dma_wait3A = arith.constant 0 : i32
      %dma_wait3A_120 = tpu.memref_slice %arg3[%add3A_119, %dma_wait3A] : memref<1250x128xi32, #tpu.memory_space<hbm>> -> memref<1x128xi32, #tpu.memory_space<hbm>>
      %dma_wait3A_121 = tpu.memref_squeeze %dma_wait3A_120 : memref<1x128xi32, #tpu.memory_space<hbm>> -> memref<128xi32, #tpu.memory_space<hbm>>
      %dma_wait3A_122 = arith.constant 0 : i32
      %dma_wait3A_123 = tpu.memref_slice %arg3[%add3A_119, %dma_wait3A_122] : memref<1250x128xi32, #tpu.memory_space<hbm>> -> memref<1x128xi32, #tpu.memory_space<hbm>>
      %dma_wait3A_124 = tpu.memref_squeeze %dma_wait3A_123 : memref<1x128xi32, #tpu.memory_space<hbm>> -> memref<128xi32, #tpu.memory_space<hbm>>
      tpu.wait_dma2 semaphore(%arg12 : memref<!tpu.dma_semaphore, #tpu.memory_space<semaphore_mem>>) src(%dma_wait3A_124 : memref<128xi32, #tpu.memory_space<hbm>>) dst(%arg7 : memref<128xi32, #tpu.memory_space<vmem>>)
      %dma_wait3A_125 = arith.constant 0 : i32
      %dma_wait3A_126 = arith.constant 0 : i32
      %dma_wait3A_127 = tpu.memref_slice %arg2[%dma_wait3A_125, %dma_wait3A_126] : memref<160000x128xf32, #tpu.memory_space<hbm>> -> memref<128x128xf32, #tpu.memory_space<hbm>>
      %dma_wait3A_128 = arith.constant 0 : i32
      %dma_wait3A_129 = arith.constant 0 : i32
      %dma_wait3A_130 = tpu.memref_slice %arg2[%dma_wait3A_128, %dma_wait3A_129] : memref<160000x128xf32, #tpu.memory_space<hbm>> -> memref<128x128xf32, #tpu.memory_space<hbm>>
      tpu.wait_dma2 semaphore(%arg14 : memref<!tpu.dma_semaphore, #tpu.memory_space<semaphore_mem>>) src(%dma_wait3A_130 : memref<128x128xf32, #tpu.memory_space<hbm>>) dst(%arg9 : memref<128x128xf32, #tpu.memory_space<vmem>>)
      "tpu.region"() ({
        %run_scoped3A = tpu.sem_alloc : memref<!tpu.dma_semaphore, #tpu.memory_space<semaphore_mem>>
        %dma_start3A_160 = arith.constant 0 : i32
        %dma_start3A_161 = arith.constant 0 : i32
        %dma_start3A_162 = tpu.memref_slice %arg11[%dma_start3A_160, %dma_start3A_161] : memref<10240x128xf32, #tpu.memory_space<vmem_shared>> -> memref<10240x128xf32, #tpu.memory_space<vmem_shared>>
        tpu.enqueue_indirect_dma source(%arg9 : memref<128x128xf32, #tpu.memory_space<vmem>>) target(%dma_start3A_162 : memref<10240x128xf32, #tpu.memory_space<vmem_shared>>) offsets(%arg7 : memref<128xi32, #tpu.memory_space<vmem>>) semaphore(%run_scoped3A : memref<!tpu.dma_semaphore, #tpu.memory_space<semaphore_mem>>) {add = true}
        %dma_wait3A_163 = arith.constant 0 : i32
        %dma_wait3A_164 = arith.constant 0 : i32
        %dma_wait3A_165 = tpu.memref_slice %arg11[%dma_wait3A_163, %dma_wait3A_164] : memref<10240x128xf32, #tpu.memory_space<vmem_shared>> -> memref<10240x128xf32, #tpu.memory_space<vmem_shared>>
        tpu.wait_indirect_dma semaphore(%run_scoped3A : memref<!tpu.dma_semaphore, #tpu.memory_space<semaphore_mem>>) src(%arg9 : memref<128x128xf32, #tpu.memory_space<vmem>>) dst(%dma_wait3A_165 : memref<10240x128xf32, #tpu.memory_space<vmem_shared>>)
        tpu.yield
      }) : () -> ()
      %lt3A_131 = arith.constant 18 : i32
      %lt3A_132 = arith.cmpi slt, %scan3A_112, %lt3A_131 : i32
      %convert_element_type3A_133 = arith.extui %lt3A_132 : i1 to i32
      %cond3A_134 = arith.constant 0 : i32
      %cond3A_135 = arith.cmpi ne, %convert_element_type3A_133, %cond3A_134 : i32
      scf.if %cond3A_135 {
        %add3A_160 = arith.constant 64 : i32
        %add3A_161 = arith.addi %add3A_119, %add3A_160 : i32
        %dma_start3A_162 = arith.constant 0 : i32
        %dma_start3A_163 = tpu.memref_slice %arg3[%add3A_161, %dma_start3A_162] : memref<1250x128xi32, #tpu.memory_space<hbm>> -> memref<1x128xi32, #tpu.memory_space<hbm>>
        %dma_start3A_164 = tpu.memref_squeeze %dma_start3A_163 : memref<1x128xi32, #tpu.memory_space<hbm>> -> memref<128xi32, #tpu.memory_space<hbm>>
        %dma_start3A_165 = arith.constant 0 : i32
        %dma_start3A_166 = tpu.memref_slice %arg3[%add3A_161, %dma_start3A_165] : memref<1250x128xi32, #tpu.memory_space<hbm>> -> memref<1x128xi32, #tpu.memory_space<hbm>>
        %dma_start3A_167 = tpu.memref_squeeze %dma_start3A_166 : memref<1x128xi32, #tpu.memory_space<hbm>> -> memref<128xi32, #tpu.memory_space<hbm>>
        tpu.enqueue_dma source(%dma_start3A_167 : memref<128xi32, #tpu.memory_space<hbm>>) target(%arg7 : memref<128xi32, #tpu.memory_space<vmem>>) target_semaphore(%arg12 : memref<!tpu.dma_semaphore, #tpu.memory_space<semaphore_mem>>)
        %mul3A_168 = arith.constant 128 : i32
        %mul3A_169 = arith.muli %add3A_161, %mul3A_168 : i32
        %multiple_of3A_170 = tpu.assume_multiple %mul3A_169, 128 : i32
        %dma_start3A_171 = arith.constant 0 : i32
        %dma_start3A_172 = tpu.memref_slice %arg2[%multiple_of3A_170, %dma_start3A_171] : memref<160000x128xf32, #tpu.memory_space<hbm>> -> memref<128x128xf32, #tpu.memory_space<hbm>>
        %dma_start3A_173 = arith.constant 0 : i32
        %dma_start3A_174 = tpu.memref_slice %arg2[%multiple_of3A_170, %dma_start3A_173] : memref<160000x128xf32, #tpu.memory_space<hbm>> -> memref<128x128xf32, #tpu.memory_space<hbm>>
        tpu.enqueue_dma source(%dma_start3A_174 : memref<128x128xf32, #tpu.memory_space<hbm>>) target(%arg9 : memref<128x128xf32, #tpu.memory_space<vmem>>) target_semaphore(%arg14 : memref<!tpu.dma_semaphore, #tpu.memory_space<semaphore_mem>>)
      } else {
      }
      %mul3A_136 = arith.constant 2 : i32
      %mul3A_137 = arith.muli %mul3A_136, %scan3A_112 : i32
      %add3A_138 = arith.constant 1 : i32
      %add3A_139 = arith.addi %mul3A_137, %add3A_138 : i32
      %mul3A_140 = arith.constant 32 : i32
      %mul3A_141 = arith.muli %add3A_139, %mul3A_140 : i32
      %add3A_142 = arith.addi %mul3A_141, %add3A : i32
      %dma_wait3A_143 = arith.constant 0 : i32
      %dma_wait3A_144 = tpu.memref_slice %arg3[%add3A_142, %dma_wait3A_143] : memref<1250x128xi32, #tpu.memory_space<hbm>> -> memref<1x128xi32, #tpu.memory_space<hbm>>
      %dma_wait3A_145 = tpu.memref_squeeze %dma_wait3A_144 : memref<1x128xi32, #tpu.memory_space<hbm>> -> memref<128xi32, #tpu.memory_space<hbm>>
      %dma_wait3A_146 = arith.constant 0 : i32
      %dma_wait3A_147 = tpu.memref_slice %arg3[%add3A_142, %dma_wait3A_146] : memref<1250x128xi32, #tpu.memory_space<hbm>> -> memref<1x128xi32, #tpu.memory_space<hbm>>
      %dma_wait3A_148 = tpu.memref_squeeze %dma_wait3A_147 : memref<1x128xi32, #tpu.memory_space<hbm>> -> memref<128xi32, #tpu.memory_space<hbm>>
      tpu.wait_dma2 semaphore(%arg13 : memref<!tpu.dma_semaphore, #tpu.memory_space<semaphore_mem>>) src(%dma_wait3A_148 : memref<128xi32, #tpu.memory_space<hbm>>) dst(%arg8 : memref<128xi32, #tpu.memory_space<vmem>>)
      %dma_wait3A_149 = arith.constant 0 : i32
      %dma_wait3A_150 = arith.constant 0 : i32
      %dma_wait3A_151 = tpu.memref_slice %arg2[%dma_wait3A_149, %dma_wait3A_150] : memref<160000x128xf32, #tpu.memory_space<hbm>> -> memref<128x128xf32, #tpu.memory_space<hbm>>
      %dma_wait3A_152 = arith.constant 0 : i32
      %dma_wait3A_153 = arith.constant 0 : i32
      %dma_wait3A_154 = tpu.memref_slice %arg2[%dma_wait3A_152, %dma_wait3A_153] : memref<160000x128xf32, #tpu.memory_space<hbm>> -> memref<128x128xf32, #tpu.memory_space<hbm>>
      tpu.wait_dma2 semaphore(%arg15 : memref<!tpu.dma_semaphore, #tpu.memory_space<semaphore_mem>>) src(%dma_wait3A_154 : memref<128x128xf32, #tpu.memory_space<hbm>>) dst(%arg10 : memref<128x128xf32, #tpu.memory_space<vmem>>)
      "tpu.region"() ({
        %run_scoped3A = tpu.sem_alloc : memref<!tpu.dma_semaphore, #tpu.memory_space<semaphore_mem>>
        %dma_start3A_160 = arith.constant 0 : i32
        %dma_start3A_161 = arith.constant 0 : i32
        %dma_start3A_162 = tpu.memref_slice %arg11[%dma_start3A_160, %dma_start3A_161] : memref<10240x128xf32, #tpu.memory_space<vmem_shared>> -> memref<10240x128xf32, #tpu.memory_space<vmem_shared>>
        tpu.enqueue_indirect_dma source(%arg10 : memref<128x128xf32, #tpu.memory_space<vmem>>) target(%dma_start3A_162 : memref<10240x128xf32, #tpu.memory_space<vmem_shared>>) offsets(%arg8 : memref<128xi32, #tpu.memory_space<vmem>>) semaphore(%run_scoped3A : memref<!tpu.dma_semaphore, #tpu.memory_space<semaphore_mem>>) {add = true}
        %dma_wait3A_163 = arith.constant 0 : i32
        %dma_wait3A_164 = arith.constant 0 : i32
        %dma_wait3A_165 = tpu.memref_slice %arg11[%dma_wait3A_163, %dma_wait3A_164] : memref<10240x128xf32, #tpu.memory_space<vmem_shared>> -> memref<10240x128xf32, #tpu.memory_space<vmem_shared>>
        tpu.wait_indirect_dma semaphore(%run_scoped3A : memref<!tpu.dma_semaphore, #tpu.memory_space<semaphore_mem>>) src(%arg10 : memref<128x128xf32, #tpu.memory_space<vmem>>) dst(%dma_wait3A_165 : memref<10240x128xf32, #tpu.memory_space<vmem_shared>>)
        tpu.yield
      }) : () -> ()
      %lt3A_155 = arith.constant 18 : i32
      %lt3A_156 = arith.cmpi slt, %scan3A_112, %lt3A_155 : i32
      %convert_element_type3A_157 = arith.extui %lt3A_156 : i1 to i32
      %cond3A_158 = arith.constant 0 : i32
      %cond3A_159 = arith.cmpi ne, %convert_element_type3A_157, %cond3A_158 : i32
      scf.if %cond3A_159 {
        %add3A_160 = arith.constant 64 : i32
        %add3A_161 = arith.addi %add3A_142, %add3A_160 : i32
        %dma_start3A_162 = arith.constant 0 : i32
        %dma_start3A_163 = tpu.memref_slice %arg3[%add3A_161, %dma_start3A_162] : memref<1250x128xi32, #tpu.memory_space<hbm>> -> memref<1x128xi32, #tpu.memory_space<hbm>>
        %dma_start3A_164 = tpu.memref_squeeze %dma_start3A_163 : memref<1x128xi32, #tpu.memory_space<hbm>> -> memref<128xi32, #tpu.memory_space<hbm>>
        %dma_start3A_165 = arith.constant 0 : i32
        %dma_start3A_166 = tpu.memref_slice %arg3[%add3A_161, %dma_start3A_165] : memref<1250x128xi32, #tpu.memory_space<hbm>> -> memref<1x128xi32, #tpu.memory_space<hbm>>
        %dma_start3A_167 = tpu.memref_squeeze %dma_start3A_166 : memref<1x128xi32, #tpu.memory_space<hbm>> -> memref<128xi32, #tpu.memory_space<hbm>>
        tpu.enqueue_dma source(%dma_start3A_167 : memref<128xi32, #tpu.memory_space<hbm>>) target(%arg8 : memref<128xi32, #tpu.memory_space<vmem>>) target_semaphore(%arg13 : memref<!tpu.dma_semaphore, #tpu.memory_space<semaphore_mem>>)
        %mul3A_168 = arith.constant 128 : i32
        %mul3A_169 = arith.muli %add3A_161, %mul3A_168 : i32
        %multiple_of3A_170 = tpu.assume_multiple %mul3A_169, 128 : i32
        %dma_start3A_171 = arith.constant 0 : i32
        %dma_start3A_172 = tpu.memref_slice %arg2[%multiple_of3A_170, %dma_start3A_171] : memref<160000x128xf32, #tpu.memory_space<hbm>> -> memref<128x128xf32, #tpu.memory_space<hbm>>
        %dma_start3A_173 = arith.constant 0 : i32
        %dma_start3A_174 = tpu.memref_slice %arg2[%multiple_of3A_170, %dma_start3A_173] : memref<160000x128xf32, #tpu.memory_space<hbm>> -> memref<128x128xf32, #tpu.memory_space<hbm>>
        tpu.enqueue_dma source(%dma_start3A_174 : memref<128x128xf32, #tpu.memory_space<hbm>>) target(%arg10 : memref<128x128xf32, #tpu.memory_space<vmem>>) target_semaphore(%arg15 : memref<!tpu.dma_semaphore, #tpu.memory_space<semaphore_mem>>)
      } else {
      }
    }
    %scan3A_44 = arith.constant 19 : i32
    %add3A_45 = arith.constant 1216 : i32
    %add3A_46 = arith.addi %add3A_45, %add3A : i32
    "tpu.region"() ({
      %run_scoped3A = tpu.sem_alloc : memref<!tpu.dma_semaphore, #tpu.memory_space<semaphore_mem>>
      %dma_start3A_112 = arith.constant 0 : i32
      %dma_start3A_113 = tpu.memref_slice %arg3[%add3A_46, %dma_start3A_112] : memref<1250x128xi32, #tpu.memory_space<hbm>> -> memref<1x128xi32, #tpu.memory_space<hbm>>
      %dma_start3A_114 = tpu.memref_squeeze %dma_start3A_113 : memref<1x128xi32, #tpu.memory_space<hbm>> -> memref<128xi32, #tpu.memory_space<hbm>>
      %dma_start3A_115 = arith.constant 0 : i32
      %dma_start3A_116 = tpu.memref_slice %arg3[%add3A_46, %dma_start3A_115] : memref<1250x128xi32, #tpu.memory_space<hbm>> -> memref<1x128xi32, #tpu.memory_space<hbm>>
      %dma_start3A_117 = tpu.memref_squeeze %dma_start3A_116 : memref<1x128xi32, #tpu.memory_space<hbm>> -> memref<128xi32, #tpu.memory_space<hbm>>
      tpu.enqueue_dma source(%dma_start3A_117 : memref<128xi32, #tpu.memory_space<hbm>>) target(%arg7 : memref<128xi32, #tpu.memory_space<vmem>>) target_semaphore(%run_scoped3A : memref<!tpu.dma_semaphore, #tpu.memory_space<semaphore_mem>>)
      %dma_wait3A = arith.constant 0 : i32
      %dma_wait3A_118 = tpu.memref_slice %arg3[%add3A_46, %dma_wait3A] : memref<1250x128xi32, #tpu.memory_space<hbm>> -> memref<1x128xi32, #tpu.memory_space<hbm>>
      %dma_wait3A_119 = tpu.memref_squeeze %dma_wait3A_118 : memref<1x128xi32, #tpu.memory_space<hbm>> -> memref<128xi32, #tpu.memory_space<hbm>>
      %dma_wait3A_120 = arith.constant 0 : i32
      %dma_wait3A_121 = tpu.memref_slice %arg3[%add3A_46, %dma_wait3A_120] : memref<1250x128xi32, #tpu.memory_space<hbm>> -> memref<1x128xi32, #tpu.memory_space<hbm>>
      %dma_wait3A_122 = tpu.memref_squeeze %dma_wait3A_121 : memref<1x128xi32, #tpu.memory_space<hbm>> -> memref<128xi32, #tpu.memory_space<hbm>>
      tpu.wait_dma2 semaphore(%run_scoped3A : memref<!tpu.dma_semaphore, #tpu.memory_space<semaphore_mem>>) src(%dma_wait3A_122 : memref<128xi32, #tpu.memory_space<hbm>>) dst(%arg7 : memref<128xi32, #tpu.memory_space<vmem>>)
      tpu.yield
    }) : () -> ()
    %mul3A_47 = arith.constant 128 : i32
    %mul3A_48 = arith.muli %add3A_46, %mul3A_47 : i32
    %multiple_of3A_49 = tpu.assume_multiple %mul3A_48, 128 : i32
    "tpu.region"() ({
      %run_scoped3A = tpu.sem_alloc : memref<!tpu.dma_semaphore, #tpu.memory_space<semaphore_mem>>
      %dma_start3A_112 = arith.constant 0 : i32
      %dma_start3A_113 = tpu.memref_slice %arg2[%multiple_of3A_49, %dma_start3A_112] : memref<160000x128xf32, #tpu.memory_space<hbm>> -> memref<128x128xf32, #tpu.memory_space<hbm>>
      %dma_start3A_114 = arith.constant 0 : i32
      %dma_start3A_115 = tpu.memref_slice %arg2[%multiple_of3A_49, %dma_start3A_114] : memref<160000x128xf32, #tpu.memory_space<hbm>> -> memref<128x128xf32, #tpu.memory_space<hbm>>
      tpu.enqueue_dma source(%dma_start3A_115 : memref<128x128xf32, #tpu.memory_space<hbm>>) target(%arg9 : memref<128x128xf32, #tpu.memory_space<vmem>>) target_semaphore(%run_scoped3A : memref<!tpu.dma_semaphore, #tpu.memory_space<semaphore_mem>>)
      %dma_wait3A = arith.constant 0 : i32
      %dma_wait3A_116 = tpu.memref_slice %arg2[%multiple_of3A_49, %dma_wait3A] : memref<160000x128xf32, #tpu.memory_space<hbm>> -> memref<128x128xf32, #tpu.memory_space<hbm>>
      %dma_wait3A_117 = arith.constant 0 : i32
      %dma_wait3A_118 = tpu.memref_slice %arg2[%multiple_of3A_49, %dma_wait3A_117] : memref<160000x128xf32, #tpu.memory_space<hbm>> -> memref<128x128xf32, #tpu.memory_space<hbm>>
      tpu.wait_dma2 semaphore(%run_scoped3A : memref<!tpu.dma_semaphore, #tpu.memory_space<semaphore_mem>>) src(%dma_wait3A_118 : memref<128x128xf32, #tpu.memory_space<hbm>>) dst(%arg9 : memref<128x128xf32, #tpu.memory_space<vmem>>)
      tpu.yield
    }) : () -> ()
    "tpu.region"() ({
      %run_scoped3A = tpu.sem_alloc : memref<!tpu.dma_semaphore, #tpu.memory_space<semaphore_mem>>
      %dma_start3A_112 = arith.constant 0 : i32
      %dma_start3A_113 = arith.constant 0 : i32
      %dma_start3A_114 = tpu.memref_slice %arg11[%dma_start3A_112, %dma_start3A_113] : memref<10240x128xf32, #tpu.memory_space<vmem_shared>> -> memref<10240x128xf32, #tpu.memory_space<vmem_shared>>
      tpu.enqueue_indirect_dma source(%arg9 : memref<128x128xf32, #tpu.memory_space<vmem>>) target(%dma_start3A_114 : memref<10240x128xf32, #tpu.memory_space<vmem_shared>>) offsets(%arg7 : memref<128xi32, #tpu.memory_space<vmem>>) semaphore(%run_scoped3A : memref<!tpu.dma_semaphore, #tpu.memory_space<semaphore_mem>>) {add = true}
      %dma_wait3A = arith.constant 0 : i32
      %dma_wait3A_115 = arith.constant 0 : i32
      %dma_wait3A_116 = tpu.memref_slice %arg11[%dma_wait3A, %dma_wait3A_115] : memref<10240x128xf32, #tpu.memory_space<vmem_shared>> -> memref<10240x128xf32, #tpu.memory_space<vmem_shared>>
      tpu.wait_indirect_dma semaphore(%run_scoped3A : memref<!tpu.dma_semaphore, #tpu.memory_space<semaphore_mem>>) src(%arg9 : memref<128x128xf32, #tpu.memory_space<vmem>>) dst(%dma_wait3A_116 : memref<10240x128xf32, #tpu.memory_space<vmem_shared>>)
      tpu.yield
    }) : () -> ()
    %lt3A = arith.constant 2 : i32
    %lt3A_50 = arith.cmpi slt, %add3A, %lt3A : i32
    %convert_element_type3A = arith.extui %lt3A_50 : i1 to i32
    %cond3A = arith.constant 0 : i32
    %cond3A_51 = arith.cmpi ne, %convert_element_type3A, %cond3A : i32
    scf.if %cond3A_51 {
      %add3A_112 = arith.constant 1248 : i32
      %add3A_113 = arith.addi %add3A_112, %add3A : i32
      "tpu.region"() ({
        %run_scoped3A = tpu.sem_alloc : memref<!tpu.dma_semaphore, #tpu.memory_space<semaphore_mem>>
        %dma_start3A_117 = arith.constant 0 : i32
        %dma_start3A_118 = tpu.memref_slice %arg3[%add3A_113, %dma_start3A_117] : memref<1250x128xi32, #tpu.memory_space<hbm>> -> memref<1x128xi32, #tpu.memory_space<hbm>>
        %dma_start3A_119 = tpu.memref_squeeze %dma_start3A_118 : memref<1x128xi32, #tpu.memory_space<hbm>> -> memref<128xi32, #tpu.memory_space<hbm>>
        %dma_start3A_120 = arith.constant 0 : i32
        %dma_start3A_121 = tpu.memref_slice %arg3[%add3A_113, %dma_start3A_120] : memref<1250x128xi32, #tpu.memory_space<hbm>> -> memref<1x128xi32, #tpu.memory_space<hbm>>
        %dma_start3A_122 = tpu.memref_squeeze %dma_start3A_121 : memref<1x128xi32, #tpu.memory_space<hbm>> -> memref<128xi32, #tpu.memory_space<hbm>>
        tpu.enqueue_dma source(%dma_start3A_122 : memref<128xi32, #tpu.memory_space<hbm>>) target(%arg7 : memref<128xi32, #tpu.memory_space<vmem>>) target_semaphore(%run_scoped3A : memref<!tpu.dma_semaphore, #tpu.memory_space<semaphore_mem>>)
        %dma_wait3A = arith.constant 0 : i32
        %dma_wait3A_123 = tpu.memref_slice %arg3[%add3A_113, %dma_wait3A] : memref<1250x128xi32, #tpu.memory_space<hbm>> -> memref<1x128xi32, #tpu.memory_space<hbm>>
        %dma_wait3A_124 = tpu.memref_squeeze %dma_wait3A_123 : memref<1x128xi32, #tpu.memory_space<hbm>> -> memref<128xi32, #tpu.memory_space<hbm>>
        %dma_wait3A_125 = arith.constant 0 : i32
        %dma_wait3A_126 = tpu.memref_slice %arg3[%add3A_113, %dma_wait3A_125] : memref<1250x128xi32, #tpu.memory_space<hbm>> -> memref<1x128xi32, #tpu.memory_space<hbm>>
        %dma_wait3A_127 = tpu.memref_squeeze %dma_wait3A_126 : memref<1x128xi32, #tpu.memory_space<hbm>> -> memref<128xi32, #tpu.memory_space<hbm>>
        tpu.wait_dma2 semaphore(%run_scoped3A : memref<!tpu.dma_semaphore, #tpu.memory_space<semaphore_mem>>) src(%dma_wait3A_127 : memref<128xi32, #tpu.memory_space<hbm>>) dst(%arg7 : memref<128xi32, #tpu.memory_space<vmem>>)
        tpu.yield
      }) : () -> ()
      %mul3A_114 = arith.constant 128 : i32
      %mul3A_115 = arith.muli %add3A_113, %mul3A_114 : i32
      %multiple_of3A_116 = tpu.assume_multiple %mul3A_115, 128 : i32
      "tpu.region"() ({
        %run_scoped3A = tpu.sem_alloc : memref<!tpu.dma_semaphore, #tpu.memory_space<semaphore_mem>>
        %dma_start3A_117 = arith.constant 0 : i32
        %dma_start3A_118 = tpu.memref_slice %arg2[%multiple_of3A_116, %dma_start3A_117] : memref<160000x128xf32, #tpu.memory_space<hbm>> -> memref<128x128xf32, #tpu.memory_space<hbm>>
        %dma_start3A_119 = arith.constant 0 : i32
        %dma_start3A_120 = tpu.memref_slice %arg2[%multiple_of3A_116, %dma_start3A_119] : memref<160000x128xf32, #tpu.memory_space<hbm>> -> memref<128x128xf32, #tpu.memory_space<hbm>>
        tpu.enqueue_dma source(%dma_start3A_120 : memref<128x128xf32, #tpu.memory_space<hbm>>) target(%arg9 : memref<128x128xf32, #tpu.memory_space<vmem>>) target_semaphore(%run_scoped3A : memref<!tpu.dma_semaphore, #tpu.memory_space<semaphore_mem>>)
        %dma_wait3A = arith.constant 0 : i32
        %dma_wait3A_121 = tpu.memref_slice %arg2[%multiple_of3A_116, %dma_wait3A] : memref<160000x128xf32, #tpu.memory_space<hbm>> -> memref<128x128xf32, #tpu.memory_space<hbm>>
        %dma_wait3A_122 = arith.constant 0 : i32
        %dma_wait3A_123 = tpu.memref_slice %arg2[%multiple_of3A_116, %dma_wait3A_122] : memref<160000x128xf32, #tpu.memory_space<hbm>> -> memref<128x128xf32, #tpu.memory_space<hbm>>
        tpu.wait_dma2 semaphore(%run_scoped3A : memref<!tpu.dma_semaphore, #tpu.memory_space<semaphore_mem>>) src(%dma_wait3A_123 : memref<128x128xf32, #tpu.memory_space<hbm>>) dst(%arg9 : memref<128x128xf32, #tpu.memory_space<vmem>>)
        tpu.yield
      }) : () -> ()
      "tpu.region"() ({
        %run_scoped3A = tpu.sem_alloc : memref<!tpu.dma_semaphore, #tpu.memory_space<semaphore_mem>>
        %dma_start3A_117 = arith.constant 0 : i32
        %dma_start3A_118 = arith.constant 0 : i32
        %dma_start3A_119 = tpu.memref_slice %arg11[%dma_start3A_117, %dma_start3A_118] : memref<10240x128xf32, #tpu.memory_space<vmem_shared>> -> memref<10240x128xf32, #tpu.memory_space<vmem_shared>>
        tpu.enqueue_indirect_dma source(%arg9 : memref<128x128xf32, #tpu.memory_space<vmem>>) target(%dma_start3A_119 : memref<10240x128xf32, #tpu.memory_space<vmem_shared>>) offsets(%arg7 : memref<128xi32, #tpu.memory_space<vmem>>) semaphore(%run_scoped3A : memref<!tpu.dma_semaphore, #tpu.memory_space<semaphore_mem>>) {add = true}
        %dma_wait3A = arith.constant 0 : i32
        %dma_wait3A_120 = arith.constant 0 : i32
        %dma_wait3A_121 = tpu.memref_slice %arg11[%dma_wait3A, %dma_wait3A_120] : memref<10240x128xf32, #tpu.memory_space<vmem_shared>> -> memref<10240x128xf32, #tpu.memory_space<vmem_shared>>
        tpu.wait_indirect_dma semaphore(%run_scoped3A : memref<!tpu.dma_semaphore, #tpu.memory_space<semaphore_mem>>) src(%arg9 : memref<128x128xf32, #tpu.memory_space<vmem>>) dst(%dma_wait3A_121 : memref<10240x128xf32, #tpu.memory_space<vmem_shared>>)
        tpu.yield
      }) : () -> ()
    } else {
    }
    %barrier3A_52 = arith.constant 0 : index
    tpu.barrier barrier_id(%barrier3A_52)
    %add3A_53 = arith.constant 0 : i32
    %add3A_54 = arith.addi %multiple_of3A, %add3A_53 : i32
    "tpu.region"() ({
      %run_scoped3A = tpu.sem_alloc : memref<!tpu.dma_semaphore, #tpu.memory_space<semaphore_mem>>
      %dma_start3A_112 = arith.constant 0 : i32
      %dma_start3A_113 = tpu.memref_slice %arg11[%add3A_54, %dma_start3A_112] : memref<10240x128xf32, #tpu.memory_space<vmem_shared>> -> memref<128x128xf32, #tpu.memory_space<vmem_shared>>
      %dma_start3A_114 = arith.constant 0 : i32
      %dma_start3A_115 = tpu.memref_slice %arg11[%add3A_54, %dma_start3A_114] : memref<10240x128xf32, #tpu.memory_space<vmem_shared>> -> memref<128x128xf32, #tpu.memory_space<vmem_shared>>
      tpu.enqueue_dma source(%dma_start3A_115 : memref<128x128xf32, #tpu.memory_space<vmem_shared>>) target(%arg9 : memref<128x128xf32, #tpu.memory_space<vmem>>) target_semaphore(%run_scoped3A : memref<!tpu.dma_semaphore, #tpu.memory_space<semaphore_mem>>)
      %dma_wait3A = arith.constant 0 : i32
      %dma_wait3A_116 = tpu.memref_slice %arg11[%add3A_54, %dma_wait3A] : memref<10240x128xf32, #tpu.memory_space<vmem_shared>> -> memref<128x128xf32, #tpu.memory_space<vmem_shared>>
      %dma_wait3A_117 = arith.constant 0 : i32
      %dma_wait3A_118 = tpu.memref_slice %arg11[%add3A_54, %dma_wait3A_117] : memref<10240x128xf32, #tpu.memory_space<vmem_shared>> -> memref<128x128xf32, #tpu.memory_space<vmem_shared>>
      tpu.wait_dma2 semaphore(%run_scoped3A : memref<!tpu.dma_semaphore, #tpu.memory_space<semaphore_mem>>) src(%dma_wait3A_118 : memref<128x128xf32, #tpu.memory_space<vmem_shared>>) dst(%arg9 : memref<128x128xf32, #tpu.memory_space<vmem>>)
      tpu.yield
    }) : () -> ()
    %eq3A = arith.constant 0 : i32
    %eq3A_55 = arith.cmpi eq, %arg0, %eq3A : i32
    %convert_element_type3A_56 = arith.extui %eq3A_55 : i1 to i32
    %cond3A_57 = arith.constant 0 : i32
    %cond3A_58 = arith.cmpi ne, %convert_element_type3A_56, %cond3A_57 : i32
    scf.if %cond3A_58 {
      %add3A_112 = arith.constant 0 : i32
      %add3A_113 = arith.addi %multiple_of3A, %add3A_112 : i32
      "tpu.region"() ({
        %run_scoped3A = tpu.sem_alloc : memref<!tpu.dma_semaphore, #tpu.memory_space<semaphore_mem>>
        %dma_start3A_114 = arith.constant 0 : i32
        %dma_start3A_115 = tpu.memref_slice %arg5[%add3A_113, %dma_start3A_114] : memref<10240x128xf32, #tpu.memory_space<hbm>> -> memref<128x128xf32, #tpu.memory_space<hbm>>
        %dma_start3A_116 = arith.constant 0 : i32
        %dma_start3A_117 = tpu.memref_slice %arg5[%add3A_113, %dma_start3A_116] : memref<10240x128xf32, #tpu.memory_space<hbm>> -> memref<128x128xf32, #tpu.memory_space<hbm>>
        tpu.enqueue_dma source(%arg9 : memref<128x128xf32, #tpu.memory_space<vmem>>) target(%dma_start3A_117 : memref<128x128xf32, #tpu.memory_space<hbm>>) target_semaphore(%run_scoped3A : memref<!tpu.dma_semaphore, #tpu.memory_space<semaphore_mem>>)
        %dma_wait3A = arith.constant 0 : i32
        %dma_wait3A_118 = tpu.memref_slice %arg5[%add3A_113, %dma_wait3A] : memref<10240x128xf32, #tpu.memory_space<hbm>> -> memref<128x128xf32, #tpu.memory_space<hbm>>
        %dma_wait3A_119 = arith.constant 0 : i32
        %dma_wait3A_120 = tpu.memref_slice %arg5[%add3A_113, %dma_wait3A_119] : memref<10240x128xf32, #tpu.memory_space<hbm>> -> memref<128x128xf32, #tpu.memory_space<hbm>>
        tpu.wait_dma2 semaphore(%run_scoped3A : memref<!tpu.dma_semaphore, #tpu.memory_space<semaphore_mem>>) src(%arg9 : memref<128x128xf32, #tpu.memory_space<vmem>>) dst(%dma_wait3A_120 : memref<128x128xf32, #tpu.memory_space<hbm>>)
        tpu.yield
      }) : () -> ()
    } else {
    }
    %eq3A_59 = arith.constant 1 : i32
    %eq3A_60 = arith.cmpi eq, %arg0, %eq3A_59 : i32
    %convert_element_type3A_61 = arith.extui %eq3A_60 : i1 to i32
    %cond3A_62 = arith.constant 0 : i32
    %cond3A_63 = arith.cmpi ne, %convert_element_type3A_61, %cond3A_62 : i32
    scf.if %cond3A_63 {
      %add3A_112 = arith.constant 0 : i32
      %add3A_113 = arith.addi %multiple_of3A, %add3A_112 : i32
      "tpu.region"() ({
        %run_scoped3A = tpu.sem_alloc : memref<!tpu.dma_semaphore, #tpu.memory_space<semaphore_mem>>
        %dma_start3A_114 = arith.constant 0 : i32
        %dma_start3A_115 = tpu.memref_slice %arg6[%add3A_113, %dma_start3A_114] : memref<10240x128xf32, #tpu.memory_space<hbm>> -> memref<128x128xf32, #tpu.memory_space<hbm>>
        %dma_start3A_116 = arith.constant 0 : i32
        %dma_start3A_117 = tpu.memref_slice %arg6[%add3A_113, %dma_start3A_116] : memref<10240x128xf32, #tpu.memory_space<hbm>> -> memref<128x128xf32, #tpu.memory_space<hbm>>
        tpu.enqueue_dma source(%arg9 : memref<128x128xf32, #tpu.memory_space<vmem>>) target(%dma_start3A_117 : memref<128x128xf32, #tpu.memory_space<hbm>>) target_semaphore(%run_scoped3A : memref<!tpu.dma_semaphore, #tpu.memory_space<semaphore_mem>>)
        %dma_wait3A = arith.constant 0 : i32
        %dma_wait3A_118 = tpu.memref_slice %arg6[%add3A_113, %dma_wait3A] : memref<10240x128xf32, #tpu.memory_space<hbm>> -> memref<128x128xf32, #tpu.memory_space<hbm>>
        %dma_wait3A_119 = arith.constant 0 : i32
        %dma_wait3A_120 = tpu.memref_slice %arg6[%add3A_113, %dma_wait3A_119] : memref<10240x128xf32, #tpu.memory_space<hbm>> -> memref<128x128xf32, #tpu.memory_space<hbm>>
        tpu.wait_dma2 semaphore(%run_scoped3A : memref<!tpu.dma_semaphore, #tpu.memory_space<semaphore_mem>>) src(%arg9 : memref<128x128xf32, #tpu.memory_space<vmem>>) dst(%dma_wait3A_120 : memref<128x128xf32, #tpu.memory_space<hbm>>)
        tpu.yield
      }) : () -> ()
    } else {
    }
    %add3A_64 = arith.constant 128 : i32
    %add3A_65 = arith.addi %multiple_of3A, %add3A_64 : i32
    "tpu.region"() ({
      %run_scoped3A = tpu.sem_alloc : memref<!tpu.dma_semaphore, #tpu.memory_space<semaphore_mem>>
      %dma_start3A_112 = arith.constant 0 : i32
      %dma_start3A_113 = tpu.memref_slice %arg11[%add3A_65, %dma_start3A_112] : memref<10240x128xf32, #tpu.memory_space<vmem_shared>> -> memref<128x128xf32, #tpu.memory_space<vmem_shared>>
      %dma_start3A_114 = arith.constant 0 : i32
      %dma_start3A_115 = tpu.memref_slice %arg11[%add3A_65, %dma_start3A_114] : memref<10240x128xf32, #tpu.memory_space<vmem_shared>> -> memref<128x128xf32, #tpu.memory_space<vmem_shared>>
      tpu.enqueue_dma source(%dma_start3A_115 : memref<128x128xf32, #tpu.memory_space<vmem_shared>>) target(%arg9 : memref<128x128xf32, #tpu.memory_space<vmem>>) target_semaphore(%run_scoped3A : memref<!tpu.dma_semaphore, #tpu.memory_space<semaphore_mem>>)
      %dma_wait3A = arith.constant 0 : i32
      %dma_wait3A_116 = tpu.memref_slice %arg11[%add3A_65, %dma_wait3A] : memref<10240x128xf32, #tpu.memory_space<vmem_shared>> -> memref<128x128xf32, #tpu.memory_space<vmem_shared>>
      %dma_wait3A_117 = arith.constant 0 : i32
      %dma_wait3A_118 = tpu.memref_slice %arg11[%add3A_65, %dma_wait3A_117] : memref<10240x128xf32, #tpu.memory_space<vmem_shared>> -> memref<128x128xf32, #tpu.memory_space<vmem_shared>>
      tpu.wait_dma2 semaphore(%run_scoped3A : memref<!tpu.dma_semaphore, #tpu.memory_space<semaphore_mem>>) src(%dma_wait3A_118 : memref<128x128xf32, #tpu.memory_space<vmem_shared>>) dst(%arg9 : memref<128x128xf32, #tpu.memory_space<vmem>>)
      tpu.yield
    }) : () -> ()
    %eq3A_66 = arith.constant 0 : i32
    %eq3A_67 = arith.cmpi eq, %arg0, %eq3A_66 : i32
    %convert_element_type3A_68 = arith.extui %eq3A_67 : i1 to i32
    %cond3A_69 = arith.constant 0 : i32
    %cond3A_70 = arith.cmpi ne, %convert_element_type3A_68, %cond3A_69 : i32
    scf.if %cond3A_70 {
      %add3A_112 = arith.constant 128 : i32
      %add3A_113 = arith.addi %multiple_of3A, %add3A_112 : i32
      "tpu.region"() ({
        %run_scoped3A = tpu.sem_alloc : memref<!tpu.dma_semaphore, #tpu.memory_space<semaphore_mem>>
        %dma_start3A_114 = arith.constant 0 : i32
        %dma_start3A_115 = tpu.memref_slice %arg5[%add3A_113, %dma_start3A_114] : memref<10240x128xf32, #tpu.memory_space<hbm>> -> memref<128x128xf32, #tpu.memory_space<hbm>>
        %dma_start3A_116 = arith.constant 0 : i32
        %dma_start3A_117 = tpu.memref_slice %arg5[%add3A_113, %dma_start3A_116] : memref<10240x128xf32, #tpu.memory_space<hbm>> -> memref<128x128xf32, #tpu.memory_space<hbm>>
        tpu.enqueue_dma source(%arg9 : memref<128x128xf32, #tpu.memory_space<vmem>>) target(%dma_start3A_117 : memref<128x128xf32, #tpu.memory_space<hbm>>) target_semaphore(%run_scoped3A : memref<!tpu.dma_semaphore, #tpu.memory_space<semaphore_mem>>)
        %dma_wait3A = arith.constant 0 : i32
        %dma_wait3A_118 = tpu.memref_slice %arg5[%add3A_113, %dma_wait3A] : memref<10240x128xf32, #tpu.memory_space<hbm>> -> memref<128x128xf32, #tpu.memory_space<hbm>>
        %dma_wait3A_119 = arith.constant 0 : i32
        %dma_wait3A_120 = tpu.memref_slice %arg5[%add3A_113, %dma_wait3A_119] : memref<10240x128xf32, #tpu.memory_space<hbm>> -> memref<128x128xf32, #tpu.memory_space<hbm>>
        tpu.wait_dma2 semaphore(%run_scoped3A : memref<!tpu.dma_semaphore, #tpu.memory_space<semaphore_mem>>) src(%arg9 : memref<128x128xf32, #tpu.memory_space<vmem>>) dst(%dma_wait3A_120 : memref<128x128xf32, #tpu.memory_space<hbm>>)
        tpu.yield
      }) : () -> ()
    } else {
    }
    %eq3A_71 = arith.constant 1 : i32
    %eq3A_72 = arith.cmpi eq, %arg0, %eq3A_71 : i32
    %convert_element_type3A_73 = arith.extui %eq3A_72 : i1 to i32
    %cond3A_74 = arith.constant 0 : i32
    %cond3A_75 = arith.cmpi ne, %convert_element_type3A_73, %cond3A_74 : i32
    scf.if %cond3A_75 {
      %add3A_112 = arith.constant 128 : i32
      %add3A_113 = arith.addi %multiple_of3A, %add3A_112 : i32
      "tpu.region"() ({
        %run_scoped3A = tpu.sem_alloc : memref<!tpu.dma_semaphore, #tpu.memory_space<semaphore_mem>>
        %dma_start3A_114 = arith.constant 0 : i32
        %dma_start3A_115 = tpu.memref_slice %arg6[%add3A_113, %dma_start3A_114] : memref<10240x128xf32, #tpu.memory_space<hbm>> -> memref<128x128xf32, #tpu.memory_space<hbm>>
        %dma_start3A_116 = arith.constant 0 : i32
        %dma_start3A_117 = tpu.memref_slice %arg6[%add3A_113, %dma_start3A_116] : memref<10240x128xf32, #tpu.memory_space<hbm>> -> memref<128x128xf32, #tpu.memory_space<hbm>>
        tpu.enqueue_dma source(%arg9 : memref<128x128xf32, #tpu.memory_space<vmem>>) target(%dma_start3A_117 : memref<128x128xf32, #tpu.memory_space<hbm>>) target_semaphore(%run_scoped3A : memref<!tpu.dma_semaphore, #tpu.memory_space<semaphore_mem>>)
        %dma_wait3A = arith.constant 0 : i32
        %dma_wait3A_118 = tpu.memref_slice %arg6[%add3A_113, %dma_wait3A] : memref<10240x128xf32, #tpu.memory_space<hbm>> -> memref<128x128xf32, #tpu.memory_space<hbm>>
        %dma_wait3A_119 = arith.constant 0 : i32
        %dma_wait3A_120 = tpu.memref_slice %arg6[%add3A_113, %dma_wait3A_119] : memref<10240x128xf32, #tpu.memory_space<hbm>> -> memref<128x128xf32, #tpu.memory_space<hbm>>
        tpu.wait_dma2 semaphore(%run_scoped3A : memref<!tpu.dma_semaphore, #tpu.memory_space<semaphore_mem>>) src(%arg9 : memref<128x128xf32, #tpu.memory_space<vmem>>) dst(%dma_wait3A_120 : memref<128x128xf32, #tpu.memory_space<hbm>>)
        tpu.yield
      }) : () -> ()
    } else {
    }
    %add3A_76 = arith.constant 256 : i32
    %add3A_77 = arith.addi %multiple_of3A, %add3A_76 : i32
    "tpu.region"() ({
      %run_scoped3A = tpu.sem_alloc : memref<!tpu.dma_semaphore, #tpu.memory_space<semaphore_mem>>
      %dma_start3A_112 = arith.constant 0 : i32
      %dma_start3A_113 = tpu.memref_slice %arg11[%add3A_77, %dma_start3A_112] : memref<10240x128xf32, #tpu.memory_space<vmem_shared>> -> memref<128x128xf32, #tpu.memory_space<vmem_shared>>
      %dma_start3A_114 = arith.constant 0 : i32
      %dma_start3A_115 = tpu.memref_slice %arg11[%add3A_77, %dma_start3A_114] : memref<10240x128xf32, #tpu.memory_space<vmem_shared>> -> memref<128x128xf32, #tpu.memory_space<vmem_shared>>
      tpu.enqueue_dma source(%dma_start3A_115 : memref<128x128xf32, #tpu.memory_space<vmem_shared>>) target(%arg9 : memref<128x128xf32, #tpu.memory_space<vmem>>) target_semaphore(%run_scoped3A : memref<!tpu.dma_semaphore, #tpu.memory_space<semaphore_mem>>)
      %dma_wait3A = arith.constant 0 : i32
      %dma_wait3A_116 = tpu.memref_slice %arg11[%add3A_77, %dma_wait3A] : memref<10240x128xf32, #tpu.memory_space<vmem_shared>> -> memref<128x128xf32, #tpu.memory_space<vmem_shared>>
      %dma_wait3A_117 = arith.constant 0 : i32
      %dma_wait3A_118 = tpu.memref_slice %arg11[%add3A_77, %dma_wait3A_117] : memref<10240x128xf32, #tpu.memory_space<vmem_shared>> -> memref<128x128xf32, #tpu.memory_space<vmem_shared>>
      tpu.wait_dma2 semaphore(%run_scoped3A : memref<!tpu.dma_semaphore, #tpu.memory_space<semaphore_mem>>) src(%dma_wait3A_118 : memref<128x128xf32, #tpu.memory_space<vmem_shared>>) dst(%arg9 : memref<128x128xf32, #tpu.memory_space<vmem>>)
      tpu.yield
    }) : () -> ()
    %eq3A_78 = arith.constant 0 : i32
    %eq3A_79 = arith.cmpi eq, %arg0, %eq3A_78 : i32
    %convert_element_type3A_80 = arith.extui %eq3A_79 : i1 to i32
    %cond3A_81 = arith.constant 0 : i32
    %cond3A_82 = arith.cmpi ne, %convert_element_type3A_80, %cond3A_81 : i32
    scf.if %cond3A_82 {
      %add3A_112 = arith.constant 256 : i32
      %add3A_113 = arith.addi %multiple_of3A, %add3A_112 : i32
      "tpu.region"() ({
        %run_scoped3A = tpu.sem_alloc : memref<!tpu.dma_semaphore, #tpu.memory_space<semaphore_mem>>
        %dma_start3A_114 = arith.constant 0 : i32
        %dma_start3A_115 = tpu.memref_slice %arg5[%add3A_113, %dma_start3A_114] : memref<10240x128xf32, #tpu.memory_space<hbm>> -> memref<128x128xf32, #tpu.memory_space<hbm>>
        %dma_start3A_116 = arith.constant 0 : i32
        %dma_start3A_117 = tpu.memref_slice %arg5[%add3A_113, %dma_start3A_116] : memref<10240x128xf32, #tpu.memory_space<hbm>> -> memref<128x128xf32, #tpu.memory_space<hbm>>
        tpu.enqueue_dma source(%arg9 : memref<128x128xf32, #tpu.memory_space<vmem>>) target(%dma_start3A_117 : memref<128x128xf32, #tpu.memory_space<hbm>>) target_semaphore(%run_scoped3A : memref<!tpu.dma_semaphore, #tpu.memory_space<semaphore_mem>>)
        %dma_wait3A = arith.constant 0 : i32
        %dma_wait3A_118 = tpu.memref_slice %arg5[%add3A_113, %dma_wait3A] : memref<10240x128xf32, #tpu.memory_space<hbm>> -> memref<128x128xf32, #tpu.memory_space<hbm>>
        %dma_wait3A_119 = arith.constant 0 : i32
        %dma_wait3A_120 = tpu.memref_slice %arg5[%add3A_113, %dma_wait3A_119] : memref<10240x128xf32, #tpu.memory_space<hbm>> -> memref<128x128xf32, #tpu.memory_space<hbm>>
        tpu.wait_dma2 semaphore(%run_scoped3A : memref<!tpu.dma_semaphore, #tpu.memory_space<semaphore_mem>>) src(%arg9 : memref<128x128xf32, #tpu.memory_space<vmem>>) dst(%dma_wait3A_120 : memref<128x128xf32, #tpu.memory_space<hbm>>)
        tpu.yield
      }) : () -> ()
    } else {
    }
    %eq3A_83 = arith.constant 1 : i32
    %eq3A_84 = arith.cmpi eq, %arg0, %eq3A_83 : i32
    %convert_element_type3A_85 = arith.extui %eq3A_84 : i1 to i32
    %cond3A_86 = arith.constant 0 : i32
    %cond3A_87 = arith.cmpi ne, %convert_element_type3A_85, %cond3A_86 : i32
    scf.if %cond3A_87 {
      %add3A_112 = arith.constant 256 : i32
      %add3A_113 = arith.addi %multiple_of3A, %add3A_112 : i32
      "tpu.region"() ({
        %run_scoped3A = tpu.sem_alloc : memref<!tpu.dma_semaphore, #tpu.memory_space<semaphore_mem>>
        %dma_start3A_114 = arith.constant 0 : i32
        %dma_start3A_115 = tpu.memref_slice %arg6[%add3A_113, %dma_start3A_114] : memref<10240x128xf32, #tpu.memory_space<hbm>> -> memref<128x128xf32, #tpu.memory_space<hbm>>
        %dma_start3A_116 = arith.constant 0 : i32
        %dma_start3A_117 = tpu.memref_slice %arg6[%add3A_113, %dma_start3A_116] : memref<10240x128xf32, #tpu.memory_space<hbm>> -> memref<128x128xf32, #tpu.memory_space<hbm>>
        tpu.enqueue_dma source(%arg9 : memref<128x128xf32, #tpu.memory_space<vmem>>) target(%dma_start3A_117 : memref<128x128xf32, #tpu.memory_space<hbm>>) target_semaphore(%run_scoped3A : memref<!tpu.dma_semaphore, #tpu.memory_space<semaphore_mem>>)
        %dma_wait3A = arith.constant 0 : i32
        %dma_wait3A_118 = tpu.memref_slice %arg6[%add3A_113, %dma_wait3A] : memref<10240x128xf32, #tpu.memory_space<hbm>> -> memref<128x128xf32, #tpu.memory_space<hbm>>
        %dma_wait3A_119 = arith.constant 0 : i32
        %dma_wait3A_120 = tpu.memref_slice %arg6[%add3A_113, %dma_wait3A_119] : memref<10240x128xf32, #tpu.memory_space<hbm>> -> memref<128x128xf32, #tpu.memory_space<hbm>>
        tpu.wait_dma2 semaphore(%run_scoped3A : memref<!tpu.dma_semaphore, #tpu.memory_space<semaphore_mem>>) src(%arg9 : memref<128x128xf32, #tpu.memory_space<vmem>>) dst(%dma_wait3A_120 : memref<128x128xf32, #tpu.memory_space<hbm>>)
        tpu.yield
      }) : () -> ()
    } else {
    }
    %add3A_88 = arith.constant 384 : i32
    %add3A_89 = arith.addi %multiple_of3A, %add3A_88 : i32
    "tpu.region"() ({
      %run_scoped3A = tpu.sem_alloc : memref<!tpu.dma_semaphore, #tpu.memory_space<semaphore_mem>>
      %dma_start3A_112 = arith.constant 0 : i32
      %dma_start3A_113 = tpu.memref_slice %arg11[%add3A_89, %dma_start3A_112] : memref<10240x128xf32, #tpu.memory_space<vmem_shared>> -> memref<128x128xf32, #tpu.memory_space<vmem_shared>>
      %dma_start3A_114 = arith.constant 0 : i32
      %dma_start3A_115 = tpu.memref_slice %arg11[%add3A_89, %dma_start3A_114] : memref<10240x128xf32, #tpu.memory_space<vmem_shared>> -> memref<128x128xf32, #tpu.memory_space<vmem_shared>>
      tpu.enqueue_dma source(%dma_start3A_115 : memref<128x128xf32, #tpu.memory_space<vmem_shared>>) target(%arg9 : memref<128x128xf32, #tpu.memory_space<vmem>>) target_semaphore(%run_scoped3A : memref<!tpu.dma_semaphore, #tpu.memory_space<semaphore_mem>>)
      %dma_wait3A = arith.constant 0 : i32
      %dma_wait3A_116 = tpu.memref_slice %arg11[%add3A_89, %dma_wait3A] : memref<10240x128xf32, #tpu.memory_space<vmem_shared>> -> memref<128x128xf32, #tpu.memory_space<vmem_shared>>
      %dma_wait3A_117 = arith.constant 0 : i32
      %dma_wait3A_118 = tpu.memref_slice %arg11[%add3A_89, %dma_wait3A_117] : memref<10240x128xf32, #tpu.memory_space<vmem_shared>> -> memref<128x128xf32, #tpu.memory_space<vmem_shared>>
      tpu.wait_dma2 semaphore(%run_scoped3A : memref<!tpu.dma_semaphore, #tpu.memory_space<semaphore_mem>>) src(%dma_wait3A_118 : memref<128x128xf32, #tpu.memory_space<vmem_shared>>) dst(%arg9 : memref<128x128xf32, #tpu.memory_space<vmem>>)
      tpu.yield
    }) : () -> ()
    %eq3A_90 = arith.constant 0 : i32
    %eq3A_91 = arith.cmpi eq, %arg0, %eq3A_90 : i32
    %convert_element_type3A_92 = arith.extui %eq3A_91 : i1 to i32
    %cond3A_93 = arith.constant 0 : i32
    %cond3A_94 = arith.cmpi ne, %convert_element_type3A_92, %cond3A_93 : i32
    scf.if %cond3A_94 {
      %add3A_112 = arith.constant 384 : i32
      %add3A_113 = arith.addi %multiple_of3A, %add3A_112 : i32
      "tpu.region"() ({
        %run_scoped3A = tpu.sem_alloc : memref<!tpu.dma_semaphore, #tpu.memory_space<semaphore_mem>>
        %dma_start3A_114 = arith.constant 0 : i32
        %dma_start3A_115 = tpu.memref_slice %arg5[%add3A_113, %dma_start3A_114] : memref<10240x128xf32, #tpu.memory_space<hbm>> -> memref<128x128xf32, #tpu.memory_space<hbm>>
        %dma_start3A_116 = arith.constant 0 : i32
        %dma_start3A_117 = tpu.memref_slice %arg5[%add3A_113, %dma_start3A_116] : memref<10240x128xf32, #tpu.memory_space<hbm>> -> memref<128x128xf32, #tpu.memory_space<hbm>>
        tpu.enqueue_dma source(%arg9 : memref<128x128xf32, #tpu.memory_space<vmem>>) target(%dma_start3A_117 : memref<128x128xf32, #tpu.memory_space<hbm>>) target_semaphore(%run_scoped3A : memref<!tpu.dma_semaphore, #tpu.memory_space<semaphore_mem>>)
        %dma_wait3A = arith.constant 0 : i32
        %dma_wait3A_118 = tpu.memref_slice %arg5[%add3A_113, %dma_wait3A] : memref<10240x128xf32, #tpu.memory_space<hbm>> -> memref<128x128xf32, #tpu.memory_space<hbm>>
        %dma_wait3A_119 = arith.constant 0 : i32
        %dma_wait3A_120 = tpu.memref_slice %arg5[%add3A_113, %dma_wait3A_119] : memref<10240x128xf32, #tpu.memory_space<hbm>> -> memref<128x128xf32, #tpu.memory_space<hbm>>
        tpu.wait_dma2 semaphore(%run_scoped3A : memref<!tpu.dma_semaphore, #tpu.memory_space<semaphore_mem>>) src(%arg9 : memref<128x128xf32, #tpu.memory_space<vmem>>) dst(%dma_wait3A_120 : memref<128x128xf32, #tpu.memory_space<hbm>>)
        tpu.yield
      }) : () -> ()
    } else {
    }
    %eq3A_95 = arith.constant 1 : i32
    %eq3A_96 = arith.cmpi eq, %arg0, %eq3A_95 : i32
    %convert_element_type3A_97 = arith.extui %eq3A_96 : i1 to i32
    %cond3A_98 = arith.constant 0 : i32
    %cond3A_99 = arith.cmpi ne, %convert_element_type3A_97, %cond3A_98 : i32
    scf.if %cond3A_99 {
      %add3A_112 = arith.constant 384 : i32
      %add3A_113 = arith.addi %multiple_of3A, %add3A_112 : i32
      "tpu.region"() ({
        %run_scoped3A = tpu.sem_alloc : memref<!tpu.dma_semaphore, #tpu.memory_space<semaphore_mem>>
        %dma_start3A_114 = arith.constant 0 : i32
        %dma_start3A_115 = tpu.memref_slice %arg6[%add3A_113, %dma_start3A_114] : memref<10240x128xf32, #tpu.memory_space<hbm>> -> memref<128x128xf32, #tpu.memory_space<hbm>>
        %dma_start3A_116 = arith.constant 0 : i32
        %dma_start3A_117 = tpu.memref_slice %arg6[%add3A_113, %dma_start3A_116] : memref<10240x128xf32, #tpu.memory_space<hbm>> -> memref<128x128xf32, #tpu.memory_space<hbm>>
        tpu.enqueue_dma source(%arg9 : memref<128x128xf32, #tpu.memory_space<vmem>>) target(%dma_start3A_117 : memref<128x128xf32, #tpu.memory_space<hbm>>) target_semaphore(%run_scoped3A : memref<!tpu.dma_semaphore, #tpu.memory_space<semaphore_mem>>)
        %dma_wait3A = arith.constant 0 : i32
        %dma_wait3A_118 = tpu.memref_slice %arg6[%add3A_113, %dma_wait3A] : memref<10240x128xf32, #tpu.memory_space<hbm>> -> memref<128x128xf32, #tpu.memory_space<hbm>>
        %dma_wait3A_119 = arith.constant 0 : i32
        %dma_wait3A_120 = tpu.memref_slice %arg6[%add3A_113, %dma_wait3A_119] : memref<10240x128xf32, #tpu.memory_space<hbm>> -> memref<128x128xf32, #tpu.memory_space<hbm>>
        tpu.wait_dma2 semaphore(%run_scoped3A : memref<!tpu.dma_semaphore, #tpu.memory_space<semaphore_mem>>) src(%arg9 : memref<128x128xf32, #tpu.memory_space<vmem>>) dst(%dma_wait3A_120 : memref<128x128xf32, #tpu.memory_space<hbm>>)
        tpu.yield
      }) : () -> ()
    } else {
    }
    %add3A_100 = arith.constant 512 : i32
    %add3A_101 = arith.addi %multiple_of3A, %add3A_100 : i32
    "tpu.region"() ({
      %run_scoped3A = tpu.sem_alloc : memref<!tpu.dma_semaphore, #tpu.memory_space<semaphore_mem>>
      %dma_start3A_112 = arith.constant 0 : i32
      %dma_start3A_113 = tpu.memref_slice %arg11[%add3A_101, %dma_start3A_112] : memref<10240x128xf32, #tpu.memory_space<vmem_shared>> -> memref<128x128xf32, #tpu.memory_space<vmem_shared>>
      %dma_start3A_114 = arith.constant 0 : i32
      %dma_start3A_115 = tpu.memref_slice %arg11[%add3A_101, %dma_start3A_114] : memref<10240x128xf32, #tpu.memory_space<vmem_shared>> -> memref<128x128xf32, #tpu.memory_space<vmem_shared>>
      tpu.enqueue_dma source(%dma_start3A_115 : memref<128x128xf32, #tpu.memory_space<vmem_shared>>) target(%arg9 : memref<128x128xf32, #tpu.memory_space<vmem>>) target_semaphore(%run_scoped3A : memref<!tpu.dma_semaphore, #tpu.memory_space<semaphore_mem>>)
      %dma_wait3A = arith.constant 0 : i32
      %dma_wait3A_116 = tpu.memref_slice %arg11[%add3A_101, %dma_wait3A] : memref<10240x128xf32, #tpu.memory_space<vmem_shared>> -> memref<128x128xf32, #tpu.memory_space<vmem_shared>>
      %dma_wait3A_117 = arith.constant 0 : i32
      %dma_wait3A_118 = tpu.memref_slice %arg11[%add3A_101, %dma_wait3A_117] : memref<10240x128xf32, #tpu.memory_space<vmem_shared>> -> memref<128x128xf32, #tpu.memory_space<vmem_shared>>
      tpu.wait_dma2 semaphore(%run_scoped3A : memref<!tpu.dma_semaphore, #tpu.memory_space<semaphore_mem>>) src(%dma_wait3A_118 : memref<128x128xf32, #tpu.memory_space<vmem_shared>>) dst(%arg9 : memref<128x128xf32, #tpu.memory_space<vmem>>)
      tpu.yield
    }) : () -> ()
    %eq3A_102 = arith.constant 0 : i32
    %eq3A_103 = arith.cmpi eq, %arg0, %eq3A_102 : i32
    %convert_element_type3A_104 = arith.extui %eq3A_103 : i1 to i32
    %cond3A_105 = arith.constant 0 : i32
    %cond3A_106 = arith.cmpi ne, %convert_element_type3A_104, %cond3A_105 : i32
    scf.if %cond3A_106 {
      %add3A_112 = arith.constant 512 : i32
      %add3A_113 = arith.addi %multiple_of3A, %add3A_112 : i32
      "tpu.region"() ({
        %run_scoped3A = tpu.sem_alloc : memref<!tpu.dma_semaphore, #tpu.memory_space<semaphore_mem>>
        %dma_start3A_114 = arith.constant 0 : i32
        %dma_start3A_115 = tpu.memref_slice %arg5[%add3A_113, %dma_start3A_114] : memref<10240x128xf32, #tpu.memory_space<hbm>> -> memref<128x128xf32, #tpu.memory_space<hbm>>
        %dma_start3A_116 = arith.constant 0 : i32
        %dma_start3A_117 = tpu.memref_slice %arg5[%add3A_113, %dma_start3A_116] : memref<10240x128xf32, #tpu.memory_space<hbm>> -> memref<128x128xf32, #tpu.memory_space<hbm>>
        tpu.enqueue_dma source(%arg9 : memref<128x128xf32, #tpu.memory_space<vmem>>) target(%dma_start3A_117 : memref<128x128xf32, #tpu.memory_space<hbm>>) target_semaphore(%run_scoped3A : memref<!tpu.dma_semaphore, #tpu.memory_space<semaphore_mem>>)
        %dma_wait3A = arith.constant 0 : i32
        %dma_wait3A_118 = tpu.memref_slice %arg5[%add3A_113, %dma_wait3A] : memref<10240x128xf32, #tpu.memory_space<hbm>> -> memref<128x128xf32, #tpu.memory_space<hbm>>
        %dma_wait3A_119 = arith.constant 0 : i32
        %dma_wait3A_120 = tpu.memref_slice %arg5[%add3A_113, %dma_wait3A_119] : memref<10240x128xf32, #tpu.memory_space<hbm>> -> memref<128x128xf32, #tpu.memory_space<hbm>>
        tpu.wait_dma2 semaphore(%run_scoped3A : memref<!tpu.dma_semaphore, #tpu.memory_space<semaphore_mem>>) src(%arg9 : memref<128x128xf32, #tpu.memory_space<vmem>>) dst(%dma_wait3A_120 : memref<128x128xf32, #tpu.memory_space<hbm>>)
        tpu.yield
      }) : () -> ()
    } else {
    }
    %eq3A_107 = arith.constant 1 : i32
    %eq3A_108 = arith.cmpi eq, %arg0, %eq3A_107 : i32
    %convert_element_type3A_109 = arith.extui %eq3A_108 : i1 to i32
    %cond3A_110 = arith.constant 0 : i32
    %cond3A_111 = arith.cmpi ne, %convert_element_type3A_109, %cond3A_110 : i32
    scf.if %cond3A_111 {
      %add3A_112 = arith.constant 512 : i32
      %add3A_113 = arith.addi %multiple_of3A, %add3A_112 : i32
      "tpu.region"() ({
        %run_scoped3A = tpu.sem_alloc : memref<!tpu.dma_semaphore, #tpu.memory_space<semaphore_mem>>
        %dma_start3A_114 = arith.constant 0 : i32
        %dma_start3A_115 = tpu.memref_slice %arg6[%add3A_113, %dma_start3A_114] : memref<10240x128xf32, #tpu.memory_space<hbm>> -> memref<128x128xf32, #tpu.memory_space<hbm>>
        %dma_start3A_116 = arith.constant 0 : i32
        %dma_start3A_117 = tpu.memref_slice %arg6[%add3A_113, %dma_start3A_116] : memref<10240x128xf32, #tpu.memory_space<hbm>> -> memref<128x128xf32, #tpu.memory_space<hbm>>
        tpu.enqueue_dma source(%arg9 : memref<128x128xf32, #tpu.memory_space<vmem>>) target(%dma_start3A_117 : memref<128x128xf32, #tpu.memory_space<hbm>>) target_semaphore(%run_scoped3A : memref<!tpu.dma_semaphore, #tpu.memory_space<semaphore_mem>>)
        %dma_wait3A = arith.constant 0 : i32
        %dma_wait3A_118 = tpu.memref_slice %arg6[%add3A_113, %dma_wait3A] : memref<10240x128xf32, #tpu.memory_space<hbm>> -> memref<128x128xf32, #tpu.memory_space<hbm>>
        %dma_wait3A_119 = arith.constant 0 : i32
        %dma_wait3A_120 = tpu.memref_slice %arg6[%add3A_113, %dma_wait3A_119] : memref<10240x128xf32, #tpu.memory_space<hbm>> -> memref<128x128xf32, #tpu.memory_space<hbm>>
        tpu.wait_dma2 semaphore(%run_scoped3A : memref<!tpu.dma_semaphore, #tpu.memory_space<semaphore_mem>>) src(%arg9 : memref<128x128xf32, #tpu.memory_space<vmem>>) dst(%dma_wait3A_120 : memref<128x128xf32, #tpu.memory_space<hbm>>)
        tpu.yield
      }) : () -> ()
    } else {
    }
    return
  }
}

#map = affine_map<(d0, d1) -> (0, 0)>
module attributes {stable_mosaic.version = 14 : i64} {
  func.func @_sc_gather_body(%arg0: i32, %arg1: i32, %arg2: memref<10000x128xf32, #tpu.memory_space<hbm>>, %arg3: memref<1250x128xi32, #tpu.memory_space<hbm>>, %arg4: memref<160000x128xf32, #tpu.memory_space<hbm>>, %arg5: memref<128xi32, #tpu.memory_space<vmem>>, %arg6: memref<128xi32, #tpu.memory_space<vmem>>, %arg7: memref<128x128xf32, #tpu.memory_space<vmem>>, %arg8: memref<128x128xf32, #tpu.memory_space<vmem>>, %arg9: memref<!tpu.dma_semaphore, #tpu.memory_space<semaphore_mem>>, %arg10: memref<!tpu.dma_semaphore, #tpu.memory_space<semaphore_mem>>, %arg11: memref<!tpu.dma_semaphore, #tpu.memory_space<semaphore_mem>>, %arg12: memref<!tpu.dma_semaphore, #tpu.memory_space<semaphore_mem>>, %arg13: memref<!tpu.dma_semaphore, #tpu.memory_space<semaphore_mem>>) attributes {dimension_semantics = [#tpu.dimension_semantics<core_parallel>, #tpu.dimension_semantics<subcore_parallel>], iteration_bounds = array<i64: 2, 16>, scalar_prefetch = 0 : i64, scratch_operands = 9 : i64, tpu.core_type = #tpu.core_type<sc_vector_subcore>, window_params = [{transform_indices = #map}, {transform_indices = #map}, {transform_indices = #map}]} {
    %mul3A = arith.constant 2 : i32
    %mul3A_0 = arith.muli %arg1, %mul3A : i32
    %add3A = arith.addi %mul3A_0, %arg0 : i32
    %dma_start3A = arith.constant 0 : i32
    %dma_start3A_1 = tpu.memref_slice %arg3[%add3A, %dma_start3A] : memref<1250x128xi32, #tpu.memory_space<hbm>> -> memref<1x128xi32, #tpu.memory_space<hbm>>
    %dma_start3A_2 = tpu.memref_squeeze %dma_start3A_1 : memref<1x128xi32, #tpu.memory_space<hbm>> -> memref<128xi32, #tpu.memory_space<hbm>>
    %dma_start3A_3 = arith.constant 0 : i32
    %dma_start3A_4 = tpu.memref_slice %arg3[%add3A, %dma_start3A_3] : memref<1250x128xi32, #tpu.memory_space<hbm>> -> memref<1x128xi32, #tpu.memory_space<hbm>>
    %dma_start3A_5 = tpu.memref_squeeze %dma_start3A_4 : memref<1x128xi32, #tpu.memory_space<hbm>> -> memref<128xi32, #tpu.memory_space<hbm>>
    tpu.enqueue_dma source(%dma_start3A_5 : memref<128xi32, #tpu.memory_space<hbm>>) target(%arg5 : memref<128xi32, #tpu.memory_space<vmem>>) target_semaphore(%arg9 : memref<!tpu.dma_semaphore, #tpu.memory_space<semaphore_mem>>)
    %add3A_6 = arith.constant 32 : i32
    %add3A_7 = arith.addi %add3A_6, %add3A : i32
    %dma_start3A_8 = arith.constant 0 : i32
    %dma_start3A_9 = tpu.memref_slice %arg3[%add3A_7, %dma_start3A_8] : memref<1250x128xi32, #tpu.memory_space<hbm>> -> memref<1x128xi32, #tpu.memory_space<hbm>>
    %dma_start3A_10 = tpu.memref_squeeze %dma_start3A_9 : memref<1x128xi32, #tpu.memory_space<hbm>> -> memref<128xi32, #tpu.memory_space<hbm>>
    %dma_start3A_11 = arith.constant 0 : i32
    %dma_start3A_12 = tpu.memref_slice %arg3[%add3A_7, %dma_start3A_11] : memref<1250x128xi32, #tpu.memory_space<hbm>> -> memref<1x128xi32, #tpu.memory_space<hbm>>
    %dma_start3A_13 = tpu.memref_squeeze %dma_start3A_12 : memref<1x128xi32, #tpu.memory_space<hbm>> -> memref<128xi32, #tpu.memory_space<hbm>>
    tpu.enqueue_dma source(%dma_start3A_13 : memref<128xi32, #tpu.memory_space<hbm>>) target(%arg6 : memref<128xi32, #tpu.memory_space<vmem>>) target_semaphore(%arg10 : memref<!tpu.dma_semaphore, #tpu.memory_space<semaphore_mem>>)
    %scan3A = arith.constant 0 : i32
    %scan3A_14 = arith.constant 0 : i32
    %scan3A_15 = arith.constant 19 : i32
    %scan3A_16 = arith.addi %scan3A_14, %scan3A_15 : i32
    %scan3A_17 = arith.constant 1 : i32
    scf.for %scan3A_42 = %scan3A_14 to %scan3A_16 step %scan3A_17  : i32 {
      %mul3A_43 = arith.constant 2 : i32
      %mul3A_44 = arith.muli %mul3A_43, %scan3A_42 : i32
      %add3A_45 = arith.constant 0 : i32
      %add3A_46 = arith.addi %mul3A_44, %add3A_45 : i32
      %mul3A_47 = arith.constant 32 : i32
      %mul3A_48 = arith.muli %add3A_46, %mul3A_47 : i32
      %add3A_49 = arith.addi %mul3A_48, %add3A : i32
      %dma_wait3A_50 = arith.constant 0 : i32
      %dma_wait3A_51 = tpu.memref_slice %arg3[%add3A_49, %dma_wait3A_50] : memref<1250x128xi32, #tpu.memory_space<hbm>> -> memref<1x128xi32, #tpu.memory_space<hbm>>
      %dma_wait3A_52 = tpu.memref_squeeze %dma_wait3A_51 : memref<1x128xi32, #tpu.memory_space<hbm>> -> memref<128xi32, #tpu.memory_space<hbm>>
      %dma_wait3A_53 = arith.constant 0 : i32
      %dma_wait3A_54 = tpu.memref_slice %arg3[%add3A_49, %dma_wait3A_53] : memref<1250x128xi32, #tpu.memory_space<hbm>> -> memref<1x128xi32, #tpu.memory_space<hbm>>
      %dma_wait3A_55 = tpu.memref_squeeze %dma_wait3A_54 : memref<1x128xi32, #tpu.memory_space<hbm>> -> memref<128xi32, #tpu.memory_space<hbm>>
      tpu.wait_dma2 semaphore(%arg9 : memref<!tpu.dma_semaphore, #tpu.memory_space<semaphore_mem>>) src(%dma_wait3A_55 : memref<128xi32, #tpu.memory_space<hbm>>) dst(%arg5 : memref<128xi32, #tpu.memory_space<vmem>>)
      %ge3A = arith.constant 1 : i32
      %ge3A_56 = arith.cmpi sge, %scan3A_42, %ge3A : i32
      %convert_element_type3A_57 = arith.extui %ge3A_56 : i1 to i32
      %cond3A_58 = arith.constant 0 : i32
      %cond3A_59 = arith.cmpi ne, %convert_element_type3A_57, %cond3A_58 : i32
      scf.if %cond3A_59 {
        %dma_wait3A_114 = arith.constant 0 : i32
        %dma_wait3A_115 = arith.constant 0 : i32
        %dma_wait3A_116 = tpu.memref_slice %arg4[%dma_wait3A_114, %dma_wait3A_115] : memref<160000x128xf32, #tpu.memory_space<hbm>> -> memref<128x128xf32, #tpu.memory_space<hbm>>
        %dma_wait3A_117 = arith.constant 0 : i32
        %dma_wait3A_118 = arith.constant 0 : i32
        %dma_wait3A_119 = tpu.memref_slice %arg4[%dma_wait3A_117, %dma_wait3A_118] : memref<160000x128xf32, #tpu.memory_space<hbm>> -> memref<128x128xf32, #tpu.memory_space<hbm>>
        tpu.wait_dma2 semaphore(%arg12 : memref<!tpu.dma_semaphore, #tpu.memory_space<semaphore_mem>>) src(%arg7 : memref<128x128xf32, #tpu.memory_space<vmem>>) dst(%dma_wait3A_119 : memref<128x128xf32, #tpu.memory_space<hbm>>)
      } else {
      }
      %dma_start3A_60 = arith.constant 0 : i32
      %dma_start3A_61 = arith.constant 0 : i32
      %dma_start3A_62 = tpu.memref_slice %arg2[%dma_start3A_60, %dma_start3A_61] : memref<10000x128xf32, #tpu.memory_space<hbm>> -> memref<10000x128xf32, #tpu.memory_space<hbm>>
      tpu.enqueue_indirect_dma source(%dma_start3A_62 : memref<10000x128xf32, #tpu.memory_space<hbm>>) target(%arg7 : memref<128x128xf32, #tpu.memory_space<vmem>>) offsets(%arg5 : memref<128xi32, #tpu.memory_space<vmem>>) semaphore(%arg11 : memref<!tpu.dma_semaphore, #tpu.memory_space<semaphore_mem>>)
      %dma_wait3A_63 = arith.constant 0 : i32
      %dma_wait3A_64 = arith.constant 0 : i32
      %dma_wait3A_65 = tpu.memref_slice %arg2[%dma_wait3A_63, %dma_wait3A_64] : memref<10000x128xf32, #tpu.memory_space<hbm>> -> memref<10000x128xf32, #tpu.memory_space<hbm>>
      tpu.wait_indirect_dma semaphore(%arg11 : memref<!tpu.dma_semaphore, #tpu.memory_space<semaphore_mem>>) src(%dma_wait3A_65 : memref<10000x128xf32, #tpu.memory_space<hbm>>) dst(%arg7 : memref<128x128xf32, #tpu.memory_space<vmem>>)
      %mul3A_66 = arith.constant 128 : i32
      %mul3A_67 = arith.muli %add3A_49, %mul3A_66 : i32
      %multiple_of3A_68 = tpu.assume_multiple %mul3A_67, 128 : i32
      %dma_start3A_69 = arith.constant 0 : i32
      %dma_start3A_70 = tpu.memref_slice %arg4[%multiple_of3A_68, %dma_start3A_69] : memref<160000x128xf32, #tpu.memory_space<hbm>> -> memref<128x128xf32, #tpu.memory_space<hbm>>
      %dma_start3A_71 = arith.constant 0 : i32
      %dma_start3A_72 = tpu.memref_slice %arg4[%multiple_of3A_68, %dma_start3A_71] : memref<160000x128xf32, #tpu.memory_space<hbm>> -> memref<128x128xf32, #tpu.memory_space<hbm>>
      tpu.enqueue_dma source(%arg7 : memref<128x128xf32, #tpu.memory_space<vmem>>) target(%dma_start3A_72 : memref<128x128xf32, #tpu.memory_space<hbm>>) target_semaphore(%arg12 : memref<!tpu.dma_semaphore, #tpu.memory_space<semaphore_mem>>)
      %lt3A_73 = arith.constant 18 : i32
      %lt3A_74 = arith.cmpi slt, %scan3A_42, %lt3A_73 : i32
      %convert_element_type3A_75 = arith.extui %lt3A_74 : i1 to i32
      %cond3A_76 = arith.constant 0 : i32
      %cond3A_77 = arith.cmpi ne, %convert_element_type3A_75, %cond3A_76 : i32
      scf.if %cond3A_77 {
        %add3A_114 = arith.constant 64 : i32
        %add3A_115 = arith.addi %add3A_49, %add3A_114 : i32
        %dma_start3A_116 = arith.constant 0 : i32
        %dma_start3A_117 = tpu.memref_slice %arg3[%add3A_115, %dma_start3A_116] : memref<1250x128xi32, #tpu.memory_space<hbm>> -> memref<1x128xi32, #tpu.memory_space<hbm>>
        %dma_start3A_118 = tpu.memref_squeeze %dma_start3A_117 : memref<1x128xi32, #tpu.memory_space<hbm>> -> memref<128xi32, #tpu.memory_space<hbm>>
        %dma_start3A_119 = arith.constant 0 : i32
        %dma_start3A_120 = tpu.memref_slice %arg3[%add3A_115, %dma_start3A_119] : memref<1250x128xi32, #tpu.memory_space<hbm>> -> memref<1x128xi32, #tpu.memory_space<hbm>>
        %dma_start3A_121 = tpu.memref_squeeze %dma_start3A_120 : memref<1x128xi32, #tpu.memory_space<hbm>> -> memref<128xi32, #tpu.memory_space<hbm>>
        tpu.enqueue_dma source(%dma_start3A_121 : memref<128xi32, #tpu.memory_space<hbm>>) target(%arg5 : memref<128xi32, #tpu.memory_space<vmem>>) target_semaphore(%arg9 : memref<!tpu.dma_semaphore, #tpu.memory_space<semaphore_mem>>)
      } else {
      }
      %mul3A_78 = arith.constant 2 : i32
      %mul3A_79 = arith.muli %mul3A_78, %scan3A_42 : i32
      %add3A_80 = arith.constant 1 : i32
      %add3A_81 = arith.addi %mul3A_79, %add3A_80 : i32
      %mul3A_82 = arith.constant 32 : i32
      %mul3A_83 = arith.muli %add3A_81, %mul3A_82 : i32
      %add3A_84 = arith.addi %mul3A_83, %add3A : i32
      %dma_wait3A_85 = arith.constant 0 : i32
      %dma_wait3A_86 = tpu.memref_slice %arg3[%add3A_84, %dma_wait3A_85] : memref<1250x128xi32, #tpu.memory_space<hbm>> -> memref<1x128xi32, #tpu.memory_space<hbm>>
      %dma_wait3A_87 = tpu.memref_squeeze %dma_wait3A_86 : memref<1x128xi32, #tpu.memory_space<hbm>> -> memref<128xi32, #tpu.memory_space<hbm>>
      %dma_wait3A_88 = arith.constant 0 : i32
      %dma_wait3A_89 = tpu.memref_slice %arg3[%add3A_84, %dma_wait3A_88] : memref<1250x128xi32, #tpu.memory_space<hbm>> -> memref<1x128xi32, #tpu.memory_space<hbm>>
      %dma_wait3A_90 = tpu.memref_squeeze %dma_wait3A_89 : memref<1x128xi32, #tpu.memory_space<hbm>> -> memref<128xi32, #tpu.memory_space<hbm>>
      tpu.wait_dma2 semaphore(%arg10 : memref<!tpu.dma_semaphore, #tpu.memory_space<semaphore_mem>>) src(%dma_wait3A_90 : memref<128xi32, #tpu.memory_space<hbm>>) dst(%arg6 : memref<128xi32, #tpu.memory_space<vmem>>)
      %ge3A_91 = arith.constant 1 : i32
      %ge3A_92 = arith.cmpi sge, %scan3A_42, %ge3A_91 : i32
      %convert_element_type3A_93 = arith.extui %ge3A_92 : i1 to i32
      %cond3A_94 = arith.constant 0 : i32
      %cond3A_95 = arith.cmpi ne, %convert_element_type3A_93, %cond3A_94 : i32
      scf.if %cond3A_95 {
        %dma_wait3A_114 = arith.constant 0 : i32
        %dma_wait3A_115 = arith.constant 0 : i32
        %dma_wait3A_116 = tpu.memref_slice %arg4[%dma_wait3A_114, %dma_wait3A_115] : memref<160000x128xf32, #tpu.memory_space<hbm>> -> memref<128x128xf32, #tpu.memory_space<hbm>>
        %dma_wait3A_117 = arith.constant 0 : i32
        %dma_wait3A_118 = arith.constant 0 : i32
        %dma_wait3A_119 = tpu.memref_slice %arg4[%dma_wait3A_117, %dma_wait3A_118] : memref<160000x128xf32, #tpu.memory_space<hbm>> -> memref<128x128xf32, #tpu.memory_space<hbm>>
        tpu.wait_dma2 semaphore(%arg13 : memref<!tpu.dma_semaphore, #tpu.memory_space<semaphore_mem>>) src(%arg8 : memref<128x128xf32, #tpu.memory_space<vmem>>) dst(%dma_wait3A_119 : memref<128x128xf32, #tpu.memory_space<hbm>>)
      } else {
      }
      %dma_start3A_96 = arith.constant 0 : i32
      %dma_start3A_97 = arith.constant 0 : i32
      %dma_start3A_98 = tpu.memref_slice %arg2[%dma_start3A_96, %dma_start3A_97] : memref<10000x128xf32, #tpu.memory_space<hbm>> -> memref<10000x128xf32, #tpu.memory_space<hbm>>
      tpu.enqueue_indirect_dma source(%dma_start3A_98 : memref<10000x128xf32, #tpu.memory_space<hbm>>) target(%arg8 : memref<128x128xf32, #tpu.memory_space<vmem>>) offsets(%arg6 : memref<128xi32, #tpu.memory_space<vmem>>) semaphore(%arg11 : memref<!tpu.dma_semaphore, #tpu.memory_space<semaphore_mem>>)
      %dma_wait3A_99 = arith.constant 0 : i32
      %dma_wait3A_100 = arith.constant 0 : i32
      %dma_wait3A_101 = tpu.memref_slice %arg2[%dma_wait3A_99, %dma_wait3A_100] : memref<10000x128xf32, #tpu.memory_space<hbm>> -> memref<10000x128xf32, #tpu.memory_space<hbm>>
      tpu.wait_indirect_dma semaphore(%arg11 : memref<!tpu.dma_semaphore, #tpu.memory_space<semaphore_mem>>) src(%dma_wait3A_101 : memref<10000x128xf32, #tpu.memory_space<hbm>>) dst(%arg8 : memref<128x128xf32, #tpu.memory_space<vmem>>)
      %mul3A_102 = arith.constant 128 : i32
      %mul3A_103 = arith.muli %add3A_84, %mul3A_102 : i32
      %multiple_of3A_104 = tpu.assume_multiple %mul3A_103, 128 : i32
      %dma_start3A_105 = arith.constant 0 : i32
      %dma_start3A_106 = tpu.memref_slice %arg4[%multiple_of3A_104, %dma_start3A_105] : memref<160000x128xf32, #tpu.memory_space<hbm>> -> memref<128x128xf32, #tpu.memory_space<hbm>>
      %dma_start3A_107 = arith.constant 0 : i32
      %dma_start3A_108 = tpu.memref_slice %arg4[%multiple_of3A_104, %dma_start3A_107] : memref<160000x128xf32, #tpu.memory_space<hbm>> -> memref<128x128xf32, #tpu.memory_space<hbm>>
      tpu.enqueue_dma source(%arg8 : memref<128x128xf32, #tpu.memory_space<vmem>>) target(%dma_start3A_108 : memref<128x128xf32, #tpu.memory_space<hbm>>) target_semaphore(%arg13 : memref<!tpu.dma_semaphore, #tpu.memory_space<semaphore_mem>>)
      %lt3A_109 = arith.constant 18 : i32
      %lt3A_110 = arith.cmpi slt, %scan3A_42, %lt3A_109 : i32
      %convert_element_type3A_111 = arith.extui %lt3A_110 : i1 to i32
      %cond3A_112 = arith.constant 0 : i32
      %cond3A_113 = arith.cmpi ne, %convert_element_type3A_111, %cond3A_112 : i32
      scf.if %cond3A_113 {
        %add3A_114 = arith.constant 64 : i32
        %add3A_115 = arith.addi %add3A_84, %add3A_114 : i32
        %dma_start3A_116 = arith.constant 0 : i32
        %dma_start3A_117 = tpu.memref_slice %arg3[%add3A_115, %dma_start3A_116] : memref<1250x128xi32, #tpu.memory_space<hbm>> -> memref<1x128xi32, #tpu.memory_space<hbm>>
        %dma_start3A_118 = tpu.memref_squeeze %dma_start3A_117 : memref<1x128xi32, #tpu.memory_space<hbm>> -> memref<128xi32, #tpu.memory_space<hbm>>
        %dma_start3A_119 = arith.constant 0 : i32
        %dma_start3A_120 = tpu.memref_slice %arg3[%add3A_115, %dma_start3A_119] : memref<1250x128xi32, #tpu.memory_space<hbm>> -> memref<1x128xi32, #tpu.memory_space<hbm>>
        %dma_start3A_121 = tpu.memref_squeeze %dma_start3A_120 : memref<1x128xi32, #tpu.memory_space<hbm>> -> memref<128xi32, #tpu.memory_space<hbm>>
        tpu.enqueue_dma source(%dma_start3A_121 : memref<128xi32, #tpu.memory_space<hbm>>) target(%arg6 : memref<128xi32, #tpu.memory_space<vmem>>) target_semaphore(%arg10 : memref<!tpu.dma_semaphore, #tpu.memory_space<semaphore_mem>>)
      } else {
      }
    }
    %scan3A_18 = arith.constant 19 : i32
    %dma_wait3A = arith.constant 0 : i32
    %dma_wait3A_19 = arith.constant 0 : i32
    %dma_wait3A_20 = tpu.memref_slice %arg4[%dma_wait3A, %dma_wait3A_19] : memref<160000x128xf32, #tpu.memory_space<hbm>> -> memref<128x128xf32, #tpu.memory_space<hbm>>
    %dma_wait3A_21 = arith.constant 0 : i32
    %dma_wait3A_22 = arith.constant 0 : i32
    %dma_wait3A_23 = tpu.memref_slice %arg4[%dma_wait3A_21, %dma_wait3A_22] : memref<160000x128xf32, #tpu.memory_space<hbm>> -> memref<128x128xf32, #tpu.memory_space<hbm>>
    tpu.wait_dma2 semaphore(%arg12 : memref<!tpu.dma_semaphore, #tpu.memory_space<semaphore_mem>>) src(%arg7 : memref<128x128xf32, #tpu.memory_space<vmem>>) dst(%dma_wait3A_23 : memref<128x128xf32, #tpu.memory_space<hbm>>)
    %dma_wait3A_24 = arith.constant 0 : i32
    %dma_wait3A_25 = arith.constant 0 : i32
    %dma_wait3A_26 = tpu.memref_slice %arg4[%dma_wait3A_24, %dma_wait3A_25] : memref<160000x128xf32, #tpu.memory_space<hbm>> -> memref<128x128xf32, #tpu.memory_space<hbm>>
    %dma_wait3A_27 = arith.constant 0 : i32
    %dma_wait3A_28 = arith.constant 0 : i32
    %dma_wait3A_29 = tpu.memref_slice %arg4[%dma_wait3A_27, %dma_wait3A_28] : memref<160000x128xf32, #tpu.memory_space<hbm>> -> memref<128x128xf32, #tpu.memory_space<hbm>>
    tpu.wait_dma2 semaphore(%arg13 : memref<!tpu.dma_semaphore, #tpu.memory_space<semaphore_mem>>) src(%arg8 : memref<128x128xf32, #tpu.memory_space<vmem>>) dst(%dma_wait3A_29 : memref<128x128xf32, #tpu.memory_space<hbm>>)
    %add3A_30 = arith.constant 1216 : i32
    %add3A_31 = arith.addi %add3A_30, %add3A : i32
    "tpu.region"() ({
      %run_scoped3A = tpu.sem_alloc : memref<!tpu.dma_semaphore, #tpu.memory_space<semaphore_mem>>
      %dma_start3A_42 = arith.constant 0 : i32
      %dma_start3A_43 = tpu.memref_slice %arg3[%add3A_31, %dma_start3A_42] : memref<1250x128xi32, #tpu.memory_space<hbm>> -> memref<1x128xi32, #tpu.memory_space<hbm>>
      %dma_start3A_44 = tpu.memref_squeeze %dma_start3A_43 : memref<1x128xi32, #tpu.memory_space<hbm>> -> memref<128xi32, #tpu.memory_space<hbm>>
      %dma_start3A_45 = arith.constant 0 : i32
      %dma_start3A_46 = tpu.memref_slice %arg3[%add3A_31, %dma_start3A_45] : memref<1250x128xi32, #tpu.memory_space<hbm>> -> memref<1x128xi32, #tpu.memory_space<hbm>>
      %dma_start3A_47 = tpu.memref_squeeze %dma_start3A_46 : memref<1x128xi32, #tpu.memory_space<hbm>> -> memref<128xi32, #tpu.memory_space<hbm>>
      tpu.enqueue_dma source(%dma_start3A_47 : memref<128xi32, #tpu.memory_space<hbm>>) target(%arg5 : memref<128xi32, #tpu.memory_space<vmem>>) target_semaphore(%run_scoped3A : memref<!tpu.dma_semaphore, #tpu.memory_space<semaphore_mem>>)
      %dma_wait3A_48 = arith.constant 0 : i32
      %dma_wait3A_49 = tpu.memref_slice %arg3[%add3A_31, %dma_wait3A_48] : memref<1250x128xi32, #tpu.memory_space<hbm>> -> memref<1x128xi32, #tpu.memory_space<hbm>>
      %dma_wait3A_50 = tpu.memref_squeeze %dma_wait3A_49 : memref<1x128xi32, #tpu.memory_space<hbm>> -> memref<128xi32, #tpu.memory_space<hbm>>
      %dma_wait3A_51 = arith.constant 0 : i32
      %dma_wait3A_52 = tpu.memref_slice %arg3[%add3A_31, %dma_wait3A_51] : memref<1250x128xi32, #tpu.memory_space<hbm>> -> memref<1x128xi32, #tpu.memory_space<hbm>>
      %dma_wait3A_53 = tpu.memref_squeeze %dma_wait3A_52 : memref<1x128xi32, #tpu.memory_space<hbm>> -> memref<128xi32, #tpu.memory_space<hbm>>
      tpu.wait_dma2 semaphore(%run_scoped3A : memref<!tpu.dma_semaphore, #tpu.memory_space<semaphore_mem>>) src(%dma_wait3A_53 : memref<128xi32, #tpu.memory_space<hbm>>) dst(%arg5 : memref<128xi32, #tpu.memory_space<vmem>>)
      tpu.yield
    }) : () -> ()
    %dma_start3A_32 = arith.constant 0 : i32
    %dma_start3A_33 = arith.constant 0 : i32
    %dma_start3A_34 = tpu.memref_slice %arg2[%dma_start3A_32, %dma_start3A_33] : memref<10000x128xf32, #tpu.memory_space<hbm>> -> memref<10000x128xf32, #tpu.memory_space<hbm>>
    tpu.enqueue_indirect_dma source(%dma_start3A_34 : memref<10000x128xf32, #tpu.memory_space<hbm>>) target(%arg7 : memref<128x128xf32, #tpu.memory_space<vmem>>) offsets(%arg5 : memref<128xi32, #tpu.memory_space<vmem>>) semaphore(%arg11 : memref<!tpu.dma_semaphore, #tpu.memory_space<semaphore_mem>>)
    %dma_wait3A_35 = arith.constant 0 : i32
    %dma_wait3A_36 = arith.constant 0 : i32
    %dma_wait3A_37 = tpu.memref_slice %arg2[%dma_wait3A_35, %dma_wait3A_36] : memref<10000x128xf32, #tpu.memory_space<hbm>> -> memref<10000x128xf32, #tpu.memory_space<hbm>>
    tpu.wait_indirect_dma semaphore(%arg11 : memref<!tpu.dma_semaphore, #tpu.memory_space<semaphore_mem>>) src(%dma_wait3A_37 : memref<10000x128xf32, #tpu.memory_space<hbm>>) dst(%arg7 : memref<128x128xf32, #tpu.memory_space<vmem>>)
    %mul3A_38 = arith.constant 128 : i32
    %mul3A_39 = arith.muli %add3A_31, %mul3A_38 : i32
    %multiple_of3A = tpu.assume_multiple %mul3A_39, 128 : i32
    "tpu.region"() ({
      %run_scoped3A = tpu.sem_alloc : memref<!tpu.dma_semaphore, #tpu.memory_space<semaphore_mem>>
      %dma_start3A_42 = arith.constant 0 : i32
      %dma_start3A_43 = tpu.memref_slice %arg4[%multiple_of3A, %dma_start3A_42] : memref<160000x128xf32, #tpu.memory_space<hbm>> -> memref<128x128xf32, #tpu.memory_space<hbm>>
      %dma_start3A_44 = arith.constant 0 : i32
      %dma_start3A_45 = tpu.memref_slice %arg4[%multiple_of3A, %dma_start3A_44] : memref<160000x128xf32, #tpu.memory_space<hbm>> -> memref<128x128xf32, #tpu.memory_space<hbm>>
      tpu.enqueue_dma source(%arg7 : memref<128x128xf32, #tpu.memory_space<vmem>>) target(%dma_start3A_45 : memref<128x128xf32, #tpu.memory_space<hbm>>) target_semaphore(%run_scoped3A : memref<!tpu.dma_semaphore, #tpu.memory_space<semaphore_mem>>)
      %dma_wait3A_46 = arith.constant 0 : i32
      %dma_wait3A_47 = tpu.memref_slice %arg4[%multiple_of3A, %dma_wait3A_46] : memref<160000x128xf32, #tpu.memory_space<hbm>> -> memref<128x128xf32, #tpu.memory_space<hbm>>
      %dma_wait3A_48 = arith.constant 0 : i32
      %dma_wait3A_49 = tpu.memref_slice %arg4[%multiple_of3A, %dma_wait3A_48] : memref<160000x128xf32, #tpu.memory_space<hbm>> -> memref<128x128xf32, #tpu.memory_space<hbm>>
      tpu.wait_dma2 semaphore(%run_scoped3A : memref<!tpu.dma_semaphore, #tpu.memory_space<semaphore_mem>>) src(%arg7 : memref<128x128xf32, #tpu.memory_space<vmem>>) dst(%dma_wait3A_49 : memref<128x128xf32, #tpu.memory_space<hbm>>)
      tpu.yield
    }) : () -> ()
    %lt3A = arith.constant 2 : i32
    %lt3A_40 = arith.cmpi slt, %add3A, %lt3A : i32
    %convert_element_type3A = arith.extui %lt3A_40 : i1 to i32
    %cond3A = arith.constant 0 : i32
    %cond3A_41 = arith.cmpi ne, %convert_element_type3A, %cond3A : i32
    scf.if %cond3A_41 {
      %add3A_42 = arith.constant 1248 : i32
      %add3A_43 = arith.addi %add3A_42, %add3A : i32
      "tpu.region"() ({
        %run_scoped3A = tpu.sem_alloc : memref<!tpu.dma_semaphore, #tpu.memory_space<semaphore_mem>>
        %dma_start3A_53 = arith.constant 0 : i32
        %dma_start3A_54 = tpu.memref_slice %arg3[%add3A_43, %dma_start3A_53] : memref<1250x128xi32, #tpu.memory_space<hbm>> -> memref<1x128xi32, #tpu.memory_space<hbm>>
        %dma_start3A_55 = tpu.memref_squeeze %dma_start3A_54 : memref<1x128xi32, #tpu.memory_space<hbm>> -> memref<128xi32, #tpu.memory_space<hbm>>
        %dma_start3A_56 = arith.constant 0 : i32
        %dma_start3A_57 = tpu.memref_slice %arg3[%add3A_43, %dma_start3A_56] : memref<1250x128xi32, #tpu.memory_space<hbm>> -> memref<1x128xi32, #tpu.memory_space<hbm>>
        %dma_start3A_58 = tpu.memref_squeeze %dma_start3A_57 : memref<1x128xi32, #tpu.memory_space<hbm>> -> memref<128xi32, #tpu.memory_space<hbm>>
        tpu.enqueue_dma source(%dma_start3A_58 : memref<128xi32, #tpu.memory_space<hbm>>) target(%arg5 : memref<128xi32, #tpu.memory_space<vmem>>) target_semaphore(%run_scoped3A : memref<!tpu.dma_semaphore, #tpu.memory_space<semaphore_mem>>)
        %dma_wait3A_59 = arith.constant 0 : i32
        %dma_wait3A_60 = tpu.memref_slice %arg3[%add3A_43, %dma_wait3A_59] : memref<1250x128xi32, #tpu.memory_space<hbm>> -> memref<1x128xi32, #tpu.memory_space<hbm>>
        %dma_wait3A_61 = tpu.memref_squeeze %dma_wait3A_60 : memref<1x128xi32, #tpu.memory_space<hbm>> -> memref<128xi32, #tpu.memory_space<hbm>>
        %dma_wait3A_62 = arith.constant 0 : i32
        %dma_wait3A_63 = tpu.memref_slice %arg3[%add3A_43, %dma_wait3A_62] : memref<1250x128xi32, #tpu.memory_space<hbm>> -> memref<1x128xi32, #tpu.memory_space<hbm>>
        %dma_wait3A_64 = tpu.memref_squeeze %dma_wait3A_63 : memref<1x128xi32, #tpu.memory_space<hbm>> -> memref<128xi32, #tpu.memory_space<hbm>>
        tpu.wait_dma2 semaphore(%run_scoped3A : memref<!tpu.dma_semaphore, #tpu.memory_space<semaphore_mem>>) src(%dma_wait3A_64 : memref<128xi32, #tpu.memory_space<hbm>>) dst(%arg5 : memref<128xi32, #tpu.memory_space<vmem>>)
        tpu.yield
      }) : () -> ()
      %dma_start3A_44 = arith.constant 0 : i32
      %dma_start3A_45 = arith.constant 0 : i32
      %dma_start3A_46 = tpu.memref_slice %arg2[%dma_start3A_44, %dma_start3A_45] : memref<10000x128xf32, #tpu.memory_space<hbm>> -> memref<10000x128xf32, #tpu.memory_space<hbm>>
      tpu.enqueue_indirect_dma source(%dma_start3A_46 : memref<10000x128xf32, #tpu.memory_space<hbm>>) target(%arg7 : memref<128x128xf32, #tpu.memory_space<vmem>>) offsets(%arg5 : memref<128xi32, #tpu.memory_space<vmem>>) semaphore(%arg11 : memref<!tpu.dma_semaphore, #tpu.memory_space<semaphore_mem>>)
      %dma_wait3A_47 = arith.constant 0 : i32
      %dma_wait3A_48 = arith.constant 0 : i32
      %dma_wait3A_49 = tpu.memref_slice %arg2[%dma_wait3A_47, %dma_wait3A_48] : memref<10000x128xf32, #tpu.memory_space<hbm>> -> memref<10000x128xf32, #tpu.memory_space<hbm>>
      tpu.wait_indirect_dma semaphore(%arg11 : memref<!tpu.dma_semaphore, #tpu.memory_space<semaphore_mem>>) src(%dma_wait3A_49 : memref<10000x128xf32, #tpu.memory_space<hbm>>) dst(%arg7 : memref<128x128xf32, #tpu.memory_space<vmem>>)
      %mul3A_50 = arith.constant 128 : i32
      %mul3A_51 = arith.muli %add3A_43, %mul3A_50 : i32
      %multiple_of3A_52 = tpu.assume_multiple %mul3A_51, 128 : i32
      "tpu.region"() ({
        %run_scoped3A = tpu.sem_alloc : memref<!tpu.dma_semaphore, #tpu.memory_space<semaphore_mem>>
        %dma_start3A_53 = arith.constant 0 : i32
        %dma_start3A_54 = tpu.memref_slice %arg4[%multiple_of3A_52, %dma_start3A_53] : memref<160000x128xf32, #tpu.memory_space<hbm>> -> memref<128x128xf32, #tpu.memory_space<hbm>>
        %dma_start3A_55 = arith.constant 0 : i32
        %dma_start3A_56 = tpu.memref_slice %arg4[%multiple_of3A_52, %dma_start3A_55] : memref<160000x128xf32, #tpu.memory_space<hbm>> -> memref<128x128xf32, #tpu.memory_space<hbm>>
        tpu.enqueue_dma source(%arg7 : memref<128x128xf32, #tpu.memory_space<vmem>>) target(%dma_start3A_56 : memref<128x128xf32, #tpu.memory_space<hbm>>) target_semaphore(%run_scoped3A : memref<!tpu.dma_semaphore, #tpu.memory_space<semaphore_mem>>)
        %dma_wait3A_57 = arith.constant 0 : i32
        %dma_wait3A_58 = tpu.memref_slice %arg4[%multiple_of3A_52, %dma_wait3A_57] : memref<160000x128xf32, #tpu.memory_space<hbm>> -> memref<128x128xf32, #tpu.memory_space<hbm>>
        %dma_wait3A_59 = arith.constant 0 : i32
        %dma_wait3A_60 = tpu.memref_slice %arg4[%multiple_of3A_52, %dma_wait3A_59] : memref<160000x128xf32, #tpu.memory_space<hbm>> -> memref<128x128xf32, #tpu.memory_space<hbm>>
        tpu.wait_dma2 semaphore(%run_scoped3A : memref<!tpu.dma_semaphore, #tpu.memory_space<semaphore_mem>>) src(%arg7 : memref<128x128xf32, #tpu.memory_space<vmem>>) dst(%dma_wait3A_60 : memref<128x128xf32, #tpu.memory_space<hbm>>)
        tpu.yield
      }) : () -> ()
    } else {
    }
    return
  }
}

#map = affine_map<(d0, d1) -> (0, 0)>
module attributes {stable_mosaic.version = 14 : i64} {
  func.func @_sc_gather_body(%arg0: i32, %arg1: i32, %arg2: memref<10000x128xf32, #tpu.memory_space<hbm>>, %arg3: memref<1250x128xi32, #tpu.memory_space<hbm>>, %arg4: memref<160000x128xf32, #tpu.memory_space<hbm>>, %arg5: memref<128xi32, #tpu.memory_space<vmem>>, %arg6: memref<128xi32, #tpu.memory_space<vmem>>, %arg7: memref<128x128xf32, #tpu.memory_space<vmem>>, %arg8: memref<128x128xf32, #tpu.memory_space<vmem>>, %arg9: memref<!tpu.dma_semaphore, #tpu.memory_space<semaphore_mem>>, %arg10: memref<!tpu.dma_semaphore, #tpu.memory_space<semaphore_mem>>, %arg11: memref<!tpu.dma_semaphore, #tpu.memory_space<semaphore_mem>>, %arg12: memref<!tpu.dma_semaphore, #tpu.memory_space<semaphore_mem>>, %arg13: memref<!tpu.dma_semaphore, #tpu.memory_space<semaphore_mem>>) attributes {dimension_semantics = [#tpu.dimension_semantics<core_parallel>, #tpu.dimension_semantics<subcore_parallel>], iteration_bounds = array<i64: 2, 16>, scalar_prefetch = 0 : i64, scratch_operands = 9 : i64, tpu.core_type = #tpu.core_type<sc_vector_subcore>, window_params = [{transform_indices = #map}, {transform_indices = #map}, {transform_indices = #map}]} {
    %mul3A = arith.constant 2 : i32
    %mul3A_0 = arith.muli %arg1, %mul3A : i32
    %add3A = arith.addi %mul3A_0, %arg0 : i32
    %dma_start3A = arith.constant 0 : i32
    %dma_start3A_1 = tpu.memref_slice %arg3[%add3A, %dma_start3A] : memref<1250x128xi32, #tpu.memory_space<hbm>> -> memref<1x128xi32, #tpu.memory_space<hbm>>
    %dma_start3A_2 = tpu.memref_squeeze %dma_start3A_1 : memref<1x128xi32, #tpu.memory_space<hbm>> -> memref<128xi32, #tpu.memory_space<hbm>>
    %dma_start3A_3 = arith.constant 0 : i32
    %dma_start3A_4 = tpu.memref_slice %arg3[%add3A, %dma_start3A_3] : memref<1250x128xi32, #tpu.memory_space<hbm>> -> memref<1x128xi32, #tpu.memory_space<hbm>>
    %dma_start3A_5 = tpu.memref_squeeze %dma_start3A_4 : memref<1x128xi32, #tpu.memory_space<hbm>> -> memref<128xi32, #tpu.memory_space<hbm>>
    tpu.enqueue_dma source(%dma_start3A_5 : memref<128xi32, #tpu.memory_space<hbm>>) target(%arg5 : memref<128xi32, #tpu.memory_space<vmem>>) target_semaphore(%arg9 : memref<!tpu.dma_semaphore, #tpu.memory_space<semaphore_mem>>)
    %add3A_6 = arith.constant 32 : i32
    %add3A_7 = arith.addi %add3A_6, %add3A : i32
    %dma_start3A_8 = arith.constant 0 : i32
    %dma_start3A_9 = tpu.memref_slice %arg3[%add3A_7, %dma_start3A_8] : memref<1250x128xi32, #tpu.memory_space<hbm>> -> memref<1x128xi32, #tpu.memory_space<hbm>>
    %dma_start3A_10 = tpu.memref_squeeze %dma_start3A_9 : memref<1x128xi32, #tpu.memory_space<hbm>> -> memref<128xi32, #tpu.memory_space<hbm>>
    %dma_start3A_11 = arith.constant 0 : i32
    %dma_start3A_12 = tpu.memref_slice %arg3[%add3A_7, %dma_start3A_11] : memref<1250x128xi32, #tpu.memory_space<hbm>> -> memref<1x128xi32, #tpu.memory_space<hbm>>
    %dma_start3A_13 = tpu.memref_squeeze %dma_start3A_12 : memref<1x128xi32, #tpu.memory_space<hbm>> -> memref<128xi32, #tpu.memory_space<hbm>>
    tpu.enqueue_dma source(%dma_start3A_13 : memref<128xi32, #tpu.memory_space<hbm>>) target(%arg6 : memref<128xi32, #tpu.memory_space<vmem>>) target_semaphore(%arg10 : memref<!tpu.dma_semaphore, #tpu.memory_space<semaphore_mem>>)
    %scan3A = arith.constant 0 : i32
    %scan3A_14 = arith.constant 0 : i32
    %scan3A_15 = arith.constant 19 : i32
    %scan3A_16 = arith.addi %scan3A_14, %scan3A_15 : i32
    %scan3A_17 = arith.constant 1 : i32
    scf.for %scan3A_42 = %scan3A_14 to %scan3A_16 step %scan3A_17  : i32 {
      %mul3A_43 = arith.constant 2 : i32
      %mul3A_44 = arith.muli %mul3A_43, %scan3A_42 : i32
      %add3A_45 = arith.constant 0 : i32
      %add3A_46 = arith.addi %mul3A_44, %add3A_45 : i32
      %mul3A_47 = arith.constant 32 : i32
      %mul3A_48 = arith.muli %add3A_46, %mul3A_47 : i32
      %add3A_49 = arith.addi %mul3A_48, %add3A : i32
      %dma_wait3A_50 = arith.constant 0 : i32
      %dma_wait3A_51 = tpu.memref_slice %arg3[%add3A_49, %dma_wait3A_50] : memref<1250x128xi32, #tpu.memory_space<hbm>> -> memref<1x128xi32, #tpu.memory_space<hbm>>
      %dma_wait3A_52 = tpu.memref_squeeze %dma_wait3A_51 : memref<1x128xi32, #tpu.memory_space<hbm>> -> memref<128xi32, #tpu.memory_space<hbm>>
      %dma_wait3A_53 = arith.constant 0 : i32
      %dma_wait3A_54 = tpu.memref_slice %arg3[%add3A_49, %dma_wait3A_53] : memref<1250x128xi32, #tpu.memory_space<hbm>> -> memref<1x128xi32, #tpu.memory_space<hbm>>
      %dma_wait3A_55 = tpu.memref_squeeze %dma_wait3A_54 : memref<1x128xi32, #tpu.memory_space<hbm>> -> memref<128xi32, #tpu.memory_space<hbm>>
      tpu.wait_dma2 semaphore(%arg9 : memref<!tpu.dma_semaphore, #tpu.memory_space<semaphore_mem>>) src(%dma_wait3A_55 : memref<128xi32, #tpu.memory_space<hbm>>) dst(%arg5 : memref<128xi32, #tpu.memory_space<vmem>>)
      %ge3A = arith.constant 1 : i32
      %ge3A_56 = arith.cmpi sge, %scan3A_42, %ge3A : i32
      %convert_element_type3A_57 = arith.extui %ge3A_56 : i1 to i32
      %cond3A_58 = arith.constant 0 : i32
      %cond3A_59 = arith.cmpi ne, %convert_element_type3A_57, %cond3A_58 : i32
      scf.if %cond3A_59 {
        %dma_wait3A_114 = arith.constant 0 : i32
        %dma_wait3A_115 = arith.constant 0 : i32
        %dma_wait3A_116 = tpu.memref_slice %arg4[%dma_wait3A_114, %dma_wait3A_115] : memref<160000x128xf32, #tpu.memory_space<hbm>> -> memref<128x128xf32, #tpu.memory_space<hbm>>
        %dma_wait3A_117 = arith.constant 0 : i32
        %dma_wait3A_118 = arith.constant 0 : i32
        %dma_wait3A_119 = tpu.memref_slice %arg4[%dma_wait3A_117, %dma_wait3A_118] : memref<160000x128xf32, #tpu.memory_space<hbm>> -> memref<128x128xf32, #tpu.memory_space<hbm>>
        tpu.wait_dma2 semaphore(%arg12 : memref<!tpu.dma_semaphore, #tpu.memory_space<semaphore_mem>>) src(%arg7 : memref<128x128xf32, #tpu.memory_space<vmem>>) dst(%dma_wait3A_119 : memref<128x128xf32, #tpu.memory_space<hbm>>)
      } else {
      }
      %dma_start3A_60 = arith.constant 0 : i32
      %dma_start3A_61 = arith.constant 0 : i32
      %dma_start3A_62 = tpu.memref_slice %arg2[%dma_start3A_60, %dma_start3A_61] : memref<10000x128xf32, #tpu.memory_space<hbm>> -> memref<10000x128xf32, #tpu.memory_space<hbm>>
      tpu.enqueue_indirect_dma source(%dma_start3A_62 : memref<10000x128xf32, #tpu.memory_space<hbm>>) target(%arg7 : memref<128x128xf32, #tpu.memory_space<vmem>>) offsets(%arg5 : memref<128xi32, #tpu.memory_space<vmem>>) semaphore(%arg11 : memref<!tpu.dma_semaphore, #tpu.memory_space<semaphore_mem>>)
      %dma_wait3A_63 = arith.constant 0 : i32
      %dma_wait3A_64 = arith.constant 0 : i32
      %dma_wait3A_65 = tpu.memref_slice %arg2[%dma_wait3A_63, %dma_wait3A_64] : memref<10000x128xf32, #tpu.memory_space<hbm>> -> memref<10000x128xf32, #tpu.memory_space<hbm>>
      tpu.wait_indirect_dma semaphore(%arg11 : memref<!tpu.dma_semaphore, #tpu.memory_space<semaphore_mem>>) src(%dma_wait3A_65 : memref<10000x128xf32, #tpu.memory_space<hbm>>) dst(%arg7 : memref<128x128xf32, #tpu.memory_space<vmem>>)
      %mul3A_66 = arith.constant 128 : i32
      %mul3A_67 = arith.muli %add3A_49, %mul3A_66 : i32
      %multiple_of3A_68 = tpu.assume_multiple %mul3A_67, 128 : i32
      %dma_start3A_69 = arith.constant 0 : i32
      %dma_start3A_70 = tpu.memref_slice %arg4[%multiple_of3A_68, %dma_start3A_69] : memref<160000x128xf32, #tpu.memory_space<hbm>> -> memref<128x128xf32, #tpu.memory_space<hbm>>
      %dma_start3A_71 = arith.constant 0 : i32
      %dma_start3A_72 = tpu.memref_slice %arg4[%multiple_of3A_68, %dma_start3A_71] : memref<160000x128xf32, #tpu.memory_space<hbm>> -> memref<128x128xf32, #tpu.memory_space<hbm>>
      tpu.enqueue_dma source(%arg7 : memref<128x128xf32, #tpu.memory_space<vmem>>) target(%dma_start3A_72 : memref<128x128xf32, #tpu.memory_space<hbm>>) target_semaphore(%arg12 : memref<!tpu.dma_semaphore, #tpu.memory_space<semaphore_mem>>)
      %lt3A_73 = arith.constant 18 : i32
      %lt3A_74 = arith.cmpi slt, %scan3A_42, %lt3A_73 : i32
      %convert_element_type3A_75 = arith.extui %lt3A_74 : i1 to i32
      %cond3A_76 = arith.constant 0 : i32
      %cond3A_77 = arith.cmpi ne, %convert_element_type3A_75, %cond3A_76 : i32
      scf.if %cond3A_77 {
        %add3A_114 = arith.constant 64 : i32
        %add3A_115 = arith.addi %add3A_49, %add3A_114 : i32
        %dma_start3A_116 = arith.constant 0 : i32
        %dma_start3A_117 = tpu.memref_slice %arg3[%add3A_115, %dma_start3A_116] : memref<1250x128xi32, #tpu.memory_space<hbm>> -> memref<1x128xi32, #tpu.memory_space<hbm>>
        %dma_start3A_118 = tpu.memref_squeeze %dma_start3A_117 : memref<1x128xi32, #tpu.memory_space<hbm>> -> memref<128xi32, #tpu.memory_space<hbm>>
        %dma_start3A_119 = arith.constant 0 : i32
        %dma_start3A_120 = tpu.memref_slice %arg3[%add3A_115, %dma_start3A_119] : memref<1250x128xi32, #tpu.memory_space<hbm>> -> memref<1x128xi32, #tpu.memory_space<hbm>>
        %dma_start3A_121 = tpu.memref_squeeze %dma_start3A_120 : memref<1x128xi32, #tpu.memory_space<hbm>> -> memref<128xi32, #tpu.memory_space<hbm>>
        tpu.enqueue_dma source(%dma_start3A_121 : memref<128xi32, #tpu.memory_space<hbm>>) target(%arg5 : memref<128xi32, #tpu.memory_space<vmem>>) target_semaphore(%arg9 : memref<!tpu.dma_semaphore, #tpu.memory_space<semaphore_mem>>)
      } else {
      }
      %mul3A_78 = arith.constant 2 : i32
      %mul3A_79 = arith.muli %mul3A_78, %scan3A_42 : i32
      %add3A_80 = arith.constant 1 : i32
      %add3A_81 = arith.addi %mul3A_79, %add3A_80 : i32
      %mul3A_82 = arith.constant 32 : i32
      %mul3A_83 = arith.muli %add3A_81, %mul3A_82 : i32
      %add3A_84 = arith.addi %mul3A_83, %add3A : i32
      %dma_wait3A_85 = arith.constant 0 : i32
      %dma_wait3A_86 = tpu.memref_slice %arg3[%add3A_84, %dma_wait3A_85] : memref<1250x128xi32, #tpu.memory_space<hbm>> -> memref<1x128xi32, #tpu.memory_space<hbm>>
      %dma_wait3A_87 = tpu.memref_squeeze %dma_wait3A_86 : memref<1x128xi32, #tpu.memory_space<hbm>> -> memref<128xi32, #tpu.memory_space<hbm>>
      %dma_wait3A_88 = arith.constant 0 : i32
      %dma_wait3A_89 = tpu.memref_slice %arg3[%add3A_84, %dma_wait3A_88] : memref<1250x128xi32, #tpu.memory_space<hbm>> -> memref<1x128xi32, #tpu.memory_space<hbm>>
      %dma_wait3A_90 = tpu.memref_squeeze %dma_wait3A_89 : memref<1x128xi32, #tpu.memory_space<hbm>> -> memref<128xi32, #tpu.memory_space<hbm>>
      tpu.wait_dma2 semaphore(%arg10 : memref<!tpu.dma_semaphore, #tpu.memory_space<semaphore_mem>>) src(%dma_wait3A_90 : memref<128xi32, #tpu.memory_space<hbm>>) dst(%arg6 : memref<128xi32, #tpu.memory_space<vmem>>)
      %ge3A_91 = arith.constant 1 : i32
      %ge3A_92 = arith.cmpi sge, %scan3A_42, %ge3A_91 : i32
      %convert_element_type3A_93 = arith.extui %ge3A_92 : i1 to i32
      %cond3A_94 = arith.constant 0 : i32
      %cond3A_95 = arith.cmpi ne, %convert_element_type3A_93, %cond3A_94 : i32
      scf.if %cond3A_95 {
        %dma_wait3A_114 = arith.constant 0 : i32
        %dma_wait3A_115 = arith.constant 0 : i32
        %dma_wait3A_116 = tpu.memref_slice %arg4[%dma_wait3A_114, %dma_wait3A_115] : memref<160000x128xf32, #tpu.memory_space<hbm>> -> memref<128x128xf32, #tpu.memory_space<hbm>>
        %dma_wait3A_117 = arith.constant 0 : i32
        %dma_wait3A_118 = arith.constant 0 : i32
        %dma_wait3A_119 = tpu.memref_slice %arg4[%dma_wait3A_117, %dma_wait3A_118] : memref<160000x128xf32, #tpu.memory_space<hbm>> -> memref<128x128xf32, #tpu.memory_space<hbm>>
        tpu.wait_dma2 semaphore(%arg13 : memref<!tpu.dma_semaphore, #tpu.memory_space<semaphore_mem>>) src(%arg8 : memref<128x128xf32, #tpu.memory_space<vmem>>) dst(%dma_wait3A_119 : memref<128x128xf32, #tpu.memory_space<hbm>>)
      } else {
      }
      %dma_start3A_96 = arith.constant 0 : i32
      %dma_start3A_97 = arith.constant 0 : i32
      %dma_start3A_98 = tpu.memref_slice %arg2[%dma_start3A_96, %dma_start3A_97] : memref<10000x128xf32, #tpu.memory_space<hbm>> -> memref<10000x128xf32, #tpu.memory_space<hbm>>
      tpu.enqueue_indirect_dma source(%dma_start3A_98 : memref<10000x128xf32, #tpu.memory_space<hbm>>) target(%arg8 : memref<128x128xf32, #tpu.memory_space<vmem>>) offsets(%arg6 : memref<128xi32, #tpu.memory_space<vmem>>) semaphore(%arg11 : memref<!tpu.dma_semaphore, #tpu.memory_space<semaphore_mem>>)
      %dma_wait3A_99 = arith.constant 0 : i32
      %dma_wait3A_100 = arith.constant 0 : i32
      %dma_wait3A_101 = tpu.memref_slice %arg2[%dma_wait3A_99, %dma_wait3A_100] : memref<10000x128xf32, #tpu.memory_space<hbm>> -> memref<10000x128xf32, #tpu.memory_space<hbm>>
      tpu.wait_indirect_dma semaphore(%arg11 : memref<!tpu.dma_semaphore, #tpu.memory_space<semaphore_mem>>) src(%dma_wait3A_101 : memref<10000x128xf32, #tpu.memory_space<hbm>>) dst(%arg8 : memref<128x128xf32, #tpu.memory_space<vmem>>)
      %mul3A_102 = arith.constant 128 : i32
      %mul3A_103 = arith.muli %add3A_84, %mul3A_102 : i32
      %multiple_of3A_104 = tpu.assume_multiple %mul3A_103, 128 : i32
      %dma_start3A_105 = arith.constant 0 : i32
      %dma_start3A_106 = tpu.memref_slice %arg4[%multiple_of3A_104, %dma_start3A_105] : memref<160000x128xf32, #tpu.memory_space<hbm>> -> memref<128x128xf32, #tpu.memory_space<hbm>>
      %dma_start3A_107 = arith.constant 0 : i32
      %dma_start3A_108 = tpu.memref_slice %arg4[%multiple_of3A_104, %dma_start3A_107] : memref<160000x128xf32, #tpu.memory_space<hbm>> -> memref<128x128xf32, #tpu.memory_space<hbm>>
      tpu.enqueue_dma source(%arg8 : memref<128x128xf32, #tpu.memory_space<vmem>>) target(%dma_start3A_108 : memref<128x128xf32, #tpu.memory_space<hbm>>) target_semaphore(%arg13 : memref<!tpu.dma_semaphore, #tpu.memory_space<semaphore_mem>>)
      %lt3A_109 = arith.constant 18 : i32
      %lt3A_110 = arith.cmpi slt, %scan3A_42, %lt3A_109 : i32
      %convert_element_type3A_111 = arith.extui %lt3A_110 : i1 to i32
      %cond3A_112 = arith.constant 0 : i32
      %cond3A_113 = arith.cmpi ne, %convert_element_type3A_111, %cond3A_112 : i32
      scf.if %cond3A_113 {
        %add3A_114 = arith.constant 64 : i32
        %add3A_115 = arith.addi %add3A_84, %add3A_114 : i32
        %dma_start3A_116 = arith.constant 0 : i32
        %dma_start3A_117 = tpu.memref_slice %arg3[%add3A_115, %dma_start3A_116] : memref<1250x128xi32, #tpu.memory_space<hbm>> -> memref<1x128xi32, #tpu.memory_space<hbm>>
        %dma_start3A_118 = tpu.memref_squeeze %dma_start3A_117 : memref<1x128xi32, #tpu.memory_space<hbm>> -> memref<128xi32, #tpu.memory_space<hbm>>
        %dma_start3A_119 = arith.constant 0 : i32
        %dma_start3A_120 = tpu.memref_slice %arg3[%add3A_115, %dma_start3A_119] : memref<1250x128xi32, #tpu.memory_space<hbm>> -> memref<1x128xi32, #tpu.memory_space<hbm>>
        %dma_start3A_121 = tpu.memref_squeeze %dma_start3A_120 : memref<1x128xi32, #tpu.memory_space<hbm>> -> memref<128xi32, #tpu.memory_space<hbm>>
        tpu.enqueue_dma source(%dma_start3A_121 : memref<128xi32, #tpu.memory_space<hbm>>) target(%arg6 : memref<128xi32, #tpu.memory_space<vmem>>) target_semaphore(%arg10 : memref<!tpu.dma_semaphore, #tpu.memory_space<semaphore_mem>>)
      } else {
      }
    }
    %scan3A_18 = arith.constant 19 : i32
    %dma_wait3A = arith.constant 0 : i32
    %dma_wait3A_19 = arith.constant 0 : i32
    %dma_wait3A_20 = tpu.memref_slice %arg4[%dma_wait3A, %dma_wait3A_19] : memref<160000x128xf32, #tpu.memory_space<hbm>> -> memref<128x128xf32, #tpu.memory_space<hbm>>
    %dma_wait3A_21 = arith.constant 0 : i32
    %dma_wait3A_22 = arith.constant 0 : i32
    %dma_wait3A_23 = tpu.memref_slice %arg4[%dma_wait3A_21, %dma_wait3A_22] : memref<160000x128xf32, #tpu.memory_space<hbm>> -> memref<128x128xf32, #tpu.memory_space<hbm>>
    tpu.wait_dma2 semaphore(%arg12 : memref<!tpu.dma_semaphore, #tpu.memory_space<semaphore_mem>>) src(%arg7 : memref<128x128xf32, #tpu.memory_space<vmem>>) dst(%dma_wait3A_23 : memref<128x128xf32, #tpu.memory_space<hbm>>)
    %dma_wait3A_24 = arith.constant 0 : i32
    %dma_wait3A_25 = arith.constant 0 : i32
    %dma_wait3A_26 = tpu.memref_slice %arg4[%dma_wait3A_24, %dma_wait3A_25] : memref<160000x128xf32, #tpu.memory_space<hbm>> -> memref<128x128xf32, #tpu.memory_space<hbm>>
    %dma_wait3A_27 = arith.constant 0 : i32
    %dma_wait3A_28 = arith.constant 0 : i32
    %dma_wait3A_29 = tpu.memref_slice %arg4[%dma_wait3A_27, %dma_wait3A_28] : memref<160000x128xf32, #tpu.memory_space<hbm>> -> memref<128x128xf32, #tpu.memory_space<hbm>>
    tpu.wait_dma2 semaphore(%arg13 : memref<!tpu.dma_semaphore, #tpu.memory_space<semaphore_mem>>) src(%arg8 : memref<128x128xf32, #tpu.memory_space<vmem>>) dst(%dma_wait3A_29 : memref<128x128xf32, #tpu.memory_space<hbm>>)
    %add3A_30 = arith.constant 1216 : i32
    %add3A_31 = arith.addi %add3A_30, %add3A : i32
    "tpu.region"() ({
      %run_scoped3A = tpu.sem_alloc : memref<!tpu.dma_semaphore, #tpu.memory_space<semaphore_mem>>
      %dma_start3A_42 = arith.constant 0 : i32
      %dma_start3A_43 = tpu.memref_slice %arg3[%add3A_31, %dma_start3A_42] : memref<1250x128xi32, #tpu.memory_space<hbm>> -> memref<1x128xi32, #tpu.memory_space<hbm>>
      %dma_start3A_44 = tpu.memref_squeeze %dma_start3A_43 : memref<1x128xi32, #tpu.memory_space<hbm>> -> memref<128xi32, #tpu.memory_space<hbm>>
      %dma_start3A_45 = arith.constant 0 : i32
      %dma_start3A_46 = tpu.memref_slice %arg3[%add3A_31, %dma_start3A_45] : memref<1250x128xi32, #tpu.memory_space<hbm>> -> memref<1x128xi32, #tpu.memory_space<hbm>>
      %dma_start3A_47 = tpu.memref_squeeze %dma_start3A_46 : memref<1x128xi32, #tpu.memory_space<hbm>> -> memref<128xi32, #tpu.memory_space<hbm>>
      tpu.enqueue_dma source(%dma_start3A_47 : memref<128xi32, #tpu.memory_space<hbm>>) target(%arg5 : memref<128xi32, #tpu.memory_space<vmem>>) target_semaphore(%run_scoped3A : memref<!tpu.dma_semaphore, #tpu.memory_space<semaphore_mem>>)
      %dma_wait3A_48 = arith.constant 0 : i32
      %dma_wait3A_49 = tpu.memref_slice %arg3[%add3A_31, %dma_wait3A_48] : memref<1250x128xi32, #tpu.memory_space<hbm>> -> memref<1x128xi32, #tpu.memory_space<hbm>>
      %dma_wait3A_50 = tpu.memref_squeeze %dma_wait3A_49 : memref<1x128xi32, #tpu.memory_space<hbm>> -> memref<128xi32, #tpu.memory_space<hbm>>
      %dma_wait3A_51 = arith.constant 0 : i32
      %dma_wait3A_52 = tpu.memref_slice %arg3[%add3A_31, %dma_wait3A_51] : memref<1250x128xi32, #tpu.memory_space<hbm>> -> memref<1x128xi32, #tpu.memory_space<hbm>>
      %dma_wait3A_53 = tpu.memref_squeeze %dma_wait3A_52 : memref<1x128xi32, #tpu.memory_space<hbm>> -> memref<128xi32, #tpu.memory_space<hbm>>
      tpu.wait_dma2 semaphore(%run_scoped3A : memref<!tpu.dma_semaphore, #tpu.memory_space<semaphore_mem>>) src(%dma_wait3A_53 : memref<128xi32, #tpu.memory_space<hbm>>) dst(%arg5 : memref<128xi32, #tpu.memory_space<vmem>>)
      tpu.yield
    }) : () -> ()
    %dma_start3A_32 = arith.constant 0 : i32
    %dma_start3A_33 = arith.constant 0 : i32
    %dma_start3A_34 = tpu.memref_slice %arg2[%dma_start3A_32, %dma_start3A_33] : memref<10000x128xf32, #tpu.memory_space<hbm>> -> memref<10000x128xf32, #tpu.memory_space<hbm>>
    tpu.enqueue_indirect_dma source(%dma_start3A_34 : memref<10000x128xf32, #tpu.memory_space<hbm>>) target(%arg7 : memref<128x128xf32, #tpu.memory_space<vmem>>) offsets(%arg5 : memref<128xi32, #tpu.memory_space<vmem>>) semaphore(%arg11 : memref<!tpu.dma_semaphore, #tpu.memory_space<semaphore_mem>>)
    %dma_wait3A_35 = arith.constant 0 : i32
    %dma_wait3A_36 = arith.constant 0 : i32
    %dma_wait3A_37 = tpu.memref_slice %arg2[%dma_wait3A_35, %dma_wait3A_36] : memref<10000x128xf32, #tpu.memory_space<hbm>> -> memref<10000x128xf32, #tpu.memory_space<hbm>>
    tpu.wait_indirect_dma semaphore(%arg11 : memref<!tpu.dma_semaphore, #tpu.memory_space<semaphore_mem>>) src(%dma_wait3A_37 : memref<10000x128xf32, #tpu.memory_space<hbm>>) dst(%arg7 : memref<128x128xf32, #tpu.memory_space<vmem>>)
    %mul3A_38 = arith.constant 128 : i32
    %mul3A_39 = arith.muli %add3A_31, %mul3A_38 : i32
    %multiple_of3A = tpu.assume_multiple %mul3A_39, 128 : i32
    "tpu.region"() ({
      %run_scoped3A = tpu.sem_alloc : memref<!tpu.dma_semaphore, #tpu.memory_space<semaphore_mem>>
      %dma_start3A_42 = arith.constant 0 : i32
      %dma_start3A_43 = tpu.memref_slice %arg4[%multiple_of3A, %dma_start3A_42] : memref<160000x128xf32, #tpu.memory_space<hbm>> -> memref<128x128xf32, #tpu.memory_space<hbm>>
      %dma_start3A_44 = arith.constant 0 : i32
      %dma_start3A_45 = tpu.memref_slice %arg4[%multiple_of3A, %dma_start3A_44] : memref<160000x128xf32, #tpu.memory_space<hbm>> -> memref<128x128xf32, #tpu.memory_space<hbm>>
      tpu.enqueue_dma source(%arg7 : memref<128x128xf32, #tpu.memory_space<vmem>>) target(%dma_start3A_45 : memref<128x128xf32, #tpu.memory_space<hbm>>) target_semaphore(%run_scoped3A : memref<!tpu.dma_semaphore, #tpu.memory_space<semaphore_mem>>)
      %dma_wait3A_46 = arith.constant 0 : i32
      %dma_wait3A_47 = tpu.memref_slice %arg4[%multiple_of3A, %dma_wait3A_46] : memref<160000x128xf32, #tpu.memory_space<hbm>> -> memref<128x128xf32, #tpu.memory_space<hbm>>
      %dma_wait3A_48 = arith.constant 0 : i32
      %dma_wait3A_49 = tpu.memref_slice %arg4[%multiple_of3A, %dma_wait3A_48] : memref<160000x128xf32, #tpu.memory_space<hbm>> -> memref<128x128xf32, #tpu.memory_space<hbm>>
      tpu.wait_dma2 semaphore(%run_scoped3A : memref<!tpu.dma_semaphore, #tpu.memory_space<semaphore_mem>>) src(%arg7 : memref<128x128xf32, #tpu.memory_space<vmem>>) dst(%dma_wait3A_49 : memref<128x128xf32, #tpu.memory_space<hbm>>)
      tpu.yield
    }) : () -> ()
    %lt3A = arith.constant 2 : i32
    %lt3A_40 = arith.cmpi slt, %add3A, %lt3A : i32
    %convert_element_type3A = arith.extui %lt3A_40 : i1 to i32
    %cond3A = arith.constant 0 : i32
    %cond3A_41 = arith.cmpi ne, %convert_element_type3A, %cond3A : i32
    scf.if %cond3A_41 {
      %add3A_42 = arith.constant 1248 : i32
      %add3A_43 = arith.addi %add3A_42, %add3A : i32
      "tpu.region"() ({
        %run_scoped3A = tpu.sem_alloc : memref<!tpu.dma_semaphore, #tpu.memory_space<semaphore_mem>>
        %dma_start3A_53 = arith.constant 0 : i32
        %dma_start3A_54 = tpu.memref_slice %arg3[%add3A_43, %dma_start3A_53] : memref<1250x128xi32, #tpu.memory_space<hbm>> -> memref<1x128xi32, #tpu.memory_space<hbm>>
        %dma_start3A_55 = tpu.memref_squeeze %dma_start3A_54 : memref<1x128xi32, #tpu.memory_space<hbm>> -> memref<128xi32, #tpu.memory_space<hbm>>
        %dma_start3A_56 = arith.constant 0 : i32
        %dma_start3A_57 = tpu.memref_slice %arg3[%add3A_43, %dma_start3A_56] : memref<1250x128xi32, #tpu.memory_space<hbm>> -> memref<1x128xi32, #tpu.memory_space<hbm>>
        %dma_start3A_58 = tpu.memref_squeeze %dma_start3A_57 : memref<1x128xi32, #tpu.memory_space<hbm>> -> memref<128xi32, #tpu.memory_space<hbm>>
        tpu.enqueue_dma source(%dma_start3A_58 : memref<128xi32, #tpu.memory_space<hbm>>) target(%arg5 : memref<128xi32, #tpu.memory_space<vmem>>) target_semaphore(%run_scoped3A : memref<!tpu.dma_semaphore, #tpu.memory_space<semaphore_mem>>)
        %dma_wait3A_59 = arith.constant 0 : i32
        %dma_wait3A_60 = tpu.memref_slice %arg3[%add3A_43, %dma_wait3A_59] : memref<1250x128xi32, #tpu.memory_space<hbm>> -> memref<1x128xi32, #tpu.memory_space<hbm>>
        %dma_wait3A_61 = tpu.memref_squeeze %dma_wait3A_60 : memref<1x128xi32, #tpu.memory_space<hbm>> -> memref<128xi32, #tpu.memory_space<hbm>>
        %dma_wait3A_62 = arith.constant 0 : i32
        %dma_wait3A_63 = tpu.memref_slice %arg3[%add3A_43, %dma_wait3A_62] : memref<1250x128xi32, #tpu.memory_space<hbm>> -> memref<1x128xi32, #tpu.memory_space<hbm>>
        %dma_wait3A_64 = tpu.memref_squeeze %dma_wait3A_63 : memref<1x128xi32, #tpu.memory_space<hbm>> -> memref<128xi32, #tpu.memory_space<hbm>>
        tpu.wait_dma2 semaphore(%run_scoped3A : memref<!tpu.dma_semaphore, #tpu.memory_space<semaphore_mem>>) src(%dma_wait3A_64 : memref<128xi32, #tpu.memory_space<hbm>>) dst(%arg5 : memref<128xi32, #tpu.memory_space<vmem>>)
        tpu.yield
      }) : () -> ()
      %dma_start3A_44 = arith.constant 0 : i32
      %dma_start3A_45 = arith.constant 0 : i32
      %dma_start3A_46 = tpu.memref_slice %arg2[%dma_start3A_44, %dma_start3A_45] : memref<10000x128xf32, #tpu.memory_space<hbm>> -> memref<10000x128xf32, #tpu.memory_space<hbm>>
      tpu.enqueue_indirect_dma source(%dma_start3A_46 : memref<10000x128xf32, #tpu.memory_space<hbm>>) target(%arg7 : memref<128x128xf32, #tpu.memory_space<vmem>>) offsets(%arg5 : memref<128xi32, #tpu.memory_space<vmem>>) semaphore(%arg11 : memref<!tpu.dma_semaphore, #tpu.memory_space<semaphore_mem>>)
      %dma_wait3A_47 = arith.constant 0 : i32
      %dma_wait3A_48 = arith.constant 0 : i32
      %dma_wait3A_49 = tpu.memref_slice %arg2[%dma_wait3A_47, %dma_wait3A_48] : memref<10000x128xf32, #tpu.memory_space<hbm>> -> memref<10000x128xf32, #tpu.memory_space<hbm>>
      tpu.wait_indirect_dma semaphore(%arg11 : memref<!tpu.dma_semaphore, #tpu.memory_space<semaphore_mem>>) src(%dma_wait3A_49 : memref<10000x128xf32, #tpu.memory_space<hbm>>) dst(%arg7 : memref<128x128xf32, #tpu.memory_space<vmem>>)
      %mul3A_50 = arith.constant 128 : i32
      %mul3A_51 = arith.muli %add3A_43, %mul3A_50 : i32
      %multiple_of3A_52 = tpu.assume_multiple %mul3A_51, 128 : i32
      "tpu.region"() ({
        %run_scoped3A = tpu.sem_alloc : memref<!tpu.dma_semaphore, #tpu.memory_space<semaphore_mem>>
        %dma_start3A_53 = arith.constant 0 : i32
        %dma_start3A_54 = tpu.memref_slice %arg4[%multiple_of3A_52, %dma_start3A_53] : memref<160000x128xf32, #tpu.memory_space<hbm>> -> memref<128x128xf32, #tpu.memory_space<hbm>>
        %dma_start3A_55 = arith.constant 0 : i32
        %dma_start3A_56 = tpu.memref_slice %arg4[%multiple_of3A_52, %dma_start3A_55] : memref<160000x128xf32, #tpu.memory_space<hbm>> -> memref<128x128xf32, #tpu.memory_space<hbm>>
        tpu.enqueue_dma source(%arg7 : memref<128x128xf32, #tpu.memory_space<vmem>>) target(%dma_start3A_56 : memref<128x128xf32, #tpu.memory_space<hbm>>) target_semaphore(%run_scoped3A : memref<!tpu.dma_semaphore, #tpu.memory_space<semaphore_mem>>)
        %dma_wait3A_57 = arith.constant 0 : i32
        %dma_wait3A_58 = tpu.memref_slice %arg4[%multiple_of3A_52, %dma_wait3A_57] : memref<160000x128xf32, #tpu.memory_space<hbm>> -> memref<128x128xf32, #tpu.memory_space<hbm>>
        %dma_wait3A_59 = arith.constant 0 : i32
        %dma_wait3A_60 = tpu.memref_slice %arg4[%multiple_of3A_52, %dma_wait3A_59] : memref<160000x128xf32, #tpu.memory_space<hbm>> -> memref<128x128xf32, #tpu.memory_space<hbm>>
        tpu.wait_dma2 semaphore(%run_scoped3A : memref<!tpu.dma_semaphore, #tpu.memory_space<semaphore_mem>>) src(%arg7 : memref<128x128xf32, #tpu.memory_space<vmem>>) dst(%dma_wait3A_60 : memref<128x128xf32, #tpu.memory_space<hbm>>)
        tpu.yield
      }) : () -> ()
    } else {
    }
    return
  }
}

module attributes {stable_mosaic.version = 14 : i64} {
  func.func @_node_kernel(%arg0: i32, %arg1: memref<2000x128xf32, #tpu.memory_space<vmem>>, %arg2: memref<1x100xf32, #tpu.memory_space<vmem>>, %arg3: memref<128x128xf32, #tpu.memory_space<vmem>>, %arg4: memref<100x128xf32, #tpu.memory_space<vmem>>, %arg5: memref<1x128xf32, #tpu.memory_space<vmem>>, %arg6: memref<128x128xf32, #tpu.memory_space<vmem>>, %arg7: memref<1x128xf32, #tpu.memory_space<vmem>>, %arg8: memref<128x128xf32, #tpu.memory_space<vmem>>, %arg9: memref<1x128xf32, #tpu.memory_space<vmem>>, %arg10: memref<128x128xf32, #tpu.memory_space<vmem>>, %arg11: memref<1x128xf32, #tpu.memory_space<vmem>>, %arg12: memref<1x5xf32, #tpu.memory_space<vmem>>, %arg13: memref<2000x128xf32, #tpu.memory_space<vmem>>, %arg14: memref<2000x128xf32, #tpu.memory_space<vmem>>) attributes {dimension_semantics = [#tpu.dimension_semantics<arbitrary>], iteration_bounds = array<i64: 5>, scalar_prefetch = 0 : i64, scratch_operands = 0 : i64, tpu.core_type = #tpu.core_type<tc>, window_params = [{transform_indices = @transform_0, window_bounds = array<i64: 2000, 128>}, {pipeline_mode = #tpu.pipeline_mode<synchronous>, transform_indices = @transform_1, window_bounds = array<i64: 1, 100>}, {pipeline_mode = #tpu.pipeline_mode<synchronous>, transform_indices = @transform_2, window_bounds = array<i64: 128, 128>}, {pipeline_mode = #tpu.pipeline_mode<synchronous>, transform_indices = @transform_3, window_bounds = array<i64: 100, 128>}, {pipeline_mode = #tpu.pipeline_mode<synchronous>, transform_indices = @transform_4, window_bounds = array<i64: 1, 128>}, {pipeline_mode = #tpu.pipeline_mode<synchronous>, transform_indices = @transform_5, window_bounds = array<i64: 128, 128>}, {pipeline_mode = #tpu.pipeline_mode<synchronous>, transform_indices = @transform_6, window_bounds = array<i64: 1, 128>}, {pipeline_mode = #tpu.pipeline_mode<synchronous>, transform_indices = @transform_7, window_bounds = array<i64: 128, 128>}, {pipeline_mode = #tpu.pipeline_mode<synchronous>, transform_indices = @transform_8, window_bounds = array<i64: 1, 128>}, {pipeline_mode = #tpu.pipeline_mode<synchronous>, transform_indices = @transform_9, window_bounds = array<i64: 128, 128>}, {pipeline_mode = #tpu.pipeline_mode<synchronous>, transform_indices = @transform_10, window_bounds = array<i64: 1, 128>}, {pipeline_mode = #tpu.pipeline_mode<synchronous>, transform_indices = @transform_11, window_bounds = array<i64: 1, 5>}, {transform_indices = @transform_12, window_bounds = array<i64: 2000, 128>}, {transform_indices = @transform_13, window_bounds = array<i64: 2000, 128>}]} {
    %get3A = arith.constant 0 : index
    %get3A_0 = arith.constant 0 : index
    %get3A_1 = vector.load %arg12[%get3A, %get3A_0] : memref<1x5xf32, #tpu.memory_space<vmem>>, vector<1x1xf32>
    %get3A_2 = vector.extract %get3A_1[0, 0] : f32 from vector<1x1xf32>
    %get3A_3 = arith.constant 0 : index
    %get3A_4 = arith.constant 1 : index
    %get3A_5 = vector.load %arg12[%get3A_3, %get3A_4] : memref<1x5xf32, #tpu.memory_space<vmem>>, vector<1x1xf32>
    %get3A_6 = vector.extract %get3A_5[0, 0] : f32 from vector<1x1xf32>
    %get3A_7 = arith.constant 0 : index
    %get3A_8 = arith.constant 2 : index
    %get3A_9 = vector.load %arg12[%get3A_7, %get3A_8] : memref<1x5xf32, #tpu.memory_space<vmem>>, vector<1x1xf32>
    %get3A_10 = vector.extract %get3A_9[0, 0] : f32 from vector<1x1xf32>
    %get3A_11 = arith.constant 0 : index
    %get3A_12 = arith.constant 3 : index
    %get3A_13 = vector.load %arg12[%get3A_11, %get3A_12] : memref<1x5xf32, #tpu.memory_space<vmem>>, vector<1x1xf32>
    %get3A_14 = vector.extract %get3A_13[0, 0] : f32 from vector<1x1xf32>
    %get3A_15 = arith.constant 0 : index
    %get3A_16 = arith.constant 4 : index
    %get3A_17 = vector.load %arg12[%get3A_15, %get3A_16] : memref<1x5xf32, #tpu.memory_space<vmem>>, vector<1x1xf32>
    %get3A_18 = vector.extract %get3A_17[0, 0] : f32 from vector<1x1xf32>
    %get3A_19 = arith.constant 0 : index
    %get3A_20 = arith.constant 0 : index
    %get3A_21 = vector.load %arg1[%get3A_19, %get3A_20] : memref<2000x128xf32, #tpu.memory_space<vmem>>, vector<2000x128xf32>
    %iota3A = tpu.iota {dimensions = array<i32: 1>} : vector<2000x128xi32>
    %get3A_22 = arith.constant 0 : index
    %get3A_23 = arith.constant 0 : index
    %get3A_24 = vector.load %arg2[%get3A_22, %get3A_23] : memref<1x100xf32, #tpu.memory_space<vmem>>, vector<1x100xf32>
    %cos3A = math.cos %get3A_24 : vector<1x100xf32>
    %mul3A = arith.mulf %cos3A, %cos3A : vector<1x100xf32>
    %reduce_sum3A = arith.constant dense<0.000000e+00> : vector<1xf32>
    %reduce_sum3A_25 = vector.multi_reduction <add>, %mul3A, %reduce_sum3A [1] : vector<1x100xf32> to vector<1xf32>
    %broadcast_in_dim3A = vector.shape_cast %reduce_sum3A_25 : vector<1xf32> to vector<1x1xf32>
    %mul3A_26 = arith.mulf %get3A_21, %get3A_21 : vector<2000x128xf32>
    %reduce_sum3A_27 = arith.constant dense<0.000000e+00> : vector<2000xf32>
    %reduce_sum3A_28 = vector.multi_reduction <add>, %mul3A_26, %reduce_sum3A_27 [1] : vector<2000x128xf32> to vector<2000xf32>
    %broadcast_in_dim3A_29 = vector.shape_cast %reduce_sum3A_28 : vector<2000xf32> to vector<2000x1xf32>
    %add3A = vector.broadcast %broadcast_in_dim3A : vector<1x1xf32> to vector<2000x1xf32>
    %add3A_30 = arith.addf %broadcast_in_dim3A_29, %add3A : vector<2000x1xf32>
    %sqrt3A = math.sqrt %add3A_30 : vector<2000x1xf32>
    %max3A = arith.constant 9.99999993E-9 : f32
    %max3A_31 = vector.broadcast %max3A : f32 to vector<2000x1xf32>
    %max3A_32 = arith.maximumf %sqrt3A, %max3A_31 : vector<2000x1xf32>
    %exp3A = math.exp %max3A_32 : vector<2000x1xf32>
    %div3A = arith.constant 1.000000e+00 : f32
    %div3A_33 = vector.broadcast %div3A : f32 to vector<2000x1xf32>
    %div3A_34 = arith.divf %div3A_33, %exp3A : vector<2000x1xf32>
    %sub3A = arith.subf %exp3A, %div3A_34 : vector<2000x1xf32>
    %mul3A_35 = arith.constant 5.000000e-01 : f32
    %mul3A_36 = vector.broadcast %mul3A_35 : f32 to vector<2000x1xf32>
    %mul3A_37 = arith.mulf %mul3A_36, %sub3A : vector<2000x1xf32>
    %div3A_38 = arith.divf %mul3A_37, %max3A_32 : vector<2000x1xf32>
    %mul3A_39 = vector.broadcast %div3A_38 : vector<2000x1xf32> to vector<2000x128xf32>
    %mul3A_40 = arith.mulf %mul3A_39, %get3A_21 : vector<2000x128xf32>
    %mul3A_41 = arith.constant 2.000000e-01 : f32
    %mul3A_42 = vector.broadcast %mul3A_41 : f32 to vector<2000x128xf32>
    %mul3A_43 = arith.mulf %mul3A_42, %mul3A_40 : vector<2000x128xf32>
    %max3A_44 = arith.maximumf %mul3A_40, %mul3A_43 : vector<2000x128xf32>
    %get3A_45 = arith.constant 0 : index
    %get3A_46 = arith.constant 0 : index
    %get3A_47 = vector.load %arg3[%get3A_45, %get3A_46] : memref<128x128xf32, #tpu.memory_space<vmem>>, vector<128x128xf32>
    %convert_element_type3A = arith.truncf %max3A_44 : vector<2000x128xf32> to vector<2000x128xbf16>
    %convert_element_type3A_48 = arith.truncf %get3A_47 : vector<128x128xf32> to vector<128x128xbf16>
    %dot_general3A = arith.constant dense<0.000000e+00> : vector<2000x128xf32>
    %dot_general3A_49 = tpu.matmul %convert_element_type3A, %convert_element_type3A_48, %dot_general3A {dimension_numbers = #tpu.dot_dimension_numbers<[1], [0], [0], [1], [0, 0, 1, 1], [], []>, transpose_lhs_hint = false} : vector<2000x128xbf16>, vector<128x128xbf16>, vector<2000x128xf32> -> vector<2000x128xf32>
    %mul3A_50 = vector.broadcast %div3A_38 : vector<2000x1xf32> to vector<2000x100xf32>
    %mul3A_51 = vector.broadcast %cos3A : vector<1x100xf32> to vector<2000x100xf32>
    %mul3A_52 = arith.mulf %mul3A_50, %mul3A_51 : vector<2000x100xf32>
    %mul3A_53 = arith.constant 2.000000e-01 : f32
    %mul3A_54 = vector.broadcast %mul3A_53 : f32 to vector<2000x100xf32>
    %mul3A_55 = arith.mulf %mul3A_54, %mul3A_52 : vector<2000x100xf32>
    %max3A_56 = arith.maximumf %mul3A_52, %mul3A_55 : vector<2000x100xf32>
    %get3A_57 = arith.constant 0 : index
    %get3A_58 = arith.constant 0 : index
    %get3A_59 = vector.load %arg4[%get3A_57, %get3A_58] : memref<100x128xf32, #tpu.memory_space<vmem>>, vector<100x128xf32>
    %convert_element_type3A_60 = arith.truncf %max3A_56 : vector<2000x100xf32> to vector<2000x100xbf16>
    %convert_element_type3A_61 = arith.truncf %get3A_59 : vector<100x128xf32> to vector<100x128xbf16>
    %dot_general3A_62 = arith.constant dense<0.000000e+00> : vector<2000x128xf32>
    %dot_general3A_63 = tpu.matmul %convert_element_type3A_60, %convert_element_type3A_61, %dot_general3A_62 {dimension_numbers = #tpu.dot_dimension_numbers<[1], [0], [0], [1], [0, 0, 1, 1], [], []>, transpose_lhs_hint = false} : vector<2000x100xbf16>, vector<100x128xbf16>, vector<2000x128xf32> -> vector<2000x128xf32>
    %add3A_64 = arith.addf %dot_general3A_49, %dot_general3A_63 : vector<2000x128xf32>
    %get3A_65 = arith.constant 0 : index
    %get3A_66 = arith.constant 0 : index
    %get3A_67 = vector.load %arg5[%get3A_65, %get3A_66] : memref<1x128xf32, #tpu.memory_space<vmem>>, vector<1x128xf32>
    %add3A_68 = vector.broadcast %get3A_67 : vector<1x128xf32> to vector<2000x128xf32>
    %add3A_69 = arith.addf %add3A_64, %add3A_68 : vector<2000x128xf32>
    %slice3A = vector.extract_strided_slice %add3A_69 {offsets = [0, 0], sizes = [2000, 1], strides = [1, 1]} : vector<2000x128xf32> to vector<2000x1xf32>
    %logistic3A = arith.negf %slice3A : vector<2000x1xf32>
    %logistic3A_70 = math.exp %logistic3A : vector<2000x1xf32>
    %logistic3A_71 = arith.constant 1.000000e+00 : f32
    %logistic3A_72 = vector.broadcast %logistic3A_71 : f32 to vector<2000x1xf32>
    %logistic3A_73 = arith.addf %logistic3A_72, %logistic3A_70 : vector<2000x1xf32>
    %logistic3A_74 = arith.divf %logistic3A_72, %logistic3A_73 : vector<2000x1xf32>
    %mul3A_75 = vector.broadcast %get3A_2 : f32 to vector<2000x1xf32>
    %mul3A_76 = arith.mulf %logistic3A_74, %mul3A_75 : vector<2000x1xf32>
    %add3A_77 = arith.constant 1.100000e+00 : f32
    %add3A_78 = vector.broadcast %add3A_77 : f32 to vector<2000x1xf32>
    %add3A_79 = arith.addf %mul3A_76, %add3A_78 : vector<2000x1xf32>
    %mul3A_80 = arith.mulf %add3A_69, %add3A_69 : vector<2000x128xf32>
    %reduce_sum3A_81 = arith.constant dense<0.000000e+00> : vector<2000xf32>
    %reduce_sum3A_82 = vector.multi_reduction <add>, %mul3A_80, %reduce_sum3A_81 [1] : vector<2000x128xf32> to vector<2000xf32>
    %broadcast_in_dim3A_83 = vector.shape_cast %reduce_sum3A_82 : vector<2000xf32> to vector<2000x1xf32>
    %mul3A_84 = arith.mulf %slice3A, %slice3A : vector<2000x1xf32>
    %sub3A_85 = arith.subf %broadcast_in_dim3A_83, %mul3A_84 : vector<2000x1xf32>
    %mul3A_86 = arith.mulf %add3A_79, %add3A_79 : vector<2000x1xf32>
    %sub3A_87 = arith.constant 1.000000e+00 : f32
    %sub3A_88 = vector.broadcast %sub3A_87 : f32 to vector<2000x1xf32>
    %sub3A_89 = arith.subf %mul3A_86, %sub3A_88 : vector<2000x1xf32>
    %max3A_90 = arith.constant 9.99999993E-9 : f32
    %max3A_91 = vector.broadcast %max3A_90 : f32 to vector<2000x1xf32>
    %max3A_92 = arith.maximumf %sub3A_85, %max3A_91 : vector<2000x1xf32>
    %div3A_93 = arith.divf %sub3A_89, %max3A_92 : vector<2000x1xf32>
    %sqrt3A_94 = math.sqrt %div3A_93 : vector<2000x1xf32>
    %eq3A = arith.constant 0 : i32
    %eq3A_95 = vector.broadcast %eq3A : i32 to vector<2000x128xi32>
    %eq3A_96 = arith.cmpi eq, %iota3A, %eq3A_95 : vector<2000x128xi32>
    %mul3A_97 = vector.broadcast %sqrt3A_94 : vector<2000x1xf32> to vector<2000x128xf32>
    %mul3A_98 = arith.mulf %add3A_69, %mul3A_97 : vector<2000x128xf32>
    %broadcast_in_dim3A_99 = vector.shape_cast %add3A_79 : vector<2000x1xf32> to vector<2000x1xf32>
    %broadcast_in_dim3A_100 = vector.broadcast %broadcast_in_dim3A_99 : vector<2000x1xf32> to vector<2000x128xf32>
    %select_n3A = arith.select %eq3A_96, %broadcast_in_dim3A_100, %mul3A_98 : vector<2000x128xi1>, vector<2000x128xf32>
    %get3A_101 = arith.constant 0 : index
    %get3A_102 = arith.constant 0 : index
    %get3A_103 = vector.load %arg6[%get3A_101, %get3A_102] : memref<128x128xf32, #tpu.memory_space<vmem>>, vector<128x128xf32>
    %convert_element_type3A_104 = arith.truncf %select_n3A : vector<2000x128xf32> to vector<2000x128xbf16>
    %convert_element_type3A_105 = arith.truncf %get3A_103 : vector<128x128xf32> to vector<128x128xbf16>
    %dot_general3A_106 = arith.constant dense<0.000000e+00> : vector<2000x128xf32>
    %dot_general3A_107 = tpu.matmul %convert_element_type3A_104, %convert_element_type3A_105, %dot_general3A_106 {dimension_numbers = #tpu.dot_dimension_numbers<[1], [0], [0], [1], [0, 0, 1, 1], [], []>, transpose_lhs_hint = false} : vector<2000x128xbf16>, vector<128x128xbf16>, vector<2000x128xf32> -> vector<2000x128xf32>
    %get3A_108 = arith.constant 0 : index
    %get3A_109 = arith.constant 0 : index
    %get3A_110 = vector.load %arg7[%get3A_108, %get3A_109] : memref<1x128xf32, #tpu.memory_space<vmem>>, vector<1x128xf32>
    %add3A_111 = vector.broadcast %get3A_110 : vector<1x128xf32> to vector<2000x128xf32>
    %add3A_112 = arith.addf %dot_general3A_107, %add3A_111 : vector<2000x128xf32>
    %slice3A_113 = vector.extract_strided_slice %add3A_112 {offsets = [0, 0], sizes = [2000, 1], strides = [1, 1]} : vector<2000x128xf32> to vector<2000x1xf32>
    %logistic3A_114 = arith.negf %slice3A_113 : vector<2000x1xf32>
    %logistic3A_115 = math.exp %logistic3A_114 : vector<2000x1xf32>
    %logistic3A_116 = arith.constant 1.000000e+00 : f32
    %logistic3A_117 = vector.broadcast %logistic3A_116 : f32 to vector<2000x1xf32>
    %logistic3A_118 = arith.addf %logistic3A_117, %logistic3A_115 : vector<2000x1xf32>
    %logistic3A_119 = arith.divf %logistic3A_117, %logistic3A_118 : vector<2000x1xf32>
    %mul3A_120 = vector.broadcast %get3A_6 : f32 to vector<2000x1xf32>
    %mul3A_121 = arith.mulf %logistic3A_119, %mul3A_120 : vector<2000x1xf32>
    %add3A_122 = arith.constant 1.100000e+00 : f32
    %add3A_123 = vector.broadcast %add3A_122 : f32 to vector<2000x1xf32>
    %add3A_124 = arith.addf %mul3A_121, %add3A_123 : vector<2000x1xf32>
    %mul3A_125 = arith.mulf %add3A_112, %add3A_112 : vector<2000x128xf32>
    %reduce_sum3A_126 = arith.constant dense<0.000000e+00> : vector<2000xf32>
    %reduce_sum3A_127 = vector.multi_reduction <add>, %mul3A_125, %reduce_sum3A_126 [1] : vector<2000x128xf32> to vector<2000xf32>
    %broadcast_in_dim3A_128 = vector.shape_cast %reduce_sum3A_127 : vector<2000xf32> to vector<2000x1xf32>
    %mul3A_129 = arith.mulf %slice3A_113, %slice3A_113 : vector<2000x1xf32>
    %sub3A_130 = arith.subf %broadcast_in_dim3A_128, %mul3A_129 : vector<2000x1xf32>
    %mul3A_131 = arith.mulf %add3A_124, %add3A_124 : vector<2000x1xf32>
    %sub3A_132 = arith.constant 1.000000e+00 : f32
    %sub3A_133 = vector.broadcast %sub3A_132 : f32 to vector<2000x1xf32>
    %sub3A_134 = arith.subf %mul3A_131, %sub3A_133 : vector<2000x1xf32>
    %max3A_135 = arith.constant 9.99999993E-9 : f32
    %max3A_136 = vector.broadcast %max3A_135 : f32 to vector<2000x1xf32>
    %max3A_137 = arith.maximumf %sub3A_130, %max3A_136 : vector<2000x1xf32>
    %div3A_138 = arith.divf %sub3A_134, %max3A_137 : vector<2000x1xf32>
    %sqrt3A_139 = math.sqrt %div3A_138 : vector<2000x1xf32>
    %neg3A = arith.constant 0.000000e+00 : f32
    %neg3A_140 = vector.broadcast %neg3A : f32 to vector<2000x1xf32>
    %neg3A_141 = arith.subf %neg3A_140, %add3A_124 : vector<2000x1xf32>
    %eq3A_142 = arith.constant 0 : i32
    %eq3A_143 = vector.broadcast %eq3A_142 : i32 to vector<2000x128xi32>
    %eq3A_144 = arith.cmpi eq, %iota3A, %eq3A_143 : vector<2000x128xi32>
    %mul3A_145 = vector.broadcast %sqrt3A_139 : vector<2000x1xf32> to vector<2000x128xf32>
    %mul3A_146 = arith.mulf %add3A_112, %mul3A_145 : vector<2000x128xf32>
    %broadcast_in_dim3A_147 = vector.shape_cast %neg3A_141 : vector<2000x1xf32> to vector<2000x1xf32>
    %broadcast_in_dim3A_148 = vector.broadcast %broadcast_in_dim3A_147 : vector<2000x1xf32> to vector<2000x128xf32>
    %select_n3A_149 = arith.select %eq3A_144, %broadcast_in_dim3A_148, %mul3A_146 : vector<2000x128xi1>, vector<2000x128xf32>
    %get3A_150 = arith.constant 0 : index
    %get3A_151 = arith.constant 0 : index
    %get3A_152 = vector.load %arg8[%get3A_150, %get3A_151] : memref<128x128xf32, #tpu.memory_space<vmem>>, vector<128x128xf32>
    %convert_element_type3A_153 = arith.truncf %select_n3A : vector<2000x128xf32> to vector<2000x128xbf16>
    %convert_element_type3A_154 = arith.truncf %get3A_152 : vector<128x128xf32> to vector<128x128xbf16>
    %dot_general3A_155 = arith.constant dense<0.000000e+00> : vector<2000x128xf32>
    %dot_general3A_156 = tpu.matmul %convert_element_type3A_153, %convert_element_type3A_154, %dot_general3A_155 {dimension_numbers = #tpu.dot_dimension_numbers<[1], [0], [0], [1], [0, 0, 1, 1], [], []>, transpose_lhs_hint = false} : vector<2000x128xbf16>, vector<128x128xbf16>, vector<2000x128xf32> -> vector<2000x128xf32>
    %get3A_157 = arith.constant 0 : index
    %get3A_158 = arith.constant 0 : index
    %get3A_159 = vector.load %arg9[%get3A_157, %get3A_158] : memref<1x128xf32, #tpu.memory_space<vmem>>, vector<1x128xf32>
    %add3A_160 = vector.broadcast %get3A_159 : vector<1x128xf32> to vector<2000x128xf32>
    %add3A_161 = arith.addf %dot_general3A_156, %add3A_160 : vector<2000x128xf32>
    %slice3A_162 = vector.extract_strided_slice %add3A_161 {offsets = [0, 0], sizes = [2000, 1], strides = [1, 1]} : vector<2000x128xf32> to vector<2000x1xf32>
    %logistic3A_163 = arith.negf %slice3A_162 : vector<2000x1xf32>
    %logistic3A_164 = math.exp %logistic3A_163 : vector<2000x1xf32>
    %logistic3A_165 = arith.constant 1.000000e+00 : f32
    %logistic3A_166 = vector.broadcast %logistic3A_165 : f32 to vector<2000x1xf32>
    %logistic3A_167 = arith.addf %logistic3A_166, %logistic3A_164 : vector<2000x1xf32>
    %logistic3A_168 = arith.divf %logistic3A_166, %logistic3A_167 : vector<2000x1xf32>
    %mul3A_169 = vector.broadcast %get3A_10 : f32 to vector<2000x1xf32>
    %mul3A_170 = arith.mulf %logistic3A_168, %mul3A_169 : vector<2000x1xf32>
    %add3A_171 = arith.constant 1.100000e+00 : f32
    %add3A_172 = vector.broadcast %add3A_171 : f32 to vector<2000x1xf32>
    %add3A_173 = arith.addf %mul3A_170, %add3A_172 : vector<2000x1xf32>
    %mul3A_174 = arith.mulf %add3A_161, %add3A_161 : vector<2000x128xf32>
    %reduce_sum3A_175 = arith.constant dense<0.000000e+00> : vector<2000xf32>
    %reduce_sum3A_176 = vector.multi_reduction <add>, %mul3A_174, %reduce_sum3A_175 [1] : vector<2000x128xf32> to vector<2000xf32>
    %broadcast_in_dim3A_177 = vector.shape_cast %reduce_sum3A_176 : vector<2000xf32> to vector<2000x1xf32>
    %mul3A_178 = arith.mulf %slice3A_162, %slice3A_162 : vector<2000x1xf32>
    %sub3A_179 = arith.subf %broadcast_in_dim3A_177, %mul3A_178 : vector<2000x1xf32>
    %mul3A_180 = arith.mulf %add3A_173, %add3A_173 : vector<2000x1xf32>
    %sub3A_181 = arith.constant 1.000000e+00 : f32
    %sub3A_182 = vector.broadcast %sub3A_181 : f32 to vector<2000x1xf32>
    %sub3A_183 = arith.subf %mul3A_180, %sub3A_182 : vector<2000x1xf32>
    %max3A_184 = arith.constant 9.99999993E-9 : f32
    %max3A_185 = vector.broadcast %max3A_184 : f32 to vector<2000x1xf32>
    %max3A_186 = arith.maximumf %sub3A_179, %max3A_185 : vector<2000x1xf32>
    %div3A_187 = arith.divf %sub3A_183, %max3A_186 : vector<2000x1xf32>
    %sqrt3A_188 = math.sqrt %div3A_187 : vector<2000x1xf32>
    %eq3A_189 = arith.constant 0 : i32
    %eq3A_190 = vector.broadcast %eq3A_189 : i32 to vector<2000x128xi32>
    %eq3A_191 = arith.cmpi eq, %iota3A, %eq3A_190 : vector<2000x128xi32>
    %mul3A_192 = vector.broadcast %sqrt3A_188 : vector<2000x1xf32> to vector<2000x128xf32>
    %mul3A_193 = arith.mulf %add3A_161, %mul3A_192 : vector<2000x128xf32>
    %broadcast_in_dim3A_194 = vector.shape_cast %add3A_173 : vector<2000x1xf32> to vector<2000x1xf32>
    %broadcast_in_dim3A_195 = vector.broadcast %broadcast_in_dim3A_194 : vector<2000x1xf32> to vector<2000x128xf32>
    %select_n3A_196 = arith.select %eq3A_191, %broadcast_in_dim3A_195, %mul3A_193 : vector<2000x128xi1>, vector<2000x128xf32>
    %get3A_197 = arith.constant 0 : index
    %get3A_198 = arith.constant 0 : index
    %get3A_199 = vector.load %arg10[%get3A_197, %get3A_198] : memref<128x128xf32, #tpu.memory_space<vmem>>, vector<128x128xf32>
    %convert_element_type3A_200 = arith.truncf %select_n3A_196 : vector<2000x128xf32> to vector<2000x128xbf16>
    %convert_element_type3A_201 = arith.truncf %get3A_199 : vector<128x128xf32> to vector<128x128xbf16>
    %dot_general3A_202 = arith.constant dense<0.000000e+00> : vector<2000x128xf32>
    %dot_general3A_203 = tpu.matmul %convert_element_type3A_200, %convert_element_type3A_201, %dot_general3A_202 {dimension_numbers = #tpu.dot_dimension_numbers<[1], [0], [0], [1], [0, 0, 1, 1], [], []>, transpose_lhs_hint = false} : vector<2000x128xbf16>, vector<128x128xbf16>, vector<2000x128xf32> -> vector<2000x128xf32>
    %get3A_204 = arith.constant 0 : index
    %get3A_205 = arith.constant 0 : index
    %get3A_206 = vector.load %arg11[%get3A_204, %get3A_205] : memref<1x128xf32, #tpu.memory_space<vmem>>, vector<1x128xf32>
    %add3A_207 = vector.broadcast %get3A_206 : vector<1x128xf32> to vector<2000x128xf32>
    %add3A_208 = arith.addf %dot_general3A_203, %add3A_207 : vector<2000x128xf32>
    %slice3A_209 = vector.extract_strided_slice %add3A_208 {offsets = [0, 0], sizes = [2000, 1], strides = [1, 1]} : vector<2000x128xf32> to vector<2000x1xf32>
    %logistic3A_210 = arith.negf %slice3A_209 : vector<2000x1xf32>
    %logistic3A_211 = math.exp %logistic3A_210 : vector<2000x1xf32>
    %logistic3A_212 = arith.constant 1.000000e+00 : f32
    %logistic3A_213 = vector.broadcast %logistic3A_212 : f32 to vector<2000x1xf32>
    %logistic3A_214 = arith.addf %logistic3A_213, %logistic3A_211 : vector<2000x1xf32>
    %logistic3A_215 = arith.divf %logistic3A_213, %logistic3A_214 : vector<2000x1xf32>
    %mul3A_216 = vector.broadcast %get3A_14 : f32 to vector<2000x1xf32>
    %mul3A_217 = arith.mulf %logistic3A_215, %mul3A_216 : vector<2000x1xf32>
    %add3A_218 = arith.constant 1.100000e+00 : f32
    %add3A_219 = vector.broadcast %add3A_218 : f32 to vector<2000x1xf32>
    %add3A_220 = arith.addf %mul3A_217, %add3A_219 : vector<2000x1xf32>
    %mul3A_221 = arith.mulf %add3A_208, %add3A_208 : vector<2000x128xf32>
    %reduce_sum3A_222 = arith.constant dense<0.000000e+00> : vector<2000xf32>
    %reduce_sum3A_223 = vector.multi_reduction <add>, %mul3A_221, %reduce_sum3A_222 [1] : vector<2000x128xf32> to vector<2000xf32>
    %broadcast_in_dim3A_224 = vector.shape_cast %reduce_sum3A_223 : vector<2000xf32> to vector<2000x1xf32>
    %mul3A_225 = arith.mulf %slice3A_209, %slice3A_209 : vector<2000x1xf32>
    %sub3A_226 = arith.subf %broadcast_in_dim3A_224, %mul3A_225 : vector<2000x1xf32>
    %mul3A_227 = arith.mulf %add3A_220, %add3A_220 : vector<2000x1xf32>
    %sub3A_228 = arith.constant 1.000000e+00 : f32
    %sub3A_229 = vector.broadcast %sub3A_228 : f32 to vector<2000x1xf32>
    %sub3A_230 = arith.subf %mul3A_227, %sub3A_229 : vector<2000x1xf32>
    %max3A_231 = arith.constant 9.99999993E-9 : f32
    %max3A_232 = vector.broadcast %max3A_231 : f32 to vector<2000x1xf32>
    %max3A_233 = arith.maximumf %sub3A_226, %max3A_232 : vector<2000x1xf32>
    %div3A_234 = arith.divf %sub3A_230, %max3A_233 : vector<2000x1xf32>
    %sqrt3A_235 = math.sqrt %div3A_234 : vector<2000x1xf32>
    %eq3A_236 = arith.constant 0 : i32
    %eq3A_237 = vector.broadcast %eq3A_236 : i32 to vector<2000x128xi32>
    %eq3A_238 = arith.cmpi eq, %iota3A, %eq3A_237 : vector<2000x128xi32>
    %mul3A_239 = vector.broadcast %sqrt3A_235 : vector<2000x1xf32> to vector<2000x128xf32>
    %mul3A_240 = arith.mulf %add3A_208, %mul3A_239 : vector<2000x128xf32>
    %broadcast_in_dim3A_241 = vector.shape_cast %add3A_220 : vector<2000x1xf32> to vector<2000x1xf32>
    %broadcast_in_dim3A_242 = vector.broadcast %broadcast_in_dim3A_241 : vector<2000x1xf32> to vector<2000x128xf32>
    %select_n3A_243 = arith.select %eq3A_238, %broadcast_in_dim3A_242, %mul3A_240 : vector<2000x128xi1>, vector<2000x128xf32>
    %mul3A_244 = arith.mulf %select_n3A_149, %select_n3A_196 : vector<2000x128xf32>
    %reduce_sum3A_245 = arith.constant dense<0.000000e+00> : vector<2000xf32>
    %reduce_sum3A_246 = vector.multi_reduction <add>, %mul3A_244, %reduce_sum3A_245 [1] : vector<2000x128xf32> to vector<2000xf32>
    %broadcast_in_dim3A_247 = vector.shape_cast %reduce_sum3A_246 : vector<2000xf32> to vector<2000x1xf32>
    %mul3A_248 = arith.constant 2.000000e+00 : f32
    %mul3A_249 = vector.broadcast %mul3A_248 : f32 to vector<2000x1xf32>
    %mul3A_250 = arith.mulf %mul3A_249, %broadcast_in_dim3A_247 : vector<2000x1xf32>
    %add3A_251 = arith.constant 2.000000e+00 : f32
    %add3A_252 = vector.broadcast %add3A_251 : f32 to vector<2000x1xf32>
    %add3A_253 = arith.addf %add3A_252, %mul3A_250 : vector<2000x1xf32>
    %mul3A_254 = vector.broadcast %get3A_18 : f32 to vector<2000x1xf32>
    %mul3A_255 = arith.mulf %add3A_253, %mul3A_254 : vector<2000x1xf32>
    %exp3A_256 = math.exp %mul3A_255 : vector<2000x1xf32>
    %swap3A = arith.constant 0 : index
    %swap3A_257 = arith.constant 0 : index
    %swap3A_258 = vector.load %arg13[%swap3A, %swap3A_257] : memref<2000x128xf32, #tpu.memory_space<vmem>>, vector<2000x128xf32>
    tpu.vector_store %arg13[%swap3A, %swap3A_257], %select_n3A_149 {strides = array<i32>} : memref<2000x128xf32, #tpu.memory_space<vmem>>, vector<2000x128xf32>,
    %mul3A_259 = vector.broadcast %exp3A_256 : vector<2000x1xf32> to vector<2000x128xf32>
    %mul3A_260 = arith.mulf %mul3A_259, %select_n3A_243 : vector<2000x128xf32>
    %swap3A_261 = arith.constant 0 : index
    %swap3A_262 = arith.constant 0 : index
    %swap3A_263 = vector.load %arg14[%swap3A_261, %swap3A_262] : memref<2000x128xf32, #tpu.memory_space<vmem>>, vector<2000x128xf32>
    tpu.vector_store %arg14[%swap3A_261, %swap3A_262], %mul3A_260 {strides = array<i32>} : memref<2000x128xf32, #tpu.memory_space<vmem>>, vector<2000x128xf32>,
    return
  }
  func.func @transform_0(%arg0: i32) -> (i32, i32) {
    %c0_i32 = arith.constant 0 : i32
    %c0_i32_0 = arith.constant 0 : i32
    return %arg0, %c0_i32 : i32, i32
  }
  func.func @transform_1(%arg0: i32) -> (i32, i32) {
    %c0_i32 = arith.constant 0 : i32
    %c0_i32_0 = arith.constant 0 : i32
    %c0_i32_1 = arith.constant 0 : i32
    return %c0_i32, %c0_i32_0 : i32, i32
  }
  func.func @transform_2(%arg0: i32) -> (i32, i32) {
    %c0_i32 = arith.constant 0 : i32
    %c0_i32_0 = arith.constant 0 : i32
    %c0_i32_1 = arith.constant 0 : i32
    return %c0_i32, %c0_i32_0 : i32, i32
  }
  func.func @transform_3(%arg0: i32) -> (i32, i32) {
    %c0_i32 = arith.constant 0 : i32
    %c0_i32_0 = arith.constant 0 : i32
    %c0_i32_1 = arith.constant 0 : i32
    return %c0_i32, %c0_i32_0 : i32, i32
  }
  func.func @transform_4(%arg0: i32) -> (i32, i32) {
    %c0_i32 = arith.constant 0 : i32
    %c0_i32_0 = arith.constant 0 : i32
    %c0_i32_1 = arith.constant 0 : i32
    return %c0_i32, %c0_i32_0 : i32, i32
  }
  func.func @transform_5(%arg0: i32) -> (i32, i32) {
    %c0_i32 = arith.constant 0 : i32
    %c0_i32_0 = arith.constant 0 : i32
    %c0_i32_1 = arith.constant 0 : i32
    return %c0_i32, %c0_i32_0 : i32, i32
  }
  func.func @transform_6(%arg0: i32) -> (i32, i32) {
    %c0_i32 = arith.constant 0 : i32
    %c0_i32_0 = arith.constant 0 : i32
    %c0_i32_1 = arith.constant 0 : i32
    return %c0_i32, %c0_i32_0 : i32, i32
  }
  func.func @transform_7(%arg0: i32) -> (i32, i32) {
    %c0_i32 = arith.constant 0 : i32
    %c0_i32_0 = arith.constant 0 : i32
    %c0_i32_1 = arith.constant 0 : i32
    return %c0_i32, %c0_i32_0 : i32, i32
  }
  func.func @transform_8(%arg0: i32) -> (i32, i32) {
    %c0_i32 = arith.constant 0 : i32
    %c0_i32_0 = arith.constant 0 : i32
    %c0_i32_1 = arith.constant 0 : i32
    return %c0_i32, %c0_i32_0 : i32, i32
  }
  func.func @transform_9(%arg0: i32) -> (i32, i32) {
    %c0_i32 = arith.constant 0 : i32
    %c0_i32_0 = arith.constant 0 : i32
    %c0_i32_1 = arith.constant 0 : i32
    return %c0_i32, %c0_i32_0 : i32, i32
  }
  func.func @transform_10(%arg0: i32) -> (i32, i32) {
    %c0_i32 = arith.constant 0 : i32
    %c0_i32_0 = arith.constant 0 : i32
    %c0_i32_1 = arith.constant 0 : i32
    return %c0_i32, %c0_i32_0 : i32, i32
  }
  func.func @transform_11(%arg0: i32) -> (i32, i32) {
    %c0_i32 = arith.constant 0 : i32
    %c0_i32_0 = arith.constant 0 : i32
    %c0_i32_1 = arith.constant 0 : i32
    return %c0_i32, %c0_i32_0 : i32, i32
  }
  func.func @transform_12(%arg0: i32) -> (i32, i32) {
    %c0_i32 = arith.constant 0 : i32
    %c0_i32_0 = arith.constant 0 : i32
    return %arg0, %c0_i32 : i32, i32
  }
  func.func @transform_13(%arg0: i32) -> (i32, i32) {
    %c0_i32 = arith.constant 0 : i32
    %c0_i32_0 = arith.constant 0 : i32
    return %arg0, %c0_i32 : i32, i32
  }
}

module attributes {stable_mosaic.version = 14 : i64} {
  func.func @_edge_kernel(%arg0: i32, %arg1: memref<1000x128xf32, #tpu.memory_space<vmem>>, %arg2: memref<1000x16xf32, #tpu.memory_space<vmem>>, %arg3: memref<1000x1xf32, #tpu.memory_space<vmem>>, %arg4: memref<1000x128xf32, #tpu.memory_space<vmem>>, %arg5: memref<1x100xf32, #tpu.memory_space<vmem>>, %arg6: memref<1x100xf32, #tpu.memory_space<vmem>>, %arg7: memref<128x128xf32, #tpu.memory_space<vmem>>, %arg8: memref<16x128xf32, #tpu.memory_space<vmem>>, %arg9: memref<100x128xf32, #tpu.memory_space<vmem>>, %arg10: memref<1x128xf32, #tpu.memory_space<vmem>>, %arg11: memref<128x128xf32, #tpu.memory_space<vmem>>, %arg12: memref<1x128xf32, #tpu.memory_space<vmem>>, %arg13: memref<128x128xf32, #tpu.memory_space<vmem>>, %arg14: memref<1x128xf32, #tpu.memory_space<vmem>>, %arg15: memref<1x4xf32, #tpu.memory_space<vmem>>, %arg16: memref<1000x128xf32, #tpu.memory_space<vmem>>) attributes {dimension_semantics = [#tpu.dimension_semantics<arbitrary>], iteration_bounds = array<i64: 160>, scalar_prefetch = 0 : i64, scratch_operands = 0 : i64, tpu.core_type = #tpu.core_type<tc>, window_params = [{transform_indices = @transform_0, window_bounds = array<i64: 1000, 128>}, {transform_indices = @transform_1, window_bounds = array<i64: 1000, 16>}, {transform_indices = @transform_2, window_bounds = array<i64: 1000, 1>}, {transform_indices = @transform_3, window_bounds = array<i64: 1000, 128>}, {pipeline_mode = #tpu.pipeline_mode<synchronous>, transform_indices = @transform_4, window_bounds = array<i64: 1, 100>}, {pipeline_mode = #tpu.pipeline_mode<synchronous>, transform_indices = @transform_5, window_bounds = array<i64: 1, 100>}, {pipeline_mode = #tpu.pipeline_mode<synchronous>, transform_indices = @transform_6, window_bounds = array<i64: 128, 128>}, {pipeline_mode = #tpu.pipeline_mode<synchronous>, transform_indices = @transform_7, window_bounds = array<i64: 16, 128>}, {pipeline_mode = #tpu.pipeline_mode<synchronous>, transform_indices = @transform_8, window_bounds = array<i64: 100, 128>}, {pipeline_mode = #tpu.pipeline_mode<synchronous>, transform_indices = @transform_9, window_bounds = array<i64: 1, 128>}, {pipeline_mode = #tpu.pipeline_mode<synchronous>, transform_indices = @transform_10, window_bounds = array<i64: 128, 128>}, {pipeline_mode = #tpu.pipeline_mode<synchronous>, transform_indices = @transform_11, window_bounds = array<i64: 1, 128>}, {pipeline_mode = #tpu.pipeline_mode<synchronous>, transform_indices = @transform_12, window_bounds = array<i64: 128, 128>}, {pipeline_mode = #tpu.pipeline_mode<synchronous>, transform_indices = @transform_13, window_bounds = array<i64: 1, 128>}, {pipeline_mode = #tpu.pipeline_mode<synchronous>, transform_indices = @transform_14, window_bounds = array<i64: 1, 4>}, {transform_indices = @transform_15, window_bounds = array<i64: 1000, 128>}]} {
    %get3A = arith.constant 0 : index
    %get3A_0 = arith.constant 0 : index
    %get3A_1 = vector.load %arg15[%get3A, %get3A_0] : memref<1x4xf32, #tpu.memory_space<vmem>>, vector<1x1xf32>
    %get3A_2 = vector.extract %get3A_1[0, 0] : f32 from vector<1x1xf32>
    %get3A_3 = arith.constant 0 : index
    %get3A_4 = arith.constant 1 : index
    %get3A_5 = vector.load %arg15[%get3A_3, %get3A_4] : memref<1x4xf32, #tpu.memory_space<vmem>>, vector<1x1xf32>
    %get3A_6 = vector.extract %get3A_5[0, 0] : f32 from vector<1x1xf32>
    %get3A_7 = arith.constant 0 : index
    %get3A_8 = arith.constant 2 : index
    %get3A_9 = vector.load %arg15[%get3A_7, %get3A_8] : memref<1x4xf32, #tpu.memory_space<vmem>>, vector<1x1xf32>
    %get3A_10 = vector.extract %get3A_9[0, 0] : f32 from vector<1x1xf32>
    %get3A_11 = arith.constant 0 : index
    %get3A_12 = arith.constant 3 : index
    %get3A_13 = vector.load %arg15[%get3A_11, %get3A_12] : memref<1x4xf32, #tpu.memory_space<vmem>>, vector<1x1xf32>
    %get3A_14 = vector.extract %get3A_13[0, 0] : f32 from vector<1x1xf32>
    %get3A_15 = arith.constant 0 : index
    %get3A_16 = arith.constant 0 : index
    %get3A_17 = vector.load %arg1[%get3A_15, %get3A_16] : memref<1000x128xf32, #tpu.memory_space<vmem>>, vector<1000x128xf32>
    %get3A_18 = arith.constant 0 : index
    %get3A_19 = arith.constant 0 : index
    %get3A_20 = vector.load %arg2[%get3A_18, %get3A_19] : memref<1000x16xf32, #tpu.memory_space<vmem>>, vector<1000x16xf32>
    %iota3A = tpu.iota {dimensions = array<i32: 1>} : vector<1000x128xi32>
    %get3A_21 = arith.constant 0 : index
    %get3A_22 = arith.constant 0 : index
    %get3A_23 = vector.load %arg3[%get3A_21, %get3A_22] : memref<1000x1xf32, #tpu.memory_space<vmem>>, vector<1000x1xf32>
    %get3A_24 = arith.constant 0 : index
    %get3A_25 = arith.constant 0 : index
    %get3A_26 = vector.load %arg5[%get3A_24, %get3A_25] : memref<1x100xf32, #tpu.memory_space<vmem>>, vector<1x100xf32>
    %mul3A = vector.broadcast %get3A_23 : vector<1000x1xf32> to vector<1000x100xf32>
    %mul3A_27 = vector.broadcast %get3A_26 : vector<1x100xf32> to vector<1000x100xf32>
    %mul3A_28 = arith.mulf %mul3A, %mul3A_27 : vector<1000x100xf32>
    %get3A_29 = arith.constant 0 : index
    %get3A_30 = arith.constant 0 : index
    %get3A_31 = vector.load %arg6[%get3A_29, %get3A_30] : memref<1x100xf32, #tpu.memory_space<vmem>>, vector<1x100xf32>
    %add3A = vector.broadcast %get3A_31 : vector<1x100xf32> to vector<1000x100xf32>
    %add3A_32 = arith.addf %mul3A_28, %add3A : vector<1000x100xf32>
    %mul3A_33 = arith.mulf %add3A_32, %add3A_32 : vector<1000x100xf32>
    %mul3A_34 = arith.constant -2.755732E-7 : f32
    %mul3A_35 = vector.broadcast %mul3A_34 : f32 to vector<1000x100xf32>
    %mul3A_36 = arith.mulf %mul3A_33, %mul3A_35 : vector<1000x100xf32>
    %add3A_37 = arith.constant 2.48015876E-5 : f32
    %add3A_38 = vector.broadcast %add3A_37 : f32 to vector<1000x100xf32>
    %add3A_39 = arith.addf %add3A_38, %mul3A_36 : vector<1000x100xf32>
    %mul3A_40 = arith.mulf %mul3A_33, %add3A_39 : vector<1000x100xf32>
    %add3A_41 = arith.constant -0.00138888892 : f32
    %add3A_42 = vector.broadcast %add3A_41 : f32 to vector<1000x100xf32>
    %add3A_43 = arith.addf %add3A_42, %mul3A_40 : vector<1000x100xf32>
    %mul3A_44 = arith.mulf %mul3A_33, %add3A_43 : vector<1000x100xf32>
    %add3A_45 = arith.constant 0.0416666679 : f32
    %add3A_46 = vector.broadcast %add3A_45 : f32 to vector<1000x100xf32>
    %add3A_47 = arith.addf %add3A_46, %mul3A_44 : vector<1000x100xf32>
    %mul3A_48 = arith.mulf %mul3A_33, %add3A_47 : vector<1000x100xf32>
    %add3A_49 = arith.constant -5.000000e-01 : f32
    %add3A_50 = vector.broadcast %add3A_49 : f32 to vector<1000x100xf32>
    %add3A_51 = arith.addf %add3A_50, %mul3A_48 : vector<1000x100xf32>
    %mul3A_52 = arith.mulf %mul3A_33, %add3A_51 : vector<1000x100xf32>
    %add3A_53 = arith.constant 1.000000e+00 : f32
    %add3A_54 = vector.broadcast %add3A_53 : f32 to vector<1000x100xf32>
    %add3A_55 = arith.addf %add3A_54, %mul3A_52 : vector<1000x100xf32>
    %mul3A_56 = arith.mulf %get3A_17, %get3A_17 : vector<1000x128xf32>
    %reduce_sum3A = arith.constant dense<0.000000e+00> : vector<1000xf32>
    %reduce_sum3A_57 = vector.multi_reduction <add>, %mul3A_56, %reduce_sum3A [1] : vector<1000x128xf32> to vector<1000xf32>
    %broadcast_in_dim3A = vector.shape_cast %reduce_sum3A_57 : vector<1000xf32> to vector<1000x1xf32>
    %mul3A_58 = arith.mulf %get3A_20, %get3A_20 : vector<1000x16xf32>
    %reduce_sum3A_59 = arith.constant dense<0.000000e+00> : vector<1000xf32>
    %reduce_sum3A_60 = vector.multi_reduction <add>, %mul3A_58, %reduce_sum3A_59 [1] : vector<1000x16xf32> to vector<1000xf32>
    %broadcast_in_dim3A_61 = vector.shape_cast %reduce_sum3A_60 : vector<1000xf32> to vector<1000x1xf32>
    %add3A_62 = arith.addf %broadcast_in_dim3A, %broadcast_in_dim3A_61 : vector<1000x1xf32>
    %mul3A_63 = arith.mulf %add3A_55, %add3A_55 : vector<1000x100xf32>
    %reduce_sum3A_64 = arith.constant dense<0.000000e+00> : vector<1000xf32>
    %reduce_sum3A_65 = vector.multi_reduction <add>, %mul3A_63, %reduce_sum3A_64 [1] : vector<1000x100xf32> to vector<1000xf32>
    %broadcast_in_dim3A_66 = vector.shape_cast %reduce_sum3A_65 : vector<1000xf32> to vector<1000x1xf32>
    %add3A_67 = arith.addf %add3A_62, %broadcast_in_dim3A_66 : vector<1000x1xf32>
    %sqrt3A = math.sqrt %add3A_67 : vector<1000x1xf32>
    %max3A = arith.constant 9.99999993E-9 : f32
    %max3A_68 = vector.broadcast %max3A : f32 to vector<1000x1xf32>
    %max3A_69 = arith.maximumf %sqrt3A, %max3A_68 : vector<1000x1xf32>
    %exp3A = math.exp %max3A_69 : vector<1000x1xf32>
    %div3A = arith.constant 1.000000e+00 : f32
    %div3A_70 = vector.broadcast %div3A : f32 to vector<1000x1xf32>
    %div3A_71 = arith.divf %div3A_70, %exp3A : vector<1000x1xf32>
    %sub3A = arith.subf %exp3A, %div3A_71 : vector<1000x1xf32>
    %mul3A_72 = arith.constant 5.000000e-01 : f32
    %mul3A_73 = vector.broadcast %mul3A_72 : f32 to vector<1000x1xf32>
    %mul3A_74 = arith.mulf %mul3A_73, %sub3A : vector<1000x1xf32>
    %div3A_75 = arith.divf %mul3A_74, %max3A_69 : vector<1000x1xf32>
    %mul3A_76 = vector.broadcast %div3A_75 : vector<1000x1xf32> to vector<1000x128xf32>
    %mul3A_77 = arith.mulf %mul3A_76, %get3A_17 : vector<1000x128xf32>
    %mul3A_78 = arith.constant 2.000000e-01 : f32
    %mul3A_79 = vector.broadcast %mul3A_78 : f32 to vector<1000x128xf32>
    %mul3A_80 = arith.mulf %mul3A_79, %mul3A_77 : vector<1000x128xf32>
    %max3A_81 = arith.maximumf %mul3A_77, %mul3A_80 : vector<1000x128xf32>
    %get3A_82 = arith.constant 0 : index
    %get3A_83 = arith.constant 0 : index
    %get3A_84 = vector.load %arg7[%get3A_82, %get3A_83] : memref<128x128xf32, #tpu.memory_space<vmem>>, vector<128x128xf32>
    %convert_element_type3A = arith.truncf %max3A_81 : vector<1000x128xf32> to vector<1000x128xbf16>
    %convert_element_type3A_85 = arith.truncf %get3A_84 : vector<128x128xf32> to vector<128x128xbf16>
    %dot_general3A = arith.constant dense<0.000000e+00> : vector<1000x128xf32>
    %dot_general3A_86 = tpu.matmul %convert_element_type3A, %convert_element_type3A_85, %dot_general3A {dimension_numbers = #tpu.dot_dimension_numbers<[1], [0], [0], [1], [0, 0, 1, 1], [], []>, transpose_lhs_hint = false} : vector<1000x128xbf16>, vector<128x128xbf16>, vector<1000x128xf32> -> vector<1000x128xf32>
    %mul3A_87 = vector.broadcast %div3A_75 : vector<1000x1xf32> to vector<1000x16xf32>
    %mul3A_88 = arith.mulf %mul3A_87, %get3A_20 : vector<1000x16xf32>
    %mul3A_89 = arith.constant 2.000000e-01 : f32
    %mul3A_90 = vector.broadcast %mul3A_89 : f32 to vector<1000x16xf32>
    %mul3A_91 = arith.mulf %mul3A_90, %mul3A_88 : vector<1000x16xf32>
    %max3A_92 = arith.maximumf %mul3A_88, %mul3A_91 : vector<1000x16xf32>
    %get3A_93 = arith.constant 0 : index
    %get3A_94 = arith.constant 0 : index
    %get3A_95 = vector.load %arg8[%get3A_93, %get3A_94] : memref<16x128xf32, #tpu.memory_space<vmem>>, vector<16x128xf32>
    %convert_element_type3A_96 = arith.truncf %max3A_92 : vector<1000x16xf32> to vector<1000x16xbf16>
    %convert_element_type3A_97 = arith.truncf %get3A_95 : vector<16x128xf32> to vector<16x128xbf16>
    %dot_general3A_98 = arith.constant dense<0.000000e+00> : vector<1000x128xf32>
    %dot_general3A_99 = tpu.matmul %convert_element_type3A_96, %convert_element_type3A_97, %dot_general3A_98 {dimension_numbers = #tpu.dot_dimension_numbers<[1], [0], [0], [1], [0, 0, 1, 1], [], []>, transpose_lhs_hint = false} : vector<1000x16xbf16>, vector<16x128xbf16>, vector<1000x128xf32> -> vector<1000x128xf32>
    %add3A_100 = arith.addf %dot_general3A_86, %dot_general3A_99 : vector<1000x128xf32>
    %mul3A_101 = vector.broadcast %div3A_75 : vector<1000x1xf32> to vector<1000x100xf32>
    %mul3A_102 = arith.mulf %mul3A_101, %add3A_55 : vector<1000x100xf32>
    %mul3A_103 = arith.constant 2.000000e-01 : f32
    %mul3A_104 = vector.broadcast %mul3A_103 : f32 to vector<1000x100xf32>
    %mul3A_105 = arith.mulf %mul3A_104, %mul3A_102 : vector<1000x100xf32>
    %max3A_106 = arith.maximumf %mul3A_102, %mul3A_105 : vector<1000x100xf32>
    %get3A_107 = arith.constant 0 : index
    %get3A_108 = arith.constant 0 : index
    %get3A_109 = vector.load %arg9[%get3A_107, %get3A_108] : memref<100x128xf32, #tpu.memory_space<vmem>>, vector<100x128xf32>
    %convert_element_type3A_110 = arith.truncf %max3A_106 : vector<1000x100xf32> to vector<1000x100xbf16>
    %convert_element_type3A_111 = arith.truncf %get3A_109 : vector<100x128xf32> to vector<100x128xbf16>
    %dot_general3A_112 = arith.constant dense<0.000000e+00> : vector<1000x128xf32>
    %dot_general3A_113 = tpu.matmul %convert_element_type3A_110, %convert_element_type3A_111, %dot_general3A_112 {dimension_numbers = #tpu.dot_dimension_numbers<[1], [0], [0], [1], [0, 0, 1, 1], [], []>, transpose_lhs_hint = false} : vector<1000x100xbf16>, vector<100x128xbf16>, vector<1000x128xf32> -> vector<1000x128xf32>
    %add3A_114 = arith.addf %add3A_100, %dot_general3A_113 : vector<1000x128xf32>
    %get3A_115 = arith.constant 0 : index
    %get3A_116 = arith.constant 0 : index
    %get3A_117 = vector.load %arg10[%get3A_115, %get3A_116] : memref<1x128xf32, #tpu.memory_space<vmem>>, vector<1x128xf32>
    %add3A_118 = vector.broadcast %get3A_117 : vector<1x128xf32> to vector<1000x128xf32>
    %add3A_119 = arith.addf %add3A_114, %add3A_118 : vector<1000x128xf32>
    %slice3A = vector.extract_strided_slice %add3A_119 {offsets = [0, 0], sizes = [1000, 1], strides = [1, 1]} : vector<1000x128xf32> to vector<1000x1xf32>
    %logistic3A = arith.negf %slice3A : vector<1000x1xf32>
    %logistic3A_120 = math.exp %logistic3A : vector<1000x1xf32>
    %logistic3A_121 = arith.constant 1.000000e+00 : f32
    %logistic3A_122 = vector.broadcast %logistic3A_121 : f32 to vector<1000x1xf32>
    %logistic3A_123 = arith.addf %logistic3A_122, %logistic3A_120 : vector<1000x1xf32>
    %logistic3A_124 = arith.divf %logistic3A_122, %logistic3A_123 : vector<1000x1xf32>
    %mul3A_125 = vector.broadcast %get3A_2 : f32 to vector<1000x1xf32>
    %mul3A_126 = arith.mulf %logistic3A_124, %mul3A_125 : vector<1000x1xf32>
    %add3A_127 = arith.constant 1.100000e+00 : f32
    %add3A_128 = vector.broadcast %add3A_127 : f32 to vector<1000x1xf32>
    %add3A_129 = arith.addf %mul3A_126, %add3A_128 : vector<1000x1xf32>
    %mul3A_130 = arith.mulf %add3A_119, %add3A_119 : vector<1000x128xf32>
    %reduce_sum3A_131 = arith.constant dense<0.000000e+00> : vector<1000xf32>
    %reduce_sum3A_132 = vector.multi_reduction <add>, %mul3A_130, %reduce_sum3A_131 [1] : vector<1000x128xf32> to vector<1000xf32>
    %broadcast_in_dim3A_133 = vector.shape_cast %reduce_sum3A_132 : vector<1000xf32> to vector<1000x1xf32>
    %mul3A_134 = arith.mulf %slice3A, %slice3A : vector<1000x1xf32>
    %sub3A_135 = arith.subf %broadcast_in_dim3A_133, %mul3A_134 : vector<1000x1xf32>
    %mul3A_136 = arith.mulf %add3A_129, %add3A_129 : vector<1000x1xf32>
    %sub3A_137 = arith.constant 1.000000e+00 : f32
    %sub3A_138 = vector.broadcast %sub3A_137 : f32 to vector<1000x1xf32>
    %sub3A_139 = arith.subf %mul3A_136, %sub3A_138 : vector<1000x1xf32>
    %max3A_140 = arith.constant 9.99999993E-9 : f32
    %max3A_141 = vector.broadcast %max3A_140 : f32 to vector<1000x1xf32>
    %max3A_142 = arith.maximumf %sub3A_135, %max3A_141 : vector<1000x1xf32>
    %div3A_143 = arith.divf %sub3A_139, %max3A_142 : vector<1000x1xf32>
    %sqrt3A_144 = math.sqrt %div3A_143 : vector<1000x1xf32>
    %eq3A = arith.constant 0 : i32
    %eq3A_145 = vector.broadcast %eq3A : i32 to vector<1000x128xi32>
    %eq3A_146 = arith.cmpi eq, %iota3A, %eq3A_145 : vector<1000x128xi32>
    %mul3A_147 = vector.broadcast %sqrt3A_144 : vector<1000x1xf32> to vector<1000x128xf32>
    %mul3A_148 = arith.mulf %add3A_119, %mul3A_147 : vector<1000x128xf32>
    %broadcast_in_dim3A_149 = vector.shape_cast %add3A_129 : vector<1000x1xf32> to vector<1000x1xf32>
    %broadcast_in_dim3A_150 = vector.broadcast %broadcast_in_dim3A_149 : vector<1000x1xf32> to vector<1000x128xf32>
    %select_n3A = arith.select %eq3A_146, %broadcast_in_dim3A_150, %mul3A_148 : vector<1000x128xi1>, vector<1000x128xf32>
    %get3A_151 = arith.constant 0 : index
    %get3A_152 = arith.constant 0 : index
    %get3A_153 = vector.load %arg11[%get3A_151, %get3A_152] : memref<128x128xf32, #tpu.memory_space<vmem>>, vector<128x128xf32>
    %convert_element_type3A_154 = arith.truncf %select_n3A : vector<1000x128xf32> to vector<1000x128xbf16>
    %convert_element_type3A_155 = arith.truncf %get3A_153 : vector<128x128xf32> to vector<128x128xbf16>
    %dot_general3A_156 = arith.constant dense<0.000000e+00> : vector<1000x128xf32>
    %dot_general3A_157 = tpu.matmul %convert_element_type3A_154, %convert_element_type3A_155, %dot_general3A_156 {dimension_numbers = #tpu.dot_dimension_numbers<[1], [0], [0], [1], [0, 0, 1, 1], [], []>, transpose_lhs_hint = false} : vector<1000x128xbf16>, vector<128x128xbf16>, vector<1000x128xf32> -> vector<1000x128xf32>
    %get3A_158 = arith.constant 0 : index
    %get3A_159 = arith.constant 0 : index
    %get3A_160 = vector.load %arg12[%get3A_158, %get3A_159] : memref<1x128xf32, #tpu.memory_space<vmem>>, vector<1x128xf32>
    %add3A_161 = vector.broadcast %get3A_160 : vector<1x128xf32> to vector<1000x128xf32>
    %add3A_162 = arith.addf %dot_general3A_157, %add3A_161 : vector<1000x128xf32>
    %slice3A_163 = vector.extract_strided_slice %add3A_162 {offsets = [0, 0], sizes = [1000, 1], strides = [1, 1]} : vector<1000x128xf32> to vector<1000x1xf32>
    %logistic3A_164 = arith.negf %slice3A_163 : vector<1000x1xf32>
    %logistic3A_165 = math.exp %logistic3A_164 : vector<1000x1xf32>
    %logistic3A_166 = arith.constant 1.000000e+00 : f32
    %logistic3A_167 = vector.broadcast %logistic3A_166 : f32 to vector<1000x1xf32>
    %logistic3A_168 = arith.addf %logistic3A_167, %logistic3A_165 : vector<1000x1xf32>
    %logistic3A_169 = arith.divf %logistic3A_167, %logistic3A_168 : vector<1000x1xf32>
    %mul3A_170 = vector.broadcast %get3A_6 : f32 to vector<1000x1xf32>
    %mul3A_171 = arith.mulf %logistic3A_169, %mul3A_170 : vector<1000x1xf32>
    %add3A_172 = arith.constant 1.100000e+00 : f32
    %add3A_173 = vector.broadcast %add3A_172 : f32 to vector<1000x1xf32>
    %add3A_174 = arith.addf %mul3A_171, %add3A_173 : vector<1000x1xf32>
    %mul3A_175 = arith.mulf %add3A_162, %add3A_162 : vector<1000x128xf32>
    %reduce_sum3A_176 = arith.constant dense<0.000000e+00> : vector<1000xf32>
    %reduce_sum3A_177 = vector.multi_reduction <add>, %mul3A_175, %reduce_sum3A_176 [1] : vector<1000x128xf32> to vector<1000xf32>
    %broadcast_in_dim3A_178 = vector.shape_cast %reduce_sum3A_177 : vector<1000xf32> to vector<1000x1xf32>
    %mul3A_179 = arith.mulf %slice3A_163, %slice3A_163 : vector<1000x1xf32>
    %sub3A_180 = arith.subf %broadcast_in_dim3A_178, %mul3A_179 : vector<1000x1xf32>
    %mul3A_181 = arith.mulf %add3A_174, %add3A_174 : vector<1000x1xf32>
    %sub3A_182 = arith.constant 1.000000e+00 : f32
    %sub3A_183 = vector.broadcast %sub3A_182 : f32 to vector<1000x1xf32>
    %sub3A_184 = arith.subf %mul3A_181, %sub3A_183 : vector<1000x1xf32>
    %max3A_185 = arith.constant 9.99999993E-9 : f32
    %max3A_186 = vector.broadcast %max3A_185 : f32 to vector<1000x1xf32>
    %max3A_187 = arith.maximumf %sub3A_180, %max3A_186 : vector<1000x1xf32>
    %div3A_188 = arith.divf %sub3A_184, %max3A_187 : vector<1000x1xf32>
    %sqrt3A_189 = math.sqrt %div3A_188 : vector<1000x1xf32>
    %eq3A_190 = arith.constant 0 : i32
    %eq3A_191 = vector.broadcast %eq3A_190 : i32 to vector<1000x128xi32>
    %eq3A_192 = arith.cmpi eq, %iota3A, %eq3A_191 : vector<1000x128xi32>
    %mul3A_193 = vector.broadcast %sqrt3A_189 : vector<1000x1xf32> to vector<1000x128xf32>
    %mul3A_194 = arith.mulf %add3A_162, %mul3A_193 : vector<1000x128xf32>
    %broadcast_in_dim3A_195 = vector.shape_cast %add3A_174 : vector<1000x1xf32> to vector<1000x1xf32>
    %broadcast_in_dim3A_196 = vector.broadcast %broadcast_in_dim3A_195 : vector<1000x1xf32> to vector<1000x128xf32>
    %select_n3A_197 = arith.select %eq3A_192, %broadcast_in_dim3A_196, %mul3A_194 : vector<1000x128xi1>, vector<1000x128xf32>
    %get3A_198 = arith.constant 0 : index
    %get3A_199 = arith.constant 0 : index
    %get3A_200 = vector.load %arg13[%get3A_198, %get3A_199] : memref<128x128xf32, #tpu.memory_space<vmem>>, vector<128x128xf32>
    %convert_element_type3A_201 = arith.truncf %select_n3A_197 : vector<1000x128xf32> to vector<1000x128xbf16>
    %convert_element_type3A_202 = arith.truncf %get3A_200 : vector<128x128xf32> to vector<128x128xbf16>
    %dot_general3A_203 = arith.constant dense<0.000000e+00> : vector<1000x128xf32>
    %dot_general3A_204 = tpu.matmul %convert_element_type3A_201, %convert_element_type3A_202, %dot_general3A_203 {dimension_numbers = #tpu.dot_dimension_numbers<[1], [0], [0], [1], [0, 0, 1, 1], [], []>, transpose_lhs_hint = false} : vector<1000x128xbf16>, vector<128x128xbf16>, vector<1000x128xf32> -> vector<1000x128xf32>
    %get3A_205 = arith.constant 0 : index
    %get3A_206 = arith.constant 0 : index
    %get3A_207 = vector.load %arg14[%get3A_205, %get3A_206] : memref<1x128xf32, #tpu.memory_space<vmem>>, vector<1x128xf32>
    %add3A_208 = vector.broadcast %get3A_207 : vector<1x128xf32> to vector<1000x128xf32>
    %add3A_209 = arith.addf %dot_general3A_204, %add3A_208 : vector<1000x128xf32>
    %slice3A_210 = vector.extract_strided_slice %add3A_209 {offsets = [0, 0], sizes = [1000, 1], strides = [1, 1]} : vector<1000x128xf32> to vector<1000x1xf32>
    %logistic3A_211 = arith.negf %slice3A_210 : vector<1000x1xf32>
    %logistic3A_212 = math.exp %logistic3A_211 : vector<1000x1xf32>
    %logistic3A_213 = arith.constant 1.000000e+00 : f32
    %logistic3A_214 = vector.broadcast %logistic3A_213 : f32 to vector<1000x1xf32>
    %logistic3A_215 = arith.addf %logistic3A_214, %logistic3A_212 : vector<1000x1xf32>
    %logistic3A_216 = arith.divf %logistic3A_214, %logistic3A_215 : vector<1000x1xf32>
    %mul3A_217 = vector.broadcast %get3A_10 : f32 to vector<1000x1xf32>
    %mul3A_218 = arith.mulf %logistic3A_216, %mul3A_217 : vector<1000x1xf32>
    %add3A_219 = arith.constant 1.100000e+00 : f32
    %add3A_220 = vector.broadcast %add3A_219 : f32 to vector<1000x1xf32>
    %add3A_221 = arith.addf %mul3A_218, %add3A_220 : vector<1000x1xf32>
    %mul3A_222 = arith.mulf %add3A_209, %add3A_209 : vector<1000x128xf32>
    %reduce_sum3A_223 = arith.constant dense<0.000000e+00> : vector<1000xf32>
    %reduce_sum3A_224 = vector.multi_reduction <add>, %mul3A_222, %reduce_sum3A_223 [1] : vector<1000x128xf32> to vector<1000xf32>
    %broadcast_in_dim3A_225 = vector.shape_cast %reduce_sum3A_224 : vector<1000xf32> to vector<1000x1xf32>
    %mul3A_226 = arith.mulf %slice3A_210, %slice3A_210 : vector<1000x1xf32>
    %sub3A_227 = arith.subf %broadcast_in_dim3A_225, %mul3A_226 : vector<1000x1xf32>
    %mul3A_228 = arith.mulf %add3A_221, %add3A_221 : vector<1000x1xf32>
    %sub3A_229 = arith.constant 1.000000e+00 : f32
    %sub3A_230 = vector.broadcast %sub3A_229 : f32 to vector<1000x1xf32>
    %sub3A_231 = arith.subf %mul3A_228, %sub3A_230 : vector<1000x1xf32>
    %max3A_232 = arith.constant 9.99999993E-9 : f32
    %max3A_233 = vector.broadcast %max3A_232 : f32 to vector<1000x1xf32>
    %max3A_234 = arith.maximumf %sub3A_227, %max3A_233 : vector<1000x1xf32>
    %div3A_235 = arith.divf %sub3A_231, %max3A_234 : vector<1000x1xf32>
    %sqrt3A_236 = math.sqrt %div3A_235 : vector<1000x1xf32>
    %eq3A_237 = arith.constant 0 : i32
    %eq3A_238 = vector.broadcast %eq3A_237 : i32 to vector<1000x128xi32>
    %eq3A_239 = arith.cmpi eq, %iota3A, %eq3A_238 : vector<1000x128xi32>
    %mul3A_240 = vector.broadcast %sqrt3A_236 : vector<1000x1xf32> to vector<1000x128xf32>
    %mul3A_241 = arith.mulf %add3A_209, %mul3A_240 : vector<1000x128xf32>
    %broadcast_in_dim3A_242 = vector.shape_cast %add3A_221 : vector<1000x1xf32> to vector<1000x1xf32>
    %broadcast_in_dim3A_243 = vector.broadcast %broadcast_in_dim3A_242 : vector<1000x1xf32> to vector<1000x128xf32>
    %select_n3A_244 = arith.select %eq3A_239, %broadcast_in_dim3A_243, %mul3A_241 : vector<1000x128xi1>, vector<1000x128xf32>
    %get3A_245 = arith.constant 0 : index
    %get3A_246 = arith.constant 0 : index
    %get3A_247 = vector.load %arg4[%get3A_245, %get3A_246] : memref<1000x128xf32, #tpu.memory_space<vmem>>, vector<1000x128xf32>
    %mul3A_248 = arith.mulf %get3A_247, %select_n3A_197 : vector<1000x128xf32>
    %reduce_sum3A_249 = arith.constant dense<0.000000e+00> : vector<1000xf32>
    %reduce_sum3A_250 = vector.multi_reduction <add>, %mul3A_248, %reduce_sum3A_249 [1] : vector<1000x128xf32> to vector<1000xf32>
    %broadcast_in_dim3A_251 = vector.shape_cast %reduce_sum3A_250 : vector<1000xf32> to vector<1000x1xf32>
    %mul3A_252 = arith.constant 2.000000e+00 : f32
    %mul3A_253 = vector.broadcast %mul3A_252 : f32 to vector<1000x1xf32>
    %mul3A_254 = arith.mulf %mul3A_253, %broadcast_in_dim3A_251 : vector<1000x1xf32>
    %add3A_255 = arith.constant 2.000000e+00 : f32
    %add3A_256 = vector.broadcast %add3A_255 : f32 to vector<1000x1xf32>
    %add3A_257 = arith.addf %add3A_256, %mul3A_254 : vector<1000x1xf32>
    %mul3A_258 = vector.broadcast %get3A_14 : f32 to vector<1000x1xf32>
    %mul3A_259 = arith.mulf %add3A_257, %mul3A_258 : vector<1000x1xf32>
    %exp3A_260 = math.exp %mul3A_259 : vector<1000x1xf32>
    %mul3A_261 = vector.broadcast %exp3A_260 : vector<1000x1xf32> to vector<1000x128xf32>
    %mul3A_262 = arith.mulf %mul3A_261, %select_n3A_244 : vector<1000x128xf32>
    %swap3A = arith.constant 0 : index
    %swap3A_263 = arith.constant 0 : index
    %swap3A_264 = vector.load %arg16[%swap3A, %swap3A_263] : memref<1000x128xf32, #tpu.memory_space<vmem>>, vector<1000x128xf32>
    tpu.vector_store %arg16[%swap3A, %swap3A_263], %mul3A_262 {strides = array<i32>} : memref<1000x128xf32, #tpu.memory_space<vmem>>, vector<1000x128xf32>,
    return
  }
  func.func @transform_0(%arg0: i32) -> (i32, i32) {
    %add3A = arith.constant 165 : i32
    %add3A_0 = arith.addi %arg0, %add3A : i32
    %c0_i32 = arith.constant 0 : i32
    %c0_i32_1 = arith.constant 0 : i32
    return %add3A_0, %c0_i32 : i32, i32
  }
  func.func @transform_1(%arg0: i32) -> (i32, i32) {
    %add3A = arith.constant 160 : i32
    %add3A_0 = arith.addi %arg0, %add3A : i32
    %c0_i32 = arith.constant 0 : i32
    %c0_i32_1 = arith.constant 0 : i32
    return %add3A_0, %c0_i32 : i32, i32
  }
  func.func @transform_2(%arg0: i32) -> (i32, i32) {
    %add3A = arith.constant 160 : i32
    %add3A_0 = arith.addi %arg0, %add3A : i32
    %c0_i32 = arith.constant 0 : i32
    %c0_i32_1 = arith.constant 0 : i32
    return %add3A_0, %c0_i32 : i32, i32
  }
  func.func @transform_3(%arg0: i32) -> (i32, i32) {
    %c0_i32 = arith.constant 0 : i32
    %c0_i32_0 = arith.constant 0 : i32
    return %arg0, %c0_i32 : i32, i32
  }
  func.func @transform_4(%arg0: i32) -> (i32, i32) {
    %c0_i32 = arith.constant 0 : i32
    %c0_i32_0 = arith.constant 0 : i32
    %c0_i32_1 = arith.constant 0 : i32
    return %c0_i32, %c0_i32_0 : i32, i32
  }
  func.func @transform_5(%arg0: i32) -> (i32, i32) {
    %c0_i32 = arith.constant 0 : i32
    %c0_i32_0 = arith.constant 0 : i32
    %c0_i32_1 = arith.constant 0 : i32
    return %c0_i32, %c0_i32_0 : i32, i32
  }
  func.func @transform_6(%arg0: i32) -> (i32, i32) {
    %c0_i32 = arith.constant 0 : i32
    %c0_i32_0 = arith.constant 0 : i32
    %c0_i32_1 = arith.constant 0 : i32
    return %c0_i32, %c0_i32_0 : i32, i32
  }
  func.func @transform_7(%arg0: i32) -> (i32, i32) {
    %c0_i32 = arith.constant 0 : i32
    %c0_i32_0 = arith.constant 0 : i32
    %c0_i32_1 = arith.constant 0 : i32
    return %c0_i32, %c0_i32_0 : i32, i32
  }
  func.func @transform_8(%arg0: i32) -> (i32, i32) {
    %c0_i32 = arith.constant 0 : i32
    %c0_i32_0 = arith.constant 0 : i32
    %c0_i32_1 = arith.constant 0 : i32
    return %c0_i32, %c0_i32_0 : i32, i32
  }
  func.func @transform_9(%arg0: i32) -> (i32, i32) {
    %c0_i32 = arith.constant 0 : i32
    %c0_i32_0 = arith.constant 0 : i32
    %c0_i32_1 = arith.constant 0 : i32
    return %c0_i32, %c0_i32_0 : i32, i32
  }
  func.func @transform_10(%arg0: i32) -> (i32, i32) {
    %c0_i32 = arith.constant 0 : i32
    %c0_i32_0 = arith.constant 0 : i32
    %c0_i32_1 = arith.constant 0 : i32
    return %c0_i32, %c0_i32_0 : i32, i32
  }
  func.func @transform_11(%arg0: i32) -> (i32, i32) {
    %c0_i32 = arith.constant 0 : i32
    %c0_i32_0 = arith.constant 0 : i32
    %c0_i32_1 = arith.constant 0 : i32
    return %c0_i32, %c0_i32_0 : i32, i32
  }
  func.func @transform_12(%arg0: i32) -> (i32, i32) {
    %c0_i32 = arith.constant 0 : i32
    %c0_i32_0 = arith.constant 0 : i32
    %c0_i32_1 = arith.constant 0 : i32
    return %c0_i32, %c0_i32_0 : i32, i32
  }
  func.func @transform_13(%arg0: i32) -> (i32, i32) {
    %c0_i32 = arith.constant 0 : i32
    %c0_i32_0 = arith.constant 0 : i32
    %c0_i32_1 = arith.constant 0 : i32
    return %c0_i32, %c0_i32_0 : i32, i32
  }
  func.func @transform_14(%arg0: i32) -> (i32, i32) {
    %c0_i32 = arith.constant 0 : i32
    %c0_i32_0 = arith.constant 0 : i32
    %c0_i32_1 = arith.constant 0 : i32
    return %c0_i32, %c0_i32_0 : i32, i32
  }
  func.func @transform_15(%arg0: i32) -> (i32, i32) {
    %c0_i32 = arith.constant 0 : i32
    %c0_i32_0 = arith.constant 0 : i32
    return %arg0, %c0_i32 : i32, i32
  }
}

module attributes {stable_mosaic.version = 14 : i64} {
  func.func @_edge_kernel(%arg0: i32, %arg1: memref<1000x128xf32, #tpu.memory_space<vmem>>, %arg2: memref<1000x16xf32, #tpu.memory_space<vmem>>, %arg3: memref<1000x1xf32, #tpu.memory_space<vmem>>, %arg4: memref<1000x128xf32, #tpu.memory_space<vmem>>, %arg5: memref<1x100xf32, #tpu.memory_space<vmem>>, %arg6: memref<1x100xf32, #tpu.memory_space<vmem>>, %arg7: memref<128x128xf32, #tpu.memory_space<vmem>>, %arg8: memref<16x128xf32, #tpu.memory_space<vmem>>, %arg9: memref<100x128xf32, #tpu.memory_space<vmem>>, %arg10: memref<1x128xf32, #tpu.memory_space<vmem>>, %arg11: memref<128x128xf32, #tpu.memory_space<vmem>>, %arg12: memref<1x128xf32, #tpu.memory_space<vmem>>, %arg13: memref<128x128xf32, #tpu.memory_space<vmem>>, %arg14: memref<1x128xf32, #tpu.memory_space<vmem>>, %arg15: memref<1x4xf32, #tpu.memory_space<vmem>>, %arg16: memref<1000x128xf32, #tpu.memory_space<vmem>>) attributes {dimension_semantics = [#tpu.dimension_semantics<arbitrary>], iteration_bounds = array<i64: 160>, scalar_prefetch = 0 : i64, scratch_operands = 0 : i64, tpu.core_type = #tpu.core_type<tc>, window_params = [{transform_indices = @transform_0, window_bounds = array<i64: 1000, 128>}, {transform_indices = @transform_1, window_bounds = array<i64: 1000, 16>}, {transform_indices = @transform_2, window_bounds = array<i64: 1000, 1>}, {transform_indices = @transform_3, window_bounds = array<i64: 1000, 128>}, {pipeline_mode = #tpu.pipeline_mode<synchronous>, transform_indices = @transform_4, window_bounds = array<i64: 1, 100>}, {pipeline_mode = #tpu.pipeline_mode<synchronous>, transform_indices = @transform_5, window_bounds = array<i64: 1, 100>}, {pipeline_mode = #tpu.pipeline_mode<synchronous>, transform_indices = @transform_6, window_bounds = array<i64: 128, 128>}, {pipeline_mode = #tpu.pipeline_mode<synchronous>, transform_indices = @transform_7, window_bounds = array<i64: 16, 128>}, {pipeline_mode = #tpu.pipeline_mode<synchronous>, transform_indices = @transform_8, window_bounds = array<i64: 100, 128>}, {pipeline_mode = #tpu.pipeline_mode<synchronous>, transform_indices = @transform_9, window_bounds = array<i64: 1, 128>}, {pipeline_mode = #tpu.pipeline_mode<synchronous>, transform_indices = @transform_10, window_bounds = array<i64: 128, 128>}, {pipeline_mode = #tpu.pipeline_mode<synchronous>, transform_indices = @transform_11, window_bounds = array<i64: 1, 128>}, {pipeline_mode = #tpu.pipeline_mode<synchronous>, transform_indices = @transform_12, window_bounds = array<i64: 128, 128>}, {pipeline_mode = #tpu.pipeline_mode<synchronous>, transform_indices = @transform_13, window_bounds = array<i64: 1, 128>}, {pipeline_mode = #tpu.pipeline_mode<synchronous>, transform_indices = @transform_14, window_bounds = array<i64: 1, 4>}, {transform_indices = @transform_15, window_bounds = array<i64: 1000, 128>}]} {
    %get3A = arith.constant 0 : index
    %get3A_0 = arith.constant 0 : index
    %get3A_1 = vector.load %arg15[%get3A, %get3A_0] : memref<1x4xf32, #tpu.memory_space<vmem>>, vector<1x1xf32>
    %get3A_2 = vector.extract %get3A_1[0, 0] : f32 from vector<1x1xf32>
    %get3A_3 = arith.constant 0 : index
    %get3A_4 = arith.constant 1 : index
    %get3A_5 = vector.load %arg15[%get3A_3, %get3A_4] : memref<1x4xf32, #tpu.memory_space<vmem>>, vector<1x1xf32>
    %get3A_6 = vector.extract %get3A_5[0, 0] : f32 from vector<1x1xf32>
    %get3A_7 = arith.constant 0 : index
    %get3A_8 = arith.constant 2 : index
    %get3A_9 = vector.load %arg15[%get3A_7, %get3A_8] : memref<1x4xf32, #tpu.memory_space<vmem>>, vector<1x1xf32>
    %get3A_10 = vector.extract %get3A_9[0, 0] : f32 from vector<1x1xf32>
    %get3A_11 = arith.constant 0 : index
    %get3A_12 = arith.constant 3 : index
    %get3A_13 = vector.load %arg15[%get3A_11, %get3A_12] : memref<1x4xf32, #tpu.memory_space<vmem>>, vector<1x1xf32>
    %get3A_14 = vector.extract %get3A_13[0, 0] : f32 from vector<1x1xf32>
    %get3A_15 = arith.constant 0 : index
    %get3A_16 = arith.constant 0 : index
    %get3A_17 = vector.load %arg1[%get3A_15, %get3A_16] : memref<1000x128xf32, #tpu.memory_space<vmem>>, vector<1000x128xf32>
    %get3A_18 = arith.constant 0 : index
    %get3A_19 = arith.constant 0 : index
    %get3A_20 = vector.load %arg2[%get3A_18, %get3A_19] : memref<1000x16xf32, #tpu.memory_space<vmem>>, vector<1000x16xf32>
    %iota3A = tpu.iota {dimensions = array<i32: 1>} : vector<1000x128xi32>
    %get3A_21 = arith.constant 0 : index
    %get3A_22 = arith.constant 0 : index
    %get3A_23 = vector.load %arg3[%get3A_21, %get3A_22] : memref<1000x1xf32, #tpu.memory_space<vmem>>, vector<1000x1xf32>
    %get3A_24 = arith.constant 0 : index
    %get3A_25 = arith.constant 0 : index
    %get3A_26 = vector.load %arg5[%get3A_24, %get3A_25] : memref<1x100xf32, #tpu.memory_space<vmem>>, vector<1x100xf32>
    %mul3A = vector.broadcast %get3A_23 : vector<1000x1xf32> to vector<1000x100xf32>
    %mul3A_27 = vector.broadcast %get3A_26 : vector<1x100xf32> to vector<1000x100xf32>
    %mul3A_28 = arith.mulf %mul3A, %mul3A_27 : vector<1000x100xf32>
    %get3A_29 = arith.constant 0 : index
    %get3A_30 = arith.constant 0 : index
    %get3A_31 = vector.load %arg6[%get3A_29, %get3A_30] : memref<1x100xf32, #tpu.memory_space<vmem>>, vector<1x100xf32>
    %add3A = vector.broadcast %get3A_31 : vector<1x100xf32> to vector<1000x100xf32>
    %add3A_32 = arith.addf %mul3A_28, %add3A : vector<1000x100xf32>
    %mul3A_33 = arith.mulf %add3A_32, %add3A_32 : vector<1000x100xf32>
    %mul3A_34 = arith.constant -2.755732E-7 : f32
    %mul3A_35 = vector.broadcast %mul3A_34 : f32 to vector<1000x100xf32>
    %mul3A_36 = arith.mulf %mul3A_33, %mul3A_35 : vector<1000x100xf32>
    %add3A_37 = arith.constant 2.48015876E-5 : f32
    %add3A_38 = vector.broadcast %add3A_37 : f32 to vector<1000x100xf32>
    %add3A_39 = arith.addf %add3A_38, %mul3A_36 : vector<1000x100xf32>
    %mul3A_40 = arith.mulf %mul3A_33, %add3A_39 : vector<1000x100xf32>
    %add3A_41 = arith.constant -0.00138888892 : f32
    %add3A_42 = vector.broadcast %add3A_41 : f32 to vector<1000x100xf32>
    %add3A_43 = arith.addf %add3A_42, %mul3A_40 : vector<1000x100xf32>
    %mul3A_44 = arith.mulf %mul3A_33, %add3A_43 : vector<1000x100xf32>
    %add3A_45 = arith.constant 0.0416666679 : f32
    %add3A_46 = vector.broadcast %add3A_45 : f32 to vector<1000x100xf32>
    %add3A_47 = arith.addf %add3A_46, %mul3A_44 : vector<1000x100xf32>
    %mul3A_48 = arith.mulf %mul3A_33, %add3A_47 : vector<1000x100xf32>
    %add3A_49 = arith.constant -5.000000e-01 : f32
    %add3A_50 = vector.broadcast %add3A_49 : f32 to vector<1000x100xf32>
    %add3A_51 = arith.addf %add3A_50, %mul3A_48 : vector<1000x100xf32>
    %mul3A_52 = arith.mulf %mul3A_33, %add3A_51 : vector<1000x100xf32>
    %add3A_53 = arith.constant 1.000000e+00 : f32
    %add3A_54 = vector.broadcast %add3A_53 : f32 to vector<1000x100xf32>
    %add3A_55 = arith.addf %add3A_54, %mul3A_52 : vector<1000x100xf32>
    %mul3A_56 = arith.mulf %get3A_17, %get3A_17 : vector<1000x128xf32>
    %reduce_sum3A = arith.constant dense<0.000000e+00> : vector<1000xf32>
    %reduce_sum3A_57 = vector.multi_reduction <add>, %mul3A_56, %reduce_sum3A [1] : vector<1000x128xf32> to vector<1000xf32>
    %broadcast_in_dim3A = vector.shape_cast %reduce_sum3A_57 : vector<1000xf32> to vector<1000x1xf32>
    %mul3A_58 = arith.mulf %get3A_20, %get3A_20 : vector<1000x16xf32>
    %reduce_sum3A_59 = arith.constant dense<0.000000e+00> : vector<1000xf32>
    %reduce_sum3A_60 = vector.multi_reduction <add>, %mul3A_58, %reduce_sum3A_59 [1] : vector<1000x16xf32> to vector<1000xf32>
    %broadcast_in_dim3A_61 = vector.shape_cast %reduce_sum3A_60 : vector<1000xf32> to vector<1000x1xf32>
    %add3A_62 = arith.addf %broadcast_in_dim3A, %broadcast_in_dim3A_61 : vector<1000x1xf32>
    %mul3A_63 = arith.mulf %add3A_55, %add3A_55 : vector<1000x100xf32>
    %reduce_sum3A_64 = arith.constant dense<0.000000e+00> : vector<1000xf32>
    %reduce_sum3A_65 = vector.multi_reduction <add>, %mul3A_63, %reduce_sum3A_64 [1] : vector<1000x100xf32> to vector<1000xf32>
    %broadcast_in_dim3A_66 = vector.shape_cast %reduce_sum3A_65 : vector<1000xf32> to vector<1000x1xf32>
    %add3A_67 = arith.addf %add3A_62, %broadcast_in_dim3A_66 : vector<1000x1xf32>
    %sqrt3A = math.sqrt %add3A_67 : vector<1000x1xf32>
    %max3A = arith.constant 9.99999993E-9 : f32
    %max3A_68 = vector.broadcast %max3A : f32 to vector<1000x1xf32>
    %max3A_69 = arith.maximumf %sqrt3A, %max3A_68 : vector<1000x1xf32>
    %exp3A = math.exp %max3A_69 : vector<1000x1xf32>
    %div3A = arith.constant 1.000000e+00 : f32
    %div3A_70 = vector.broadcast %div3A : f32 to vector<1000x1xf32>
    %div3A_71 = arith.divf %div3A_70, %exp3A : vector<1000x1xf32>
    %sub3A = arith.subf %exp3A, %div3A_71 : vector<1000x1xf32>
    %mul3A_72 = arith.constant 5.000000e-01 : f32
    %mul3A_73 = vector.broadcast %mul3A_72 : f32 to vector<1000x1xf32>
    %mul3A_74 = arith.mulf %mul3A_73, %sub3A : vector<1000x1xf32>
    %div3A_75 = arith.divf %mul3A_74, %max3A_69 : vector<1000x1xf32>
    %mul3A_76 = vector.broadcast %div3A_75 : vector<1000x1xf32> to vector<1000x128xf32>
    %mul3A_77 = arith.mulf %mul3A_76, %get3A_17 : vector<1000x128xf32>
    %mul3A_78 = arith.constant 2.000000e-01 : f32
    %mul3A_79 = vector.broadcast %mul3A_78 : f32 to vector<1000x128xf32>
    %mul3A_80 = arith.mulf %mul3A_79, %mul3A_77 : vector<1000x128xf32>
    %max3A_81 = arith.maximumf %mul3A_77, %mul3A_80 : vector<1000x128xf32>
    %get3A_82 = arith.constant 0 : index
    %get3A_83 = arith.constant 0 : index
    %get3A_84 = vector.load %arg7[%get3A_82, %get3A_83] : memref<128x128xf32, #tpu.memory_space<vmem>>, vector<128x128xf32>
    %convert_element_type3A = arith.truncf %max3A_81 : vector<1000x128xf32> to vector<1000x128xbf16>
    %convert_element_type3A_85 = arith.truncf %get3A_84 : vector<128x128xf32> to vector<128x128xbf16>
    %dot_general3A = arith.constant dense<0.000000e+00> : vector<1000x128xf32>
    %dot_general3A_86 = tpu.matmul %convert_element_type3A, %convert_element_type3A_85, %dot_general3A {dimension_numbers = #tpu.dot_dimension_numbers<[1], [0], [0], [1], [0, 0, 1, 1], [], []>, transpose_lhs_hint = false} : vector<1000x128xbf16>, vector<128x128xbf16>, vector<1000x128xf32> -> vector<1000x128xf32>
    %mul3A_87 = vector.broadcast %div3A_75 : vector<1000x1xf32> to vector<1000x16xf32>
    %mul3A_88 = arith.mulf %mul3A_87, %get3A_20 : vector<1000x16xf32>
    %mul3A_89 = arith.constant 2.000000e-01 : f32
    %mul3A_90 = vector.broadcast %mul3A_89 : f32 to vector<1000x16xf32>
    %mul3A_91 = arith.mulf %mul3A_90, %mul3A_88 : vector<1000x16xf32>
    %max3A_92 = arith.maximumf %mul3A_88, %mul3A_91 : vector<1000x16xf32>
    %get3A_93 = arith.constant 0 : index
    %get3A_94 = arith.constant 0 : index
    %get3A_95 = vector.load %arg8[%get3A_93, %get3A_94] : memref<16x128xf32, #tpu.memory_space<vmem>>, vector<16x128xf32>
    %convert_element_type3A_96 = arith.truncf %max3A_92 : vector<1000x16xf32> to vector<1000x16xbf16>
    %convert_element_type3A_97 = arith.truncf %get3A_95 : vector<16x128xf32> to vector<16x128xbf16>
    %dot_general3A_98 = arith.constant dense<0.000000e+00> : vector<1000x128xf32>
    %dot_general3A_99 = tpu.matmul %convert_element_type3A_96, %convert_element_type3A_97, %dot_general3A_98 {dimension_numbers = #tpu.dot_dimension_numbers<[1], [0], [0], [1], [0, 0, 1, 1], [], []>, transpose_lhs_hint = false} : vector<1000x16xbf16>, vector<16x128xbf16>, vector<1000x128xf32> -> vector<1000x128xf32>
    %add3A_100 = arith.addf %dot_general3A_86, %dot_general3A_99 : vector<1000x128xf32>
    %mul3A_101 = vector.broadcast %div3A_75 : vector<1000x1xf32> to vector<1000x100xf32>
    %mul3A_102 = arith.mulf %mul3A_101, %add3A_55 : vector<1000x100xf32>
    %mul3A_103 = arith.constant 2.000000e-01 : f32
    %mul3A_104 = vector.broadcast %mul3A_103 : f32 to vector<1000x100xf32>
    %mul3A_105 = arith.mulf %mul3A_104, %mul3A_102 : vector<1000x100xf32>
    %max3A_106 = arith.maximumf %mul3A_102, %mul3A_105 : vector<1000x100xf32>
    %get3A_107 = arith.constant 0 : index
    %get3A_108 = arith.constant 0 : index
    %get3A_109 = vector.load %arg9[%get3A_107, %get3A_108] : memref<100x128xf32, #tpu.memory_space<vmem>>, vector<100x128xf32>
    %convert_element_type3A_110 = arith.truncf %max3A_106 : vector<1000x100xf32> to vector<1000x100xbf16>
    %convert_element_type3A_111 = arith.truncf %get3A_109 : vector<100x128xf32> to vector<100x128xbf16>
    %dot_general3A_112 = arith.constant dense<0.000000e+00> : vector<1000x128xf32>
    %dot_general3A_113 = tpu.matmul %convert_element_type3A_110, %convert_element_type3A_111, %dot_general3A_112 {dimension_numbers = #tpu.dot_dimension_numbers<[1], [0], [0], [1], [0, 0, 1, 1], [], []>, transpose_lhs_hint = false} : vector<1000x100xbf16>, vector<100x128xbf16>, vector<1000x128xf32> -> vector<1000x128xf32>
    %add3A_114 = arith.addf %add3A_100, %dot_general3A_113 : vector<1000x128xf32>
    %get3A_115 = arith.constant 0 : index
    %get3A_116 = arith.constant 0 : index
    %get3A_117 = vector.load %arg10[%get3A_115, %get3A_116] : memref<1x128xf32, #tpu.memory_space<vmem>>, vector<1x128xf32>
    %add3A_118 = vector.broadcast %get3A_117 : vector<1x128xf32> to vector<1000x128xf32>
    %add3A_119 = arith.addf %add3A_114, %add3A_118 : vector<1000x128xf32>
    %slice3A = vector.extract_strided_slice %add3A_119 {offsets = [0, 0], sizes = [1000, 1], strides = [1, 1]} : vector<1000x128xf32> to vector<1000x1xf32>
    %logistic3A = arith.negf %slice3A : vector<1000x1xf32>
    %logistic3A_120 = math.exp %logistic3A : vector<1000x1xf32>
    %logistic3A_121 = arith.constant 1.000000e+00 : f32
    %logistic3A_122 = vector.broadcast %logistic3A_121 : f32 to vector<1000x1xf32>
    %logistic3A_123 = arith.addf %logistic3A_122, %logistic3A_120 : vector<1000x1xf32>
    %logistic3A_124 = arith.divf %logistic3A_122, %logistic3A_123 : vector<1000x1xf32>
    %mul3A_125 = vector.broadcast %get3A_2 : f32 to vector<1000x1xf32>
    %mul3A_126 = arith.mulf %logistic3A_124, %mul3A_125 : vector<1000x1xf32>
    %add3A_127 = arith.constant 1.100000e+00 : f32
    %add3A_128 = vector.broadcast %add3A_127 : f32 to vector<1000x1xf32>
    %add3A_129 = arith.addf %mul3A_126, %add3A_128 : vector<1000x1xf32>
    %mul3A_130 = arith.mulf %add3A_119, %add3A_119 : vector<1000x128xf32>
    %reduce_sum3A_131 = arith.constant dense<0.000000e+00> : vector<1000xf32>
    %reduce_sum3A_132 = vector.multi_reduction <add>, %mul3A_130, %reduce_sum3A_131 [1] : vector<1000x128xf32> to vector<1000xf32>
    %broadcast_in_dim3A_133 = vector.shape_cast %reduce_sum3A_132 : vector<1000xf32> to vector<1000x1xf32>
    %mul3A_134 = arith.mulf %slice3A, %slice3A : vector<1000x1xf32>
    %sub3A_135 = arith.subf %broadcast_in_dim3A_133, %mul3A_134 : vector<1000x1xf32>
    %mul3A_136 = arith.mulf %add3A_129, %add3A_129 : vector<1000x1xf32>
    %sub3A_137 = arith.constant 1.000000e+00 : f32
    %sub3A_138 = vector.broadcast %sub3A_137 : f32 to vector<1000x1xf32>
    %sub3A_139 = arith.subf %mul3A_136, %sub3A_138 : vector<1000x1xf32>
    %max3A_140 = arith.constant 9.99999993E-9 : f32
    %max3A_141 = vector.broadcast %max3A_140 : f32 to vector<1000x1xf32>
    %max3A_142 = arith.maximumf %sub3A_135, %max3A_141 : vector<1000x1xf32>
    %div3A_143 = arith.divf %sub3A_139, %max3A_142 : vector<1000x1xf32>
    %sqrt3A_144 = math.sqrt %div3A_143 : vector<1000x1xf32>
    %eq3A = arith.constant 0 : i32
    %eq3A_145 = vector.broadcast %eq3A : i32 to vector<1000x128xi32>
    %eq3A_146 = arith.cmpi eq, %iota3A, %eq3A_145 : vector<1000x128xi32>
    %mul3A_147 = vector.broadcast %sqrt3A_144 : vector<1000x1xf32> to vector<1000x128xf32>
    %mul3A_148 = arith.mulf %add3A_119, %mul3A_147 : vector<1000x128xf32>
    %broadcast_in_dim3A_149 = vector.shape_cast %add3A_129 : vector<1000x1xf32> to vector<1000x1xf32>
    %broadcast_in_dim3A_150 = vector.broadcast %broadcast_in_dim3A_149 : vector<1000x1xf32> to vector<1000x128xf32>
    %select_n3A = arith.select %eq3A_146, %broadcast_in_dim3A_150, %mul3A_148 : vector<1000x128xi1>, vector<1000x128xf32>
    %get3A_151 = arith.constant 0 : index
    %get3A_152 = arith.constant 0 : index
    %get3A_153 = vector.load %arg11[%get3A_151, %get3A_152] : memref<128x128xf32, #tpu.memory_space<vmem>>, vector<128x128xf32>
    %convert_element_type3A_154 = arith.truncf %select_n3A : vector<1000x128xf32> to vector<1000x128xbf16>
    %convert_element_type3A_155 = arith.truncf %get3A_153 : vector<128x128xf32> to vector<128x128xbf16>
    %dot_general3A_156 = arith.constant dense<0.000000e+00> : vector<1000x128xf32>
    %dot_general3A_157 = tpu.matmul %convert_element_type3A_154, %convert_element_type3A_155, %dot_general3A_156 {dimension_numbers = #tpu.dot_dimension_numbers<[1], [0], [0], [1], [0, 0, 1, 1], [], []>, transpose_lhs_hint = false} : vector<1000x128xbf16>, vector<128x128xbf16>, vector<1000x128xf32> -> vector<1000x128xf32>
    %get3A_158 = arith.constant 0 : index
    %get3A_159 = arith.constant 0 : index
    %get3A_160 = vector.load %arg12[%get3A_158, %get3A_159] : memref<1x128xf32, #tpu.memory_space<vmem>>, vector<1x128xf32>
    %add3A_161 = vector.broadcast %get3A_160 : vector<1x128xf32> to vector<1000x128xf32>
    %add3A_162 = arith.addf %dot_general3A_157, %add3A_161 : vector<1000x128xf32>
    %slice3A_163 = vector.extract_strided_slice %add3A_162 {offsets = [0, 0], sizes = [1000, 1], strides = [1, 1]} : vector<1000x128xf32> to vector<1000x1xf32>
    %logistic3A_164 = arith.negf %slice3A_163 : vector<1000x1xf32>
    %logistic3A_165 = math.exp %logistic3A_164 : vector<1000x1xf32>
    %logistic3A_166 = arith.constant 1.000000e+00 : f32
    %logistic3A_167 = vector.broadcast %logistic3A_166 : f32 to vector<1000x1xf32>
    %logistic3A_168 = arith.addf %logistic3A_167, %logistic3A_165 : vector<1000x1xf32>
    %logistic3A_169 = arith.divf %logistic3A_167, %logistic3A_168 : vector<1000x1xf32>
    %mul3A_170 = vector.broadcast %get3A_6 : f32 to vector<1000x1xf32>
    %mul3A_171 = arith.mulf %logistic3A_169, %mul3A_170 : vector<1000x1xf32>
    %add3A_172 = arith.constant 1.100000e+00 : f32
    %add3A_173 = vector.broadcast %add3A_172 : f32 to vector<1000x1xf32>
    %add3A_174 = arith.addf %mul3A_171, %add3A_173 : vector<1000x1xf32>
    %mul3A_175 = arith.mulf %add3A_162, %add3A_162 : vector<1000x128xf32>
    %reduce_sum3A_176 = arith.constant dense<0.000000e+00> : vector<1000xf32>
    %reduce_sum3A_177 = vector.multi_reduction <add>, %mul3A_175, %reduce_sum3A_176 [1] : vector<1000x128xf32> to vector<1000xf32>
    %broadcast_in_dim3A_178 = vector.shape_cast %reduce_sum3A_177 : vector<1000xf32> to vector<1000x1xf32>
    %mul3A_179 = arith.mulf %slice3A_163, %slice3A_163 : vector<1000x1xf32>
    %sub3A_180 = arith.subf %broadcast_in_dim3A_178, %mul3A_179 : vector<1000x1xf32>
    %mul3A_181 = arith.mulf %add3A_174, %add3A_174 : vector<1000x1xf32>
    %sub3A_182 = arith.constant 1.000000e+00 : f32
    %sub3A_183 = vector.broadcast %sub3A_182 : f32 to vector<1000x1xf32>
    %sub3A_184 = arith.subf %mul3A_181, %sub3A_183 : vector<1000x1xf32>
    %max3A_185 = arith.constant 9.99999993E-9 : f32
    %max3A_186 = vector.broadcast %max3A_185 : f32 to vector<1000x1xf32>
    %max3A_187 = arith.maximumf %sub3A_180, %max3A_186 : vector<1000x1xf32>
    %div3A_188 = arith.divf %sub3A_184, %max3A_187 : vector<1000x1xf32>
    %sqrt3A_189 = math.sqrt %div3A_188 : vector<1000x1xf32>
    %eq3A_190 = arith.constant 0 : i32
    %eq3A_191 = vector.broadcast %eq3A_190 : i32 to vector<1000x128xi32>
    %eq3A_192 = arith.cmpi eq, %iota3A, %eq3A_191 : vector<1000x128xi32>
    %mul3A_193 = vector.broadcast %sqrt3A_189 : vector<1000x1xf32> to vector<1000x128xf32>
    %mul3A_194 = arith.mulf %add3A_162, %mul3A_193 : vector<1000x128xf32>
    %broadcast_in_dim3A_195 = vector.shape_cast %add3A_174 : vector<1000x1xf32> to vector<1000x1xf32>
    %broadcast_in_dim3A_196 = vector.broadcast %broadcast_in_dim3A_195 : vector<1000x1xf32> to vector<1000x128xf32>
    %select_n3A_197 = arith.select %eq3A_192, %broadcast_in_dim3A_196, %mul3A_194 : vector<1000x128xi1>, vector<1000x128xf32>
    %get3A_198 = arith.constant 0 : index
    %get3A_199 = arith.constant 0 : index
    %get3A_200 = vector.load %arg13[%get3A_198, %get3A_199] : memref<128x128xf32, #tpu.memory_space<vmem>>, vector<128x128xf32>
    %convert_element_type3A_201 = arith.truncf %select_n3A_197 : vector<1000x128xf32> to vector<1000x128xbf16>
    %convert_element_type3A_202 = arith.truncf %get3A_200 : vector<128x128xf32> to vector<128x128xbf16>
    %dot_general3A_203 = arith.constant dense<0.000000e+00> : vector<1000x128xf32>
    %dot_general3A_204 = tpu.matmul %convert_element_type3A_201, %convert_element_type3A_202, %dot_general3A_203 {dimension_numbers = #tpu.dot_dimension_numbers<[1], [0], [0], [1], [0, 0, 1, 1], [], []>, transpose_lhs_hint = false} : vector<1000x128xbf16>, vector<128x128xbf16>, vector<1000x128xf32> -> vector<1000x128xf32>
    %get3A_205 = arith.constant 0 : index
    %get3A_206 = arith.constant 0 : index
    %get3A_207 = vector.load %arg14[%get3A_205, %get3A_206] : memref<1x128xf32, #tpu.memory_space<vmem>>, vector<1x128xf32>
    %add3A_208 = vector.broadcast %get3A_207 : vector<1x128xf32> to vector<1000x128xf32>
    %add3A_209 = arith.addf %dot_general3A_204, %add3A_208 : vector<1000x128xf32>
    %slice3A_210 = vector.extract_strided_slice %add3A_209 {offsets = [0, 0], sizes = [1000, 1], strides = [1, 1]} : vector<1000x128xf32> to vector<1000x1xf32>
    %logistic3A_211 = arith.negf %slice3A_210 : vector<1000x1xf32>
    %logistic3A_212 = math.exp %logistic3A_211 : vector<1000x1xf32>
    %logistic3A_213 = arith.constant 1.000000e+00 : f32
    %logistic3A_214 = vector.broadcast %logistic3A_213 : f32 to vector<1000x1xf32>
    %logistic3A_215 = arith.addf %logistic3A_214, %logistic3A_212 : vector<1000x1xf32>
    %logistic3A_216 = arith.divf %logistic3A_214, %logistic3A_215 : vector<1000x1xf32>
    %mul3A_217 = vector.broadcast %get3A_10 : f32 to vector<1000x1xf32>
    %mul3A_218 = arith.mulf %logistic3A_216, %mul3A_217 : vector<1000x1xf32>
    %add3A_219 = arith.constant 1.100000e+00 : f32
    %add3A_220 = vector.broadcast %add3A_219 : f32 to vector<1000x1xf32>
    %add3A_221 = arith.addf %mul3A_218, %add3A_220 : vector<1000x1xf32>
    %mul3A_222 = arith.mulf %add3A_209, %add3A_209 : vector<1000x128xf32>
    %reduce_sum3A_223 = arith.constant dense<0.000000e+00> : vector<1000xf32>
    %reduce_sum3A_224 = vector.multi_reduction <add>, %mul3A_222, %reduce_sum3A_223 [1] : vector<1000x128xf32> to vector<1000xf32>
    %broadcast_in_dim3A_225 = vector.shape_cast %reduce_sum3A_224 : vector<1000xf32> to vector<1000x1xf32>
    %mul3A_226 = arith.mulf %slice3A_210, %slice3A_210 : vector<1000x1xf32>
    %sub3A_227 = arith.subf %broadcast_in_dim3A_225, %mul3A_226 : vector<1000x1xf32>
    %mul3A_228 = arith.mulf %add3A_221, %add3A_221 : vector<1000x1xf32>
    %sub3A_229 = arith.constant 1.000000e+00 : f32
    %sub3A_230 = vector.broadcast %sub3A_229 : f32 to vector<1000x1xf32>
    %sub3A_231 = arith.subf %mul3A_228, %sub3A_230 : vector<1000x1xf32>
    %max3A_232 = arith.constant 9.99999993E-9 : f32
    %max3A_233 = vector.broadcast %max3A_232 : f32 to vector<1000x1xf32>
    %max3A_234 = arith.maximumf %sub3A_227, %max3A_233 : vector<1000x1xf32>
    %div3A_235 = arith.divf %sub3A_231, %max3A_234 : vector<1000x1xf32>
    %sqrt3A_236 = math.sqrt %div3A_235 : vector<1000x1xf32>
    %eq3A_237 = arith.constant 0 : i32
    %eq3A_238 = vector.broadcast %eq3A_237 : i32 to vector<1000x128xi32>
    %eq3A_239 = arith.cmpi eq, %iota3A, %eq3A_238 : vector<1000x128xi32>
    %mul3A_240 = vector.broadcast %sqrt3A_236 : vector<1000x1xf32> to vector<1000x128xf32>
    %mul3A_241 = arith.mulf %add3A_209, %mul3A_240 : vector<1000x128xf32>
    %broadcast_in_dim3A_242 = vector.shape_cast %add3A_221 : vector<1000x1xf32> to vector<1000x1xf32>
    %broadcast_in_dim3A_243 = vector.broadcast %broadcast_in_dim3A_242 : vector<1000x1xf32> to vector<1000x128xf32>
    %select_n3A_244 = arith.select %eq3A_239, %broadcast_in_dim3A_243, %mul3A_241 : vector<1000x128xi1>, vector<1000x128xf32>
    %get3A_245 = arith.constant 0 : index
    %get3A_246 = arith.constant 0 : index
    %get3A_247 = vector.load %arg4[%get3A_245, %get3A_246] : memref<1000x128xf32, #tpu.memory_space<vmem>>, vector<1000x128xf32>
    %mul3A_248 = arith.mulf %get3A_247, %select_n3A_197 : vector<1000x128xf32>
    %reduce_sum3A_249 = arith.constant dense<0.000000e+00> : vector<1000xf32>
    %reduce_sum3A_250 = vector.multi_reduction <add>, %mul3A_248, %reduce_sum3A_249 [1] : vector<1000x128xf32> to vector<1000xf32>
    %broadcast_in_dim3A_251 = vector.shape_cast %reduce_sum3A_250 : vector<1000xf32> to vector<1000x1xf32>
    %mul3A_252 = arith.constant 2.000000e+00 : f32
    %mul3A_253 = vector.broadcast %mul3A_252 : f32 to vector<1000x1xf32>
    %mul3A_254 = arith.mulf %mul3A_253, %broadcast_in_dim3A_251 : vector<1000x1xf32>
    %add3A_255 = arith.constant 2.000000e+00 : f32
    %add3A_256 = vector.broadcast %add3A_255 : f32 to vector<1000x1xf32>
    %add3A_257 = arith.addf %add3A_256, %mul3A_254 : vector<1000x1xf32>
    %mul3A_258 = vector.broadcast %get3A_14 : f32 to vector<1000x1xf32>
    %mul3A_259 = arith.mulf %add3A_257, %mul3A_258 : vector<1000x1xf32>
    %exp3A_260 = math.exp %mul3A_259 : vector<1000x1xf32>
    %mul3A_261 = vector.broadcast %exp3A_260 : vector<1000x1xf32> to vector<1000x128xf32>
    %mul3A_262 = arith.mulf %mul3A_261, %select_n3A_244 : vector<1000x128xf32>
    %swap3A = arith.constant 0 : index
    %swap3A_263 = arith.constant 0 : index
    %swap3A_264 = vector.load %arg16[%swap3A, %swap3A_263] : memref<1000x128xf32, #tpu.memory_space<vmem>>, vector<1000x128xf32>
    tpu.vector_store %arg16[%swap3A, %swap3A_263], %mul3A_262 {strides = array<i32>} : memref<1000x128xf32, #tpu.memory_space<vmem>>, vector<1000x128xf32>,
    return
  }
  func.func @transform_0(%arg0: i32) -> (i32, i32) {
    %add3A = arith.constant 5 : i32
    %add3A_0 = arith.addi %arg0, %add3A : i32
    %c0_i32 = arith.constant 0 : i32
    %c0_i32_1 = arith.constant 0 : i32
    return %add3A_0, %c0_i32 : i32, i32
  }
  func.func @transform_1(%arg0: i32) -> (i32, i32) {
    %add3A = arith.constant 0 : i32
    %add3A_0 = arith.addi %arg0, %add3A : i32
    %c0_i32 = arith.constant 0 : i32
    %c0_i32_1 = arith.constant 0 : i32
    return %add3A_0, %c0_i32 : i32, i32
  }
  func.func @transform_2(%arg0: i32) -> (i32, i32) {
    %add3A = arith.constant 0 : i32
    %add3A_0 = arith.addi %arg0, %add3A : i32
    %c0_i32 = arith.constant 0 : i32
    %c0_i32_1 = arith.constant 0 : i32
    return %add3A_0, %c0_i32 : i32, i32
  }
  func.func @transform_3(%arg0: i32) -> (i32, i32) {
    %c0_i32 = arith.constant 0 : i32
    %c0_i32_0 = arith.constant 0 : i32
    return %arg0, %c0_i32 : i32, i32
  }
  func.func @transform_4(%arg0: i32) -> (i32, i32) {
    %c0_i32 = arith.constant 0 : i32
    %c0_i32_0 = arith.constant 0 : i32
    %c0_i32_1 = arith.constant 0 : i32
    return %c0_i32, %c0_i32_0 : i32, i32
  }
  func.func @transform_5(%arg0: i32) -> (i32, i32) {
    %c0_i32 = arith.constant 0 : i32
    %c0_i32_0 = arith.constant 0 : i32
    %c0_i32_1 = arith.constant 0 : i32
    return %c0_i32, %c0_i32_0 : i32, i32
  }
  func.func @transform_6(%arg0: i32) -> (i32, i32) {
    %c0_i32 = arith.constant 0 : i32
    %c0_i32_0 = arith.constant 0 : i32
    %c0_i32_1 = arith.constant 0 : i32
    return %c0_i32, %c0_i32_0 : i32, i32
  }
  func.func @transform_7(%arg0: i32) -> (i32, i32) {
    %c0_i32 = arith.constant 0 : i32
    %c0_i32_0 = arith.constant 0 : i32
    %c0_i32_1 = arith.constant 0 : i32
    return %c0_i32, %c0_i32_0 : i32, i32
  }
  func.func @transform_8(%arg0: i32) -> (i32, i32) {
    %c0_i32 = arith.constant 0 : i32
    %c0_i32_0 = arith.constant 0 : i32
    %c0_i32_1 = arith.constant 0 : i32
    return %c0_i32, %c0_i32_0 : i32, i32
  }
  func.func @transform_9(%arg0: i32) -> (i32, i32) {
    %c0_i32 = arith.constant 0 : i32
    %c0_i32_0 = arith.constant 0 : i32
    %c0_i32_1 = arith.constant 0 : i32
    return %c0_i32, %c0_i32_0 : i32, i32
  }
  func.func @transform_10(%arg0: i32) -> (i32, i32) {
    %c0_i32 = arith.constant 0 : i32
    %c0_i32_0 = arith.constant 0 : i32
    %c0_i32_1 = arith.constant 0 : i32
    return %c0_i32, %c0_i32_0 : i32, i32
  }
  func.func @transform_11(%arg0: i32) -> (i32, i32) {
    %c0_i32 = arith.constant 0 : i32
    %c0_i32_0 = arith.constant 0 : i32
    %c0_i32_1 = arith.constant 0 : i32
    return %c0_i32, %c0_i32_0 : i32, i32
  }
  func.func @transform_12(%arg0: i32) -> (i32, i32) {
    %c0_i32 = arith.constant 0 : i32
    %c0_i32_0 = arith.constant 0 : i32
    %c0_i32_1 = arith.constant 0 : i32
    return %c0_i32, %c0_i32_0 : i32, i32
  }
  func.func @transform_13(%arg0: i32) -> (i32, i32) {
    %c0_i32 = arith.constant 0 : i32
    %c0_i32_0 = arith.constant 0 : i32
    %c0_i32_1 = arith.constant 0 : i32
    return %c0_i32, %c0_i32_0 : i32, i32
  }
  func.func @transform_14(%arg0: i32) -> (i32, i32) {
    %c0_i32 = arith.constant 0 : i32
    %c0_i32_0 = arith.constant 0 : i32
    %c0_i32_1 = arith.constant 0 : i32
    return %c0_i32, %c0_i32_0 : i32, i32
  }
  func.func @transform_15(%arg0: i32) -> (i32, i32) {
    %c0_i32 = arith.constant 0 : i32
    %c0_i32_0 = arith.constant 0 : i32
    return %arg0, %c0_i32 : i32, i32
  }
}

module attributes {stable_mosaic.version = 14 : i64} {
  func.func @_finish_kernel(%arg0: i32, %arg1: memref<2000x128xf32, #tpu.memory_space<vmem>>, %arg2: memref<2000x128xf32, #tpu.memory_space<vmem>>, %arg3: memref<2000x128xf32, #tpu.memory_space<vmem>>, %arg4: memref<2000x128xf32, #tpu.memory_space<vmem>>, %arg5: memref<2000x128xf32, #tpu.memory_space<vmem>>, %arg6: memref<2000x128xf32, #tpu.memory_space<vmem>>) attributes {dimension_semantics = [#tpu.dimension_semantics<arbitrary>], iteration_bounds = array<i64: 5>, scalar_prefetch = 0 : i64, scratch_operands = 0 : i64, tpu.core_type = #tpu.core_type<tc>, window_params = [{transform_indices = @transform_0, window_bounds = array<i64: 2000, 128>}, {transform_indices = @transform_1, window_bounds = array<i64: 2000, 128>}, {transform_indices = @transform_2, window_bounds = array<i64: 2000, 128>}, {transform_indices = @transform_3, window_bounds = array<i64: 2000, 128>}, {transform_indices = @transform_4, window_bounds = array<i64: 2000, 128>}, {transform_indices = @transform_5, window_bounds = array<i64: 2000, 128>}]} {
    %get3A = arith.constant 0 : index
    %get3A_0 = arith.constant 0 : index
    %get3A_1 = vector.load %arg1[%get3A, %get3A_0] : memref<2000x128xf32, #tpu.memory_space<vmem>>, vector<2000x128xf32>
    %get3A_2 = arith.constant 0 : index
    %get3A_3 = arith.constant 0 : index
    %get3A_4 = vector.load %arg2[%get3A_2, %get3A_3] : memref<2000x128xf32, #tpu.memory_space<vmem>>, vector<2000x128xf32>
    %add3A = arith.addf %get3A_1, %get3A_4 : vector<2000x128xf32>
    %get3A_5 = arith.constant 0 : index
    %get3A_6 = arith.constant 0 : index
    %get3A_7 = vector.load %arg3[%get3A_5, %get3A_6] : memref<2000x128xf32, #tpu.memory_space<vmem>>, vector<2000x128xf32>
    %add3A_8 = arith.addf %add3A, %get3A_7 : vector<2000x128xf32>
    %get3A_9 = arith.constant 0 : index
    %get3A_10 = arith.constant 0 : index
    %get3A_11 = vector.load %arg4[%get3A_9, %get3A_10] : memref<2000x128xf32, #tpu.memory_space<vmem>>, vector<2000x128xf32>
    %add3A_12 = arith.addf %add3A_8, %get3A_11 : vector<2000x128xf32>
    %get3A_13 = arith.constant 0 : index
    %get3A_14 = arith.constant 0 : index
    %get3A_15 = vector.load %arg5[%get3A_13, %get3A_14] : memref<2000x128xf32, #tpu.memory_space<vmem>>, vector<2000x128xf32>
    %add3A_16 = arith.addf %add3A_12, %get3A_15 : vector<2000x128xf32>
    %iota3A = tpu.iota {dimensions = array<i32: 1>} : vector<2000x128xi32>
    %slice3A = vector.extract_strided_slice %add3A_16 {offsets = [0, 0], sizes = [2000, 1], strides = [1, 1]} : vector<2000x128xf32> to vector<2000x1xf32>
    %mul3A = arith.mulf %add3A_16, %add3A_16 : vector<2000x128xf32>
    %reduce_sum3A = arith.constant dense<0.000000e+00> : vector<2000xf32>
    %reduce_sum3A_17 = vector.multi_reduction <add>, %mul3A, %reduce_sum3A [1] : vector<2000x128xf32> to vector<2000xf32>
    %broadcast_in_dim3A = vector.shape_cast %reduce_sum3A_17 : vector<2000xf32> to vector<2000x1xf32>
    %mul3A_18 = arith.constant 2.000000e+00 : f32
    %mul3A_19 = vector.broadcast %mul3A_18 : f32 to vector<2000x1xf32>
    %mul3A_20 = arith.mulf %mul3A_19, %slice3A : vector<2000x1xf32>
    %mul3A_21 = arith.mulf %mul3A_20, %slice3A : vector<2000x1xf32>
    %sub3A = arith.subf %broadcast_in_dim3A, %mul3A_21 : vector<2000x1xf32>
    %abs3A = math.absf %sub3A : vector<2000x1xf32>
    %max3A = arith.constant 1.000000e-30 : f32
    %max3A_22 = vector.broadcast %max3A : f32 to vector<2000x1xf32>
    %max3A_23 = arith.maximumf %abs3A, %max3A_22 : vector<2000x1xf32>
    %sqrt3A = math.sqrt %max3A_23 : vector<2000x1xf32>
    %div3A = vector.broadcast %sqrt3A : vector<2000x1xf32> to vector<2000x128xf32>
    %div3A_24 = arith.divf %add3A_16, %div3A : vector<2000x128xf32>
    %slice3A_25 = vector.extract_strided_slice %div3A_24 {offsets = [0, 0], sizes = [2000, 1], strides = [1, 1]} : vector<2000x128xf32> to vector<2000x1xf32>
    %max3A_26 = arith.constant 1.00000012 : f32
    %max3A_27 = vector.broadcast %max3A_26 : f32 to vector<2000x1xf32>
    %max3A_28 = arith.maximumf %slice3A_25, %max3A_27 : vector<2000x1xf32>
    %mul3A_29 = arith.mulf %max3A_28, %max3A_28 : vector<2000x1xf32>
    %sub3A_30 = arith.constant 1.000000e+00 : f32
    %sub3A_31 = vector.broadcast %sub3A_30 : f32 to vector<2000x1xf32>
    %sub3A_32 = arith.subf %mul3A_29, %sub3A_31 : vector<2000x1xf32>
    %sqrt3A_33 = math.sqrt %sub3A_32 : vector<2000x1xf32>
    %add3A_34 = arith.addf %max3A_28, %sqrt3A_33 : vector<2000x1xf32>
    %log3A = math.log %add3A_34 : vector<2000x1xf32>
    %mul3A_35 = arith.mulf %div3A_24, %div3A_24 : vector<2000x128xf32>
    %reduce_sum3A_36 = arith.constant dense<0.000000e+00> : vector<2000xf32>
    %reduce_sum3A_37 = vector.multi_reduction <add>, %mul3A_35, %reduce_sum3A_36 [1] : vector<2000x128xf32> to vector<2000xf32>
    %broadcast_in_dim3A_38 = vector.shape_cast %reduce_sum3A_37 : vector<2000xf32> to vector<2000x1xf32>
    %mul3A_39 = arith.mulf %slice3A_25, %slice3A_25 : vector<2000x1xf32>
    %sub3A_40 = arith.subf %broadcast_in_dim3A_38, %mul3A_39 : vector<2000x1xf32>
    %max3A_41 = arith.constant 0.000000e+00 : f32
    %max3A_42 = vector.broadcast %max3A_41 : f32 to vector<2000x1xf32>
    %max3A_43 = arith.maximumf %sub3A_40, %max3A_42 : vector<2000x1xf32>
    %sqrt3A_44 = math.sqrt %max3A_43 : vector<2000x1xf32>
    %max3A_45 = arith.constant 9.99999993E-9 : f32
    %max3A_46 = vector.broadcast %max3A_45 : f32 to vector<2000x1xf32>
    %max3A_47 = arith.maximumf %sqrt3A_44, %max3A_46 : vector<2000x1xf32>
    %eq3A = arith.constant 0 : i32
    %eq3A_48 = vector.broadcast %eq3A : i32 to vector<2000x128xi32>
    %eq3A_49 = arith.cmpi eq, %iota3A, %eq3A_48 : vector<2000x128xi32>
    %div3A_50 = arith.divf %log3A, %max3A_47 : vector<2000x1xf32>
    %mul3A_51 = vector.broadcast %div3A_50 : vector<2000x1xf32> to vector<2000x128xf32>
    %mul3A_52 = arith.mulf %div3A_24, %mul3A_51 : vector<2000x128xf32>
    %jit3A = arith.constant 0.000000e+00 : f32
    %broadcast_in_dim3A_53 = vector.broadcast %jit3A : f32 to vector<2000x128xf32>
    %select_n3A = arith.select %eq3A_49, %broadcast_in_dim3A_53, %mul3A_52 : vector<2000x128xi1>, vector<2000x128xf32>
    %swap3A = arith.constant 0 : index
    %swap3A_54 = arith.constant 0 : index
    %swap3A_55 = vector.load %arg6[%swap3A, %swap3A_54] : memref<2000x128xf32, #tpu.memory_space<vmem>>, vector<2000x128xf32>
    tpu.vector_store %arg6[%swap3A, %swap3A_54], %select_n3A {strides = array<i32>} : memref<2000x128xf32, #tpu.memory_space<vmem>>, vector<2000x128xf32>,
    return
  }
  func.func @transform_0(%arg0: i32) -> (i32, i32) {
    %c0_i32 = arith.constant 0 : i32
    %c0_i32_0 = arith.constant 0 : i32
    return %arg0, %c0_i32 : i32, i32
  }
  func.func @transform_1(%arg0: i32) -> (i32, i32) {
    %c0_i32 = arith.constant 0 : i32
    %c0_i32_0 = arith.constant 0 : i32
    return %arg0, %c0_i32 : i32, i32
  }
  func.func @transform_2(%arg0: i32) -> (i32, i32) {
    %c0_i32 = arith.constant 0 : i32
    %c0_i32_0 = arith.constant 0 : i32
    return %arg0, %c0_i32 : i32, i32
  }
  func.func @transform_3(%arg0: i32) -> (i32, i32) {
    %c0_i32 = arith.constant 0 : i32
    %c0_i32_0 = arith.constant 0 : i32
    return %arg0, %c0_i32 : i32, i32
  }
  func.func @transform_4(%arg0: i32) -> (i32, i32) {
    %c0_i32 = arith.constant 0 : i32
    %c0_i32_0 = arith.constant 0 : i32
    return %arg0, %c0_i32 : i32, i32
  }
  func.func @transform_5(%arg0: i32) -> (i32, i32) {
    %c0_i32 = arith.constant 0 : i32
    %c0_i32_0 = arith.constant 0 : i32
    return %arg0, %c0_i32 : i32, i32
  }
}

</mosaic_0001>

<sc_bundles>
// kernel: kernel.10.cloned.1.call-start
scs
__scs_entry_jumppad:
0x0: {  	(pc) =	sbr.rel $0x88, $3  }
0x1: {  	(tag) =	ssettag $0x0;
	lr =	simm.s32 $0x1  }
0x2: {  	[smem:$0x3F8B] =	sst lr;
	_ =	strace $0xD0000000  }
0x3: {  	_ = 	snop  }
0x4: {  	_ = 	snop  }
0x5: {  	_ = 	snop  }
0x6: {  	_ = 	snop  }
0x7: {  	_ = 	snop  }
__scs_overlays_trampoline_lowered:
0x8: {  	[smem:$0x3F9A] =	sst s0  }
0x9: {  	[smem:$0x3F9B] =	sst s1  }
0xa: {  	[smem:$0x3F9C] =	sst s2  }
0xb: {  	[smem:$0x3F9D] =	sst s3  }
0xc: {  	[smem:$0x3F9E] =	sst s4  }
0xd: {  	[smem:$0x3F9F] =	sst s5  }
0xe: {  	[smem:$0x3FA0] =	sst s6  }
0xf: {  	[smem:$0x3FA1] =	sst s7  }
0x10: {  	[smem:$0x3FA2] =	sst s8  }
0x11: {  	[smem:$0x3FA3] =	sst s9;
	s0 =	simm.s32 @!p0 $0x0  }
0x12: {  	s1 =	sld [smem:$0x3F89];
	s0 =	simm.s32 @p0 $0x1  }
0x13: {  	[smem:$0x3FA4] =	sst s0;
	s0 =	simm.s32 @!p1 $0x0  }
0x14: {  	s2 =	sld [smem:$0x3F88];
	s0 =	simm.s32 @p1 $0x1  }
0x15: {  	[smem:$0x3FA5] =	sst s0;
	s0 =	simm.s32 @!p2 $0x0  }
0x16: {  	s3 =	sld [smem:$0x3FDB];
	s0 =	simm.s32 @p2 $0x1  }
0x17: {  	s4 =	simm.s32 $0x1BF5;
	[smem:$0x3FA7] =	sst s0  }
0x18: {  	s0 =	sld [smem:$0x3F8A];
	_ =	swait.ge [sflag:s4], $0x0  }
0x19: {  	s7 =	sld [smem:$0x3F8B]  }
0x1a: {  	s8 =	sadd.s32 $0xFFFFE003, lr  }
0x1b: {  	s9 =	sadd.s32 $0xFFFFFEF7, lr;
	s5 =	simm.s32 $0xFFFFFFFF;
	p2 =	slt.u32 s8, $0xFFFFF086  }
0x1c: {  	p1 =	slt.u32 s9, $0xF7A;
	s5 =	simm.s32 @!p2 $0x0  }
0x1d: {  	s5 =	simm.s32 @p1 $0x1;
	p0 =	seq.s32 s7, s2  }
0x1e: {  	s7 =	smul.u32 @!p0 $0xF7A, s2;
	p2 =	seq.s32 @!p0 s5, $0x0  }
0x1f: {  	s9 =	smul.u32 $0xF7A, s1;
	s8 =	simm.s32 @!p0 $0x1BF5;
	p2 =	por !p2, p0  }
0x20: {  	[sflag:s8] =	ssyncset.s32 @!p0 $0xFFFFF086;
	s6 =	sadd.s32 @!p0 s3, s7;
	s7 =	simm.s32 @!p0 $0x108  }
0x21: {  	s3 =	sadd.s32 s3, s9;
	s6 =	sadd.s32 @!p0 $0x88, s6;
	s7 =	simm.s32 @p2 $0x1082  }
0x22: {  	[simem:s7], [sflag:s8] =	dma.local @!p0 [hbm:s6], $0xF7A  }
0x23: {  	s9 =	sor.u32 $0xD0000000, s2;
	s6 =	simm.s32 $0x108;
	_ =	swait.ge @!p0 [sflag:s8], $0x0  }
0x24: {  	s3 =	sadd.s32 $0x88, s3;
	s6 =	simm.s32 @!p1 $0x1082;
	[sflag:s4] =	ssyncset.s32 $0xFFFFF086  }
0x25: {  	[simem:s6], [sflag:s4] =	dma.local [hbm:s3], $0xF7A  }
0x26: {  	[smem:$0x3F8B] =	sst s1;
	(tag) =	ssettag s2;
	_ =	strace s9  }
0x27: {  	s1 =	sld [smem:$0x3F9B]  }
0x28: {  	s2 =	sld [smem:$0x3F9C]  }
0x29: {  	s4 =	sld [smem:$0x3F9E]  }
0x2a: {  	p0 =	seq.s32 s5, $0x0;
	s5 =	sld [smem:$0x3F9F]  }
0x2b: {  	s6 =	sld [smem:$0x3FA0]  }
0x2c: {  	s7 =	sld [smem:$0x3FA1]  }
0x2d: {  	s3 =	simm.s32 $0x108;
	s8 =	sld [smem:$0x3FA2]  }
0x2e: {  	s3 =	simm.s32 @!p0 $0x1082;
	s9 =	sld [smem:$0x3FA3]  }
0x2f: {  	lr =	sadd.s32 s0, s3;
	s0 =	sld [smem:$0x3F9A]  }
0x30: {  	s3 =	sld [smem:$0x3F9D]  }
0x31: {  	[smem:$0x3FA6] =	sst s10  }
0x32: {  	s10 =	sld [smem:$0x3FA4];
	_ =	sdelay $0x3  }
0x33: {  	p0 =	seq.s32 s10, $0x1;
	s10 =	sld [smem:$0x3FA6];
	_ =	sdelay $0x3  }
0x34: {  	[smem:$0x3FA6] =	sst s10  }
0x35: {  	s10 =	sld [smem:$0x3FA5];
	_ =	sdelay $0x3  }
0x36: {  	p1 =	seq.s32 s10, $0x1;
	s10 =	sld [smem:$0x3FA6];
	_ =	sdelay $0x3  }
0x37: {  	[smem:$0x3FA6] =	sst s10  }
0x38: {  	s10 =	sld [smem:$0x3FA7]  }
0x39: {  	_ = 	snop;
	(pc) =	sbr.ind lr, $3  }
0x3a: {  	_ = 	snop  }
0x3b: {  	_ = 	snop  }
0x3c: {  	p2 =	seq.s32 s10, $0x1;
	s10 =	sld [smem:$0x3FA6]  }
0x3d: {  	_ =	shalt  }
0x3e: {  	_ =	shalt  }
0x3f: {  	_ =	shalt  }
0x40: {  	_ =	shalt  }
0x41: {  	_ =	shalt  }
0x42: {  	_ =	shalt  }
0x43: {  	_ =	shalt  }
0x44: {  	_ =	shalt  }
0x45: {  	_ =	shalt  }
0x46: {  	_ =	shalt  }
0x47: {  	_ =	shalt  }
0x48: {  	_ =	shalt  }
0x49: {  	_ =	shalt  }
0x4a: {  	_ =	shalt  }
0x4b: {  	_ =	shalt  }
0x4c: {  	_ =	shalt  }
0x4d: {  	_ =	shalt  }
0x4e: {  	_ =	shalt  }
0x4f: {  	_ =	shalt  }
0x50: {  	_ =	shalt  }
0x51: {  	_ =	shalt  }
0x52: {  	_ =	shalt  }
0x53: {  	_ =	shalt  }
0x54: {  	_ =	shalt  }
0x55: {  	_ =	shalt  }
0x56: {  	_ =	shalt  }
0x57: {  	_ =	shalt  }
0x58: {  	_ =	shalt  }
0x59: {  	_ =	shalt  }
0x5a: {  	_ =	shalt  }
0x5b: {  	_ =	shalt  }
0x5c: {  	_ =	shalt  }
0x5d: {  	_ =	shalt  }
0x5e: {  	_ =	shalt  }
0x5f: {  	_ =	shalt  }
0x60: {  	_ =	shalt  }
0x61: {  	_ =	shalt  }
0x62: {  	_ =	shalt  }
0x63: {  	_ =	shalt  }
0x64: {  	_ =	shalt  }
0x65: {  	_ =	shalt  }
0x66: {  	_ =	shalt  }
0x67: {  	_ =	shalt  }
0x68: {  	_ =	shalt  }
0x69: {  	_ =	shalt  }
0x6a: {  	_ =	shalt  }
0x6b: {  	_ =	shalt  }
0x6c: {  	_ =	shalt  }
0x6d: {  	_ =	shalt  }
0x6e: {  	_ =	shalt  }
0x6f: {  	_ =	shalt  }
0x70: {  	_ =	shalt  }
0x71: {  	_ =	shalt  }
0x72: {  	_ =	shalt  }
0x73: {  	_ =	shalt  }
0x74: {  	_ =	shalt  }
0x75: {  	_ =	shalt  }
0x76: {  	_ =	shalt  }
0x77: {  	_ =	shalt  }
0x78: {  	_ =	shalt  }
0x79: {  	_ =	shalt  }
0x7a: {  	_ =	shalt  }
0x7b: {  	_ =	shalt  }
0x7c: {  	_ =	shalt  }
0x7d: {  	_ =	shalt  }
0x7e: {  	_ =	shalt  }
0x7f: {  	_ =	shalt  }
0x80: {  	_ =	shalt  }
0x81: {  	_ =	shalt  }
0x82: {  	_ =	shalt  }
0x83: {  	_ =	shalt  }
0x84: {  	_ =	shalt  }
0x85: {  	_ =	shalt  }
0x86: {  	_ =	shalt  }
0x87: {  	_ =	shalt  }
.Lfunc_end0:
.L_simem_size_0:
called_computation_lowered:
.L_overlay_start_0:
0x88: {  	s2 =	sld [smem:$0x3FD9]  }
0x89: {  	s3 =	sld [smem:$0x3FFE];
	_ =	sdelay $0x1  }
0x8a: {  	s1 =	srdreg.scid  }
0x8b: {  	s0 =	sand.u32 $0x1, s1  }
0x8c: {  	s17 =	sshll.u32 s0, $0xA;
	s2 =	sadd.s32 s3, s2  }
0x8d: {  	s2 =	sadd.s32 s2, s17  }
0x8e: {  	[smem:$0x3FB2] =	sst s2  }
0x8f: {  	_ = 	snop  }
0x90: {  	s18 =	sld [smem:$0x3FD0];
	(tm) =	ssettm $0x1  }
0x91: {  	s19 =	sld [smem:$0x3FFB];
	_ =	sdelay $0x3  }
0x92: {  	_ =	strace s19  }
0x93: {  	s2 =	sld [smem:$0x3FFC];
	_ =	sdelay $0x3  }
0x94: {  	_ =	strace s2  }
0x95: {  	s2 =	sld [smem:$0x3FFD];
	_ =	sdelay $0x3  }
0x96: {  	_ =	strace s2  }
0x97: {  	_ =	strace $0x8FFFFFFF  }
0x98: {  	s20 =	sld [smem:$0x3FDB];
	_ =	sdelay $0x1  }
0x99: {  	s4 =	simm.s32 $_scs_section_size  }
0x9a: {  	s5 =	simm.s32 $_size__tile_overlayer_lowered;
	s6 =	simm.s32 $_tile_overlayer_lowered  }
0x9b: {  	s7 =	simm.s32 $0x1BFF;
	s21 =	sshll.u32 s6, $0x1;
	s4 =	sadd.s32 s4, s20  }
0x9c: {  	s22 =	simm.s32 $0x0;
	s5 =	sshll.u32 s5, $0x1;
	s6 =	sadd.s32 s21, s4  }
0x9d: {  	[timem:s22], [sflag:s7] =	dma.local [hbm:s6], s5  }
0x9e: {  	_ =	swait.ge [sflag:s7], s5  }
0x9f: {  	s5 =	ssub.s32 $0x0, s5;
	[sflag:s7] =	ssyncset.done $0x0  }
0xa0: {  	[sflag:s7] =	ssyncadd.s32 s5;
	_ =	sdelay $0x1  }
0xa1: {  	s23 =	simm.s32 $0x1B8B  }
0xa2: {  	_ =	swait.ge [sflag:s23], $0x1  }
0xa3: {  	[sflag:s23] =	ssyncset.done $0x0  }
0xa4: {  	[sflag:s23] =	ssyncadd.s32 $0xFFFFFFFF  }
0xa5: {  	s5 =	sld [smem:$0x0]  }
0xa6: {  	s6 =	sand.u32 $0xFFFFFFFE, s1  }
0xa7: {  	p0 =	sne.s32 s1, s6  }
0xa8: {  	s6 =	sshll.u32 @p0 s6, $0xE  }
0xa9: {  	s6 =	sadd.s32 @p0 $0x11B8D, s6;
	s7 =	sshll.u32 @p0 s5, $0x11  }
0xaa: {  	s6 =	sor.u32 @p0 s7, s6  }
0xab: {  	[sflag:s6] =	ssyncadd.remote.s32 @p0 $0x1;
	_ =	sdelay $0x1  }
0xac: {  	s6 =	simm.s32 @p0 $0x1B8D  }
0xad: {  	_ =	swait.eq @p0 [sflag:s6], $0x1  }
0xae: {  	[sflag:s6] =	ssyncadd.s32 @p0 $0xFFFFFFFF  }
0xaf: {  	s7 =	sshll.u32 @!p0 s1, $0xE  }
0xb0: {  	s7 =	sor.u32 @!p0 $0x4000, s7;
	s6 =	simm.s32 @!p0 $0x1B8D  }
0xb1: {  	s5 =	sshll.u32 @!p0 s5, $0x11;
	s7 =	sadd.s32 @!p0 $0x11B8D, s7;
	_ =	swait.eq @!p0 [sflag:s6], $0x1  }
0xb2: {  	s5 =	sor.u32 @!p0 s5, s7;
	[sflag:s6] =	ssyncadd.s32 @!p0 $0xFFFFFFFF  }
0xb3: {  	s25 =	simm.s32 $0x1B8E;
	s24 =	sld [smem:$0x3FFE];
	[sflag:s5] =	ssyncadd.remote.s32 @!p0 $0x1  }
0xb4: {  	s26 =	simm.s32 $execute0_lowered;
	[smem:$0x3FD2] =	sst s25  }
0xb5: {  	s6 =	sshll.u32 s26, $0x1;
	_ =	strace $0x80000049;
	[dreg:$0x1] =	wrdreg $0xFFFFFFFF  }
0xb6: {  	s28 =	simm.s32 $_size_execute0_lowered;
	s4 =	sadd.s32 s4, s6;
	[dreg:$0x0] =	wrdreg $0x0  }
0xb7: {  	s6 =	sshll.u32 s28, $0x1;
	[dreg:$0x2] =	wrdreg s4  }
0xb8: {  	[dreg:$0x3] =	wrdreg s6  }
0xb9: {  	[dreg:$0x4] =	wrdreg $0xC0  }
0xba: {  	_ =	task [dreg:s22], $0x5FFFF  }
0xbb: {  	[dreg:$0x1] =	wrdreg $0xFFFFFFFF  }
0xbc: {  	[dreg:$0x0] =	wrdreg $0x60  }
0xbd: {  	[dreg:$0x2] =	wrdreg s18  }
0xbe: {  	[dreg:$0x3] =	wrdreg s24  }
0xbf: {  	[dreg:$0x4] =	wrdreg $0x9  }
0xc0: {  	_ =	task.clear_ibuf [dreg:s22], $0x5FFFF;
	_ =	strace $0x90000049  }
0xc1: {  	s29 =	simm.s32 $0x9;
	_ =	strace $0x8000004B  }
0xc2: {  	_ =	swait.ge [sflag:s29], $0x1  }
0xc3: {  	[sflag:s29] =	ssyncadd.s32 $0xFFFFFFFF  }
0xc4: {  	_ =	strace $0x9000004B  }
0xc5: {  	_ =	sfence  }
0xc6: {  	s30 =	sld [smem:$0x0];
	_ =	sdelay $0x2  }
0xc7: {  	s31 =	sshll.u32 s1, $0xD;
	s1 =	sshrl.u32 s1, $0x2  }
0xc8: {  	s4 =	sand.u32 $0x4000, s31;
	s1 =	sadd.s32 s1, s30  }
0xc9: {  	s0 =	sor.u32 s4, s0;
	s1 =	sshll.u32 s1, $0x11  }
0xca: {  	s0 =	sor.u32 s1, s0  }
0xcb: {  	s0 =	sadd.s32 $0x8F2B, s0  }
0xcc: {  	[sflag:s0] =	ssyncadd.remote.s32 $0x1  }
0xcd: {  	_ =	sfence.sel $0xFFFF  }
0xce: {  	[dreg:$0x0] =	wrdreg $0xFFFFFFFF;
	(pc) =	sbr.abs _section_cstart, $3  }
0xcf: {  	[dreg:$0x1] =	wrdreg $0xFFFFFFFF  }
0xd0: {  	_ =	task.clear_ibuf [dreg:s22], $0x2FFFF;
	_ =	strace $0x9FFFFFFF  }
0xd1: {  	(tm) =	ssettm $0x7FFFFFFF  }
tec
execute0_lowered:
.L_overlay_start_1:
0x0: {  	(tag) =	ssettag $0x1  }
0x1: {  	s1 =	rddreg [dreg:$0x0]  }
0x2: {  	s3 =	rddreg [dreg:$0x1];
	s2 =	simm.s32 $0x0  }
0x3: {  	s4 =	srdreg.scid;
	s25 =	stileid.u32;
	s23 =	simm.s32 $0x4100  }
0x4: {  	s28 =	simm.s32 $0x0;
	[smem:$0x7FF] =	sst s2;
	s6 =	sand.u32 $0x1, s4  }
0x5: {  	s15 =	sadd.s32 $0x2A4600, s3;
	s5 =	sshll.u32 s25, $0x1;
	s16 =	sadd.s32 $0x2A9600, s3  }
0x6: {  	s21 =	sshll.u32 s25, $0xC;
	s22 =	sshll.u32 s25, $0x5;
	p0 =	sne.s32 s25, $0x0  }
0x7: {  	s25 =	simm.s32 $0x5;
	_ =	strace $0x8000004A;
	s4 =	ssub.s32 $0x2, s6  }
0x8: {  	s11 =	sor.u32 s6, s5;
	s18 =	sshll.u32 s6, $0x4;
	s19 =	sshll.u32 s6, $0xB  }
0x9: {  	s24 =	sshrl.u32 s4, $0x1;
	s17 =	sshll.u32 s11, $0x4;
	s7 =	sor.u32 $0x4C0, s11  }
0xa: {  	s29 =	sadd.s32 s18, s15;
	s14 =	sadd.s32 s19, s16;
	s10 =	sshll.u32 s11, $0xB  }
0xb: {  	s20 =	sor.u32 $0x20, s11;
	s18 =	sor.u32 s18, s22;
	s19 =	sor.u32 s19, s21  }
0xc: {  	s22 =	simm.s32 $0x2;
	s9 =	ssub.s32 s4, s24;
	s26 =	sand.u32 $0x70, s17  }
0xd: {  	s3 =	sadd.s32 s15, s17;
	s8 =	sshll.u32 s7, $0x4;
	s7 =	sshll.u32 s7, $0xB  }
0xe: {  	s10 =	sadd.s32 s16, s10;
	s12 =	sand.u32 $0x180, s17;
	s30 =	sshll.u32 s20, $0xB  }
0xf: {  	s20 =	sshll.u32 s20, $0x4;
	s31 =	sor.u32 $0x600, s17;
	s17 =	sor.u32 $0x400, s17  }
0x10: {  	s18 =	sand.u32 $0x70, s18;
	s24 =	simm.s32 $0x4;
	s4 =	sadd.s32 $0x200, s3  }
0x11: {  	s5 =	sadd.s32 s15, s26;
	s8 =	sand.u32 $0x4D80, s8;
	s6 =	sadd.s32 s16, s7  }
0x12: {  	s7 =	sadd.s32 $0x4E00, s29;
	s9 =	smax.u32 s9, $0x1;
	s20 =	sand.u32 $0x380, s20  }
0x13: {  	s17 =	sand.u32 $0x580, s17;
	s26 =	simm.s32 $0x6;
	s13 =	sadd.s32 $0x400, s5  }
0x14: {  	s5 =	sadd.s32 s8, s5;
	s8 =	sadd.s32 $0x270000, s14;
	s14 =	sadd.s32 s21, s14  }
0x15: {  	s17 =	sadd.s32 s17, s15;
	s21 =	simm.s32 $0x3;
	s11 =	sadd.s32 s12, s13  }
.Ltmp0:
0x16: {  	s12 =	sadd.s32 s16, s30;
	s13 =	sadd.s32 s20, s13;
	(pc) =	sbr.rel .LBB2_1-.Ltmp0, $4  }
0x17: {  	s14 =	sadd.s32 $0x20000, s14;
	s20 =	sand.u32 $0x780, s31;
	s16 =	sadd.s32 s19, s16  }
0x18: {  	s17 =	sadd.s32 s18, s17;
	s19 =	simm.s32 $0x1;
	s20 =	sadd.s32 s20, s15  }
0x19: {  	s16 =	sadd.s32 $0x30000, s16;
	s17 =	sadd.s32 $0x400, s17;
	s20 =	sadd.s32 s18, s20  }
0x1a: {  	s18 =	simm.s32 $0x80;
	s15 =	sadd.s32 $0x400, s20;
	s20 =	simm.s32 $0x100  }
.LBB2_4:
0x1b: {  	_ =	swait.ge [sflag:s24], $0x4000  }
0x1c: {  	[sflag:s24] =	ssyncset.done $0x0  }
0x1d: {  	[sflag:s24] =	ssyncadd.s32 $0xFFFFC000  }
0x1e: {  	_ =	swait.ge [sflag:s25], $0x4000  }
0x1f: {  	[sflag:s25] =	ssyncset.done $0x0  }
0x20: {  	[sflag:s25] =	ssyncadd.s32 $0xFFFFC000  }
0x21: {  	[tilespmem:s2], [sflag:$0x6] =	stream.linear.gather [hbm4b:s5+s2], $0x80, $0x38;
	[tilespmem:$0x8100] =	vst v63  }
0x22: {  	_ =	swait.ge [sflag:s26], $0x80  }
0x23: {  	[sflag:s26] =	ssyncset.done $0x0  }
0x24: {  	[sflag:s26] =	ssyncadd.s32 $0xFFFFFF80  }
0x25: {  	[tilespmem:s20], [sflag:$0x3] =	stream.indirect.gather [hbm4b:s1+s18], $0x80, s2, s18, $0xb8;
	[tilespmem:$0x8100] =	vst v63  }
0x26: {  	_ =	swait.ge [sflag:s21], $0x4000  }
0x27: {  	[sflag:s21] =	ssyncset.done $0x0  }
0x28: {  	[sflag:s21] =	ssyncadd.s32 $0xFFFFC000  }
0x29: {  	[hbm4b:s6+s2] =	stream.linear.scatter [tilespmem:s20], [sflag:$0x6], $0x4000, $0x38;
	[tilespmem:$0x8100] =	vst v63  }
0x2a: {  	_ =	swait.ge [sflag:s26], $0x4000  }
0x2b: {  	[sflag:s26] =	ssyncset.done $0x0  }
0x2c: {  	s0 =	simm.s32 @!p0 $0x0;
	s29 =	simm.s32 @!p0 $0x6;
	[sflag:s26] =	ssyncadd.s32 $0xFFFFC000  }
0x2d: {  	[tilespmem:s0], [sflag:$0x6] =	stream.linear.gather @!p0 [hbm4b:s7+s0], $0x80, $0x38;
	[tilespmem:$0x8100] =	vst v63  }
0x2e: {  	_ =	swait.ge @!p0 [sflag:s29], $0x80  }
0x2f: {  	[sflag:s29] =	ssyncset.done @!p0 $0x0  }
0x30: {  	s30 =	simm.s32 @!p0 $0x80;
	s31 =	simm.s32 @!p0 $0x100;
	[sflag:s29] =	ssyncadd.s32 @!p0 $0xFFFFFF80  }
0x31: {  	[tilespmem:s31], [sflag:$0x3] =	stream.indirect.gather @!p0 [hbm4b:s1+s30], $0x80, s0, s30, $0xb8;
	[tilespmem:$0x8100] =	vst v63  }
0x32: {  	s30 =	simm.s32 @!p0 $0x3  }
0x33: {  	s28 =	sadd.s32 $0x1, s28;
	_ =	swait.ge @!p0 [sflag:s30], $0x4000  }
0x34: {  	p1 =	sne.s32 s28, s9;
	[sflag:s30] =	ssyncset.done @!p0 $0x0  }
.Ltmp1:
0x35: {  	[sflag:s30] =	ssyncadd.s32 @!p0 $0xFFFFC000;
	(pc) =	sbr.rel @!p1 .LBB2_5-.Ltmp1, $4  }
0x36: {  	[hbm4b:s8+s0] =	stream.linear.scatter @!p0 [tilespmem:s31], [sflag:$0x6], $0x4000, $0x38;
	[tilespmem:$0x8100] =	vst v63  }
0x37: {  	_ =	swait.ge @!p0 [sflag:s29], $0x4000  }
0x38: {  	[sflag:s29] =	ssyncset.done @!p0 $0x0  }
0x39: {  	[sflag:s29] =	ssyncadd.s32 @!p0 $0xFFFFC000  }
.LBB2_1:
0x3a: {  	[tilespmem:s2], [sflag:$0x1] =	stream.linear.gather [hbm4b:s3+s2], $0x80, $0x38;
	[tilespmem:$0x8100] =	vst v63  }
0x3b: {  	_ = 	snop  }
0x3c: {  	[tilespmem:s18], [sflag:$0x2] =	stream.linear.gather [hbm4b:s4+s2], $0x80, $0x38;
	[tilespmem:$0x8100] =	vst v63  }
0x3d: {  	_ =	swait.ge [sflag:s19], $0x80  }
0x3e: {  	[sflag:s19] =	ssyncset.done $0x0  }
0x3f: {  	[sflag:s19] =	ssyncadd.s32 $0xFFFFFF80  }
0x40: {  	[tilespmem:s20], [sflag:$0x3] =	stream.indirect.gather [hbm4b:s1+s18], $0x80, s2, s18, $0xb8;
	[tilespmem:$0x8100] =	vst v63  }
0x41: {  	_ =	swait.ge [sflag:s21], $0x4000  }
0x42: {  	[sflag:s21] =	ssyncset.done $0x0  }
0x43: {  	[sflag:s21] =	ssyncadd.s32 $0xFFFFC000  }
0x44: {  	[hbm4b:s10+s2] =	stream.linear.scatter [tilespmem:s20], [sflag:$0x4], $0x4000, $0x38;
	[tilespmem:$0x8100] =	vst v63  }
0x45: {  	_ = 	snop  }
0x46: {  	[tilespmem:s2], [sflag:$0x1] =	stream.linear.gather [hbm4b:s11+s2], $0x80, $0x38;
	[tilespmem:$0x8100] =	vst v63  }
0x47: {  	_ =	swait.ge [sflag:s22], $0x80  }
0x48: {  	[sflag:s22] =	ssyncset.done $0x0  }
0x49: {  	[sflag:s22] =	ssyncadd.s32 $0xFFFFFF80  }
0x4a: {  	[tilespmem:s23], [sflag:$0x3] =	stream.indirect.gather [hbm4b:s1+s18], $0x80, s18, s18, $0xb8;
	[tilespmem:$0x8100] =	vst v63  }
0x4b: {  	_ =	swait.ge [sflag:s21], $0x4000  }
0x4c: {  	[sflag:s21] =	ssyncset.done $0x0  }
0x4d: {  	[sflag:s21] =	ssyncadd.s32 $0xFFFFC000  }
0x4e: {  	[hbm4b:s12+s2] =	stream.linear.scatter [tilespmem:s23], [sflag:$0x5], $0x4000, $0x38;
	[tilespmem:$0x8100] =	vst v63  }
0x4f: {  	s29 =	smov.u32 s17;
	s30 =	smov.u32 s15;
	s31 =	simm.s32 $0x0  }
0x50: {  	[tilespmem:s18], [sflag:$0x2] =	stream.linear.gather [hbm4b:s13+s2], $0x80, $0x38;
	[tilespmem:$0x8100] =	vst v63  }
.LBB2_2:
0x51: {  	_ =	swait.ge [sflag:s19], $0x80  }
0x52: {  	[sflag:s19] =	ssyncset.done $0x0  }
0x53: {  	[sflag:s19] =	ssyncadd.s32 $0xFFFFFF80  }
0x54: {  	_ =	swait.ge [sflag:s24], $0x4000  }
0x55: {  	[sflag:s24] =	ssyncset.done $0x0  }
0x56: {  	[sflag:s24] =	ssyncadd.s32 $0xFFFFC000  }
0x57: {  	[tilespmem:s20], [sflag:$0x3] =	stream.indirect.gather [hbm4b:s1+s18], $0x80, s2, s18, $0xb8;
	[tilespmem:$0x8100] =	vst v63  }
0x58: {  	_ =	swait.ge [sflag:s21], $0x4000  }
0x59: {  	[sflag:s21] =	ssyncset.done $0x0  }
0x5a: {  	s0 =	sadd.s32 s31, s14;
	p1 =	seq.s32 s31, $0x220000;
	[sflag:s21] =	ssyncadd.s32 $0xFFFFC000  }
0x5b: {  	[hbm4b:s0+s2] =	stream.linear.scatter [tilespmem:s20], [sflag:$0x4], $0x4000, $0x38;
	[tilespmem:$0x8100] =	vst v63  }
0x5c: {  	s0 =	simm.s32 @!p1 $0x0  }
0x5d: {  	[tilespmem:s0], [sflag:$0x1] =	stream.linear.gather @!p1 [hbm4b:s29+s0], $0x80, $0x38;
	[tilespmem:$0x8100] =	vst v63  }
0x5e: {  	_ =	swait.ge [sflag:s22], $0x80  }
0x5f: {  	[sflag:s22] =	ssyncset.done $0x0  }
0x60: {  	[sflag:s22] =	ssyncadd.s32 $0xFFFFFF80  }
0x61: {  	_ =	swait.ge [sflag:s25], $0x4000  }
0x62: {  	[sflag:s25] =	ssyncset.done $0x0  }
0x63: {  	[sflag:s25] =	ssyncadd.s32 $0xFFFFC000  }
0x64: {  	[tilespmem:s23], [sflag:$0x3] =	stream.indirect.gather [hbm4b:s1+s18], $0x80, s18, s18, $0xb8;
	[tilespmem:$0x8100] =	vst v63  }
.Ltmp2:
0x65: {  	_ = 	snop;
	(pc) =	sbr.rel @p1 .LBB2_4-.Ltmp2, $4  }
0x66: {  	_ =	swait.ge [sflag:s21], $0x4000  }
0x67: {  	[sflag:s21] =	ssyncset.done $0x0  }
0x68: {  	s0 =	sadd.s32 s31, s16;
	[sflag:s21] =	ssyncadd.s32 $0xFFFFC000  }
0x69: {  	[hbm4b:s0+s2] =	stream.linear.scatter [tilespmem:s23], [sflag:$0x5], $0x4000, $0x38;
	[tilespmem:$0x8100] =	vst v63  }
.Ltmp3:
0x6a: {  	(pc) =	sbr.rel .LBB2_2-.Ltmp3, $3  }
0x6b: {  	_ =	sdelay $0x1  }
0x6c: {  	[tilespmem:s18], [sflag:$0x2] =	stream.linear.gather [hbm4b:s30+s2], $0x80, $0x38;
	[tilespmem:$0x8100] =	vst v63  }
0x6d: {  	s31 =	sadd.s32 $0x20000, s31;
	s30 =	sadd.s32 $0x400, s30;
	s29 =	sadd.s32 $0x400, s29  }
.LBB2_5:
0x6e: {  	_ =	sfence.sel $0x180000  }
0x6f: {  	[bflag:$0x0] =	sbarrier.arrive $0xFFFF  }
0x70: {  	_ =	strace $0x9000004A  }
0x71: {  	[bflag:$0x2] =	sbarrier.arrive $0xFFFF  }
0x72: {  	s0 =	rddreg [dreg:$0x2]  }
0x73: {  	s0 =	sadd.s32 @!p0 $0x100000, s0  }
0x74: {  	[sflag:s0] =	ssyncadd.tile.s32 @!p0 $0x1;
	_ =	shalt  }
.Lfunc_end2:
_tile_overlayer_lowered:
.L_overlay_start_2:
0x75: {  	(tag) =	ssettag $0x2  }
0x76: {  	s0 =	rddreg [dreg:$0x0];
	s2 =	stileid.u32  }
0x77: {  	s1 =	rddreg [dreg:$0x1];
	p0 =	sne.s32 s2, $0x0  }
0x78: {  	s3 =	rddreg [dreg:$0x2];
	[bflag:$0x3] =	sbarrier.arrive $0xFFFF;
	s2 =	simm.s32 @!p0 $0x1C06  }
0x79: {  	[timem:s3], [sflag:s2] =	dma.local @!p0 [hbm:s0], s1  }
0x7a: {  	s0 =	simm.s32 @!p0 $0x6  }
0x7b: {  	_ =	swait.ge @!p0 [sflag:s0], s1  }
0x7c: {  	s1 =	ssub.s32 @!p0 $0x0, s1;
	[sflag:s0] =	ssyncset.done @!p0 $0x0  }
0x7d: {  	[sflag:s0] =	ssyncadd.s32 @!p0 s1  }
0x7e: {  	[bflag:$0x3] =	sbarrier.arrive $0xFFFF  }
0x7f: {  	_ =	shalt  }

// kernel: kernel.13.cloned.1.call-start
scs
__scs_entry_jumppad:
0x0: {  	(pc) =	sbr.rel $0x88, $3  }
0x1: {  	(tag) =	ssettag $0x0;
	lr =	simm.s32 $0x1  }
0x2: {  	[smem:$0x3F8B] =	sst lr;
	_ =	strace $0xD0000000  }
0x3: {  	_ = 	snop  }
0x4: {  	_ = 	snop  }
0x5: {  	_ = 	snop  }
0x6: {  	_ = 	snop  }
0x7: {  	_ = 	snop  }
__scs_overlays_trampoline_lowered:
0x8: {  	[smem:$0x3F9A] =	sst s0  }
0x9: {  	[smem:$0x3F9B] =	sst s1  }
0xa: {  	[smem:$0x3F9C] =	sst s2  }
0xb: {  	[smem:$0x3F9D] =	sst s3  }
0xc: {  	[smem:$0x3F9E] =	sst s4  }
0xd: {  	[smem:$0x3F9F] =	sst s5  }
0xe: {  	[smem:$0x3FA0] =	sst s6  }
0xf: {  	[smem:$0x3FA1] =	sst s7  }
0x10: {  	[smem:$0x3FA2] =	sst s8  }
0x11: {  	[smem:$0x3FA3] =	sst s9;
	s0 =	simm.s32 @!p0 $0x0  }
0x12: {  	s1 =	sld [smem:$0x3F89];
	s0 =	simm.s32 @p0 $0x1  }
0x13: {  	[smem:$0x3FA4] =	sst s0;
	s0 =	simm.s32 @!p1 $0x0  }
0x14: {  	s2 =	sld [smem:$0x3F88];
	s0 =	simm.s32 @p1 $0x1  }
0x15: {  	[smem:$0x3FA5] =	sst s0;
	s0 =	simm.s32 @!p2 $0x0  }
0x16: {  	s3 =	sld [smem:$0x3FDB];
	s0 =	simm.s32 @p2 $0x1  }
0x17: {  	s4 =	simm.s32 $0x1BF5;
	[smem:$0x3FA7] =	sst s0  }
0x18: {  	s0 =	sld [smem:$0x3F8A];
	_ =	swait.ge [sflag:s4], $0x0  }
0x19: {  	s7 =	sld [smem:$0x3F8B]  }
0x1a: {  	s8 =	sadd.s32 $0xFFFFE003, lr  }
0x1b: {  	s9 =	sadd.s32 $0xFFFFFEF7, lr;
	s5 =	simm.s32 $0xFFFFFFFF;
	p2 =	slt.u32 s8, $0xFFFFF086  }
0x1c: {  	p1 =	slt.u32 s9, $0xF7A;
	s5 =	simm.s32 @!p2 $0x0  }
0x1d: {  	s5 =	simm.s32 @p1 $0x1;
	p0 =	seq.s32 s7, s2  }
0x1e: {  	s7 =	smul.u32 @!p0 $0xF7A, s2;
	p2 =	seq.s32 @!p0 s5, $0x0  }
0x1f: {  	s9 =	smul.u32 $0xF7A, s1;
	s8 =	simm.s32 @!p0 $0x1BF5;
	p2 =	por !p2, p0  }
0x20: {  	[sflag:s8] =	ssyncset.s32 @!p0 $0xFFFFF086;
	s6 =	sadd.s32 @!p0 s3, s7;
	s7 =	simm.s32 @!p0 $0x108  }
0x21: {  	s3 =	sadd.s32 s3, s9;
	s6 =	sadd.s32 @!p0 $0x88, s6;
	s7 =	simm.s32 @p2 $0x1082  }
0x22: {  	[simem:s7], [sflag:s8] =	dma.local @!p0 [hbm:s6], $0xF7A  }
0x23: {  	s9 =	sor.u32 $0xD0000000, s2;
	s6 =	simm.s32 $0x108;
	_ =	swait.ge @!p0 [sflag:s8], $0x0  }
0x24: {  	s3 =	sadd.s32 $0x88, s3;
	s6 =	simm.s32 @!p1 $0x1082;
	[sflag:s4] =	ssyncset.s32 $0xFFFFF086  }
0x25: {  	[simem:s6], [sflag:s4] =	dma.local [hbm:s3], $0xF7A  }
0x26: {  	[smem:$0x3F8B] =	sst s1;
	(tag) =	ssettag s2;
	_ =	strace s9  }
0x27: {  	s1 =	sld [smem:$0x3F9B]  }
0x28: {  	s2 =	sld [smem:$0x3F9C]  }
0x29: {  	s4 =	sld [smem:$0x3F9E]  }
0x2a: {  	p0 =	seq.s32 s5, $0x0;
	s5 =	sld [smem:$0x3F9F]  }
0x2b: {  	s6 =	sld [smem:$0x3FA0]  }
0x2c: {  	s7 =	sld [smem:$0x3FA1]  }
0x2d: {  	s3 =	simm.s32 $0x108;
	s8 =	sld [smem:$0x3FA2]  }
0x2e: {  	s3 =	simm.s32 @!p0 $0x1082;
	s9 =	sld [smem:$0x3FA3]  }
0x2f: {  	lr =	sadd.s32 s0, s3;
	s0 =	sld [smem:$0x3F9A]  }
0x30: {  	s3 =	sld [smem:$0x3F9D]  }
0x31: {  	[smem:$0x3FA6] =	sst s10  }
0x32: {  	s10 =	sld [smem:$0x3FA4];
	_ =	sdelay $0x3  }
0x33: {  	p0 =	seq.s32 s10, $0x1;
	s10 =	sld [smem:$0x3FA6];
	_ =	sdelay $0x3  }
0x34: {  	[smem:$0x3FA6] =	sst s10  }
0x35: {  	s10 =	sld [smem:$0x3FA5];
	_ =	sdelay $0x3  }
0x36: {  	p1 =	seq.s32 s10, $0x1;
	s10 =	sld [smem:$0x3FA6];
	_ =	sdelay $0x3  }
0x37: {  	[smem:$0x3FA6] =	sst s10  }
0x38: {  	s10 =	sld [smem:$0x3FA7]  }
0x39: {  	_ = 	snop;
	(pc) =	sbr.ind lr, $3  }
0x3a: {  	_ = 	snop  }
0x3b: {  	_ = 	snop  }
0x3c: {  	p2 =	seq.s32 s10, $0x1;
	s10 =	sld [smem:$0x3FA6]  }
0x3d: {  	_ =	shalt  }
0x3e: {  	_ =	shalt  }
0x3f: {  	_ =	shalt  }
0x40: {  	_ =	shalt  }
0x41: {  	_ =	shalt  }
0x42: {  	_ =	shalt  }
0x43: {  	_ =	shalt  }
0x44: {  	_ =	shalt  }
0x45: {  	_ =	shalt  }
0x46: {  	_ =	shalt  }
0x47: {  	_ =	shalt  }
0x48: {  	_ =	shalt  }
0x49: {  	_ =	shalt  }
0x4a: {  	_ =	shalt  }
0x4b: {  	_ =	shalt  }
0x4c: {  	_ =	shalt  }
0x4d: {  	_ =	shalt  }
0x4e: {  	_ =	shalt  }
0x4f: {  	_ =	shalt  }
0x50: {  	_ =	shalt  }
0x51: {  	_ =	shalt  }
0x52: {  	_ =	shalt  }
0x53: {  	_ =	shalt  }
0x54: {  	_ =	shalt  }
0x55: {  	_ =	shalt  }
0x56: {  	_ =	shalt  }
0x57: {  	_ =	shalt  }
0x58: {  	_ =	shalt  }
0x59: {  	_ =	shalt  }
0x5a: {  	_ =	shalt  }
0x5b: {  	_ =	shalt  }
0x5c: {  	_ =	shalt  }
0x5d: {  	_ =	shalt  }
0x5e: {  	_ =	shalt  }
0x5f: {  	_ =	shalt  }
0x60: {  	_ =	shalt  }
0x61: {  	_ =	shalt  }
0x62: {  	_ =	shalt  }
0x63: {  	_ =	shalt  }
0x64: {  	_ =	shalt  }
0x65: {  	_ =	shalt  }
0x66: {  	_ =	shalt  }
0x67: {  	_ =	shalt  }
0x68: {  	_ =	shalt  }
0x69: {  	_ =	shalt  }
0x6a: {  	_ =	shalt  }
0x6b: {  	_ =	shalt  }
0x6c: {  	_ =	shalt  }
0x6d: {  	_ =	shalt  }
0x6e: {  	_ =	shalt  }
0x6f: {  	_ =	shalt  }
0x70: {  	_ =	shalt  }
0x71: {  	_ =	shalt  }
0x72: {  	_ =	shalt  }
0x73: {  	_ =	shalt  }
0x74: {  	_ =	shalt  }
0x75: {  	_ =	shalt  }
0x76: {  	_ =	shalt  }
0x77: {  	_ =	shalt  }
0x78: {  	_ =	shalt  }
0x79: {  	_ =	shalt  }
0x7a: {  	_ =	shalt  }
0x7b: {  	_ =	shalt  }
0x7c: {  	_ =	shalt  }
0x7d: {  	_ =	shalt  }
0x7e: {  	_ =	shalt  }
0x7f: {  	_ =	shalt  }
0x80: {  	_ =	shalt  }
0x81: {  	_ =	shalt  }
0x82: {  	_ =	shalt  }
0x83: {  	_ =	shalt  }
0x84: {  	_ =	shalt  }
0x85: {  	_ =	shalt  }
0x86: {  	_ =	shalt  }
0x87: {  	_ =	shalt  }
.Lfunc_end0:
.L_simem_size_0:
called_computation.1_lowered:
.L_overlay_start_0:
0x88: {  	s2 =	sld [smem:$0x3FD9]  }
0x89: {  	s3 =	sld [smem:$0x3FFE];
	_ =	sdelay $0x1  }
0x8a: {  	s1 =	srdreg.scid  }
0x8b: {  	s0 =	sand.u32 $0x1, s1  }
0x8c: {  	s17 =	sshll.u32 s0, $0xA;
	s2 =	sadd.s32 s3, s2  }
0x8d: {  	s2 =	sadd.s32 s2, s17  }
0x8e: {  	[smem:$0x3FB2] =	sst s2  }
0x8f: {  	_ = 	snop  }
0x90: {  	(tm) =	ssettm $0x1  }
0x91: {  	s18 =	sld [smem:$0x3FFB];
	_ =	sdelay $0x3  }
0x92: {  	_ =	strace s18  }
0x93: {  	s2 =	sld [smem:$0x3FFC];
	_ =	sdelay $0x3  }
0x94: {  	_ =	strace s2  }
0x95: {  	s2 =	sld [smem:$0x3FFD];
	_ =	sdelay $0x3  }
0x96: {  	_ =	strace s2  }
0x97: {  	_ =	strace $0x8FFFFFFF  }
0x98: {  	s19 =	sld [smem:$0x3FDB];
	_ =	sdelay $0x1  }
0x99: {  	s20 =	simm.s32 $_scs_section_size  }
0x9a: {  	s4 =	simm.s32 $_size__tile_overlayer_lowered;
	s5 =	simm.s32 $_tile_overlayer_lowered  }
0x9b: {  	s6 =	simm.s32 $0x1BFF;
	s21 =	sshll.u32 s5, $0x1;
	s3 =	sadd.s32 s20, s19  }
0x9c: {  	s22 =	simm.s32 $0x0;
	s4 =	sshll.u32 s4, $0x1;
	s5 =	sadd.s32 s21, s3  }
0x9d: {  	[timem:s22], [sflag:s6] =	dma.local [hbm:s5], s4  }
0x9e: {  	_ =	swait.ge [sflag:s6], s4  }
0x9f: {  	s4 =	ssub.s32 $0x0, s4;
	[sflag:s6] =	ssyncset.done $0x0  }
0xa0: {  	[sflag:s6] =	ssyncadd.s32 s4;
	_ =	sdelay $0x1  }
0xa1: {  	s23 =	simm.s32 $0x1B8B  }
0xa2: {  	_ =	swait.ge [sflag:s23], $0x1  }
0xa3: {  	[sflag:s23] =	ssyncset.done $0x0  }
0xa4: {  	[sflag:s23] =	ssyncadd.s32 $0xFFFFFFFF  }
0xa5: {  	s4 =	sld [smem:$0x0]  }
0xa6: {  	s5 =	sand.u32 $0xFFFFFFFE, s1  }
0xa7: {  	p0 =	sne.s32 s1, s5  }
0xa8: {  	s5 =	sshll.u32 @p0 s5, $0xE  }
0xa9: {  	s5 =	sadd.s32 @p0 $0x11B8D, s5;
	s6 =	sshll.u32 @p0 s4, $0x11  }
0xaa: {  	s5 =	sor.u32 @p0 s6, s5  }
0xab: {  	[sflag:s5] =	ssyncadd.remote.s32 @p0 $0x1;
	_ =	sdelay $0x1  }
0xac: {  	s5 =	simm.s32 @p0 $0x1B8D  }
0xad: {  	_ =	swait.eq @p0 [sflag:s5], $0x1  }
0xae: {  	[sflag:s5] =	ssyncadd.s32 @p0 $0xFFFFFFFF  }
0xaf: {  	s6 =	sshll.u32 @!p0 s1, $0xE  }
0xb0: {  	s6 =	sor.u32 @!p0 $0x4000, s6;
	s5 =	simm.s32 @!p0 $0x1B8D  }
0xb1: {  	s4 =	sshll.u32 @!p0 s4, $0x11;
	s6 =	sadd.s32 @!p0 $0x11B8D, s6;
	_ =	swait.eq @!p0 [sflag:s5], $0x1  }
0xb2: {  	s4 =	sor.u32 @!p0 s4, s6;
	[sflag:s5] =	ssyncadd.s32 @!p0 $0xFFFFFFFF  }
0xb3: {  	s25 =	simm.s32 $0x1B8E;
	s24 =	sld [smem:$0x3FFE];
	[sflag:s4] =	ssyncadd.remote.s32 @!p0 $0x1  }
0xb4: {  	s26 =	simm.s32 $execute0_lowered;
	[smem:$0x3FD2] =	sst s25  }
0xb5: {  	s5 =	sshll.u32 s26, $0x1;
	_ =	strace $0x8000004F;
	[dreg:$0x1] =	wrdreg $0xFFFFFFFF  }
0xb6: {  	s28 =	simm.s32 $_size_execute0_lowered;
	s3 =	sadd.s32 s3, s5;
	[dreg:$0x0] =	wrdreg $0x0  }
0xb7: {  	s5 =	sshll.u32 s28, $0x1;
	[dreg:$0x2] =	wrdreg s3  }
0xb8: {  	[dreg:$0x3] =	wrdreg s5  }
0xb9: {  	[dreg:$0x4] =	wrdreg $0xC0  }
0xba: {  	_ =	task [dreg:s22], $0x5FFFF  }
0xbb: {  	[dreg:$0x1] =	wrdreg $0xFFFFFFFF  }
0xbc: {  	[dreg:$0x0] =	wrdreg $0x60  }
0xbd: {  	[dreg:$0x2] =	wrdreg s24  }
0xbe: {  	[dreg:$0x3] =	wrdreg $0x81000  }
0xbf: {  	[dreg:$0x4] =	wrdreg $0x9  }
0xc0: {  	_ =	task.clear_ibuf [dreg:s22], $0x5FFFF;
	_ =	strace $0x9000004F  }
0xc1: {  	s29 =	simm.s32 $0x9;
	_ =	strace $0x80000051  }
0xc2: {  	_ =	swait.ge [sflag:s29], $0x1  }
0xc3: {  	[sflag:s29] =	ssyncadd.s32 $0xFFFFFFFF  }
0xc4: {  	_ =	strace $0x90000051  }
0xc5: {  	_ =	sfence  }
0xc6: {  	s30 =	sld [smem:$0x0];
	_ =	sdelay $0x2  }
0xc7: {  	s31 =	sshll.u32 s1, $0xD;
	s1 =	sshrl.u32 s1, $0x2  }
0xc8: {  	s4 =	sand.u32 $0x4000, s31;
	s1 =	sadd.s32 s1, s30  }
0xc9: {  	s0 =	sor.u32 s4, s0;
	s1 =	sshll.u32 s1, $0x11  }
0xca: {  	s0 =	sor.u32 s1, s0  }
0xcb: {  	s0 =	sadd.s32 $0x8F2B, s0  }
0xcc: {  	[sflag:s0] =	ssyncadd.remote.s32 $0x1  }
0xcd: {  	_ =	sfence.sel $0xFFFF  }
0xce: {  	[dreg:$0x0] =	wrdreg $0xFFFFFFFF;
	(pc) =	sbr.abs _section_cstart, $3  }
0xcf: {  	[dreg:$0x1] =	wrdreg $0xFFFFFFFF  }
0xd0: {  	_ =	task.clear_ibuf [dreg:s22], $0x2FFFF;
	_ =	strace $0x9FFFFFFF  }
0xd1: {  	(tm) =	ssettm $0x7FFFFFFF  }
tec
execute0_lowered:
.L_overlay_start_1:
0x0: {  	(tag) =	ssettag $0x1  }
0x1: {  	s5 =	rddreg [dreg:$0x0]  }
0x2: {  	s1 =	rddreg [dreg:$0x1]  }
0x3: {  	s3 =	srdreg.scid;
	s2 =	simm.s32 $0x0;
	s0 =	stileid.u32  }
0x4: {  	s28 =	simm.s32 $0x100;
	s29 =	simm.s32 $0x5;
	s30 =	simm.s32 $0x80  }
0x5: {  	s31 =	simm.s32 $0x4100;
	s4 =	sand.u32 $0x1, s3;
	s6 =	sadd.s32 $0x114F600, s5  }
0x6: {  	s7 =	smul.u32 $0x280, s0;
	s8 =	sadd.s32 $0x2A4600, s5;
	s10 =	sshll.u32 s0, $0x1  }
0x7: {  	s21 =	smul.u32 $0x2800, s0;
	[smem:$0x7FF] =	sst s2;
	s3 =	ssub.s32 $0x2, s4  }
0x8: {  	s26 =	sor.u32 s4, s10;
	s20 =	sshll.u32 s4, $0x4;
	p0 =	seq.s32 s4, $0x0  }
0x9: {  	s9 =	sshrl.u32 s3, $0x1;
	s10 =	sadd.s32 $0x80, s7;
	s16 =	sadd.s32 $0x100, s7  }
0xa: {  	s18 =	sadd.s32 $0x180, s7;
	s7 =	sadd.s32 $0x200, s7;
	s11 =	sshll.u32 s26, $0x7  }
0xb: {  	s14 =	sshll.u32 s26, $0x4;
	s12 =	sor.u32 $0x20, s26;
	s15 =	sshll.u32 s26, $0xB  }
0xc: {  	s3 =	ssub.s32 s3, s9;
	s11 =	sand.u32 $0x380, s11;
	s13 =	sadd.s32 s8, s14  }
0xd: {  	s17 =	sshll.u32 s12, $0x7;
	s9 =	sor.u32 $0x4C0, s26;
	s25 =	sadd.s32 s6, s15  }
0xe: {  	s12 =	sshll.u32 s12, $0xB;
	s22 =	sshll.u32 s10, $0x4;
	s23 =	sshll.u32 s16, $0x4  }
0xf: {  	s24 =	sshll.u32 s18, $0x4;
	[dreg:$0x3] =	wrdreg s13;
	s13 =	sand.u32 $0x1C00, s17  }
0x10: {  	s19 =	sshll.u32 s9, $0x7;
	s12 =	sadd.s32 s6, s12;
	s9 =	sshll.u32 s9, $0xB  }
0x11: {  	s17 =	sshll.u32 s7, $0x4;
	s13 =	sor.u32 s11, s13;
	s15 =	sand.u32 $0x26C00, s19  }
0x12: {  	[dreg:$0x5] =	wrdreg s12;
	s6 =	sadd.s32 s6, s9;
	s9 =	simm.s32 $0x83600  }
0x13: {  	s19 =	sor.u32 $0x600, s14;
	s14 =	sor.u32 $0x400, s14;
	s13 =	sshrl.u32 s13, $0x3  }
0x14: {  	s11 =	sor.u32 s11, s15;
	[dreg:$0x7] =	wrdreg s6;
	s6 =	sadd.s32 s20, s8  }
0x15: {  	s9 =	simm.s32 @!p0 $0xAB600;
	s13 =	sadd.s32 s8, s13;
	s11 =	sshrl.u32 s11, $0x3  }
0x16: {  	s9 =	sadd.s32 s9, s5;
	[dreg:$0x4] =	wrdreg s13;
	s11 =	sadd.s32 s8, s11  }
0x17: {  	s14 =	sand.u32 $0x580, s14;
	s4 =	sadd.s32 s9, s21;
	[dreg:$0x6] =	wrdreg s11  }
0x18: {  	p0 =	sne.s32 s0, $0x0;
	s26 =	sadd.s32 s9, s22;
	[dreg:$0x8] =	wrdreg s4  }
0x19: {  	s12 =	sadd.s32 s9, s24;
	s13 =	sadd.s32 s9, s17;
	[dreg:$0x9] =	wrdreg s26  }
0x1a: {  	s17 =	sshll.u32 s0, $0x5;
	s22 =	sshll.u32 s10, $0x7;
	[dreg:$0xb] =	wrdreg s12  }
0x1b: {  	s24 =	sshll.u32 s18, $0x7;
	s11 =	sadd.s32 s9, s23;
	[dreg:$0xc] =	wrdreg s13  }
0x1c: {  	s4 =	sor.u32 s20, s17;
	s9 =	sand.u32 $0x780, s19;
	s20 =	smul.u32 $0x50000, s0  }
0x1d: {  	s23 =	sshll.u32 s16, $0x7;
	s16 =	sadd.s32 s22, s1;
	s18 =	sadd.s32 s24, s1  }
0x1e: {  	s26 =	sshll.u32 s7, $0x7;
	s24 =	smax.u32 s3, $0x1;
	s13 =	smov.u32 s25  }
0x1f: {  	s0 =	simm.s32 $0x1;
	s3 =	simm.s32 $0x3;
	s7 =	simm.s32 $0x0  }
0x20: {  	[dreg:$0xa] =	wrdreg s11;
	s9 =	sadd.s32 s9, s8;
	s8 =	sadd.s32 s14, s8  }
0x21: {  	s14 =	sadd.s32 $0x5C00, s5;
	s17 =	sadd.s32 s23, s1;
	s4 =	sand.u32 $0x70, s4  }
0x22: {  	s19 =	sadd.s32 s26, s1;
	s23 =	sadd.s32 $0x270000, s25;
	s26 =	sadd.s32 $0x20000, s25  }
0x23: {  	s5 =	simm.s32 $0x2;
	_ =	strace $0x80000050;
	s21 =	sshrl.u32 s20, $0x2  }
0x24: {  	s20 =	sadd.s32 $0x4E00, s6;
	s22 =	sadd.s32 s4, s8;
	s6 =	simm.s32 $0x4  }
0x25: {  	s15 =	sadd.s32 s21, s1;
	s21 =	sadd.s32 s4, s9;
	s4 =	sadd.s32 $0x30000, s25  }
.LBB2_1:
0x26: {  	[tilespmem:s28], [sflag:$0x5] =	stream.linear.gather [hbm4b:s14+s2], $0x4000, $0x38;
	[tilespmem:$0x1C100] =	vst v63  }
0x27: {  	_ =	swait.ge [sflag:s29], $0x4000  }
0x28: {  	[sflag:s29] =	ssyncset.done $0x0  }
0x29: {  	[sflag:s29] =	ssyncadd.s32 $0xFFFFC000  }
0x2a: {  	[spmem:s15] =	stream.linear.scatter [tilespmem:s28], [sflag:$0x5], $0x4000, $0x38;
	[tilespmem:$0x1C100] =	vst v63  }
0x2b: {  	_ =	swait.ge [sflag:s29], $0x4000  }
0x2c: {  	[sflag:s29] =	ssyncset.done $0x0  }
0x2d: {  	[sflag:s29] =	ssyncadd.s32 $0xFFFFC000  }
0x2e: {  	[spmem:s16] =	stream.linear.scatter [tilespmem:s28], [sflag:$0x5], $0x4000, $0x38;
	[tilespmem:$0x1C100] =	vst v63  }
0x2f: {  	_ =	swait.ge [sflag:s29], $0x4000  }
0x30: {  	[sflag:s29] =	ssyncset.done $0x0  }
0x31: {  	[sflag:s29] =	ssyncadd.s32 $0xFFFFC000  }
0x32: {  	[spmem:s17] =	stream.linear.scatter [tilespmem:s28], [sflag:$0x5], $0x4000, $0x38;
	[tilespmem:$0x1C100] =	vst v63  }
0x33: {  	_ =	swait.ge [sflag:s29], $0x4000  }
0x34: {  	[sflag:s29] =	ssyncset.done $0x0  }
0x35: {  	[sflag:s29] =	ssyncadd.s32 $0xFFFFC000  }
0x36: {  	[spmem:s18] =	stream.linear.scatter [tilespmem:s28], [sflag:$0x5], $0x4000, $0x38;
	[tilespmem:$0x1C100] =	vst v63  }
0x37: {  	_ =	swait.ge [sflag:s29], $0x4000  }
0x38: {  	[sflag:s29] =	ssyncset.done $0x0  }
0x39: {  	[sflag:s29] =	ssyncadd.s32 $0xFFFFC000  }
0x3a: {  	[spmem:s19] =	stream.linear.scatter [tilespmem:s28], [sflag:$0x5], $0x4000, $0x38;
	[tilespmem:$0x1C100] =	vst v63  }
0x3b: {  	_ =	swait.ge [sflag:s29], $0x4000  }
0x3c: {  	[sflag:s29] =	ssyncset.done $0x0  }
0x3d: {  	[sflag:s29] =	ssyncadd.s32 $0xFFFFC000  }
0x3e: {  	[bflag:$0x0] =	sbarrier.arrive $0xFFFF  }
0x3f: {  	s8 =	rddreg [dreg:$0x3]  }
0x40: {  	[tilespmem:s2], [sflag:$0x1] =	stream.linear.gather [hbm4b:s8+s2], $0x80, $0x38;
	[tilespmem:$0x1C100] =	vst v63  }
0x41: {  	_ = 	snop  }
0x42: {  	[tilespmem:s28], [sflag:$0x3] =	stream.linear.gather [hbm4b:s13+s2], $0x4000, $0x38;
	[tilespmem:$0x1C100] =	vst v63  }
0x43: {  	s10 =	rddreg [dreg:$0x4]  }
0x44: {  	[tilespmem:s30], [sflag:$0x2] =	stream.linear.gather [hbm4b:s10+s2], $0x80, $0x38;
	[tilespmem:$0x1C100] =	vst v63  }
0x45: {  	s11 =	rddreg [dreg:$0x5]  }
0x46: {  	[tilespmem:s31], [sflag:$0x4] =	stream.linear.gather [hbm4b:s11+s2], $0x4000, $0x38;
	[tilespmem:$0x1C100] =	vst v63  }
0x47: {  	_ =	swait.ge [sflag:s0], $0x80  }
0x48: {  	[sflag:s0] =	ssyncset.done $0x0  }
0x49: {  	[sflag:s0] =	ssyncadd.s32 $0xFFFFFF80  }
0x4a: {  	_ =	swait.ge [sflag:s3], $0x4000  }
0x4b: {  	[sflag:s3] =	ssyncset.done $0x0  }
0x4c: {  	[sflag:s3] =	ssyncadd.s32 $0xFFFFC000  }
0x4d: {  	[spmem:s1] =	stream.indirect.scatter.add.f32 [tilespmem:s28], [sflag:$0x5], $0x80, s2, s30, $0xb8;
	[tilespmem:$0x1C100] =	vst v63  }
0x4e: {  	_ =	swait.ge [sflag:s29], $0x4000  }
0x4f: {  	[sflag:s29] =	ssyncset.done $0x0  }
0x50: {  	s12 =	sadd.s32 $0x0, s22;
	[sflag:s29] =	ssyncadd.s32 $0xFFFFC000  }
0x51: {  	[tilespmem:s2], [sflag:$0x1] =	stream.linear.gather [hbm4b:s12+s2], $0x80, $0x38;
	[tilespmem:$0x1C100] =	vst v63  }
0x52: {  	_ = 	snop  }
0x53: {  	[tilespmem:s28], [sflag:$0x3] =	stream.linear.gather [hbm4b:s26+s2], $0x4000, $0x38;
	[tilespmem:$0x1C100] =	vst v63  }
0x54: {  	_ =	swait.ge [sflag:s5], $0x80  }
0x55: {  	[sflag:s5] =	ssyncset.done $0x0  }
0x56: {  	[sflag:s5] =	ssyncadd.s32 $0xFFFFFF80  }
0x57: {  	_ =	swait.ge [sflag:s6], $0x4000  }
0x58: {  	[sflag:s6] =	ssyncset.done $0x0  }
0x59: {  	[sflag:s6] =	ssyncadd.s32 $0xFFFFC000  }
0x5a: {  	[spmem:s1] =	stream.indirect.scatter.add.f32 [tilespmem:s31], [sflag:$0x5], $0x80, s30, s30, $0xb8;
	[tilespmem:$0x1C100] =	vst v63  }
0x5b: {  	_ =	swait.ge [sflag:s29], $0x4000  }
0x5c: {  	[sflag:s29] =	ssyncset.done $0x0  }
0x5d: {  	s25 =	sadd.s32 $0x0, s21;
	s9 =	sadd.s32 $0x20000, s4;
	[sflag:s29] =	ssyncadd.s32 $0xFFFFC000  }
0x5e: {  	[tilespmem:s30], [sflag:$0x2] =	stream.linear.gather [hbm4b:s25+s2], $0x80, $0x38;
	[tilespmem:$0x1C100] =	vst v63  }
0x5f: {  	s8 =	simm.s32 $0x400;
	s10 =	sadd.s32 $0x20000, s26;
	s25 =	smov.u32 s4  }
.LBB2_2:
0x60: {  	[tilespmem:s31], [sflag:$0x4] =	stream.linear.gather [hbm4b:s25+s2], $0x4000, $0x38;
	[tilespmem:$0x1C100] =	vst v63  }
0x61: {  	s11 =	smov.u32 s8;
	s25 =	smov.u32 s9  }
0x62: {  	p1 =	sne.s32 s8, $0x4400;
	s8 =	sadd.s32 $0x400, s8;
	_ =	swait.ge [sflag:s0], $0x80  }
0x63: {  	[sflag:s0] =	ssyncset.done $0x0  }
0x64: {  	[sflag:s0] =	ssyncadd.s32 $0xFFFFFF80  }
0x65: {  	_ =	swait.ge [sflag:s3], $0x4000  }
0x66: {  	[sflag:s3] =	ssyncset.done $0x0  }
0x67: {  	[sflag:s3] =	ssyncadd.s32 $0xFFFFC000  }
0x68: {  	[spmem:s1] =	stream.indirect.scatter.add.f32 [tilespmem:s28], [sflag:$0x5], $0x80, s2, s30, $0xb8;
	[tilespmem:$0x1C100] =	vst v63  }
0x69: {  	_ =	swait.ge [sflag:s29], $0x4000  }
0x6a: {  	[sflag:s29] =	ssyncset.done $0x0  }
0x6b: {  	s12 =	sadd.s32 s11, s22;
	[sflag:s29] =	ssyncadd.s32 $0xFFFFC000  }
0x6c: {  	[tilespmem:s2], [sflag:$0x1] =	stream.linear.gather [hbm4b:s12+s2], $0x80, $0x38;
	[tilespmem:$0x1C100] =	vst v63  }
0x6d: {  	_ = 	snop  }
0x6e: {  	[tilespmem:s28], [sflag:$0x3] =	stream.linear.gather [hbm4b:s10+s2], $0x4000, $0x38;
	[tilespmem:$0x1C100] =	vst v63  }
0x6f: {  	_ =	swait.ge [sflag:s5], $0x80  }
0x70: {  	[sflag:s5] =	ssyncset.done $0x0  }
0x71: {  	[sflag:s5] =	ssyncadd.s32 $0xFFFFFF80  }
0x72: {  	_ =	swait.ge [sflag:s6], $0x4000  }
0x73: {  	[sflag:s6] =	ssyncset.done $0x0  }
0x74: {  	[sflag:s6] =	ssyncadd.s32 $0xFFFFC000  }
0x75: {  	[spmem:s1] =	stream.indirect.scatter.add.f32 [tilespmem:s31], [sflag:$0x5], $0x80, s30, s30, $0xb8;
	[tilespmem:$0x1C100] =	vst v63  }
.Ltmp0:
0x76: {  	_ =	swait.ge [sflag:s29], $0x4000;
	(pc) =	sbr.rel @p1 .LBB2_2-.Ltmp0, $4  }
0x77: {  	[sflag:s29] =	ssyncset.done $0x0  }
0x78: {  	s11 =	sadd.s32 s11, s21;
	[sflag:s29] =	ssyncadd.s32 $0xFFFFC000  }
0x79: {  	[tilespmem:s30], [sflag:$0x2] =	stream.linear.gather [hbm4b:s11+s2], $0x80, $0x38;
	[tilespmem:$0x1C100] =	vst v63  }
0x7a: {  	s9 =	sadd.s32 $0x20000, s9;
	s10 =	sadd.s32 $0x20000, s10  }
0x7b: {  	[tilespmem:s31], [sflag:$0x4] =	stream.linear.gather [hbm4b:s25+s2], $0x4000, $0x38;
	[tilespmem:$0x1C100] =	vst v63  }
0x7c: {  	_ =	swait.ge [sflag:s0], $0x80  }
0x7d: {  	[sflag:s0] =	ssyncset.done $0x0  }
0x7e: {  	[sflag:s0] =	ssyncadd.s32 $0xFFFFFF80  }
0x7f: {  	_ =	swait.ge [sflag:s3], $0x4000  }
0x80: {  	[sflag:s3] =	ssyncset.done $0x0  }
0x81: {  	[sflag:s3] =	ssyncadd.s32 $0xFFFFC000  }
0x82: {  	[spmem:s1] =	stream.indirect.scatter.add.f32 [tilespmem:s28], [sflag:$0x5], $0x80, s2, s30, $0xb8;
	[tilespmem:$0x1C100] =	vst v63  }
0x83: {  	_ =	swait.ge [sflag:s29], $0x4000  }
0x84: {  	[sflag:s29] =	ssyncset.done $0x0  }
0x85: {  	[sflag:s29] =	ssyncadd.s32 $0xFFFFC000  }
0x86: {  	_ =	swait.ge [sflag:s5], $0x80  }
0x87: {  	[sflag:s5] =	ssyncset.done $0x0  }
0x88: {  	[sflag:s5] =	ssyncadd.s32 $0xFFFFFF80  }
0x89: {  	_ =	swait.ge [sflag:s6], $0x4000  }
0x8a: {  	[sflag:s6] =	ssyncset.done $0x0  }
0x8b: {  	[sflag:s6] =	ssyncadd.s32 $0xFFFFC000  }
0x8c: {  	[spmem:s1] =	stream.indirect.scatter.add.f32 [tilespmem:s31], [sflag:$0x5], $0x80, s30, s30, $0xb8;
	[tilespmem:$0x1C100] =	vst v63  }
0x8d: {  	_ =	swait.ge [sflag:s29], $0x4000  }
0x8e: {  	[sflag:s29] =	ssyncset.done $0x0  }
0x8f: {  	s8 =	rddreg [dreg:$0x6];
	[sflag:s29] =	ssyncadd.s32 $0xFFFFC000  }
0x90: {  	[tilespmem:s2], [sflag:$0x5] =	stream.linear.gather [hbm4b:s8+s2], $0x80, $0x38;
	[tilespmem:$0x1C100] =	vst v63  }
0x91: {  	_ =	swait.ge [sflag:s29], $0x80  }
0x92: {  	[sflag:s29] =	ssyncset.done $0x0  }
0x93: {  	s25 =	rddreg [dreg:$0x7];
	[sflag:s29] =	ssyncadd.s32 $0xFFFFFF80  }
0x94: {  	[tilespmem:s28], [sflag:$0x5] =	stream.linear.gather [hbm4b:s25+s2], $0x4000, $0x38;
	[tilespmem:$0x1C100] =	vst v63  }
0x95: {  	_ =	swait.ge [sflag:s29], $0x4000  }
0x96: {  	[sflag:s29] =	ssyncset.done $0x0  }
0x97: {  	[sflag:s29] =	ssyncadd.s32 $0xFFFFC000  }
0x98: {  	[spmem:s1] =	stream.indirect.scatter.add.f32 [tilespmem:s28], [sflag:$0x5], $0x80, s2, s30, $0xb8;
	[tilespmem:$0x1C100] =	vst v63  }
0x99: {  	_ =	swait.ge [sflag:s29], $0x4000  }
0x9a: {  	[sflag:s29] =	ssyncset.done $0x0  }
0x9b: {  	s9 =	simm.s32 @!p0 $0x5;
	s8 =	simm.s32 @!p0 $0x0;
	[sflag:s29] =	ssyncadd.s32 $0xFFFFC000  }
0x9c: {  	[tilespmem:s8], [sflag:$0x5] =	stream.linear.gather @!p0 [hbm4b:s20+s8], $0x80, $0x38;
	[tilespmem:$0x1C100] =	vst v63  }
0x9d: {  	_ =	swait.ge @!p0 [sflag:s9], $0x80  }
0x9e: {  	[sflag:s9] =	ssyncset.done @!p0 $0x0  }
0x9f: {  	s10 =	simm.s32 @!p0 $0x100;
	[sflag:s9] =	ssyncadd.s32 @!p0 $0xFFFFFF80  }
0xa0: {  	[tilespmem:s10], [sflag:$0x5] =	stream.linear.gather @!p0 [hbm4b:s23+s8], $0x4000, $0x38;
	[tilespmem:$0x1C100] =	vst v63  }
0xa1: {  	_ =	swait.ge @!p0 [sflag:s9], $0x4000  }
0xa2: {  	[sflag:s9] =	ssyncset.done @!p0 $0x0  }
0xa3: {  	s11 =	simm.s32 @!p0 $0x80;
	[sflag:s9] =	ssyncadd.s32 @!p0 $0xFFFFC000  }
0xa4: {  	[spmem:s1] =	stream.indirect.scatter.add.f32 @!p0 [tilespmem:s10], [sflag:$0x5], $0x80, s8, s11, $0xb8;
	[tilespmem:$0x1C100] =	vst v63  }
0xa5: {  	_ =	swait.ge @!p0 [sflag:s9], $0x4000  }
0xa6: {  	[sflag:s9] =	ssyncset.done @!p0 $0x0  }
0xa7: {  	[sflag:s9] =	ssyncadd.s32 @!p0 $0xFFFFC000  }
0xa8: {  	[bflag:$0x0] =	sbarrier.arrive $0xFFFF  }
0xa9: {  	[tilespmem:s28], [sflag:$0x5] =	stream.linear.gather [spmem:s15], $0x4000, $0x38;
	[tilespmem:$0x1C100] =	vst v63  }
0xaa: {  	_ =	swait.ge [sflag:s29], $0x4000  }
0xab: {  	[sflag:s29] =	ssyncset.done $0x0  }
0xac: {  	s9 =	rddreg [dreg:$0x8];
	[sflag:s29] =	ssyncadd.s32 $0xFFFFC000  }
0xad: {  	[hbm4b:s9+s2] =	stream.linear.scatter [tilespmem:s28], [sflag:$0x5], $0x4000, $0x38;
	[tilespmem:$0x1C100] =	vst v63  }
0xae: {  	_ =	swait.ge [sflag:s29], $0x4000  }
0xaf: {  	[sflag:s29] =	ssyncset.done $0x0  }
0xb0: {  	[sflag:s29] =	ssyncadd.s32 $0xFFFFC000  }
0xb1: {  	[tilespmem:s28], [sflag:$0x5] =	stream.linear.gather [spmem:s16], $0x4000, $0x38;
	[tilespmem:$0x1C100] =	vst v63  }
0xb2: {  	_ =	swait.ge [sflag:s29], $0x4000  }
0xb3: {  	[sflag:s29] =	ssyncset.done $0x0  }
0xb4: {  	s10 =	rddreg [dreg:$0x9];
	[sflag:s29] =	ssyncadd.s32 $0xFFFFC000  }
0xb5: {  	[hbm4b:s10+s2] =	stream.linear.scatter [tilespmem:s28], [sflag:$0x5], $0x4000, $0x38;
	[tilespmem:$0x1C100] =	vst v63  }
0xb6: {  	_ =	swait.ge [sflag:s29], $0x4000  }
0xb7: {  	[sflag:s29] =	ssyncset.done $0x0  }
0xb8: {  	[sflag:s29] =	ssyncadd.s32 $0xFFFFC000  }
0xb9: {  	[tilespmem:s28], [sflag:$0x5] =	stream.linear.gather [spmem:s17], $0x4000, $0x38;
	[tilespmem:$0x1C100] =	vst v63  }
0xba: {  	_ =	swait.ge [sflag:s29], $0x4000  }
0xbb: {  	[sflag:s29] =	ssyncset.done $0x0  }
0xbc: {  	s11 =	rddreg [dreg:$0xa];
	[sflag:s29] =	ssyncadd.s32 $0xFFFFC000  }
0xbd: {  	[hbm4b:s11+s2] =	stream.linear.scatter [tilespmem:s28], [sflag:$0x5], $0x4000, $0x38;
	[tilespmem:$0x1C100] =	vst v63  }
0xbe: {  	_ =	swait.ge [sflag:s29], $0x4000  }
0xbf: {  	[sflag:s29] =	ssyncset.done $0x0  }
0xc0: {  	[sflag:s29] =	ssyncadd.s32 $0xFFFFC000  }
0xc1: {  	[tilespmem:s28], [sflag:$0x5] =	stream.linear.gather [spmem:s18], $0x4000, $0x38;
	[tilespmem:$0x1C100] =	vst v63  }
0xc2: {  	_ =	swait.ge [sflag:s29], $0x4000  }
0xc3: {  	[sflag:s29] =	ssyncset.done $0x0  }
0xc4: {  	s12 =	rddreg [dreg:$0xb];
	[sflag:s29] =	ssyncadd.s32 $0xFFFFC000  }
0xc5: {  	[hbm4b:s12+s2] =	stream.linear.scatter [tilespmem:s28], [sflag:$0x5], $0x4000, $0x38;
	[tilespmem:$0x1C100] =	vst v63  }
0xc6: {  	_ =	swait.ge [sflag:s29], $0x4000  }
0xc7: {  	[sflag:s29] =	ssyncset.done $0x0  }
0xc8: {  	[sflag:s29] =	ssyncadd.s32 $0xFFFFC000  }
0xc9: {  	[tilespmem:s28], [sflag:$0x5] =	stream.linear.gather [spmem:s19], $0x4000, $0x38;
	[tilespmem:$0x1C100] =	vst v63  }
0xca: {  	s7 =	sadd.s32 $0x1, s7;
	_ =	swait.ge [sflag:s29], $0x4000  }
0xcb: {  	p1 =	sne.s32 s7, s24;
	[sflag:s29] =	ssyncset.done $0x0  }
.Ltmp1:
0xcc: {  	s25 =	rddreg [dreg:$0xc];
	[sflag:s29] =	ssyncadd.s32 $0xFFFFC000;
	(pc) =	sbr.rel @p1 .LBB2_1-.Ltmp1, $4  }
0xcd: {  	[hbm4b:s25+s2] =	stream.linear.scatter [tilespmem:s28], [sflag:$0x5], $0x4000, $0x38;
	[tilespmem:$0x1C100] =	vst v63  }
0xce: {  	_ =	swait.ge [sflag:s29], $0x4000  }
0xcf: {  	[sflag:s29] =	ssyncset.done $0x0  }
0xd0: {  	[sflag:s29] =	ssyncadd.s32 $0xFFFFC000  }
0xd1: {  	_ =	sfence.sel $0x180000  }
0xd2: {  	[bflag:$0x0] =	sbarrier.arrive $0xFFFF  }
0xd3: {  	_ =	strace $0x90000050  }
0xd4: {  	[bflag:$0x2] =	sbarrier.arrive $0xFFFF  }
0xd5: {  	s0 =	rddreg [dreg:$0x2]  }
0xd6: {  	s0 =	sadd.s32 @!p0 $0x100000, s0  }
0xd7: {  	[sflag:s0] =	ssyncadd.tile.s32 @!p0 $0x1;
	_ =	shalt  }
.Lfunc_end2:
_tile_overlayer_lowered:
.L_overlay_start_2:
0xd8: {  	(tag) =	ssettag $0x2  }
0xd9: {  	s0 =	rddreg [dreg:$0x0];
	s2 =	stileid.u32  }
0xda: {  	s1 =	rddreg [dreg:$0x1];
	p0 =	sne.s32 s2, $0x0  }
0xdb: {  	s3 =	rddreg [dreg:$0x2];
	[bflag:$0x3] =	sbarrier.arrive $0xFFFF;
	s2 =	simm.s32 @!p0 $0x1C05  }
0xdc: {  	[timem:s3], [sflag:s2] =	dma.local @!p0 [hbm:s0], s1  }
0xdd: {  	s0 =	simm.s32 @!p0 $0x5  }
0xde: {  	_ =	swait.ge @!p0 [sflag:s0], s1  }
0xdf: {  	s1 =	ssub.s32 @!p0 $0x0, s1;
	[sflag:s0] =	ssyncset.done @!p0 $0x0  }
0xe0: {  	[sflag:s0] =	ssyncadd.s32 @!p0 s1  }
0xe1: {  	[bflag:$0x3] =	sbarrier.arrive $0xFFFF  }
0xe2: {  	_ =	shalt  }

// kernel: kernel.16.cloned.1.call-start
scs
__scs_entry_jumppad:
0x0: {  	(pc) =	sbr.rel $0x88, $3  }
0x1: {  	(tag) =	ssettag $0x0;
	lr =	simm.s32 $0x1  }
0x2: {  	[smem:$0x3F8B] =	sst lr;
	_ =	strace $0xD0000000  }
0x3: {  	_ = 	snop  }
0x4: {  	_ = 	snop  }
0x5: {  	_ = 	snop  }
0x6: {  	_ = 	snop  }
0x7: {  	_ = 	snop  }
__scs_overlays_trampoline_lowered:
0x8: {  	[smem:$0x3F9A] =	sst s0  }
0x9: {  	[smem:$0x3F9B] =	sst s1  }
0xa: {  	[smem:$0x3F9C] =	sst s2  }
0xb: {  	[smem:$0x3F9D] =	sst s3  }
0xc: {  	[smem:$0x3F9E] =	sst s4  }
0xd: {  	[smem:$0x3F9F] =	sst s5  }
0xe: {  	[smem:$0x3FA0] =	sst s6  }
0xf: {  	[smem:$0x3FA1] =	sst s7  }
0x10: {  	[smem:$0x3FA2] =	sst s8  }
0x11: {  	[smem:$0x3FA3] =	sst s9;
	s0 =	simm.s32 @!p0 $0x0  }
0x12: {  	s1 =	sld [smem:$0x3F89];
	s0 =	simm.s32 @p0 $0x1  }
0x13: {  	[smem:$0x3FA4] =	sst s0;
	s0 =	simm.s32 @!p1 $0x0  }
0x14: {  	s2 =	sld [smem:$0x3F88];
	s0 =	simm.s32 @p1 $0x1  }
0x15: {  	[smem:$0x3FA5] =	sst s0;
	s0 =	simm.s32 @!p2 $0x0  }
0x16: {  	s3 =	sld [smem:$0x3FDB];
	s0 =	simm.s32 @p2 $0x1  }
0x17: {  	s4 =	simm.s32 $0x1BF5;
	[smem:$0x3FA7] =	sst s0  }
0x18: {  	s0 =	sld [smem:$0x3F8A];
	_ =	swait.ge [sflag:s4], $0x0  }
0x19: {  	s7 =	sld [smem:$0x3F8B]  }
0x1a: {  	s8 =	sadd.s32 $0xFFFFE003, lr  }
0x1b: {  	s9 =	sadd.s32 $0xFFFFFEF7, lr;
	s5 =	simm.s32 $0xFFFFFFFF;
	p2 =	slt.u32 s8, $0xFFFFF086  }
0x1c: {  	p1 =	slt.u32 s9, $0xF7A;
	s5 =	simm.s32 @!p2 $0x0  }
0x1d: {  	s5 =	simm.s32 @p1 $0x1;
	p0 =	seq.s32 s7, s2  }
0x1e: {  	s7 =	smul.u32 @!p0 $0xF7A, s2;
	p2 =	seq.s32 @!p0 s5, $0x0  }
0x1f: {  	s9 =	smul.u32 $0xF7A, s1;
	s8 =	simm.s32 @!p0 $0x1BF5;
	p2 =	por !p2, p0  }
0x20: {  	[sflag:s8] =	ssyncset.s32 @!p0 $0xFFFFF086;
	s6 =	sadd.s32 @!p0 s3, s7;
	s7 =	simm.s32 @!p0 $0x108  }
0x21: {  	s3 =	sadd.s32 s3, s9;
	s6 =	sadd.s32 @!p0 $0x88, s6;
	s7 =	simm.s32 @p2 $0x1082  }
0x22: {  	[simem:s7], [sflag:s8] =	dma.local @!p0 [hbm:s6], $0xF7A  }
0x23: {  	s9 =	sor.u32 $0xD0000000, s2;
	s6 =	simm.s32 $0x108;
	_ =	swait.ge @!p0 [sflag:s8], $0x0  }
0x24: {  	s3 =	sadd.s32 $0x88, s3;
	s6 =	simm.s32 @!p1 $0x1082;
	[sflag:s4] =	ssyncset.s32 $0xFFFFF086  }
0x25: {  	[simem:s6], [sflag:s4] =	dma.local [hbm:s3], $0xF7A  }
0x26: {  	[smem:$0x3F8B] =	sst s1;
	(tag) =	ssettag s2;
	_ =	strace s9  }
0x27: {  	s1 =	sld [smem:$0x3F9B]  }
0x28: {  	s2 =	sld [smem:$0x3F9C]  }
0x29: {  	s4 =	sld [smem:$0x3F9E]  }
0x2a: {  	p0 =	seq.s32 s5, $0x0;
	s5 =	sld [smem:$0x3F9F]  }
0x2b: {  	s6 =	sld [smem:$0x3FA0]  }
0x2c: {  	s7 =	sld [smem:$0x3FA1]  }
0x2d: {  	s3 =	simm.s32 $0x108;
	s8 =	sld [smem:$0x3FA2]  }
0x2e: {  	s3 =	simm.s32 @!p0 $0x1082;
	s9 =	sld [smem:$0x3FA3]  }
0x2f: {  	lr =	sadd.s32 s0, s3;
	s0 =	sld [smem:$0x3F9A]  }
0x30: {  	s3 =	sld [smem:$0x3F9D]  }
0x31: {  	[smem:$0x3FA6] =	sst s10  }
0x32: {  	s10 =	sld [smem:$0x3FA4];
	_ =	sdelay $0x3  }
0x33: {  	p0 =	seq.s32 s10, $0x1;
	s10 =	sld [smem:$0x3FA6];
	_ =	sdelay $0x3  }
0x34: {  	[smem:$0x3FA6] =	sst s10  }
0x35: {  	s10 =	sld [smem:$0x3FA5];
	_ =	sdelay $0x3  }
0x36: {  	p1 =	seq.s32 s10, $0x1;
	s10 =	sld [smem:$0x3FA6];
	_ =	sdelay $0x3  }
0x37: {  	[smem:$0x3FA6] =	sst s10  }
0x38: {  	s10 =	sld [smem:$0x3FA7]  }
0x39: {  	_ = 	snop;
	(pc) =	sbr.ind lr, $3  }
0x3a: {  	_ = 	snop  }
0x3b: {  	_ = 	snop  }
0x3c: {  	p2 =	seq.s32 s10, $0x1;
	s10 =	sld [smem:$0x3FA6]  }
0x3d: {  	_ =	shalt  }
0x3e: {  	_ =	shalt  }
0x3f: {  	_ =	shalt  }
0x40: {  	_ =	shalt  }
0x41: {  	_ =	shalt  }
0x42: {  	_ =	shalt  }
0x43: {  	_ =	shalt  }
0x44: {  	_ =	shalt  }
0x45: {  	_ =	shalt  }
0x46: {  	_ =	shalt  }
0x47: {  	_ =	shalt  }
0x48: {  	_ =	shalt  }
0x49: {  	_ =	shalt  }
0x4a: {  	_ =	shalt  }
0x4b: {  	_ =	shalt  }
0x4c: {  	_ =	shalt  }
0x4d: {  	_ =	shalt  }
0x4e: {  	_ =	shalt  }
0x4f: {  	_ =	shalt  }
0x50: {  	_ =	shalt  }
0x51: {  	_ =	shalt  }
0x52: {  	_ =	shalt  }
0x53: {  	_ =	shalt  }
0x54: {  	_ =	shalt  }
0x55: {  	_ =	shalt  }
0x56: {  	_ =	shalt  }
0x57: {  	_ =	shalt  }
0x58: {  	_ =	shalt  }
0x59: {  	_ =	shalt  }
0x5a: {  	_ =	shalt  }
0x5b: {  	_ =	shalt  }
0x5c: {  	_ =	shalt  }
0x5d: {  	_ =	shalt  }
0x5e: {  	_ =	shalt  }
0x5f: {  	_ =	shalt  }
0x60: {  	_ =	shalt  }
0x61: {  	_ =	shalt  }
0x62: {  	_ =	shalt  }
0x63: {  	_ =	shalt  }
0x64: {  	_ =	shalt  }
0x65: {  	_ =	shalt  }
0x66: {  	_ =	shalt  }
0x67: {  	_ =	shalt  }
0x68: {  	_ =	shalt  }
0x69: {  	_ =	shalt  }
0x6a: {  	_ =	shalt  }
0x6b: {  	_ =	shalt  }
0x6c: {  	_ =	shalt  }
0x6d: {  	_ =	shalt  }
0x6e: {  	_ =	shalt  }
0x6f: {  	_ =	shalt  }
0x70: {  	_ =	shalt  }
0x71: {  	_ =	shalt  }
0x72: {  	_ =	shalt  }
0x73: {  	_ =	shalt  }
0x74: {  	_ =	shalt  }
0x75: {  	_ =	shalt  }
0x76: {  	_ =	shalt  }
0x77: {  	_ =	shalt  }
0x78: {  	_ =	shalt  }
0x79: {  	_ =	shalt  }
0x7a: {  	_ =	shalt  }
0x7b: {  	_ =	shalt  }
0x7c: {  	_ =	shalt  }
0x7d: {  	_ =	shalt  }
0x7e: {  	_ =	shalt  }
0x7f: {  	_ =	shalt  }
0x80: {  	_ =	shalt  }
0x81: {  	_ =	shalt  }
0x82: {  	_ =	shalt  }
0x83: {  	_ =	shalt  }
0x84: {  	_ =	shalt  }
0x85: {  	_ =	shalt  }
0x86: {  	_ =	shalt  }
0x87: {  	_ =	shalt  }
.Lfunc_end0:
.L_simem_size_0:
called_computation.2_lowered:
.L_overlay_start_0:
0x88: {  	s2 =	sld [smem:$0x3FD9]  }
0x89: {  	s3 =	sld [smem:$0x3FFE];
	_ =	sdelay $0x1  }
0x8a: {  	s1 =	srdreg.scid  }
0x8b: {  	s0 =	sand.u32 $0x1, s1  }
0x8c: {  	s17 =	sshll.u32 s0, $0xA;
	s2 =	sadd.s32 s3, s2  }
0x8d: {  	s2 =	sadd.s32 s2, s17  }
0x8e: {  	[smem:$0x3FB2] =	sst s2  }
0x8f: {  	_ = 	snop  }
0x90: {  	s2 =	sld [smem:$0x3FD0];
	(tm) =	ssettm $0x1  }
0x91: {  	s18 =	sld [smem:$0x3FFB];
	_ =	sdelay $0x3  }
0x92: {  	_ =	strace s18  }
0x93: {  	s3 =	sld [smem:$0x3FFC];
	_ =	sdelay $0x3  }
0x94: {  	_ =	strace s3  }
0x95: {  	s3 =	sld [smem:$0x3FFD];
	_ =	sdelay $0x3  }
0x96: {  	_ =	strace s3  }
0x97: {  	_ =	strace $0x8FFFFFFF  }
0x98: {  	s19 =	sld [smem:$0x3FDB];
	_ =	sdelay $0x1  }
0x99: {  	s4 =	simm.s32 $_scs_section_size  }
0x9a: {  	s5 =	simm.s32 $_size__tile_overlayer_lowered;
	s6 =	simm.s32 $_tile_overlayer_lowered  }
0x9b: {  	s22 =	simm.s32 $0x1BFF;
	s21 =	sshll.u32 s6, $0x1;
	s3 =	sadd.s32 s4, s19  }
0x9c: {  	s7 =	simm.s32 $0x0;
	s20 =	sshll.u32 s5, $0x1;
	s5 =	sadd.s32 s21, s3  }
0x9d: {  	[timem:s7], [sflag:s22] =	dma.local [hbm:s5], s20  }
0x9e: {  	_ =	swait.ge [sflag:s22], s20  }
0x9f: {  	s4 =	ssub.s32 $0x0, s20;
	[sflag:s22] =	ssyncset.done $0x0  }
0xa0: {  	[sflag:s22] =	ssyncadd.s32 s4;
	_ =	sdelay $0x1  }
0xa1: {  	s23 =	simm.s32 $0x1B8B  }
0xa2: {  	_ =	swait.ge [sflag:s23], $0x1  }
0xa3: {  	[sflag:s23] =	ssyncset.done $0x0  }
0xa4: {  	s25 =	simm.s32 $0x1B8E;
	s24 =	sld [smem:$0x3FFE];
	[sflag:s23] =	ssyncadd.s32 $0xFFFFFFFF  }
0xa5: {  	s26 =	simm.s32 $execute0_lowered;
	[smem:$0x3FD2] =	sst s25  }
0xa6: {  	s5 =	sshll.u32 s26, $0x1;
	_ =	strace $0x80000046;
	[dreg:$0x1] =	wrdreg $0xFFFFFFFF  }
0xa7: {  	s28 =	simm.s32 $_size_execute0_lowered;
	s3 =	sadd.s32 s3, s5;
	[dreg:$0x0] =	wrdreg $0x0  }
0xa8: {  	s5 =	sshll.u32 s28, $0x1;
	[dreg:$0x2] =	wrdreg s3  }
0xa9: {  	[dreg:$0x3] =	wrdreg s5  }
0xaa: {  	[dreg:$0x4] =	wrdreg $0xC0  }
0xab: {  	_ =	task [dreg:s7], $0x5FFFF  }
0xac: {  	[dreg:$0x1] =	wrdreg $0xFFFFFFFF  }
0xad: {  	[dreg:$0x0] =	wrdreg $0x60  }
0xae: {  	[dreg:$0x2] =	wrdreg s2  }
0xaf: {  	[dreg:$0x3] =	wrdreg s24  }
0xb0: {  	[dreg:$0x4] =	wrdreg $0xA  }
0xb1: {  	_ =	task.clear_ibuf [dreg:s7], $0x5FFFF;
	_ =	strace $0x90000046  }
0xb2: {  	s29 =	simm.s32 $0xA;
	_ =	strace $0x80000048  }
0xb3: {  	_ =	swait.ge [sflag:s29], $0x1  }
0xb4: {  	[sflag:s29] =	ssyncadd.s32 $0xFFFFFFFF  }
0xb5: {  	_ =	strace $0x90000048  }
0xb6: {  	_ =	sfence  }
0xb7: {  	s30 =	sld [smem:$0x0];
	_ =	sdelay $0x2  }
0xb8: {  	s31 =	sshll.u32 s1, $0xD;
	s1 =	sshrl.u32 s1, $0x2  }
0xb9: {  	s3 =	sand.u32 $0x4000, s31;
	s1 =	sadd.s32 s1, s30  }
0xba: {  	s0 =	sor.u32 s3, s0;
	s1 =	sshll.u32 s1, $0x11  }
0xbb: {  	s0 =	sor.u32 s1, s0  }
0xbc: {  	s0 =	sadd.s32 $0x8F2B, s0  }
0xbd: {  	[sflag:s0] =	ssyncadd.remote.s32 $0x1  }
0xbe: {  	_ =	sfence.sel $0xFFFF  }
0xbf: {  	[dreg:$0x0] =	wrdreg $0xFFFFFFFF;
	(pc) =	sbr.abs _section_cstart, $3  }
0xc0: {  	[dreg:$0x1] =	wrdreg $0xFFFFFFFF  }
0xc1: {  	_ =	task.clear_ibuf [dreg:s7], $0x2FFFF;
	_ =	strace $0x9FFFFFFF  }
0xc2: {  	(tm) =	ssettm $0x7FFFFFFF  }
0xc3: {  	_ =	shalt  }
tec
execute0_lowered:
.L_overlay_start_1:
0x0: {  	(tag) =	ssettag $0x1  }
0x1: {  	s1 =	rddreg [dreg:$0x0]  }
0x2: {  	s3 =	rddreg [dreg:$0x1];
	s2 =	simm.s32 $0x0  }
0x3: {  	s4 =	srdreg.scid;
	s25 =	stileid.u32;
	s23 =	simm.s32 $0x4100  }
0x4: {  	s28 =	simm.s32 $0x0;
	[smem:$0x7FF] =	sst s2;
	s6 =	sand.u32 $0x1, s4  }
0x5: {  	s15 =	sadd.s32 $0x7200, s3;
	s5 =	sshll.u32 s25, $0x1;
	s16 =	sadd.s32 $0x33600, s3  }
0x6: {  	s21 =	sshll.u32 s25, $0xC;
	s22 =	sshll.u32 s25, $0x5;
	p0 =	sne.s32 s25, $0x0  }
0x7: {  	s25 =	simm.s32 $0x5;
	_ =	strace $0x80000047;
	s4 =	ssub.s32 $0x2, s6  }
0x8: {  	s11 =	sor.u32 s6, s5;
	s18 =	sshll.u32 s6, $0x4;
	s19 =	sshll.u32 s6, $0xB  }
0x9: {  	s24 =	sshrl.u32 s4, $0x1;
	s17 =	sshll.u32 s11, $0x4;
	s7 =	sor.u32 $0x4C0, s11  }
0xa: {  	s29 =	sadd.s32 s18, s15;
	s14 =	sadd.s32 s19, s16;
	s10 =	sshll.u32 s11, $0xB  }
0xb: {  	s20 =	sor.u32 $0x20, s11;
	s18 =	sor.u32 s18, s22;
	s19 =	sor.u32 s19, s21  }
0xc: {  	s22 =	simm.s32 $0x2;
	s9 =	ssub.s32 s4, s24;
	s26 =	sand.u32 $0x70, s17  }
0xd: {  	s3 =	sadd.s32 s15, s17;
	s8 =	sshll.u32 s7, $0x4;
	s7 =	sshll.u32 s7, $0xB  }
0xe: {  	s10 =	sadd.s32 s16, s10;
	s12 =	sand.u32 $0x180, s17;
	s30 =	sshll.u32 s20, $0xB  }
0xf: {  	s20 =	sshll.u32 s20, $0x4;
	s31 =	sor.u32 $0x600, s17;
	s17 =	sor.u32 $0x400, s17  }
0x10: {  	s18 =	sand.u32 $0x70, s18;
	s24 =	simm.s32 $0x4;
	s4 =	sadd.s32 $0x200, s3  }
0x11: {  	s5 =	sadd.s32 s15, s26;
	s8 =	sand.u32 $0x4D80, s8;
	s6 =	sadd.s32 s16, s7  }
0x12: {  	s7 =	sadd.s32 $0x4E00, s29;
	s9 =	smax.u32 s9, $0x1;
	s20 =	sand.u32 $0x380, s20  }
0x13: {  	s17 =	sand.u32 $0x580, s17;
	s26 =	simm.s32 $0x6;
	s13 =	sadd.s32 $0x400, s5  }
0x14: {  	s5 =	sadd.s32 s8, s5;
	s8 =	sadd.s32 $0x270000, s14;
	s14 =	sadd.s32 s21, s14  }
0x15: {  	s17 =	sadd.s32 s17, s15;
	s21 =	simm.s32 $0x3;
	s11 =	sadd.s32 s12, s13  }
.Ltmp0:
0x16: {  	s12 =	sadd.s32 s16, s30;
	s13 =	sadd.s32 s20, s13;
	(pc) =	sbr.rel .LBB2_1-.Ltmp0, $4  }
0x17: {  	s14 =	sadd.s32 $0x20000, s14;
	s20 =	sand.u32 $0x780, s31;
	s16 =	sadd.s32 s19, s16  }
0x18: {  	s17 =	sadd.s32 s18, s17;
	s19 =	simm.s32 $0x1;
	s20 =	sadd.s32 s20, s15  }
0x19: {  	s16 =	sadd.s32 $0x30000, s16;
	s17 =	sadd.s32 $0x400, s17;
	s20 =	sadd.s32 s18, s20  }
0x1a: {  	s18 =	simm.s32 $0x80;
	s15 =	sadd.s32 $0x400, s20;
	s20 =	simm.s32 $0x100  }
.LBB2_4:
0x1b: {  	_ =	swait.ge [sflag:s24], $0x4000  }
0x1c: {  	[sflag:s24] =	ssyncset.done $0x0  }
0x1d: {  	[sflag:s24] =	ssyncadd.s32 $0xFFFFC000  }
0x1e: {  	_ =	swait.ge [sflag:s25], $0x4000  }
0x1f: {  	[sflag:s25] =	ssyncset.done $0x0  }
0x20: {  	[sflag:s25] =	ssyncadd.s32 $0xFFFFC000  }
0x21: {  	[tilespmem:s2], [sflag:$0x6] =	stream.linear.gather [hbm4b:s5+s2], $0x80, $0x38;
	[tilespmem:$0x8100] =	vst v63  }
0x22: {  	_ =	swait.ge [sflag:s26], $0x80  }
0x23: {  	[sflag:s26] =	ssyncset.done $0x0  }
0x24: {  	[sflag:s26] =	ssyncadd.s32 $0xFFFFFF80  }
0x25: {  	[tilespmem:s20], [sflag:$0x3] =	stream.indirect.gather [hbm4b:s1+s18], $0x80, s2, s18, $0xb8;
	[tilespmem:$0x8100] =	vst v63  }
0x26: {  	_ =	swait.ge [sflag:s21], $0x4000  }
0x27: {  	[sflag:s21] =	ssyncset.done $0x0  }
0x28: {  	[sflag:s21] =	ssyncadd.s32 $0xFFFFC000  }
0x29: {  	[hbm4b:s6+s2] =	stream.linear.scatter [tilespmem:s20], [sflag:$0x6], $0x4000, $0x38;
	[tilespmem:$0x8100] =	vst v63  }
0x2a: {  	_ =	swait.ge [sflag:s26], $0x4000  }
0x2b: {  	[sflag:s26] =	ssyncset.done $0x0  }
0x2c: {  	s0 =	simm.s32 @!p0 $0x0;
	s29 =	simm.s32 @!p0 $0x6;
	[sflag:s26] =	ssyncadd.s32 $0xFFFFC000  }
0x2d: {  	[tilespmem:s0], [sflag:$0x6] =	stream.linear.gather @!p0 [hbm4b:s7+s0], $0x80, $0x38;
	[tilespmem:$0x8100] =	vst v63  }
0x2e: {  	_ =	swait.ge @!p0 [sflag:s29], $0x80  }
0x2f: {  	[sflag:s29] =	ssyncset.done @!p0 $0x0  }
0x30: {  	s30 =	simm.s32 @!p0 $0x80;
	s31 =	simm.s32 @!p0 $0x100;
	[sflag:s29] =	ssyncadd.s32 @!p0 $0xFFFFFF80  }
0x31: {  	[tilespmem:s31], [sflag:$0x3] =	stream.indirect.gather @!p0 [hbm4b:s1+s30], $0x80, s0, s30, $0xb8;
	[tilespmem:$0x8100] =	vst v63  }
0x32: {  	s30 =	simm.s32 @!p0 $0x3  }
0x33: {  	s28 =	sadd.s32 $0x1, s28;
	_ =	swait.ge @!p0 [sflag:s30], $0x4000  }
0x34: {  	p1 =	sne.s32 s28, s9;
	[sflag:s30] =	ssyncset.done @!p0 $0x0  }
.Ltmp1:
0x35: {  	[sflag:s30] =	ssyncadd.s32 @!p0 $0xFFFFC000;
	(pc) =	sbr.rel @!p1 .LBB2_5-.Ltmp1, $4  }
0x36: {  	[hbm4b:s8+s0] =	stream.linear.scatter @!p0 [tilespmem:s31], [sflag:$0x6], $0x4000, $0x38;
	[tilespmem:$0x8100] =	vst v63  }
0x37: {  	_ =	swait.ge @!p0 [sflag:s29], $0x4000  }
0x38: {  	[sflag:s29] =	ssyncset.done @!p0 $0x0  }
0x39: {  	[sflag:s29] =	ssyncadd.s32 @!p0 $0xFFFFC000  }
.LBB2_1:
0x3a: {  	[tilespmem:s2], [sflag:$0x1] =	stream.linear.gather [hbm4b:s3+s2], $0x80, $0x38;
	[tilespmem:$0x8100] =	vst v63  }
0x3b: {  	_ = 	snop  }
0x3c: {  	[tilespmem:s18], [sflag:$0x2] =	stream.linear.gather [hbm4b:s4+s2], $0x80, $0x38;
	[tilespmem:$0x8100] =	vst v63  }
0x3d: {  	_ =	swait.ge [sflag:s19], $0x80  }
0x3e: {  	[sflag:s19] =	ssyncset.done $0x0  }
0x3f: {  	[sflag:s19] =	ssyncadd.s32 $0xFFFFFF80  }
0x40: {  	[tilespmem:s20], [sflag:$0x3] =	stream.indirect.gather [hbm4b:s1+s18], $0x80, s2, s18, $0xb8;
	[tilespmem:$0x8100] =	vst v63  }
0x41: {  	_ =	swait.ge [sflag:s21], $0x4000  }
0x42: {  	[sflag:s21] =	ssyncset.done $0x0  }
0x43: {  	[sflag:s21] =	ssyncadd.s32 $0xFFFFC000  }
0x44: {  	[hbm4b:s10+s2] =	stream.linear.scatter [tilespmem:s20], [sflag:$0x4], $0x4000, $0x38;
	[tilespmem:$0x8100] =	vst v63  }
0x45: {  	_ = 	snop  }
0x46: {  	[tilespmem:s2], [sflag:$0x1] =	stream.linear.gather [hbm4b:s11+s2], $0x80, $0x38;
	[tilespmem:$0x8100] =	vst v63  }
0x47: {  	_ =	swait.ge [sflag:s22], $0x80  }
0x48: {  	[sflag:s22] =	ssyncset.done $0x0  }
0x49: {  	[sflag:s22] =	ssyncadd.s32 $0xFFFFFF80  }
0x4a: {  	[tilespmem:s23], [sflag:$0x3] =	stream.indirect.gather [hbm4b:s1+s18], $0x80, s18, s18, $0xb8;
	[tilespmem:$0x8100] =	vst v63  }
0x4b: {  	_ =	swait.ge [sflag:s21], $0x4000  }
0x4c: {  	[sflag:s21] =	ssyncset.done $0x0  }
0x4d: {  	[sflag:s21] =	ssyncadd.s32 $0xFFFFC000  }
0x4e: {  	[hbm4b:s12+s2] =	stream.linear.scatter [tilespmem:s23], [sflag:$0x5], $0x4000, $0x38;
	[tilespmem:$0x8100] =	vst v63  }
0x4f: {  	s29 =	smov.u32 s17;
	s30 =	smov.u32 s15;
	s31 =	simm.s32 $0x0  }
0x50: {  	[tilespmem:s18], [sflag:$0x2] =	stream.linear.gather [hbm4b:s13+s2], $0x80, $0x38;
	[tilespmem:$0x8100] =	vst v63  }
.LBB2_2:
0x51: {  	_ =	swait.ge [sflag:s19], $0x80  }
0x52: {  	[sflag:s19] =	ssyncset.done $0x0  }
0x53: {  	[sflag:s19] =	ssyncadd.s32 $0xFFFFFF80  }
0x54: {  	_ =	swait.ge [sflag:s24], $0x4000  }
0x55: {  	[sflag:s24] =	ssyncset.done $0x0  }
0x56: {  	[sflag:s24] =	ssyncadd.s32 $0xFFFFC000  }
0x57: {  	[tilespmem:s20], [sflag:$0x3] =	stream.indirect.gather [hbm4b:s1+s18], $0x80, s2, s18, $0xb8;
	[tilespmem:$0x8100] =	vst v63  }
0x58: {  	_ =	swait.ge [sflag:s21], $0x4000  }
0x59: {  	[sflag:s21] =	ssyncset.done $0x0  }
0x5a: {  	s0 =	sadd.s32 s31, s14;
	p1 =	seq.s32 s31, $0x220000;
	[sflag:s21] =	ssyncadd.s32 $0xFFFFC000  }
0x5b: {  	[hbm4b:s0+s2] =	stream.linear.scatter [tilespmem:s20], [sflag:$0x4], $0x4000, $0x38;
	[tilespmem:$0x8100] =	vst v63  }
0x5c: {  	s0 =	simm.s32 @!p1 $0x0  }
0x5d: {  	[tilespmem:s0], [sflag:$0x1] =	stream.linear.gather @!p1 [hbm4b:s29+s0], $0x80, $0x38;
	[tilespmem:$0x8100] =	vst v63  }
0x5e: {  	_ =	swait.ge [sflag:s22], $0x80  }
0x5f: {  	[sflag:s22] =	ssyncset.done $0x0  }
0x60: {  	[sflag:s22] =	ssyncadd.s32 $0xFFFFFF80  }
0x61: {  	_ =	swait.ge [sflag:s25], $0x4000  }
0x62: {  	[sflag:s25] =	ssyncset.done $0x0  }
0x63: {  	[sflag:s25] =	ssyncadd.s32 $0xFFFFC000  }
0x64: {  	[tilespmem:s23], [sflag:$0x3] =	stream.indirect.gather [hbm4b:s1+s18], $0x80, s18, s18, $0xb8;
	[tilespmem:$0x8100] =	vst v63  }
.Ltmp2:
0x65: {  	_ = 	snop;
	(pc) =	sbr.rel @p1 .LBB2_4-.Ltmp2, $4  }
0x66: {  	_ =	swait.ge [sflag:s21], $0x4000  }
0x67: {  	[sflag:s21] =	ssyncset.done $0x0  }
0x68: {  	s0 =	sadd.s32 s31, s16;
	[sflag:s21] =	ssyncadd.s32 $0xFFFFC000  }
0x69: {  	[hbm4b:s0+s2] =	stream.linear.scatter [tilespmem:s23], [sflag:$0x5], $0x4000, $0x38;
	[tilespmem:$0x8100] =	vst v63  }
.Ltmp3:
0x6a: {  	(pc) =	sbr.rel .LBB2_2-.Ltmp3, $3  }
0x6b: {  	_ =	sdelay $0x1  }
0x6c: {  	[tilespmem:s18], [sflag:$0x2] =	stream.linear.gather [hbm4b:s30+s2], $0x80, $0x38;
	[tilespmem:$0x8100] =	vst v63  }
0x6d: {  	s31 =	sadd.s32 $0x20000, s31;
	s30 =	sadd.s32 $0x400, s30;
	s29 =	sadd.s32 $0x400, s29  }
.LBB2_5:
0x6e: {  	_ =	sfence.sel $0x180000  }
0x6f: {  	[bflag:$0x0] =	sbarrier.arrive $0xFFFF  }
0x70: {  	_ =	strace $0x90000047  }
0x71: {  	[bflag:$0x2] =	sbarrier.arrive $0xFFFF  }
0x72: {  	s0 =	rddreg [dreg:$0x2]  }
0x73: {  	s0 =	sadd.s32 @!p0 $0x100000, s0  }
0x74: {  	[sflag:s0] =	ssyncadd.tile.s32 @!p0 $0x1;
	_ =	shalt  }
.Lfunc_end2:
_tile_overlayer_lowered:
.L_overlay_start_2:
0x75: {  	(tag) =	ssettag $0x2  }
0x76: {  	s0 =	rddreg [dreg:$0x0];
	s2 =	stileid.u32  }
0x77: {  	s1 =	rddreg [dreg:$0x1];
	p0 =	sne.s32 s2, $0x0  }
0x78: {  	s3 =	rddreg [dreg:$0x2];
	[bflag:$0x3] =	sbarrier.arrive $0xFFFF;
	s2 =	simm.s32 @!p0 $0x1C06  }
0x79: {  	[timem:s3], [sflag:s2] =	dma.local @!p0 [hbm:s0], s1  }
0x7a: {  	s0 =	simm.s32 @!p0 $0x6  }
0x7b: {  	_ =	swait.ge @!p0 [sflag:s0], s1  }
0x7c: {  	s1 =	ssub.s32 @!p0 $0x0, s1;
	[sflag:s0] =	ssyncset.done @!p0 $0x0  }
0x7d: {  	[sflag:s0] =	ssyncadd.s32 @!p0 s1  }
0x7e: {  	[bflag:$0x3] =	sbarrier.arrive $0xFFFF  }
0x7f: {  	_ =	shalt  }

// kernel: kernel.19.cloned.1.call-start
scs
__scs_entry_jumppad:
0x0: {  	(pc) =	sbr.rel $0x88, $3  }
0x1: {  	(tag) =	ssettag $0x0;
	lr =	simm.s32 $0x1  }
0x2: {  	[smem:$0x3F8B] =	sst lr;
	_ =	strace $0xD0000000  }
0x3: {  	_ = 	snop  }
0x4: {  	_ = 	snop  }
0x5: {  	_ = 	snop  }
0x6: {  	_ = 	snop  }
0x7: {  	_ = 	snop  }
__scs_overlays_trampoline_lowered:
0x8: {  	[smem:$0x3F9A] =	sst s0  }
0x9: {  	[smem:$0x3F9B] =	sst s1  }
0xa: {  	[smem:$0x3F9C] =	sst s2  }
0xb: {  	[smem:$0x3F9D] =	sst s3  }
0xc: {  	[smem:$0x3F9E] =	sst s4  }
0xd: {  	[smem:$0x3F9F] =	sst s5  }
0xe: {  	[smem:$0x3FA0] =	sst s6  }
0xf: {  	[smem:$0x3FA1] =	sst s7  }
0x10: {  	[smem:$0x3FA2] =	sst s8  }
0x11: {  	[smem:$0x3FA3] =	sst s9;
	s0 =	simm.s32 @!p0 $0x0  }
0x12: {  	s1 =	sld [smem:$0x3F89];
	s0 =	simm.s32 @p0 $0x1  }
0x13: {  	[smem:$0x3FA4] =	sst s0;
	s0 =	simm.s32 @!p1 $0x0  }
0x14: {  	s2 =	sld [smem:$0x3F88];
	s0 =	simm.s32 @p1 $0x1  }
0x15: {  	[smem:$0x3FA5] =	sst s0;
	s0 =	simm.s32 @!p2 $0x0  }
0x16: {  	s3 =	sld [smem:$0x3FDB];
	s0 =	simm.s32 @p2 $0x1  }
0x17: {  	s4 =	simm.s32 $0x1BF5;
	[smem:$0x3FA7] =	sst s0  }
0x18: {  	s0 =	sld [smem:$0x3F8A];
	_ =	swait.ge [sflag:s4], $0x0  }
0x19: {  	s7 =	sld [smem:$0x3F8B]  }
0x1a: {  	s8 =	sadd.s32 $0xFFFFE003, lr  }
0x1b: {  	s9 =	sadd.s32 $0xFFFFFEF7, lr;
	s5 =	simm.s32 $0xFFFFFFFF;
	p2 =	slt.u32 s8, $0xFFFFF086  }
0x1c: {  	p1 =	slt.u32 s9, $0xF7A;
	s5 =	simm.s32 @!p2 $0x0  }
0x1d: {  	s5 =	simm.s32 @p1 $0x1;
	p0 =	seq.s32 s7, s2  }
0x1e: {  	s7 =	smul.u32 @!p0 $0xF7A, s2;
	p2 =	seq.s32 @!p0 s5, $0x0  }
0x1f: {  	s9 =	smul.u32 $0xF7A, s1;
	s8 =	simm.s32 @!p0 $0x1BF5;
	p2 =	por !p2, p0  }
0x20: {  	[sflag:s8] =	ssyncset.s32 @!p0 $0xFFFFF086;
	s6 =	sadd.s32 @!p0 s3, s7;
	s7 =	simm.s32 @!p0 $0x108  }
0x21: {  	s3 =	sadd.s32 s3, s9;
	s6 =	sadd.s32 @!p0 $0x88, s6;
	s7 =	simm.s32 @p2 $0x1082  }
0x22: {  	[simem:s7], [sflag:s8] =	dma.local @!p0 [hbm:s6], $0xF7A  }
0x23: {  	s9 =	sor.u32 $0xD0000000, s2;
	s6 =	simm.s32 $0x108;
	_ =	swait.ge @!p0 [sflag:s8], $0x0  }
0x24: {  	s3 =	sadd.s32 $0x88, s3;
	s6 =	simm.s32 @!p1 $0x1082;
	[sflag:s4] =	ssyncset.s32 $0xFFFFF086  }
0x25: {  	[simem:s6], [sflag:s4] =	dma.local [hbm:s3], $0xF7A  }
0x26: {  	[smem:$0x3F8B] =	sst s1;
	(tag) =	ssettag s2;
	_ =	strace s9  }
0x27: {  	s1 =	sld [smem:$0x3F9B]  }
0x28: {  	s2 =	sld [smem:$0x3F9C]  }
0x29: {  	s4 =	sld [smem:$0x3F9E]  }
0x2a: {  	p0 =	seq.s32 s5, $0x0;
	s5 =	sld [smem:$0x3F9F]  }
0x2b: {  	s6 =	sld [smem:$0x3FA0]  }
0x2c: {  	s7 =	sld [smem:$0x3FA1]  }
0x2d: {  	s3 =	simm.s32 $0x108;
	s8 =	sld [smem:$0x3FA2]  }
0x2e: {  	s3 =	simm.s32 @!p0 $0x1082;
	s9 =	sld [smem:$0x3FA3]  }
0x2f: {  	lr =	sadd.s32 s0, s3;
	s0 =	sld [smem:$0x3F9A]  }
0x30: {  	s3 =	sld [smem:$0x3F9D]  }
0x31: {  	[smem:$0x3FA6] =	sst s10  }
0x32: {  	s10 =	sld [smem:$0x3FA4];
	_ =	sdelay $0x3  }
0x33: {  	p0 =	seq.s32 s10, $0x1;
	s10 =	sld [smem:$0x3FA6];
	_ =	sdelay $0x3  }
0x34: {  	[smem:$0x3FA6] =	sst s10  }
0x35: {  	s10 =	sld [smem:$0x3FA5];
	_ =	sdelay $0x3  }
0x36: {  	p1 =	seq.s32 s10, $0x1;
	s10 =	sld [smem:$0x3FA6];
	_ =	sdelay $0x3  }
0x37: {  	[smem:$0x3FA6] =	sst s10  }
0x38: {  	s10 =	sld [smem:$0x3FA7]  }
0x39: {  	_ = 	snop;
	(pc) =	sbr.ind lr, $3  }
0x3a: {  	_ = 	snop  }
0x3b: {  	_ = 	snop  }
0x3c: {  	p2 =	seq.s32 s10, $0x1;
	s10 =	sld [smem:$0x3FA6]  }
0x3d: {  	_ =	shalt  }
0x3e: {  	_ =	shalt  }
0x3f: {  	_ =	shalt  }
0x40: {  	_ =	shalt  }
0x41: {  	_ =	shalt  }
0x42: {  	_ =	shalt  }
0x43: {  	_ =	shalt  }
0x44: {  	_ =	shalt  }
0x45: {  	_ =	shalt  }
0x46: {  	_ =	shalt  }
0x47: {  	_ =	shalt  }
0x48: {  	_ =	shalt  }
0x49: {  	_ =	shalt  }
0x4a: {  	_ =	shalt  }
0x4b: {  	_ =	shalt  }
0x4c: {  	_ =	shalt  }
0x4d: {  	_ =	shalt  }
0x4e: {  	_ =	shalt  }
0x4f: {  	_ =	shalt  }
0x50: {  	_ =	shalt  }
0x51: {  	_ =	shalt  }
0x52: {  	_ =	shalt  }
0x53: {  	_ =	shalt  }
0x54: {  	_ =	shalt  }
0x55: {  	_ =	shalt  }
0x56: {  	_ =	shalt  }
0x57: {  	_ =	shalt  }
0x58: {  	_ =	shalt  }
0x59: {  	_ =	shalt  }
0x5a: {  	_ =	shalt  }
0x5b: {  	_ =	shalt  }
0x5c: {  	_ =	shalt  }
0x5d: {  	_ =	shalt  }
0x5e: {  	_ =	shalt  }
0x5f: {  	_ =	shalt  }
0x60: {  	_ =	shalt  }
0x61: {  	_ =	shalt  }
0x62: {  	_ =	shalt  }
0x63: {  	_ =	shalt  }
0x64: {  	_ =	shalt  }
0x65: {  	_ =	shalt  }
0x66: {  	_ =	shalt  }
0x67: {  	_ =	shalt  }
0x68: {  	_ =	shalt  }
0x69: {  	_ =	shalt  }
0x6a: {  	_ =	shalt  }
0x6b: {  	_ =	shalt  }
0x6c: {  	_ =	shalt  }
0x6d: {  	_ =	shalt  }
0x6e: {  	_ =	shalt  }
0x6f: {  	_ =	shalt  }
0x70: {  	_ =	shalt  }
0x71: {  	_ =	shalt  }
0x72: {  	_ =	shalt  }
0x73: {  	_ =	shalt  }
0x74: {  	_ =	shalt  }
0x75: {  	_ =	shalt  }
0x76: {  	_ =	shalt  }
0x77: {  	_ =	shalt  }
0x78: {  	_ =	shalt  }
0x79: {  	_ =	shalt  }
0x7a: {  	_ =	shalt  }
0x7b: {  	_ =	shalt  }
0x7c: {  	_ =	shalt  }
0x7d: {  	_ =	shalt  }
0x7e: {  	_ =	shalt  }
0x7f: {  	_ =	shalt  }
0x80: {  	_ =	shalt  }
0x81: {  	_ =	shalt  }
0x82: {  	_ =	shalt  }
0x83: {  	_ =	shalt  }
0x84: {  	_ =	shalt  }
0x85: {  	_ =	shalt  }
0x86: {  	_ =	shalt  }
0x87: {  	_ =	shalt  }
.Lfunc_end0:
.L_simem_size_0:
called_computation.3_lowered:
.L_overlay_start_0:
0x88: {  	s2 =	sld [smem:$0x3FD9]  }
0x89: {  	s3 =	sld [smem:$0x3FFE];
	_ =	sdelay $0x1  }
0x8a: {  	s1 =	srdreg.scid  }
0x8b: {  	s0 =	sand.u32 $0x1, s1  }
0x8c: {  	s17 =	sshll.u32 s0, $0xA;
	s2 =	sadd.s32 s3, s2  }
0x8d: {  	s2 =	sadd.s32 s2, s17  }
0x8e: {  	[smem:$0x3FB2] =	sst s2  }
0x8f: {  	_ = 	snop  }
0x90: {  	(tm) =	ssettm $0x1  }
0x91: {  	s18 =	sld [smem:$0x3FFB];
	_ =	sdelay $0x3  }
0x92: {  	_ =	strace s18  }
0x93: {  	s2 =	sld [smem:$0x3FFC];
	_ =	sdelay $0x3  }
0x94: {  	_ =	strace s2  }
0x95: {  	s2 =	sld [smem:$0x3FFD];
	_ =	sdelay $0x3  }
0x96: {  	_ =	strace s2  }
0x97: {  	_ =	strace $0x8FFFFFFF  }
0x98: {  	s19 =	sld [smem:$0x3FDB];
	_ =	sdelay $0x1  }
0x99: {  	s20 =	simm.s32 $_scs_section_size  }
0x9a: {  	s4 =	simm.s32 $_size__tile_overlayer_lowered;
	s5 =	simm.s32 $_tile_overlayer_lowered  }
0x9b: {  	s6 =	simm.s32 $0x1BFF;
	s21 =	sshll.u32 s5, $0x1;
	s3 =	sadd.s32 s20, s19  }
0x9c: {  	s22 =	simm.s32 $0x0;
	s4 =	sshll.u32 s4, $0x1;
	s5 =	sadd.s32 s21, s3  }
0x9d: {  	[timem:s22], [sflag:s6] =	dma.local [hbm:s5], s4  }
0x9e: {  	_ =	swait.ge [sflag:s6], s4  }
0x9f: {  	s4 =	ssub.s32 $0x0, s4;
	[sflag:s6] =	ssyncset.done $0x0  }
0xa0: {  	[sflag:s6] =	ssyncadd.s32 s4;
	_ =	sdelay $0x1  }
0xa1: {  	s23 =	simm.s32 $0x1B8B  }
0xa2: {  	_ =	swait.ge [sflag:s23], $0x1  }
0xa3: {  	[sflag:s23] =	ssyncset.done $0x0  }
0xa4: {  	[sflag:s23] =	ssyncadd.s32 $0xFFFFFFFF  }
0xa5: {  	s4 =	sld [smem:$0x0]  }
0xa6: {  	s5 =	sand.u32 $0xFFFFFFFE, s1  }
0xa7: {  	p0 =	sne.s32 s1, s5  }
0xa8: {  	s5 =	sshll.u32 @p0 s5, $0xE  }
0xa9: {  	s5 =	sadd.s32 @p0 $0x11B8D, s5;
	s6 =	sshll.u32 @p0 s4, $0x11  }
0xaa: {  	s5 =	sor.u32 @p0 s6, s5  }
0xab: {  	[sflag:s5] =	ssyncadd.remote.s32 @p0 $0x1;
	_ =	sdelay $0x1  }
0xac: {  	s5 =	simm.s32 @p0 $0x1B8D  }
0xad: {  	_ =	swait.eq @p0 [sflag:s5], $0x1  }
0xae: {  	[sflag:s5] =	ssyncadd.s32 @p0 $0xFFFFFFFF  }
0xaf: {  	s6 =	sshll.u32 @!p0 s1, $0xE  }
0xb0: {  	s6 =	sor.u32 @!p0 $0x4000, s6;
	s5 =	simm.s32 @!p0 $0x1B8D  }
0xb1: {  	s4 =	sshll.u32 @!p0 s4, $0x11;
	s6 =	sadd.s32 @!p0 $0x11B8D, s6;
	_ =	swait.eq @!p0 [sflag:s5], $0x1  }
0xb2: {  	s4 =	sor.u32 @!p0 s4, s6;
	[sflag:s5] =	ssyncadd.s32 @!p0 $0xFFFFFFFF  }
0xb3: {  	s25 =	simm.s32 $0x1B8E;
	s24 =	sld [smem:$0x3FFE];
	[sflag:s4] =	ssyncadd.remote.s32 @!p0 $0x1  }
0xb4: {  	s26 =	simm.s32 $execute0_lowered;
	[smem:$0x3FD2] =	sst s25  }
0xb5: {  	s5 =	sshll.u32 s26, $0x1;
	_ =	strace $0x8000004C;
	[dreg:$0x1] =	wrdreg $0xFFFFFFFF  }
0xb6: {  	s28 =	simm.s32 $_size_execute0_lowered;
	s3 =	sadd.s32 s3, s5;
	[dreg:$0x0] =	wrdreg $0x0  }
0xb7: {  	s5 =	sshll.u32 s28, $0x1;
	[dreg:$0x2] =	wrdreg s3  }
0xb8: {  	[dreg:$0x3] =	wrdreg s5  }
0xb9: {  	[dreg:$0x4] =	wrdreg $0xC0  }
0xba: {  	_ =	task [dreg:s22], $0x5FFFF  }
0xbb: {  	[dreg:$0x1] =	wrdreg $0xFFFFFFFF  }
0xbc: {  	[dreg:$0x0] =	wrdreg $0x60  }
0xbd: {  	[dreg:$0x2] =	wrdreg s24  }
0xbe: {  	[dreg:$0x3] =	wrdreg $0x81000  }
0xbf: {  	[dreg:$0x4] =	wrdreg $0xA  }
0xc0: {  	_ =	task.clear_ibuf [dreg:s22], $0x5FFFF;
	_ =	strace $0x9000004C  }
0xc1: {  	s29 =	simm.s32 $0xA;
	_ =	strace $0x8000004E  }
0xc2: {  	_ =	swait.ge [sflag:s29], $0x1  }
0xc3: {  	[sflag:s29] =	ssyncadd.s32 $0xFFFFFFFF  }
0xc4: {  	_ =	strace $0x9000004E  }
0xc5: {  	_ =	sfence  }
0xc6: {  	s30 =	sld [smem:$0x0];
	_ =	sdelay $0x2  }
0xc7: {  	s31 =	sshll.u32 s1, $0xD;
	s1 =	sshrl.u32 s1, $0x2  }
0xc8: {  	s4 =	sand.u32 $0x4000, s31;
	s1 =	sadd.s32 s1, s30  }
0xc9: {  	s0 =	sor.u32 s4, s0;
	s1 =	sshll.u32 s1, $0x11  }
0xca: {  	s0 =	sor.u32 s1, s0  }
0xcb: {  	s0 =	sadd.s32 $0x8F2B, s0  }
0xcc: {  	[sflag:s0] =	ssyncadd.remote.s32 $0x1  }
0xcd: {  	_ =	sfence.sel $0xFFFF  }
0xce: {  	[dreg:$0x0] =	wrdreg $0xFFFFFFFF;
	(pc) =	sbr.abs _section_cstart, $3  }
0xcf: {  	[dreg:$0x1] =	wrdreg $0xFFFFFFFF  }
0xd0: {  	_ =	task.clear_ibuf [dreg:s22], $0x2FFFF;
	_ =	strace $0x9FFFFFFF  }
0xd1: {  	(tm) =	ssettm $0x7FFFFFFF  }
tec
execute0_lowered:
.L_overlay_start_1:
0x0: {  	(tag) =	ssettag $0x1  }
0x1: {  	s5 =	rddreg [dreg:$0x0]  }
0x2: {  	s1 =	rddreg [dreg:$0x1]  }
0x3: {  	s3 =	srdreg.scid;
	s2 =	simm.s32 $0x0;
	s0 =	stileid.u32  }
0x4: {  	s28 =	simm.s32 $0x100;
	s29 =	simm.s32 $0x5;
	s30 =	simm.s32 $0x80  }
0x5: {  	s31 =	simm.s32 $0x4100;
	s4 =	sand.u32 $0x1, s3;
	s6 =	sadd.s32 $0xEDE600, s5  }
0x6: {  	s7 =	smul.u32 $0x280, s0;
	s8 =	sadd.s32 $0x7200, s5;
	s10 =	sshll.u32 s0, $0x1  }
0x7: {  	s21 =	smul.u32 $0x2800, s0;
	[smem:$0x7FF] =	sst s2;
	s3 =	ssub.s32 $0x2, s4  }
0x8: {  	s26 =	sor.u32 s4, s10;
	s20 =	sshll.u32 s4, $0x4;
	p0 =	seq.s32 s4, $0x0  }
0x9: {  	s9 =	sshrl.u32 s3, $0x1;
	s10 =	sadd.s32 $0x80, s7;
	s16 =	sadd.s32 $0x100, s7  }
0xa: {  	s18 =	sadd.s32 $0x180, s7;
	s7 =	sadd.s32 $0x200, s7;
	s11 =	sshll.u32 s26, $0x7  }
0xb: {  	s14 =	sshll.u32 s26, $0x4;
	s12 =	sor.u32 $0x20, s26;
	s15 =	sshll.u32 s26, $0xB  }
0xc: {  	s3 =	ssub.s32 s3, s9;
	s11 =	sand.u32 $0x380, s11;
	s13 =	sadd.s32 s8, s14  }
0xd: {  	s17 =	sshll.u32 s12, $0x7;
	s9 =	sor.u32 $0x4C0, s26;
	s25 =	sadd.s32 s6, s15  }
0xe: {  	s12 =	sshll.u32 s12, $0xB;
	s22 =	sshll.u32 s10, $0x4;
	s23 =	sshll.u32 s16, $0x4  }
0xf: {  	s24 =	sshll.u32 s18, $0x4;
	[dreg:$0x3] =	wrdreg s13;
	s13 =	sand.u32 $0x1C00, s17  }
0x10: {  	s19 =	sshll.u32 s9, $0x7;
	s12 =	sadd.s32 s6, s12;
	s9 =	sshll.u32 s9, $0xB  }
0x11: {  	s17 =	sshll.u32 s7, $0x4;
	s13 =	sor.u32 s11, s13;
	s15 =	sand.u32 $0x26C00, s19  }
0x12: {  	[dreg:$0x5] =	wrdreg s12;
	s6 =	sadd.s32 s6, s9;
	s9 =	simm.s32 $0x33600  }
0x13: {  	s19 =	sor.u32 $0x600, s14;
	s14 =	sor.u32 $0x400, s14;
	s13 =	sshrl.u32 s13, $0x3  }
0x14: {  	s11 =	sor.u32 s11, s15;
	[dreg:$0x7] =	wrdreg s6;
	s6 =	sadd.s32 s20, s8  }
0x15: {  	s9 =	simm.s32 @!p0 $0x5B600;
	s13 =	sadd.s32 s8, s13;
	s11 =	sshrl.u32 s11, $0x3  }
0x16: {  	s9 =	sadd.s32 s9, s5;
	[dreg:$0x4] =	wrdreg s13;
	s11 =	sadd.s32 s8, s11  }
0x17: {  	s14 =	sand.u32 $0x580, s14;
	s4 =	sadd.s32 s9, s21;
	[dreg:$0x6] =	wrdreg s11  }
0x18: {  	p0 =	sne.s32 s0, $0x0;
	s26 =	sadd.s32 s9, s22;
	[dreg:$0x8] =	wrdreg s4  }
0x19: {  	s12 =	sadd.s32 s9, s24;
	s13 =	sadd.s32 s9, s17;
	[dreg:$0x9] =	wrdreg s26  }
0x1a: {  	s17 =	sshll.u32 s0, $0x5;
	s22 =	sshll.u32 s10, $0x7;
	[dreg:$0xb] =	wrdreg s12  }
0x1b: {  	s24 =	sshll.u32 s18, $0x7;
	s11 =	sadd.s32 s9, s23;
	[dreg:$0xc] =	wrdreg s13  }
0x1c: {  	s4 =	sor.u32 s20, s17;
	s9 =	sand.u32 $0x780, s19;
	s20 =	smul.u32 $0x50000, s0  }
0x1d: {  	s23 =	sshll.u32 s16, $0x7;
	s16 =	sadd.s32 s22, s1;
	s18 =	sadd.s32 s24, s1  }
0x1e: {  	s26 =	sshll.u32 s7, $0x7;
	s24 =	smax.u32 s3, $0x1;
	s13 =	smov.u32 s25  }
0x1f: {  	s0 =	simm.s32 $0x1;
	s3 =	simm.s32 $0x3;
	s7 =	simm.s32 $0x0  }
0x20: {  	[dreg:$0xa] =	wrdreg s11;
	s9 =	sadd.s32 s9, s8;
	s8 =	sadd.s32 s14, s8  }
0x21: {  	s14 =	sadd.s32 $0x5C00, s5;
	s17 =	sadd.s32 s23, s1;
	s4 =	sand.u32 $0x70, s4  }
0x22: {  	s19 =	sadd.s32 s26, s1;
	s23 =	sadd.s32 $0x270000, s25;
	s26 =	sadd.s32 $0x20000, s25  }
0x23: {  	s5 =	simm.s32 $0x2;
	_ =	strace $0x8000004D;
	s21 =	sshrl.u32 s20, $0x2  }
0x24: {  	s20 =	sadd.s32 $0x4E00, s6;
	s22 =	sadd.s32 s4, s8;
	s6 =	simm.s32 $0x4  }
0x25: {  	s15 =	sadd.s32 s21, s1;
	s21 =	sadd.s32 s4, s9;
	s4 =	sadd.s32 $0x30000, s25  }
.LBB2_1:
0x26: {  	[tilespmem:s28], [sflag:$0x5] =	stream.linear.gather [hbm4b:s14+s2], $0x4000, $0x38;
	[tilespmem:$0x1C100] =	vst v63  }
0x27: {  	_ =	swait.ge [sflag:s29], $0x4000  }
0x28: {  	[sflag:s29] =	ssyncset.done $0x0  }
0x29: {  	[sflag:s29] =	ssyncadd.s32 $0xFFFFC000  }
0x2a: {  	[spmem:s15] =	stream.linear.scatter [tilespmem:s28], [sflag:$0x5], $0x4000, $0x38;
	[tilespmem:$0x1C100] =	vst v63  }
0x2b: {  	_ =	swait.ge [sflag:s29], $0x4000  }
0x2c: {  	[sflag:s29] =	ssyncset.done $0x0  }
0x2d: {  	[sflag:s29] =	ssyncadd.s32 $0xFFFFC000  }
0x2e: {  	[spmem:s16] =	stream.linear.scatter [tilespmem:s28], [sflag:$0x5], $0x4000, $0x38;
	[tilespmem:$0x1C100] =	vst v63  }
0x2f: {  	_ =	swait.ge [sflag:s29], $0x4000  }
0x30: {  	[sflag:s29] =	ssyncset.done $0x0  }
0x31: {  	[sflag:s29] =	ssyncadd.s32 $0xFFFFC000  }
0x32: {  	[spmem:s17] =	stream.linear.scatter [tilespmem:s28], [sflag:$0x5], $0x4000, $0x38;
	[tilespmem:$0x1C100] =	vst v63  }
0x33: {  	_ =	swait.ge [sflag:s29], $0x4000  }
0x34: {  	[sflag:s29] =	ssyncset.done $0x0  }
0x35: {  	[sflag:s29] =	ssyncadd.s32 $0xFFFFC000  }
0x36: {  	[spmem:s18] =	stream.linear.scatter [tilespmem:s28], [sflag:$0x5], $0x4000, $0x38;
	[tilespmem:$0x1C100] =	vst v63  }
0x37: {  	_ =	swait.ge [sflag:s29], $0x4000  }
0x38: {  	[sflag:s29] =	ssyncset.done $0x0  }
0x39: {  	[sflag:s29] =	ssyncadd.s32 $0xFFFFC000  }
0x3a: {  	[spmem:s19] =	stream.linear.scatter [tilespmem:s28], [sflag:$0x5], $0x4000, $0x38;
	[tilespmem:$0x1C100] =	vst v63  }
0x3b: {  	_ =	swait.ge [sflag:s29], $0x4000  }
0x3c: {  	[sflag:s29] =	ssyncset.done $0x0  }
0x3d: {  	[sflag:s29] =	ssyncadd.s32 $0xFFFFC000  }
0x3e: {  	[bflag:$0x0] =	sbarrier.arrive $0xFFFF  }
0x3f: {  	s8 =	rddreg [dreg:$0x3]  }
0x40: {  	[tilespmem:s2], [sflag:$0x1] =	stream.linear.gather [hbm4b:s8+s2], $0x80, $0x38;
	[tilespmem:$0x1C100] =	vst v63  }
0x41: {  	_ = 	snop  }
0x42: {  	[tilespmem:s28], [sflag:$0x3] =	stream.linear.gather [hbm4b:s13+s2], $0x4000, $0x38;
	[tilespmem:$0x1C100] =	vst v63  }
0x43: {  	s10 =	rddreg [dreg:$0x4]  }
0x44: {  	[tilespmem:s30], [sflag:$0x2] =	stream.linear.gather [hbm4b:s10+s2], $0x80, $0x38;
	[tilespmem:$0x1C100] =	vst v63  }
0x45: {  	s11 =	rddreg [dreg:$0x5]  }
0x46: {  	[tilespmem:s31], [sflag:$0x4] =	stream.linear.gather [hbm4b:s11+s2], $0x4000, $0x38;
	[tilespmem:$0x1C100] =	vst v63  }
0x47: {  	_ =	swait.ge [sflag:s0], $0x80  }
0x48: {  	[sflag:s0] =	ssyncset.done $0x0  }
0x49: {  	[sflag:s0] =	ssyncadd.s32 $0xFFFFFF80  }
0x4a: {  	_ =	swait.ge [sflag:s3], $0x4000  }
0x4b: {  	[sflag:s3] =	ssyncset.done $0x0  }
0x4c: {  	[sflag:s3] =	ssyncadd.s32 $0xFFFFC000  }
0x4d: {  	[spmem:s1] =	stream.indirect.scatter.add.f32 [tilespmem:s28], [sflag:$0x5], $0x80, s2, s30, $0xb8;
	[tilespmem:$0x1C100] =	vst v63  }
0x4e: {  	_ =	swait.ge [sflag:s29], $0x4000  }
0x4f: {  	[sflag:s29] =	ssyncset.done $0x0  }
0x50: {  	s12 =	sadd.s32 $0x0, s22;
	[sflag:s29] =	ssyncadd.s32 $0xFFFFC000  }
0x51: {  	[tilespmem:s2], [sflag:$0x1] =	stream.linear.gather [hbm4b:s12+s2], $0x80, $0x38;
	[tilespmem:$0x1C100] =	vst v63  }
0x52: {  	_ = 	snop  }
0x53: {  	[tilespmem:s28], [sflag:$0x3] =	stream.linear.gather [hbm4b:s26+s2], $0x4000, $0x38;
	[tilespmem:$0x1C100] =	vst v63  }
0x54: {  	_ =	swait.ge [sflag:s5], $0x80  }
0x55: {  	[sflag:s5] =	ssyncset.done $0x0  }
0x56: {  	[sflag:s5] =	ssyncadd.s32 $0xFFFFFF80  }
0x57: {  	_ =	swait.ge [sflag:s6], $0x4000  }
0x58: {  	[sflag:s6] =	ssyncset.done $0x0  }
0x59: {  	[sflag:s6] =	ssyncadd.s32 $0xFFFFC000  }
0x5a: {  	[spmem:s1] =	stream.indirect.scatter.add.f32 [tilespmem:s31], [sflag:$0x5], $0x80, s30, s30, $0xb8;
	[tilespmem:$0x1C100] =	vst v63  }
0x5b: {  	_ =	swait.ge [sflag:s29], $0x4000  }
0x5c: {  	[sflag:s29] =	ssyncset.done $0x0  }
0x5d: {  	s25 =	sadd.s32 $0x0, s21;
	s9 =	sadd.s32 $0x20000, s4;
	[sflag:s29] =	ssyncadd.s32 $0xFFFFC000  }
0x5e: {  	[tilespmem:s30], [sflag:$0x2] =	stream.linear.gather [hbm4b:s25+s2], $0x80, $0x38;
	[tilespmem:$0x1C100] =	vst v63  }
0x5f: {  	s8 =	simm.s32 $0x400;
	s10 =	sadd.s32 $0x20000, s26;
	s25 =	smov.u32 s4  }
.LBB2_2:
0x60: {  	[tilespmem:s31], [sflag:$0x4] =	stream.linear.gather [hbm4b:s25+s2], $0x4000, $0x38;
	[tilespmem:$0x1C100] =	vst v63  }
0x61: {  	s11 =	smov.u32 s8;
	s25 =	smov.u32 s9  }
0x62: {  	p1 =	sne.s32 s8, $0x4400;
	s8 =	sadd.s32 $0x400, s8;
	_ =	swait.ge [sflag:s0], $0x80  }
0x63: {  	[sflag:s0] =	ssyncset.done $0x0  }
0x64: {  	[sflag:s0] =	ssyncadd.s32 $0xFFFFFF80  }
0x65: {  	_ =	swait.ge [sflag:s3], $0x4000  }
0x66: {  	[sflag:s3] =	ssyncset.done $0x0  }
0x67: {  	[sflag:s3] =	ssyncadd.s32 $0xFFFFC000  }
0x68: {  	[spmem:s1] =	stream.indirect.scatter.add.f32 [tilespmem:s28], [sflag:$0x5], $0x80, s2, s30, $0xb8;
	[tilespmem:$0x1C100] =	vst v63  }
0x69: {  	_ =	swait.ge [sflag:s29], $0x4000  }
0x6a: {  	[sflag:s29] =	ssyncset.done $0x0  }
0x6b: {  	s12 =	sadd.s32 s11, s22;
	[sflag:s29] =	ssyncadd.s32 $0xFFFFC000  }
0x6c: {  	[tilespmem:s2], [sflag:$0x1] =	stream.linear.gather [hbm4b:s12+s2], $0x80, $0x38;
	[tilespmem:$0x1C100] =	vst v63  }
0x6d: {  	_ = 	snop  }
0x6e: {  	[tilespmem:s28], [sflag:$0x3] =	stream.linear.gather [hbm4b:s10+s2], $0x4000, $0x38;
	[tilespmem:$0x1C100] =	vst v63  }
0x6f: {  	_ =	swait.ge [sflag:s5], $0x80  }
0x70: {  	[sflag:s5] =	ssyncset.done $0x0  }
0x71: {  	[sflag:s5] =	ssyncadd.s32 $0xFFFFFF80  }
0x72: {  	_ =	swait.ge [sflag:s6], $0x4000  }
0x73: {  	[sflag:s6] =	ssyncset.done $0x0  }
0x74: {  	[sflag:s6] =	ssyncadd.s32 $0xFFFFC000  }
0x75: {  	[spmem:s1] =	stream.indirect.scatter.add.f32 [tilespmem:s31], [sflag:$0x5], $0x80, s30, s30, $0xb8;
	[tilespmem:$0x1C100] =	vst v63  }
.Ltmp0:
0x76: {  	_ =	swait.ge [sflag:s29], $0x4000;
	(pc) =	sbr.rel @p1 .LBB2_2-.Ltmp0, $4  }
0x77: {  	[sflag:s29] =	ssyncset.done $0x0  }
0x78: {  	s11 =	sadd.s32 s11, s21;
	[sflag:s29] =	ssyncadd.s32 $0xFFFFC000  }
0x79: {  	[tilespmem:s30], [sflag:$0x2] =	stream.linear.gather [hbm4b:s11+s2], $0x80, $0x38;
	[tilespmem:$0x1C100] =	vst v63  }
0x7a: {  	s9 =	sadd.s32 $0x20000, s9;
	s10 =	sadd.s32 $0x20000, s10  }
0x7b: {  	[tilespmem:s31], [sflag:$0x4] =	stream.linear.gather [hbm4b:s25+s2], $0x4000, $0x38;
	[tilespmem:$0x1C100] =	vst v63  }
0x7c: {  	_ =	swait.ge [sflag:s0], $0x80  }
0x7d: {  	[sflag:s0] =	ssyncset.done $0x0  }
0x7e: {  	[sflag:s0] =	ssyncadd.s32 $0xFFFFFF80  }
0x7f: {  	_ =	swait.ge [sflag:s3], $0x4000  }
0x80: {  	[sflag:s3] =	ssyncset.done $0x0  }
0x81: {  	[sflag:s3] =	ssyncadd.s32 $0xFFFFC000  }
0x82: {  	[spmem:s1] =	stream.indirect.scatter.add.f32 [tilespmem:s28], [sflag:$0x5], $0x80, s2, s30, $0xb8;
	[tilespmem:$0x1C100] =	vst v63  }
0x83: {  	_ =	swait.ge [sflag:s29], $0x4000  }
0x84: {  	[sflag:s29] =	ssyncset.done $0x0  }
0x85: {  	[sflag:s29] =	ssyncadd.s32 $0xFFFFC000  }
0x86: {  	_ =	swait.ge [sflag:s5], $0x80  }
0x87: {  	[sflag:s5] =	ssyncset.done $0x0  }
0x88: {  	[sflag:s5] =	ssyncadd.s32 $0xFFFFFF80  }
0x89: {  	_ =	swait.ge [sflag:s6], $0x4000  }
0x8a: {  	[sflag:s6] =	ssyncset.done $0x0  }
0x8b: {  	[sflag:s6] =	ssyncadd.s32 $0xFFFFC000  }
0x8c: {  	[spmem:s1] =	stream.indirect.scatter.add.f32 [tilespmem:s31], [sflag:$0x5], $0x80, s30, s30, $0xb8;
	[tilespmem:$0x1C100] =	vst v63  }
0x8d: {  	_ =	swait.ge [sflag:s29], $0x4000  }
0x8e: {  	[sflag:s29] =	ssyncset.done $0x0  }
0x8f: {  	s8 =	rddreg [dreg:$0x6];
	[sflag:s29] =	ssyncadd.s32 $0xFFFFC000  }
0x90: {  	[tilespmem:s2], [sflag:$0x5] =	stream.linear.gather [hbm4b:s8+s2], $0x80, $0x38;
	[tilespmem:$0x1C100] =	vst v63  }
0x91: {  	_ =	swait.ge [sflag:s29], $0x80  }
0x92: {  	[sflag:s29] =	ssyncset.done $0x0  }
0x93: {  	s25 =	rddreg [dreg:$0x7];
	[sflag:s29] =	ssyncadd.s32 $0xFFFFFF80  }
0x94: {  	[tilespmem:s28], [sflag:$0x5] =	stream.linear.gather [hbm4b:s25+s2], $0x4000, $0x38;
	[tilespmem:$0x1C100] =	vst v63  }
0x95: {  	_ =	swait.ge [sflag:s29], $0x4000  }
0x96: {  	[sflag:s29] =	ssyncset.done $0x0  }
0x97: {  	[sflag:s29] =	ssyncadd.s32 $0xFFFFC000  }
0x98: {  	[spmem:s1] =	stream.indirect.scatter.add.f32 [tilespmem:s28], [sflag:$0x5], $0x80, s2, s30, $0xb8;
	[tilespmem:$0x1C100] =	vst v63  }
0x99: {  	_ =	swait.ge [sflag:s29], $0x4000  }
0x9a: {  	[sflag:s29] =	ssyncset.done $0x0  }
0x9b: {  	s9 =	simm.s32 @!p0 $0x5;
	s8 =	simm.s32 @!p0 $0x0;
	[sflag:s29] =	ssyncadd.s32 $0xFFFFC000  }
0x9c: {  	[tilespmem:s8], [sflag:$0x5] =	stream.linear.gather @!p0 [hbm4b:s20+s8], $0x80, $0x38;
	[tilespmem:$0x1C100] =	vst v63  }
0x9d: {  	_ =	swait.ge @!p0 [sflag:s9], $0x80  }
0x9e: {  	[sflag:s9] =	ssyncset.done @!p0 $0x0  }
0x9f: {  	s10 =	simm.s32 @!p0 $0x100;
	[sflag:s9] =	ssyncadd.s32 @!p0 $0xFFFFFF80  }
0xa0: {  	[tilespmem:s10], [sflag:$0x5] =	stream.linear.gather @!p0 [hbm4b:s23+s8], $0x4000, $0x38;
	[tilespmem:$0x1C100] =	vst v63  }
0xa1: {  	_ =	swait.ge @!p0 [sflag:s9], $0x4000  }
0xa2: {  	[sflag:s9] =	ssyncset.done @!p0 $0x0  }
0xa3: {  	s11 =	simm.s32 @!p0 $0x80;
	[sflag:s9] =	ssyncadd.s32 @!p0 $0xFFFFC000  }
0xa4: {  	[spmem:s1] =	stream.indirect.scatter.add.f32 @!p0 [tilespmem:s10], [sflag:$0x5], $0x80, s8, s11, $0xb8;
	[tilespmem:$0x1C100] =	vst v63  }
0xa5: {  	_ =	swait.ge @!p0 [sflag:s9], $0x4000  }
0xa6: {  	[sflag:s9] =	ssyncset.done @!p0 $0x0  }
0xa7: {  	[sflag:s9] =	ssyncadd.s32 @!p0 $0xFFFFC000  }
0xa8: {  	[bflag:$0x0] =	sbarrier.arrive $0xFFFF  }
0xa9: {  	[tilespmem:s28], [sflag:$0x5] =	stream.linear.gather [spmem:s15], $0x4000, $0x38;
	[tilespmem:$0x1C100] =	vst v63  }
0xaa: {  	_ =	swait.ge [sflag:s29], $0x4000  }
0xab: {  	[sflag:s29] =	ssyncset.done $0x0  }
0xac: {  	s9 =	rddreg [dreg:$0x8];
	[sflag:s29] =	ssyncadd.s32 $0xFFFFC000  }
0xad: {  	[hbm4b:s9+s2] =	stream.linear.scatter [tilespmem:s28], [sflag:$0x5], $0x4000, $0x38;
	[tilespmem:$0x1C100] =	vst v63  }
0xae: {  	_ =	swait.ge [sflag:s29], $0x4000  }
0xaf: {  	[sflag:s29] =	ssyncset.done $0x0  }
0xb0: {  	[sflag:s29] =	ssyncadd.s32 $0xFFFFC000  }
0xb1: {  	[tilespmem:s28], [sflag:$0x5] =	stream.linear.gather [spmem:s16], $0x4000, $0x38;
	[tilespmem:$0x1C100] =	vst v63  }
0xb2: {  	_ =	swait.ge [sflag:s29], $0x4000  }
0xb3: {  	[sflag:s29] =	ssyncset.done $0x0  }
0xb4: {  	s10 =	rddreg [dreg:$0x9];
	[sflag:s29] =	ssyncadd.s32 $0xFFFFC000  }
0xb5: {  	[hbm4b:s10+s2] =	stream.linear.scatter [tilespmem:s28], [sflag:$0x5], $0x4000, $0x38;
	[tilespmem:$0x1C100] =	vst v63  }
0xb6: {  	_ =	swait.ge [sflag:s29], $0x4000  }
0xb7: {  	[sflag:s29] =	ssyncset.done $0x0  }
0xb8: {  	[sflag:s29] =	ssyncadd.s32 $0xFFFFC000  }
0xb9: {  	[tilespmem:s28], [sflag:$0x5] =	stream.linear.gather [spmem:s17], $0x4000, $0x38;
	[tilespmem:$0x1C100] =	vst v63  }
0xba: {  	_ =	swait.ge [sflag:s29], $0x4000  }
0xbb: {  	[sflag:s29] =	ssyncset.done $0x0  }
0xbc: {  	s11 =	rddreg [dreg:$0xa];
	[sflag:s29] =	ssyncadd.s32 $0xFFFFC000  }
0xbd: {  	[hbm4b:s11+s2] =	stream.linear.scatter [tilespmem:s28], [sflag:$0x5], $0x4000, $0x38;
	[tilespmem:$0x1C100] =	vst v63  }
0xbe: {  	_ =	swait.ge [sflag:s29], $0x4000  }
0xbf: {  	[sflag:s29] =	ssyncset.done $0x0  }
0xc0: {  	[sflag:s29] =	ssyncadd.s32 $0xFFFFC000  }
0xc1: {  	[tilespmem:s28], [sflag:$0x5] =	stream.linear.gather [spmem:s18], $0x4000, $0x38;
	[tilespmem:$0x1C100] =	vst v63  }
0xc2: {  	_ =	swait.ge [sflag:s29], $0x4000  }
0xc3: {  	[sflag:s29] =	ssyncset.done $0x0  }
0xc4: {  	s12 =	rddreg [dreg:$0xb];
	[sflag:s29] =	ssyncadd.s32 $0xFFFFC000  }
0xc5: {  	[hbm4b:s12+s2] =	stream.linear.scatter [tilespmem:s28], [sflag:$0x5], $0x4000, $0x38;
	[tilespmem:$0x1C100] =	vst v63  }
0xc6: {  	_ =	swait.ge [sflag:s29], $0x4000  }
0xc7: {  	[sflag:s29] =	ssyncset.done $0x0  }
0xc8: {  	[sflag:s29] =	ssyncadd.s32 $0xFFFFC000  }
0xc9: {  	[tilespmem:s28], [sflag:$0x5] =	stream.linear.gather [spmem:s19], $0x4000, $0x38;
	[tilespmem:$0x1C100] =	vst v63  }
0xca: {  	s7 =	sadd.s32 $0x1, s7;
	_ =	swait.ge [sflag:s29], $0x4000  }
0xcb: {  	p1 =	sne.s32 s7, s24;
	[sflag:s29] =	ssyncset.done $0x0  }
.Ltmp1:
0xcc: {  	s25 =	rddreg [dreg:$0xc];
	[sflag:s29] =	ssyncadd.s32 $0xFFFFC000;
	(pc) =	sbr.rel @p1 .LBB2_1-.Ltmp1, $4  }
0xcd: {  	[hbm4b:s25+s2] =	stream.linear.scatter [tilespmem:s28], [sflag:$0x5], $0x4000, $0x38;
	[tilespmem:$0x1C100] =	vst v63  }
0xce: {  	_ =	swait.ge [sflag:s29], $0x4000  }
0xcf: {  	[sflag:s29] =	ssyncset.done $0x0  }
0xd0: {  	[sflag:s29] =	ssyncadd.s32 $0xFFFFC000  }
0xd1: {  	_ =	sfence.sel $0x180000  }
0xd2: {  	[bflag:$0x0] =	sbarrier.arrive $0xFFFF  }
0xd3: {  	_ =	strace $0x9000004D  }
0xd4: {  	[bflag:$0x2] =	sbarrier.arrive $0xFFFF  }
0xd5: {  	s0 =	rddreg [dreg:$0x2]  }
0xd6: {  	s0 =	sadd.s32 @!p0 $0x100000, s0  }
0xd7: {  	[sflag:s0] =	ssyncadd.tile.s32 @!p0 $0x1;
	_ =	shalt  }
.Lfunc_end2:
_tile_overlayer_lowered:
.L_overlay_start_2:
0xd8: {  	(tag) =	ssettag $0x2  }
0xd9: {  	s0 =	rddreg [dreg:$0x0];
	s2 =	stileid.u32  }
0xda: {  	s1 =	rddreg [dreg:$0x1];
	p0 =	sne.s32 s2, $0x0  }
0xdb: {  	s3 =	rddreg [dreg:$0x2];
	[bflag:$0x3] =	sbarrier.arrive $0xFFFF;
	s2 =	simm.s32 @!p0 $0x1C05  }
0xdc: {  	[timem:s3], [sflag:s2] =	dma.local @!p0 [hbm:s0], s1  }
0xdd: {  	s0 =	simm.s32 @!p0 $0x5  }
0xde: {  	_ =	swait.ge @!p0 [sflag:s0], s1  }
0xdf: {  	s1 =	ssub.s32 @!p0 $0x0, s1;
	[sflag:s0] =	ssyncset.done @!p0 $0x0  }
0xe0: {  	[sflag:s0] =	ssyncadd.s32 @!p0 s1  }
0xe1: {  	[bflag:$0x3] =	sbarrier.arrive $0xFFFF  }
0xe2: {  	_ =	shalt  }

</sc_bundles>
